<compile_context>
chip_gen: v7x
topology: tpu7x:2x2x1
jax: 0.10.2.dev20260603
libtpu: 0.0.44.dev20260713+nightly
codegen_flags: <defaults>
</compile_context>

<pallas_src>
import functools

import jax
import jax.numpy as jnp
from jax import lax
from jax.experimental import pallas as pl
from jax.experimental.pallas import tpu as pltpu
from jax.experimental.pallas import tpu_sc as plsc

BS = 512
B = 128
C = 4
D = 128
N = 100000
K = 8
T = 0.07
BLK = 4000
NBLK = N // BLK
LMASK = 0xFFF
NCAND = NBLK * K
GPB = 40


def _k1_body(x_ref, xr_ref, mem_ref, newmem_ref, outs_ref, probs_ref,
             yi_ref, cv_ref, ci_ref):
    g = pl.program_id(0)
    blk = mem_ref[...]
    newmem_ref[...] = blk
    sim = lax.dot_general(x_ref[...], blk, (((1,), (1,)), ((), ())),
                          preferred_element_type=jnp.float32)
    lane = lax.broadcasted_iota(jnp.int32, (BS, BLK), 1)
    simi = lax.bitcast_convert_type(sim, jnp.int32)
    packed = lax.bitcast_convert_type((simi & jnp.int32(~LMASK)) | lane,
                                      jnp.float32)
    vals = []
    m = jnp.max(packed, axis=1, keepdims=True)
    vals.append(m)
    for _ in range(K - 1):
        m = jnp.max(jnp.where(packed < m, packed, -jnp.inf), axis=1,
                    keepdims=True)
        vals.append(m)
    pk = jnp.concatenate(vals, axis=1)
    pkt = lax.transpose(pk, (1, 0))
    cv_ref[pl.ds(g * K, K), :] = pkt
    pki = lax.bitcast_convert_type(pkt, jnp.int32)
    ci_ref[pl.ds(g * K, K), :] = (pki & jnp.int32(LMASK)) + g * BLK

    @pl.when(g == NBLK - 1)
    def _epilogue():
        cv = cv_ref[...]
        cidx = ci_ref[...]
        tv, ti = [], []
        mm = jnp.max(cv, axis=0, keepdims=True)
        for k in range(K):
            tv.append(mm)
            ti.append(jnp.min(jnp.where(cv == mm, cidx, N), axis=0,
                              keepdims=True))
            if k < K - 1:
                mm = jnp.max(jnp.where(cv < mm, cv, -jnp.inf), axis=0,
                             keepdims=True)
        ydt = jnp.concatenate(tv, axis=0)
        yi_ref[...] = lax.transpose(jnp.concatenate(ti, axis=0), (1, 0))
        pos_l = lax.transpose(jnp.mean(ydt, axis=0, keepdims=True), (1, 0))

        h = lax.dot_general(x_ref[...], xr_ref[...],
                            (((1,), (1,)), ((), ())),
                            preferred_element_type=jnp.float32)
        li = lax.broadcasted_iota(jnp.int32, (BS, BS - C), 1)
        ri = lax.broadcasted_iota(jnp.int32, (BS, BS - C), 0) % B
        negl = jnp.where(li < C * ri, h[:, : BS - C], h[:, C:])

        eo_pos = jnp.exp(pos_l * (1.0 / T))
        eo_neg = jnp.exp(negl * (1.0 / T))
        srow = jnp.sum(eo_neg, axis=1, keepdims=True)
        tot = jnp.sum(eo_pos) + jnp.sum(srow)
        inv = 1.0 / (tot / (BS * (BS - C + 1.0)) * N)
        outs_pos = eo_pos * inv
        outs_neg = eo_neg * inv
        outs_ref[...] = jnp.concatenate([outs_pos, outs_neg], axis=1)
        rs = (eo_pos + srow) * inv
        probs_ref[0, 0] = jnp.mean(outs_pos / rs)


def _k1(x, xr, memory):
    return pl.pallas_call(
        _k1_body,
        grid=(NBLK,),
        in_specs=[
            pl.BlockSpec((BS, D), lambda g: (0, 0)),
            pl.BlockSpec((BS, D), lambda g: (0, 0)),
            pl.BlockSpec((BLK, D), lambda g: (g, 0)),
        ],
        out_specs=[
            pl.BlockSpec((BLK, D), lambda g: (g, 0)),
            pl.BlockSpec((BS, BS - C + 1), lambda g: (0, 0)),
            pl.BlockSpec(memory_space=pltpu.SMEM),
            pl.BlockSpec((BS, K), lambda g: (0, 0)),
        ],
        out_shape=[
            jax.ShapeDtypeStruct((N, D), jnp.float32),
            jax.ShapeDtypeStruct((BS, BS - C + 1), jnp.float32),
            jax.ShapeDtypeStruct((1, 1), jnp.float32),
            jax.ShapeDtypeStruct((BS, K), jnp.int32),
        ],
        scratch_shapes=[
            pltpu.VMEM((NCAND, BS), jnp.float32),
            pltpu.VMEM((NCAND, BS), jnp.int32),
        ],
    )(x, xr, memory)


def _sc_update(memory, allidx):
    info = plsc.get_sparse_core_info()
    nc, ns = info.num_cores, info.num_subcores
    nw = nc * ns
    bpw = B // nw
    nidx = bpw * GPB
    mesh = plsc.VectorSubcoreMesh(core_axis_name="c", subcore_axis_name="s")

    @functools.partial(
        pl.kernel, mesh=mesh,
        out_type=jax.ShapeDtypeStruct((B, D), jnp.float32),
        scratch_types=[
            pltpu.VMEM((nidx,), jnp.int32),
            pltpu.VMEM((nidx, D), jnp.float32),
            pltpu.VMEM((bpw, D), jnp.float32),
            pltpu.SemaphoreType.DMA,
        ],
    )
    def sck(allidx_hbm, mem_hbm, out_hbm, idx_v, rows_v, acc_v, sem):
        wid = lax.axis_index("s") * nc + lax.axis_index("c")
        base = wid * nidx
        pltpu.sync_copy(allidx_hbm.at[pl.ds(base, nidx)], idx_v)
        cps = [
            pltpu.async_copy(mem_hbm.at[idx_v.at[pl.ds(j * GPB, GPB)]],
                             rows_v.at[pl.ds(j * GPB, GPB)], sem)
            for j in range(bpw)
        ]
        for cp in cps:
            cp.wait()
        for bl in range(bpw):
            for ch in range(D // 16):
                sl = pl.ds(ch * 16, 16)

                def body(r, a, _bl=bl, _sl=sl):
                    return a + rows_v[_bl * GPB + r, _sl]

                s32 = lax.fori_loop(0, 32, body, jnp.zeros((16,), jnp.float32))
                dm = rows_v[bl * GPB + 32, sl]
                acc_v[bl, sl] = dm * 0.5 + s32 * (0.5 / 32.0)
        pltpu.sync_copy(acc_v, out_hbm.at[pl.ds(wid * bpw, bpw)])

    return sck(allidx, memory)


def _k3_body(idx_ref, win_ref, rows_ref, memin_ref, memio_ref, scratch_ref, sem):
    rows = rows_ref[...]
    ss = jnp.sum(rows * rows, axis=1, keepdims=True)
    nrm = jnp.maximum(jnp.sqrt(ss), 1e-12)
    scratch_ref[...] = rows / nrm

    for b in range(B):
        pltpu.make_async_copy(scratch_ref.at[pl.ds(win_ref[b], 1)],
                              memio_ref.at[pl.ds(idx_ref[b], 1)],
                              sem).start()
    for b in range(B):
        pltpu.make_async_copy(scratch_ref.at[pl.ds(0, 1)],
                              memio_ref.at[pl.ds(0, 1)], sem).wait()


def _k3(idxs, win, newrows, memcopy):
    return pl.pallas_call(
        _k3_body,
        in_specs=[
            pl.BlockSpec(memory_space=pltpu.SMEM),
            pl.BlockSpec(memory_space=pltpu.SMEM),
            pl.BlockSpec((B, D), lambda: (0, 0)),
            pl.BlockSpec(memory_space=pl.ANY),
        ],
        out_specs=pl.BlockSpec(memory_space=pl.ANY),
        out_shape=jax.ShapeDtypeStruct((N, D), jnp.float32),
        scratch_shapes=[
            pltpu.VMEM((B, D), jnp.float32),
            pltpu.SemaphoreType.DMA,
        ],
        input_output_aliases={3: 0},
    )(idxs, win, newrows, memcopy)


def kernel(x, idxs, i, memory, neg_indices):
    x = x.astype(jnp.float32)
    idxs = idxs.astype(jnp.int32)

    xr = x.reshape(C, B, D).transpose(1, 0, 2).reshape(BS, D)
    newmem, outs, probs_p, yi = _k1(x, xr, memory)
    probs = probs_p[0, 0]

    gidx = yi.reshape(C, B, K).transpose(1, 0, 2).reshape(B, C * K)
    allidx = jnp.concatenate(
        [gidx, jnp.broadcast_to(idxs[:, None], (B, GPB - C * K))], axis=1
    ).astype(jnp.int32).reshape(-1)

    newrows = _sc_update(memory, allidx)

    ar = jnp.arange(B, dtype=jnp.int32)
    eq = idxs[:, None] == idxs[None, :]
    win = jnp.max(jnp.where(eq, ar[None, :], -1), axis=1).astype(jnp.int32)

    new_memory = _k3(idxs, win, newrows, newmem)
    return outs, probs, new_memory

# --- scband reference (transcript-rebuilt; emitter-appended) ---
"""Pipeline reference for scband-cluster-average-41738492182555 (READ-ONLY COPY).

The authoritative reference and input builder live on the scoring server;
editing this copy changes nothing except your own understanding.
"""

import jax, jax.numpy as jnp
import numpy as np

BATCH_SIZE = 128
CLIPS = 4
EMBED = 128
NLEN = 100000
NN_NUM = 8
T = 0.07
MEM_MOM = 0.5


def _make_neg_indices(batch_size, clips):
    bs = batch_size * clips
    indices_temp = [[i + ii * batch_size for ii in range(clips)] for i in range(batch_size)]
    neg = np.zeros((bs, (batch_size - 1) * clips), dtype=np.int64)
    for i in range(bs):
        tmp = [row for j, row in enumerate(indices_temp) if j != (i % batch_size)]
        neg[i, :] = np.array([v for row in tmp for v in row], dtype=np.int64)
    return jnp.asarray(neg)


def setup_inputs(seed: int = 0) -> dict:
    key = jax.random.key(seed)
    k1, k2, k3 = jax.random.split(key, 3)
    x = jax.random.normal(k1, (BATCH_SIZE * CLIPS, EMBED), dtype=jnp.float32)
    idxs = jax.random.randint(k2, (BATCH_SIZE,), 0, NLEN)
    memory = jax.random.normal(k3, (NLEN, EMBED), dtype=jnp.float32)
    memory = memory / jnp.clip(jnp.linalg.norm(memory, axis=1, keepdims=True), 1e-12)
    return {"x": x, "idxs": idxs, "i": 0, "memory": memory, "neg_indices": _make_neg_indices(BATCH_SIZE, CLIPS)}


def reference(x, idxs, i, memory, neg_indices):
    # get_NN
    similarity = x @ memory.T
    yd, yi = jax.lax.top_k(similarity, NN_NUM)
    NNs = memory[yi]  # [bs, NN, d] gather
    # compute_data_prob
    pos_logits = jnp.mean(jnp.sum(x[:, None, :] * NNs, axis=-1), axis=-1, keepdims=True)
    # compute_noise_prob
    negatives = x[neg_indices]  # [bs, neg, d] gather
    neg_logits = jnp.sum(x[:, None, :] * negatives, axis=-1)
    # nce_core (params[0] == -1 cold-start branch)
    logits = jnp.concatenate([pos_logits, neg_logits], axis=-1)
    outs = jnp.exp(logits / T)
    Z = jax.lax.stop_gradient(outs.mean() * NLEN)
    outs = outs / Z
    probs_full = outs / jnp.sum(outs, axis=1, keepdims=True)
    probs = probs_full[:, 0].mean()
    # update_new_data_memory (no-grad buffer update in torch)
    data_memory = memory[idxs]
    new_dm = jnp.mean(memory[yi], axis=1)
    new_dm = new_dm.reshape(CLIPS, BATCH_SIZE, EMBED).transpose(1, 0, 2)
    new_dm = jnp.mean(new_dm, axis=1)
    new_dm = data_memory * MEM_MOM + (1.0 - MEM_MOM) * new_dm
    new_dm = new_dm / jnp.clip(jnp.linalg.norm(new_dm, axis=1, keepdims=True), 1e-12)
    new_memory = memory.at[idxs].set(new_dm)  # scatter-overwrite
    return (outs, probs, new_memory)

if __name__ == "__main__":
    import jax
    _d = setup_inputs()
    print(jax.jit(kernel)(*tuple(_d.values())))

</pallas_src>

<mosaic_0001>
#map = affine_map<(d0, d1) -> (0)>
#map1 = affine_map<(d0, d1) -> (0, 0)>
module attributes {stable_mosaic.version = 14 : i64} {
  func.func @sck(%arg0: i32, %arg1: i32, %arg2: memref<5120xi32, #tpu.memory_space<hbm>>, %arg3: memref<100000x128xf32, #tpu.memory_space<hbm>>, %arg4: memref<128x128xf32, #tpu.memory_space<hbm>>, %arg5: memref<160xi32, #tpu.memory_space<vmem>>, %arg6: memref<160x128xf32, #tpu.memory_space<vmem>>, %arg7: memref<4x128xf32, #tpu.memory_space<vmem>>, %arg8: memref<!tpu.dma_semaphore, #tpu.memory_space<semaphore_mem>>) attributes {dimension_semantics = [#tpu.dimension_semantics<core_parallel>, #tpu.dimension_semantics<subcore_parallel>], iteration_bounds = array<i64: 2, 16>, scalar_prefetch = 0 : i64, scratch_operands = 4 : i64, tpu.core_type = #tpu.core_type<sc_vector_subcore>, window_params = [{transform_indices = #map}, {transform_indices = #map1}, {transform_indices = #map1}]} {
    %mul3A = arith.constant 2 : i32
    %mul3A_0 = arith.muli %arg1, %mul3A : i32
    %add3A = arith.addi %mul3A_0, %arg0 : i32
    %mul3A_1 = arith.constant 160 : i32
    %mul3A_2 = arith.muli %add3A, %mul3A_1 : i32
    "tpu.region"() ({
      %run_scoped3A = tpu.sem_alloc : memref<!tpu.dma_semaphore, #tpu.memory_space<semaphore_mem>>
      %dma_start3A_895 = tpu.memref_slice %arg2[%mul3A_2] : memref<5120xi32, #tpu.memory_space<hbm>> -> memref<160xi32, #tpu.memory_space<hbm>>
      %dma_start3A_896 = tpu.memref_slice %arg2[%mul3A_2] : memref<5120xi32, #tpu.memory_space<hbm>> -> memref<160xi32, #tpu.memory_space<hbm>>
      tpu.enqueue_dma source(%dma_start3A_896 : memref<160xi32, #tpu.memory_space<hbm>>) target(%arg5 : memref<160xi32, #tpu.memory_space<vmem>>) target_semaphore(%run_scoped3A : memref<!tpu.dma_semaphore, #tpu.memory_space<semaphore_mem>>)
      %dma_wait3A_897 = tpu.memref_slice %arg2[%mul3A_2] : memref<5120xi32, #tpu.memory_space<hbm>> -> memref<160xi32, #tpu.memory_space<hbm>>
      %dma_wait3A_898 = tpu.memref_slice %arg2[%mul3A_2] : memref<5120xi32, #tpu.memory_space<hbm>> -> memref<160xi32, #tpu.memory_space<hbm>>
      tpu.wait_dma2 semaphore(%run_scoped3A : memref<!tpu.dma_semaphore, #tpu.memory_space<semaphore_mem>>) src(%dma_wait3A_898 : memref<160xi32, #tpu.memory_space<hbm>>) dst(%arg5 : memref<160xi32, #tpu.memory_space<vmem>>)
      tpu.yield
    }) : () -> ()
    %dma_start3A = arith.constant 0 : i32
    %dma_start3A_3 = arith.constant 0 : i32
    %dma_start3A_4 = tpu.memref_slice %arg6[%dma_start3A, %dma_start3A_3] : memref<160x128xf32, #tpu.memory_space<vmem>> -> memref<40x128xf32, #tpu.memory_space<vmem>>
    %dma_start3A_5 = arith.constant 0 : i32
    %dma_start3A_6 = tpu.memref_slice %arg5[%dma_start3A_5] : memref<160xi32, #tpu.memory_space<vmem>> -> memref<40xi32, #tpu.memory_space<vmem>>
    %dma_start3A_7 = arith.constant 0 : i32
    %dma_start3A_8 = arith.constant 0 : i32
    %dma_start3A_9 = tpu.memref_slice %arg3[%dma_start3A_7, %dma_start3A_8] : memref<100000x128xf32, #tpu.memory_space<hbm>> -> memref<100000x128xf32, #tpu.memory_space<hbm>>
    tpu.enqueue_indirect_dma source(%dma_start3A_9 : memref<100000x128xf32, #tpu.memory_space<hbm>>) target(%dma_start3A_4 : memref<40x128xf32, #tpu.memory_space<vmem>>) offsets(%dma_start3A_6 : memref<40xi32, #tpu.memory_space<vmem>>) semaphore(%arg8 : memref<!tpu.dma_semaphore, #tpu.memory_space<semaphore_mem>>)
    %dma_start3A_10 = arith.constant 40 : i32
    %dma_start3A_11 = arith.constant 0 : i32
    %dma_start3A_12 = tpu.memref_slice %arg6[%dma_start3A_10, %dma_start3A_11] : memref<160x128xf32, #tpu.memory_space<vmem>> -> memref<40x128xf32, #tpu.memory_space<vmem>>
    %dma_start3A_13 = arith.constant 40 : i32
    %dma_start3A_14 = tpu.memref_slice %arg5[%dma_start3A_13] : memref<160xi32, #tpu.memory_space<vmem>> -> memref<40xi32, #tpu.memory_space<vmem>>
    %dma_start3A_15 = arith.constant 0 : i32
    %dma_start3A_16 = arith.constant 0 : i32
    %dma_start3A_17 = tpu.memref_slice %arg3[%dma_start3A_15, %dma_start3A_16] : memref<100000x128xf32, #tpu.memory_space<hbm>> -> memref<100000x128xf32, #tpu.memory_space<hbm>>
    tpu.enqueue_indirect_dma source(%dma_start3A_17 : memref<100000x128xf32, #tpu.memory_space<hbm>>) target(%dma_start3A_12 : memref<40x128xf32, #tpu.memory_space<vmem>>) offsets(%dma_start3A_14 : memref<40xi32, #tpu.memory_space<vmem>>) semaphore(%arg8 : memref<!tpu.dma_semaphore, #tpu.memory_space<semaphore_mem>>)
    %dma_start3A_18 = arith.constant 80 : i32
    %dma_start3A_19 = arith.constant 0 : i32
    %dma_start3A_20 = tpu.memref_slice %arg6[%dma_start3A_18, %dma_start3A_19] : memref<160x128xf32, #tpu.memory_space<vmem>> -> memref<40x128xf32, #tpu.memory_space<vmem>>
    %dma_start3A_21 = arith.constant 80 : i32
    %dma_start3A_22 = tpu.memref_slice %arg5[%dma_start3A_21] : memref<160xi32, #tpu.memory_space<vmem>> -> memref<40xi32, #tpu.memory_space<vmem>>
    %dma_start3A_23 = arith.constant 0 : i32
    %dma_start3A_24 = arith.constant 0 : i32
    %dma_start3A_25 = tpu.memref_slice %arg3[%dma_start3A_23, %dma_start3A_24] : memref<100000x128xf32, #tpu.memory_space<hbm>> -> memref<100000x128xf32, #tpu.memory_space<hbm>>
    tpu.enqueue_indirect_dma source(%dma_start3A_25 : memref<100000x128xf32, #tpu.memory_space<hbm>>) target(%dma_start3A_20 : memref<40x128xf32, #tpu.memory_space<vmem>>) offsets(%dma_start3A_22 : memref<40xi32, #tpu.memory_space<vmem>>) semaphore(%arg8 : memref<!tpu.dma_semaphore, #tpu.memory_space<semaphore_mem>>)
    %dma_start3A_26 = arith.constant 120 : i32
    %dma_start3A_27 = arith.constant 0 : i32
    %dma_start3A_28 = tpu.memref_slice %arg6[%dma_start3A_26, %dma_start3A_27] : memref<160x128xf32, #tpu.memory_space<vmem>> -> memref<40x128xf32, #tpu.memory_space<vmem>>
    %dma_start3A_29 = arith.constant 120 : i32
    %dma_start3A_30 = tpu.memref_slice %arg5[%dma_start3A_29] : memref<160xi32, #tpu.memory_space<vmem>> -> memref<40xi32, #tpu.memory_space<vmem>>
    %dma_start3A_31 = arith.constant 0 : i32
    %dma_start3A_32 = arith.constant 0 : i32
    %dma_start3A_33 = tpu.memref_slice %arg3[%dma_start3A_31, %dma_start3A_32] : memref<100000x128xf32, #tpu.memory_space<hbm>> -> memref<100000x128xf32, #tpu.memory_space<hbm>>
    tpu.enqueue_indirect_dma source(%dma_start3A_33 : memref<100000x128xf32, #tpu.memory_space<hbm>>) target(%dma_start3A_28 : memref<40x128xf32, #tpu.memory_space<vmem>>) offsets(%dma_start3A_30 : memref<40xi32, #tpu.memory_space<vmem>>) semaphore(%arg8 : memref<!tpu.dma_semaphore, #tpu.memory_space<semaphore_mem>>)
    %dma_wait3A = arith.constant 0 : i32
    %dma_wait3A_34 = arith.constant 0 : i32
    %dma_wait3A_35 = tpu.memref_slice %arg6[%dma_wait3A, %dma_wait3A_34] : memref<160x128xf32, #tpu.memory_space<vmem>> -> memref<40x128xf32, #tpu.memory_space<vmem>>
    %dma_wait3A_36 = arith.constant 0 : i32
    %dma_wait3A_37 = tpu.memref_slice %arg5[%dma_wait3A_36] : memref<160xi32, #tpu.memory_space<vmem>> -> memref<40xi32, #tpu.memory_space<vmem>>
    %dma_wait3A_38 = arith.constant 0 : i32
    %dma_wait3A_39 = arith.constant 0 : i32
    %dma_wait3A_40 = tpu.memref_slice %arg3[%dma_wait3A_38, %dma_wait3A_39] : memref<100000x128xf32, #tpu.memory_space<hbm>> -> memref<100000x128xf32, #tpu.memory_space<hbm>>
    tpu.wait_indirect_dma semaphore(%arg8 : memref<!tpu.dma_semaphore, #tpu.memory_space<semaphore_mem>>) src(%dma_wait3A_40 : memref<100000x128xf32, #tpu.memory_space<hbm>>) dst(%dma_wait3A_35 : memref<40x128xf32, #tpu.memory_space<vmem>>)
    %dma_wait3A_41 = arith.constant 40 : i32
    %dma_wait3A_42 = arith.constant 0 : i32
    %dma_wait3A_43 = tpu.memref_slice %arg6[%dma_wait3A_41, %dma_wait3A_42] : memref<160x128xf32, #tpu.memory_space<vmem>> -> memref<40x128xf32, #tpu.memory_space<vmem>>
    %dma_wait3A_44 = arith.constant 40 : i32
    %dma_wait3A_45 = tpu.memref_slice %arg5[%dma_wait3A_44] : memref<160xi32, #tpu.memory_space<vmem>> -> memref<40xi32, #tpu.memory_space<vmem>>
    %dma_wait3A_46 = arith.constant 0 : i32
    %dma_wait3A_47 = arith.constant 0 : i32
    %dma_wait3A_48 = tpu.memref_slice %arg3[%dma_wait3A_46, %dma_wait3A_47] : memref<100000x128xf32, #tpu.memory_space<hbm>> -> memref<100000x128xf32, #tpu.memory_space<hbm>>
    tpu.wait_indirect_dma semaphore(%arg8 : memref<!tpu.dma_semaphore, #tpu.memory_space<semaphore_mem>>) src(%dma_wait3A_48 : memref<100000x128xf32, #tpu.memory_space<hbm>>) dst(%dma_wait3A_43 : memref<40x128xf32, #tpu.memory_space<vmem>>)
    %dma_wait3A_49 = arith.constant 80 : i32
    %dma_wait3A_50 = arith.constant 0 : i32
    %dma_wait3A_51 = tpu.memref_slice %arg6[%dma_wait3A_49, %dma_wait3A_50] : memref<160x128xf32, #tpu.memory_space<vmem>> -> memref<40x128xf32, #tpu.memory_space<vmem>>
    %dma_wait3A_52 = arith.constant 80 : i32
    %dma_wait3A_53 = tpu.memref_slice %arg5[%dma_wait3A_52] : memref<160xi32, #tpu.memory_space<vmem>> -> memref<40xi32, #tpu.memory_space<vmem>>
    %dma_wait3A_54 = arith.constant 0 : i32
    %dma_wait3A_55 = arith.constant 0 : i32
    %dma_wait3A_56 = tpu.memref_slice %arg3[%dma_wait3A_54, %dma_wait3A_55] : memref<100000x128xf32, #tpu.memory_space<hbm>> -> memref<100000x128xf32, #tpu.memory_space<hbm>>
    tpu.wait_indirect_dma semaphore(%arg8 : memref<!tpu.dma_semaphore, #tpu.memory_space<semaphore_mem>>) src(%dma_wait3A_56 : memref<100000x128xf32, #tpu.memory_space<hbm>>) dst(%dma_wait3A_51 : memref<40x128xf32, #tpu.memory_space<vmem>>)
    %dma_wait3A_57 = arith.constant 120 : i32
    %dma_wait3A_58 = arith.constant 0 : i32
    %dma_wait3A_59 = tpu.memref_slice %arg6[%dma_wait3A_57, %dma_wait3A_58] : memref<160x128xf32, #tpu.memory_space<vmem>> -> memref<40x128xf32, #tpu.memory_space<vmem>>
    %dma_wait3A_60 = arith.constant 120 : i32
    %dma_wait3A_61 = tpu.memref_slice %arg5[%dma_wait3A_60] : memref<160xi32, #tpu.memory_space<vmem>> -> memref<40xi32, #tpu.memory_space<vmem>>
    %dma_wait3A_62 = arith.constant 0 : i32
    %dma_wait3A_63 = arith.constant 0 : i32
    %dma_wait3A_64 = tpu.memref_slice %arg3[%dma_wait3A_62, %dma_wait3A_63] : memref<100000x128xf32, #tpu.memory_space<hbm>> -> memref<100000x128xf32, #tpu.memory_space<hbm>>
    tpu.wait_indirect_dma semaphore(%arg8 : memref<!tpu.dma_semaphore, #tpu.memory_space<semaphore_mem>>) src(%dma_wait3A_64 : memref<100000x128xf32, #tpu.memory_space<hbm>>) dst(%dma_wait3A_59 : memref<40x128xf32, #tpu.memory_space<vmem>>)
    %broadcast_in_dim3A = arith.constant 0.000000e+00 : f32
    %broadcast_in_dim3A_65 = vector.broadcast %broadcast_in_dim3A : f32 to vector<16xf32>
    %scan3A = arith.constant 0 : i32
    %scan3A_66 = arith.constant 32 : i32
    %scan3A_67 = arith.addi %scan3A, %scan3A_66 : i32
    %scan3A_68 = arith.constant 1 : i32
    %scan3A_69 = scf.for %scan3A_895 = %scan3A to %scan3A_67 step %scan3A_68 iter_args(%scan3A_896 = %broadcast_in_dim3A_65) -> (vector<16xf32>)  : i32 {
      %add3A_897 = arith.constant 0 : i32
      %add3A_898 = arith.addi %add3A_897, %scan3A_895 : i32
      %get3A_899 = arith.index_cast %add3A_898 : i32 to index
      %get3A_900 = arith.constant 0 : index
      %get3A_901 = tpu.vector_load %arg6[%get3A_899, %get3A_900] {strides = array<i32>} : memref<160x128xf32, #tpu.memory_space<vmem>>, vector<1x16xf32>,
      %get3A_902 = vector.shape_cast %get3A_901 : vector<1x16xf32> to vector<16xf32>
      %add3A_903 = arith.addf %scan3A_896, %get3A_902 : vector<16xf32>
      scf.yield %add3A_903 : vector<16xf32>
    }
    %scan3A_70 = arith.constant 32 : i32
    %get3A = arith.constant 32 : i32
    %get3A_71 = arith.index_cast %get3A : i32 to index
    %get3A_72 = arith.constant 0 : index
    %get3A_73 = tpu.vector_load %arg6[%get3A_71, %get3A_72] {strides = array<i32>} : memref<160x128xf32, #tpu.memory_space<vmem>>, vector<1x16xf32>,
    %get3A_74 = vector.shape_cast %get3A_73 : vector<1x16xf32> to vector<16xf32>
    %mul3A_75 = arith.constant 5.000000e-01 : f32
    %mul3A_76 = vector.broadcast %mul3A_75 : f32 to vector<16xf32>
    %mul3A_77 = arith.mulf %get3A_74, %mul3A_76 : vector<16xf32>
    %mul3A_78 = arith.constant 1.562500e-02 : f32
    %mul3A_79 = vector.broadcast %mul3A_78 : f32 to vector<16xf32>
    %mul3A_80 = arith.mulf %scan3A_69, %mul3A_79 : vector<16xf32>
    %add3A_81 = arith.addf %mul3A_77, %mul3A_80 : vector<16xf32>
    %swap3A = arith.constant 0 : i32
    %swap3A_82 = arith.index_cast %swap3A : i32 to index
    %swap3A_83 = arith.constant 0 : index
    %swap3A_84 = tpu.vector_load %arg7[%swap3A_82, %swap3A_83] {strides = array<i32>} : memref<4x128xf32, #tpu.memory_space<vmem>>, vector<1x16xf32>,
    %swap3A_85 = vector.shape_cast %swap3A_84 : vector<1x16xf32> to vector<16xf32>
    %swap3A_86 = vector.shape_cast %add3A_81 : vector<16xf32> to vector<1x16xf32>
    tpu.vector_store %arg7[%swap3A_82, %swap3A_83], %swap3A_86 {strides = array<i32>} : memref<4x128xf32, #tpu.memory_space<vmem>>, vector<1x16xf32>,
    %broadcast_in_dim3A_87 = arith.constant 0.000000e+00 : f32
    %broadcast_in_dim3A_88 = vector.broadcast %broadcast_in_dim3A_87 : f32 to vector<16xf32>
    %scan3A_89 = arith.constant 0 : i32
    %scan3A_90 = arith.constant 32 : i32
    %scan3A_91 = arith.addi %scan3A_89, %scan3A_90 : i32
    %scan3A_92 = arith.constant 1 : i32
    %scan3A_93 = scf.for %scan3A_895 = %scan3A_89 to %scan3A_91 step %scan3A_92 iter_args(%scan3A_896 = %broadcast_in_dim3A_88) -> (vector<16xf32>)  : i32 {
      %add3A_897 = arith.constant 0 : i32
      %add3A_898 = arith.addi %add3A_897, %scan3A_895 : i32
      %get3A_899 = arith.index_cast %add3A_898 : i32 to index
      %get3A_900 = arith.constant 16 : index
      %get3A_901 = tpu.vector_load %arg6[%get3A_899, %get3A_900] {strides = array<i32>} : memref<160x128xf32, #tpu.memory_space<vmem>>, vector<1x16xf32>,
      %get3A_902 = vector.shape_cast %get3A_901 : vector<1x16xf32> to vector<16xf32>
      %add3A_903 = arith.addf %scan3A_896, %get3A_902 : vector<16xf32>
      scf.yield %add3A_903 : vector<16xf32>
    }
    %scan3A_94 = arith.constant 32 : i32
    %get3A_95 = arith.constant 32 : i32
    %get3A_96 = arith.index_cast %get3A_95 : i32 to index
    %get3A_97 = arith.constant 16 : index
    %get3A_98 = tpu.vector_load %arg6[%get3A_96, %get3A_97] {strides = array<i32>} : memref<160x128xf32, #tpu.memory_space<vmem>>, vector<1x16xf32>,
    %get3A_99 = vector.shape_cast %get3A_98 : vector<1x16xf32> to vector<16xf32>
    %mul3A_100 = arith.constant 5.000000e-01 : f32
    %mul3A_101 = vector.broadcast %mul3A_100 : f32 to vector<16xf32>
    %mul3A_102 = arith.mulf %get3A_99, %mul3A_101 : vector<16xf32>
    %mul3A_103 = arith.constant 1.562500e-02 : f32
    %mul3A_104 = vector.broadcast %mul3A_103 : f32 to vector<16xf32>
    %mul3A_105 = arith.mulf %scan3A_93, %mul3A_104 : vector<16xf32>
    %add3A_106 = arith.addf %mul3A_102, %mul3A_105 : vector<16xf32>
    %swap3A_107 = arith.constant 0 : i32
    %swap3A_108 = arith.index_cast %swap3A_107 : i32 to index
    %swap3A_109 = arith.constant 16 : index
    %swap3A_110 = tpu.vector_load %arg7[%swap3A_108, %swap3A_109] {strides = array<i32>} : memref<4x128xf32, #tpu.memory_space<vmem>>, vector<1x16xf32>,
    %swap3A_111 = vector.shape_cast %swap3A_110 : vector<1x16xf32> to vector<16xf32>
    %swap3A_112 = vector.shape_cast %add3A_106 : vector<16xf32> to vector<1x16xf32>
    tpu.vector_store %arg7[%swap3A_108, %swap3A_109], %swap3A_112 {strides = array<i32>} : memref<4x128xf32, #tpu.memory_space<vmem>>, vector<1x16xf32>,
    %broadcast_in_dim3A_113 = arith.constant 0.000000e+00 : f32
    %broadcast_in_dim3A_114 = vector.broadcast %broadcast_in_dim3A_113 : f32 to vector<16xf32>
    %scan3A_115 = arith.constant 0 : i32
    %scan3A_116 = arith.constant 32 : i32
    %scan3A_117 = arith.addi %scan3A_115, %scan3A_116 : i32
    %scan3A_118 = arith.constant 1 : i32
    %scan3A_119 = scf.for %scan3A_895 = %scan3A_115 to %scan3A_117 step %scan3A_118 iter_args(%scan3A_896 = %broadcast_in_dim3A_114) -> (vector<16xf32>)  : i32 {
      %add3A_897 = arith.constant 0 : i32
      %add3A_898 = arith.addi %add3A_897, %scan3A_895 : i32
      %get3A_899 = arith.index_cast %add3A_898 : i32 to index
      %get3A_900 = arith.constant 32 : index
      %get3A_901 = tpu.vector_load %arg6[%get3A_899, %get3A_900] {strides = array<i32>} : memref<160x128xf32, #tpu.memory_space<vmem>>, vector<1x16xf32>,
      %get3A_902 = vector.shape_cast %get3A_901 : vector<1x16xf32> to vector<16xf32>
      %add3A_903 = arith.addf %scan3A_896, %get3A_902 : vector<16xf32>
      scf.yield %add3A_903 : vector<16xf32>
    }
    %scan3A_120 = arith.constant 32 : i32
    %get3A_121 = arith.constant 32 : i32
    %get3A_122 = arith.index_cast %get3A_121 : i32 to index
    %get3A_123 = arith.constant 32 : index
    %get3A_124 = tpu.vector_load %arg6[%get3A_122, %get3A_123] {strides = array<i32>} : memref<160x128xf32, #tpu.memory_space<vmem>>, vector<1x16xf32>,
    %get3A_125 = vector.shape_cast %get3A_124 : vector<1x16xf32> to vector<16xf32>
    %mul3A_126 = arith.constant 5.000000e-01 : f32
    %mul3A_127 = vector.broadcast %mul3A_126 : f32 to vector<16xf32>
    %mul3A_128 = arith.mulf %get3A_125, %mul3A_127 : vector<16xf32>
    %mul3A_129 = arith.constant 1.562500e-02 : f32
    %mul3A_130 = vector.broadcast %mul3A_129 : f32 to vector<16xf32>
    %mul3A_131 = arith.mulf %scan3A_119, %mul3A_130 : vector<16xf32>
    %add3A_132 = arith.addf %mul3A_128, %mul3A_131 : vector<16xf32>
    %swap3A_133 = arith.constant 0 : i32
    %swap3A_134 = arith.index_cast %swap3A_133 : i32 to index
    %swap3A_135 = arith.constant 32 : index
    %swap3A_136 = tpu.vector_load %arg7[%swap3A_134, %swap3A_135] {strides = array<i32>} : memref<4x128xf32, #tpu.memory_space<vmem>>, vector<1x16xf32>,
    %swap3A_137 = vector.shape_cast %swap3A_136 : vector<1x16xf32> to vector<16xf32>
    %swap3A_138 = vector.shape_cast %add3A_132 : vector<16xf32> to vector<1x16xf32>
    tpu.vector_store %arg7[%swap3A_134, %swap3A_135], %swap3A_138 {strides = array<i32>} : memref<4x128xf32, #tpu.memory_space<vmem>>, vector<1x16xf32>,
    %broadcast_in_dim3A_139 = arith.constant 0.000000e+00 : f32
    %broadcast_in_dim3A_140 = vector.broadcast %broadcast_in_dim3A_139 : f32 to vector<16xf32>
    %scan3A_141 = arith.constant 0 : i32
    %scan3A_142 = arith.constant 32 : i32
    %scan3A_143 = arith.addi %scan3A_141, %scan3A_142 : i32
    %scan3A_144 = arith.constant 1 : i32
    %scan3A_145 = scf.for %scan3A_895 = %scan3A_141 to %scan3A_143 step %scan3A_144 iter_args(%scan3A_896 = %broadcast_in_dim3A_140) -> (vector<16xf32>)  : i32 {
      %add3A_897 = arith.constant 0 : i32
      %add3A_898 = arith.addi %add3A_897, %scan3A_895 : i32
      %get3A_899 = arith.index_cast %add3A_898 : i32 to index
      %get3A_900 = arith.constant 48 : index
      %get3A_901 = tpu.vector_load %arg6[%get3A_899, %get3A_900] {strides = array<i32>} : memref<160x128xf32, #tpu.memory_space<vmem>>, vector<1x16xf32>,
      %get3A_902 = vector.shape_cast %get3A_901 : vector<1x16xf32> to vector<16xf32>
      %add3A_903 = arith.addf %scan3A_896, %get3A_902 : vector<16xf32>
      scf.yield %add3A_903 : vector<16xf32>
    }
    %scan3A_146 = arith.constant 32 : i32
    %get3A_147 = arith.constant 32 : i32
    %get3A_148 = arith.index_cast %get3A_147 : i32 to index
    %get3A_149 = arith.constant 48 : index
    %get3A_150 = tpu.vector_load %arg6[%get3A_148, %get3A_149] {strides = array<i32>} : memref<160x128xf32, #tpu.memory_space<vmem>>, vector<1x16xf32>,
    %get3A_151 = vector.shape_cast %get3A_150 : vector<1x16xf32> to vector<16xf32>
    %mul3A_152 = arith.constant 5.000000e-01 : f32
    %mul3A_153 = vector.broadcast %mul3A_152 : f32 to vector<16xf32>
    %mul3A_154 = arith.mulf %get3A_151, %mul3A_153 : vector<16xf32>
    %mul3A_155 = arith.constant 1.562500e-02 : f32
    %mul3A_156 = vector.broadcast %mul3A_155 : f32 to vector<16xf32>
    %mul3A_157 = arith.mulf %scan3A_145, %mul3A_156 : vector<16xf32>
    %add3A_158 = arith.addf %mul3A_154, %mul3A_157 : vector<16xf32>
    %swap3A_159 = arith.constant 0 : i32
    %swap3A_160 = arith.index_cast %swap3A_159 : i32 to index
    %swap3A_161 = arith.constant 48 : index
    %swap3A_162 = tpu.vector_load %arg7[%swap3A_160, %swap3A_161] {strides = array<i32>} : memref<4x128xf32, #tpu.memory_space<vmem>>, vector<1x16xf32>,
    %swap3A_163 = vector.shape_cast %swap3A_162 : vector<1x16xf32> to vector<16xf32>
    %swap3A_164 = vector.shape_cast %add3A_158 : vector<16xf32> to vector<1x16xf32>
    tpu.vector_store %arg7[%swap3A_160, %swap3A_161], %swap3A_164 {strides = array<i32>} : memref<4x128xf32, #tpu.memory_space<vmem>>, vector<1x16xf32>,
    %broadcast_in_dim3A_165 = arith.constant 0.000000e+00 : f32
    %broadcast_in_dim3A_166 = vector.broadcast %broadcast_in_dim3A_165 : f32 to vector<16xf32>
    %scan3A_167 = arith.constant 0 : i32
    %scan3A_168 = arith.constant 32 : i32
    %scan3A_169 = arith.addi %scan3A_167, %scan3A_168 : i32
    %scan3A_170 = arith.constant 1 : i32
    %scan3A_171 = scf.for %scan3A_895 = %scan3A_167 to %scan3A_169 step %scan3A_170 iter_args(%scan3A_896 = %broadcast_in_dim3A_166) -> (vector<16xf32>)  : i32 {
      %add3A_897 = arith.constant 0 : i32
      %add3A_898 = arith.addi %add3A_897, %scan3A_895 : i32
      %get3A_899 = arith.index_cast %add3A_898 : i32 to index
      %get3A_900 = arith.constant 64 : index
      %get3A_901 = tpu.vector_load %arg6[%get3A_899, %get3A_900] {strides = array<i32>} : memref<160x128xf32, #tpu.memory_space<vmem>>, vector<1x16xf32>,
      %get3A_902 = vector.shape_cast %get3A_901 : vector<1x16xf32> to vector<16xf32>
      %add3A_903 = arith.addf %scan3A_896, %get3A_902 : vector<16xf32>
      scf.yield %add3A_903 : vector<16xf32>
    }
    %scan3A_172 = arith.constant 32 : i32
    %get3A_173 = arith.constant 32 : i32
    %get3A_174 = arith.index_cast %get3A_173 : i32 to index
    %get3A_175 = arith.constant 64 : index
    %get3A_176 = tpu.vector_load %arg6[%get3A_174, %get3A_175] {strides = array<i32>} : memref<160x128xf32, #tpu.memory_space<vmem>>, vector<1x16xf32>,
    %get3A_177 = vector.shape_cast %get3A_176 : vector<1x16xf32> to vector<16xf32>
    %mul3A_178 = arith.constant 5.000000e-01 : f32
    %mul3A_179 = vector.broadcast %mul3A_178 : f32 to vector<16xf32>
    %mul3A_180 = arith.mulf %get3A_177, %mul3A_179 : vector<16xf32>
    %mul3A_181 = arith.constant 1.562500e-02 : f32
    %mul3A_182 = vector.broadcast %mul3A_181 : f32 to vector<16xf32>
    %mul3A_183 = arith.mulf %scan3A_171, %mul3A_182 : vector<16xf32>
    %add3A_184 = arith.addf %mul3A_180, %mul3A_183 : vector<16xf32>
    %swap3A_185 = arith.constant 0 : i32
    %swap3A_186 = arith.index_cast %swap3A_185 : i32 to index
    %swap3A_187 = arith.constant 64 : index
    %swap3A_188 = tpu.vector_load %arg7[%swap3A_186, %swap3A_187] {strides = array<i32>} : memref<4x128xf32, #tpu.memory_space<vmem>>, vector<1x16xf32>,
    %swap3A_189 = vector.shape_cast %swap3A_188 : vector<1x16xf32> to vector<16xf32>
    %swap3A_190 = vector.shape_cast %add3A_184 : vector<16xf32> to vector<1x16xf32>
    tpu.vector_store %arg7[%swap3A_186, %swap3A_187], %swap3A_190 {strides = array<i32>} : memref<4x128xf32, #tpu.memory_space<vmem>>, vector<1x16xf32>,
    %broadcast_in_dim3A_191 = arith.constant 0.000000e+00 : f32
    %broadcast_in_dim3A_192 = vector.broadcast %broadcast_in_dim3A_191 : f32 to vector<16xf32>
    %scan3A_193 = arith.constant 0 : i32
    %scan3A_194 = arith.constant 32 : i32
    %scan3A_195 = arith.addi %scan3A_193, %scan3A_194 : i32
    %scan3A_196 = arith.constant 1 : i32
    %scan3A_197 = scf.for %scan3A_895 = %scan3A_193 to %scan3A_195 step %scan3A_196 iter_args(%scan3A_896 = %broadcast_in_dim3A_192) -> (vector<16xf32>)  : i32 {
      %add3A_897 = arith.constant 0 : i32
      %add3A_898 = arith.addi %add3A_897, %scan3A_895 : i32
      %get3A_899 = arith.index_cast %add3A_898 : i32 to index
      %get3A_900 = arith.constant 80 : index
      %get3A_901 = tpu.vector_load %arg6[%get3A_899, %get3A_900] {strides = array<i32>} : memref<160x128xf32, #tpu.memory_space<vmem>>, vector<1x16xf32>,
      %get3A_902 = vector.shape_cast %get3A_901 : vector<1x16xf32> to vector<16xf32>
      %add3A_903 = arith.addf %scan3A_896, %get3A_902 : vector<16xf32>
      scf.yield %add3A_903 : vector<16xf32>
    }
    %scan3A_198 = arith.constant 32 : i32
    %get3A_199 = arith.constant 32 : i32
    %get3A_200 = arith.index_cast %get3A_199 : i32 to index
    %get3A_201 = arith.constant 80 : index
    %get3A_202 = tpu.vector_load %arg6[%get3A_200, %get3A_201] {strides = array<i32>} : memref<160x128xf32, #tpu.memory_space<vmem>>, vector<1x16xf32>,
    %get3A_203 = vector.shape_cast %get3A_202 : vector<1x16xf32> to vector<16xf32>
    %mul3A_204 = arith.constant 5.000000e-01 : f32
    %mul3A_205 = vector.broadcast %mul3A_204 : f32 to vector<16xf32>
    %mul3A_206 = arith.mulf %get3A_203, %mul3A_205 : vector<16xf32>
    %mul3A_207 = arith.constant 1.562500e-02 : f32
    %mul3A_208 = vector.broadcast %mul3A_207 : f32 to vector<16xf32>
    %mul3A_209 = arith.mulf %scan3A_197, %mul3A_208 : vector<16xf32>
    %add3A_210 = arith.addf %mul3A_206, %mul3A_209 : vector<16xf32>
    %swap3A_211 = arith.constant 0 : i32
    %swap3A_212 = arith.index_cast %swap3A_211 : i32 to index
    %swap3A_213 = arith.constant 80 : index
    %swap3A_214 = tpu.vector_load %arg7[%swap3A_212, %swap3A_213] {strides = array<i32>} : memref<4x128xf32, #tpu.memory_space<vmem>>, vector<1x16xf32>,
    %swap3A_215 = vector.shape_cast %swap3A_214 : vector<1x16xf32> to vector<16xf32>
    %swap3A_216 = vector.shape_cast %add3A_210 : vector<16xf32> to vector<1x16xf32>
    tpu.vector_store %arg7[%swap3A_212, %swap3A_213], %swap3A_216 {strides = array<i32>} : memref<4x128xf32, #tpu.memory_space<vmem>>, vector<1x16xf32>,
    %broadcast_in_dim3A_217 = arith.constant 0.000000e+00 : f32
    %broadcast_in_dim3A_218 = vector.broadcast %broadcast_in_dim3A_217 : f32 to vector<16xf32>
    %scan3A_219 = arith.constant 0 : i32
    %scan3A_220 = arith.constant 32 : i32
    %scan3A_221 = arith.addi %scan3A_219, %scan3A_220 : i32
    %scan3A_222 = arith.constant 1 : i32
    %scan3A_223 = scf.for %scan3A_895 = %scan3A_219 to %scan3A_221 step %scan3A_222 iter_args(%scan3A_896 = %broadcast_in_dim3A_218) -> (vector<16xf32>)  : i32 {
      %add3A_897 = arith.constant 0 : i32
      %add3A_898 = arith.addi %add3A_897, %scan3A_895 : i32
      %get3A_899 = arith.index_cast %add3A_898 : i32 to index
      %get3A_900 = arith.constant 96 : index
      %get3A_901 = tpu.vector_load %arg6[%get3A_899, %get3A_900] {strides = array<i32>} : memref<160x128xf32, #tpu.memory_space<vmem>>, vector<1x16xf32>,
      %get3A_902 = vector.shape_cast %get3A_901 : vector<1x16xf32> to vector<16xf32>
      %add3A_903 = arith.addf %scan3A_896, %get3A_902 : vector<16xf32>
      scf.yield %add3A_903 : vector<16xf32>
    }
    %scan3A_224 = arith.constant 32 : i32
    %get3A_225 = arith.constant 32 : i32
    %get3A_226 = arith.index_cast %get3A_225 : i32 to index
    %get3A_227 = arith.constant 96 : index
    %get3A_228 = tpu.vector_load %arg6[%get3A_226, %get3A_227] {strides = array<i32>} : memref<160x128xf32, #tpu.memory_space<vmem>>, vector<1x16xf32>,
    %get3A_229 = vector.shape_cast %get3A_228 : vector<1x16xf32> to vector<16xf32>
    %mul3A_230 = arith.constant 5.000000e-01 : f32
    %mul3A_231 = vector.broadcast %mul3A_230 : f32 to vector<16xf32>
    %mul3A_232 = arith.mulf %get3A_229, %mul3A_231 : vector<16xf32>
    %mul3A_233 = arith.constant 1.562500e-02 : f32
    %mul3A_234 = vector.broadcast %mul3A_233 : f32 to vector<16xf32>
    %mul3A_235 = arith.mulf %scan3A_223, %mul3A_234 : vector<16xf32>
    %add3A_236 = arith.addf %mul3A_232, %mul3A_235 : vector<16xf32>
    %swap3A_237 = arith.constant 0 : i32
    %swap3A_238 = arith.index_cast %swap3A_237 : i32 to index
    %swap3A_239 = arith.constant 96 : index
    %swap3A_240 = tpu.vector_load %arg7[%swap3A_238, %swap3A_239] {strides = array<i32>} : memref<4x128xf32, #tpu.memory_space<vmem>>, vector<1x16xf32>,
    %swap3A_241 = vector.shape_cast %swap3A_240 : vector<1x16xf32> to vector<16xf32>
    %swap3A_242 = vector.shape_cast %add3A_236 : vector<16xf32> to vector<1x16xf32>
    tpu.vector_store %arg7[%swap3A_238, %swap3A_239], %swap3A_242 {strides = array<i32>} : memref<4x128xf32, #tpu.memory_space<vmem>>, vector<1x16xf32>,
    %broadcast_in_dim3A_243 = arith.constant 0.000000e+00 : f32
    %broadcast_in_dim3A_244 = vector.broadcast %broadcast_in_dim3A_243 : f32 to vector<16xf32>
    %scan3A_245 = arith.constant 0 : i32
    %scan3A_246 = arith.constant 32 : i32
    %scan3A_247 = arith.addi %scan3A_245, %scan3A_246 : i32
    %scan3A_248 = arith.constant 1 : i32
    %scan3A_249 = scf.for %scan3A_895 = %scan3A_245 to %scan3A_247 step %scan3A_248 iter_args(%scan3A_896 = %broadcast_in_dim3A_244) -> (vector<16xf32>)  : i32 {
      %add3A_897 = arith.constant 0 : i32
      %add3A_898 = arith.addi %add3A_897, %scan3A_895 : i32
      %get3A_899 = arith.index_cast %add3A_898 : i32 to index
      %get3A_900 = arith.constant 112 : index
      %get3A_901 = tpu.vector_load %arg6[%get3A_899, %get3A_900] {strides = array<i32>} : memref<160x128xf32, #tpu.memory_space<vmem>>, vector<1x16xf32>,
      %get3A_902 = vector.shape_cast %get3A_901 : vector<1x16xf32> to vector<16xf32>
      %add3A_903 = arith.addf %scan3A_896, %get3A_902 : vector<16xf32>
      scf.yield %add3A_903 : vector<16xf32>
    }
    %scan3A_250 = arith.constant 32 : i32
    %get3A_251 = arith.constant 32 : i32
    %get3A_252 = arith.index_cast %get3A_251 : i32 to index
    %get3A_253 = arith.constant 112 : index
    %get3A_254 = tpu.vector_load %arg6[%get3A_252, %get3A_253] {strides = array<i32>} : memref<160x128xf32, #tpu.memory_space<vmem>>, vector<1x16xf32>,
    %get3A_255 = vector.shape_cast %get3A_254 : vector<1x16xf32> to vector<16xf32>
    %mul3A_256 = arith.constant 5.000000e-01 : f32
    %mul3A_257 = vector.broadcast %mul3A_256 : f32 to vector<16xf32>
    %mul3A_258 = arith.mulf %get3A_255, %mul3A_257 : vector<16xf32>
    %mul3A_259 = arith.constant 1.562500e-02 : f32
    %mul3A_260 = vector.broadcast %mul3A_259 : f32 to vector<16xf32>
    %mul3A_261 = arith.mulf %scan3A_249, %mul3A_260 : vector<16xf32>
    %add3A_262 = arith.addf %mul3A_258, %mul3A_261 : vector<16xf32>
    %swap3A_263 = arith.constant 0 : i32
    %swap3A_264 = arith.index_cast %swap3A_263 : i32 to index
    %swap3A_265 = arith.constant 112 : index
    %swap3A_266 = tpu.vector_load %arg7[%swap3A_264, %swap3A_265] {strides = array<i32>} : memref<4x128xf32, #tpu.memory_space<vmem>>, vector<1x16xf32>,
    %swap3A_267 = vector.shape_cast %swap3A_266 : vector<1x16xf32> to vector<16xf32>
    %swap3A_268 = vector.shape_cast %add3A_262 : vector<16xf32> to vector<1x16xf32>
    tpu.vector_store %arg7[%swap3A_264, %swap3A_265], %swap3A_268 {strides = array<i32>} : memref<4x128xf32, #tpu.memory_space<vmem>>, vector<1x16xf32>,
    %broadcast_in_dim3A_269 = arith.constant 0.000000e+00 : f32
    %broadcast_in_dim3A_270 = vector.broadcast %broadcast_in_dim3A_269 : f32 to vector<16xf32>
    %scan3A_271 = arith.constant 0 : i32
    %scan3A_272 = arith.constant 32 : i32
    %scan3A_273 = arith.addi %scan3A_271, %scan3A_272 : i32
    %scan3A_274 = arith.constant 1 : i32
    %scan3A_275 = scf.for %scan3A_895 = %scan3A_271 to %scan3A_273 step %scan3A_274 iter_args(%scan3A_896 = %broadcast_in_dim3A_270) -> (vector<16xf32>)  : i32 {
      %add3A_897 = arith.constant 40 : i32
      %add3A_898 = arith.addi %add3A_897, %scan3A_895 : i32
      %get3A_899 = arith.index_cast %add3A_898 : i32 to index
      %get3A_900 = arith.constant 0 : index
      %get3A_901 = tpu.vector_load %arg6[%get3A_899, %get3A_900] {strides = array<i32>} : memref<160x128xf32, #tpu.memory_space<vmem>>, vector<1x16xf32>,
      %get3A_902 = vector.shape_cast %get3A_901 : vector<1x16xf32> to vector<16xf32>
      %add3A_903 = arith.addf %scan3A_896, %get3A_902 : vector<16xf32>
      scf.yield %add3A_903 : vector<16xf32>
    }
    %scan3A_276 = arith.constant 32 : i32
    %get3A_277 = arith.constant 72 : i32
    %get3A_278 = arith.index_cast %get3A_277 : i32 to index
    %get3A_279 = arith.constant 0 : index
    %get3A_280 = tpu.vector_load %arg6[%get3A_278, %get3A_279] {strides = array<i32>} : memref<160x128xf32, #tpu.memory_space<vmem>>, vector<1x16xf32>,
    %get3A_281 = vector.shape_cast %get3A_280 : vector<1x16xf32> to vector<16xf32>
    %mul3A_282 = arith.constant 5.000000e-01 : f32
    %mul3A_283 = vector.broadcast %mul3A_282 : f32 to vector<16xf32>
    %mul3A_284 = arith.mulf %get3A_281, %mul3A_283 : vector<16xf32>
    %mul3A_285 = arith.constant 1.562500e-02 : f32
    %mul3A_286 = vector.broadcast %mul3A_285 : f32 to vector<16xf32>
    %mul3A_287 = arith.mulf %scan3A_275, %mul3A_286 : vector<16xf32>
    %add3A_288 = arith.addf %mul3A_284, %mul3A_287 : vector<16xf32>
    %swap3A_289 = arith.constant 1 : i32
    %swap3A_290 = arith.index_cast %swap3A_289 : i32 to index
    %swap3A_291 = arith.constant 0 : index
    %swap3A_292 = tpu.vector_load %arg7[%swap3A_290, %swap3A_291] {strides = array<i32>} : memref<4x128xf32, #tpu.memory_space<vmem>>, vector<1x16xf32>,
    %swap3A_293 = vector.shape_cast %swap3A_292 : vector<1x16xf32> to vector<16xf32>
    %swap3A_294 = vector.shape_cast %add3A_288 : vector<16xf32> to vector<1x16xf32>
    tpu.vector_store %arg7[%swap3A_290, %swap3A_291], %swap3A_294 {strides = array<i32>} : memref<4x128xf32, #tpu.memory_space<vmem>>, vector<1x16xf32>,
    %broadcast_in_dim3A_295 = arith.constant 0.000000e+00 : f32
    %broadcast_in_dim3A_296 = vector.broadcast %broadcast_in_dim3A_295 : f32 to vector<16xf32>
    %scan3A_297 = arith.constant 0 : i32
    %scan3A_298 = arith.constant 32 : i32
    %scan3A_299 = arith.addi %scan3A_297, %scan3A_298 : i32
    %scan3A_300 = arith.constant 1 : i32
    %scan3A_301 = scf.for %scan3A_895 = %scan3A_297 to %scan3A_299 step %scan3A_300 iter_args(%scan3A_896 = %broadcast_in_dim3A_296) -> (vector<16xf32>)  : i32 {
      %add3A_897 = arith.constant 40 : i32
      %add3A_898 = arith.addi %add3A_897, %scan3A_895 : i32
      %get3A_899 = arith.index_cast %add3A_898 : i32 to index
      %get3A_900 = arith.constant 16 : index
      %get3A_901 = tpu.vector_load %arg6[%get3A_899, %get3A_900] {strides = array<i32>} : memref<160x128xf32, #tpu.memory_space<vmem>>, vector<1x16xf32>,
      %get3A_902 = vector.shape_cast %get3A_901 : vector<1x16xf32> to vector<16xf32>
      %add3A_903 = arith.addf %scan3A_896, %get3A_902 : vector<16xf32>
      scf.yield %add3A_903 : vector<16xf32>
    }
    %scan3A_302 = arith.constant 32 : i32
    %get3A_303 = arith.constant 72 : i32
    %get3A_304 = arith.index_cast %get3A_303 : i32 to index
    %get3A_305 = arith.constant 16 : index
    %get3A_306 = tpu.vector_load %arg6[%get3A_304, %get3A_305] {strides = array<i32>} : memref<160x128xf32, #tpu.memory_space<vmem>>, vector<1x16xf32>,
    %get3A_307 = vector.shape_cast %get3A_306 : vector<1x16xf32> to vector<16xf32>
    %mul3A_308 = arith.constant 5.000000e-01 : f32
    %mul3A_309 = vector.broadcast %mul3A_308 : f32 to vector<16xf32>
    %mul3A_310 = arith.mulf %get3A_307, %mul3A_309 : vector<16xf32>
    %mul3A_311 = arith.constant 1.562500e-02 : f32
    %mul3A_312 = vector.broadcast %mul3A_311 : f32 to vector<16xf32>
    %mul3A_313 = arith.mulf %scan3A_301, %mul3A_312 : vector<16xf32>
    %add3A_314 = arith.addf %mul3A_310, %mul3A_313 : vector<16xf32>
    %swap3A_315 = arith.constant 1 : i32
    %swap3A_316 = arith.index_cast %swap3A_315 : i32 to index
    %swap3A_317 = arith.constant 16 : index
    %swap3A_318 = tpu.vector_load %arg7[%swap3A_316, %swap3A_317] {strides = array<i32>} : memref<4x128xf32, #tpu.memory_space<vmem>>, vector<1x16xf32>,
    %swap3A_319 = vector.shape_cast %swap3A_318 : vector<1x16xf32> to vector<16xf32>
    %swap3A_320 = vector.shape_cast %add3A_314 : vector<16xf32> to vector<1x16xf32>
    tpu.vector_store %arg7[%swap3A_316, %swap3A_317], %swap3A_320 {strides = array<i32>} : memref<4x128xf32, #tpu.memory_space<vmem>>, vector<1x16xf32>,
    %broadcast_in_dim3A_321 = arith.constant 0.000000e+00 : f32
    %broadcast_in_dim3A_322 = vector.broadcast %broadcast_in_dim3A_321 : f32 to vector<16xf32>
    %scan3A_323 = arith.constant 0 : i32
    %scan3A_324 = arith.constant 32 : i32
    %scan3A_325 = arith.addi %scan3A_323, %scan3A_324 : i32
    %scan3A_326 = arith.constant 1 : i32
    %scan3A_327 = scf.for %scan3A_895 = %scan3A_323 to %scan3A_325 step %scan3A_326 iter_args(%scan3A_896 = %broadcast_in_dim3A_322) -> (vector<16xf32>)  : i32 {
      %add3A_897 = arith.constant 40 : i32
      %add3A_898 = arith.addi %add3A_897, %scan3A_895 : i32
      %get3A_899 = arith.index_cast %add3A_898 : i32 to index
      %get3A_900 = arith.constant 32 : index
      %get3A_901 = tpu.vector_load %arg6[%get3A_899, %get3A_900] {strides = array<i32>} : memref<160x128xf32, #tpu.memory_space<vmem>>, vector<1x16xf32>,
      %get3A_902 = vector.shape_cast %get3A_901 : vector<1x16xf32> to vector<16xf32>
      %add3A_903 = arith.addf %scan3A_896, %get3A_902 : vector<16xf32>
      scf.yield %add3A_903 : vector<16xf32>
    }
    %scan3A_328 = arith.constant 32 : i32
    %get3A_329 = arith.constant 72 : i32
    %get3A_330 = arith.index_cast %get3A_329 : i32 to index
    %get3A_331 = arith.constant 32 : index
    %get3A_332 = tpu.vector_load %arg6[%get3A_330, %get3A_331] {strides = array<i32>} : memref<160x128xf32, #tpu.memory_space<vmem>>, vector<1x16xf32>,
    %get3A_333 = vector.shape_cast %get3A_332 : vector<1x16xf32> to vector<16xf32>
    %mul3A_334 = arith.constant 5.000000e-01 : f32
    %mul3A_335 = vector.broadcast %mul3A_334 : f32 to vector<16xf32>
    %mul3A_336 = arith.mulf %get3A_333, %mul3A_335 : vector<16xf32>
    %mul3A_337 = arith.constant 1.562500e-02 : f32
    %mul3A_338 = vector.broadcast %mul3A_337 : f32 to vector<16xf32>
    %mul3A_339 = arith.mulf %scan3A_327, %mul3A_338 : vector<16xf32>
    %add3A_340 = arith.addf %mul3A_336, %mul3A_339 : vector<16xf32>
    %swap3A_341 = arith.constant 1 : i32
    %swap3A_342 = arith.index_cast %swap3A_341 : i32 to index
    %swap3A_343 = arith.constant 32 : index
    %swap3A_344 = tpu.vector_load %arg7[%swap3A_342, %swap3A_343] {strides = array<i32>} : memref<4x128xf32, #tpu.memory_space<vmem>>, vector<1x16xf32>,
    %swap3A_345 = vector.shape_cast %swap3A_344 : vector<1x16xf32> to vector<16xf32>
    %swap3A_346 = vector.shape_cast %add3A_340 : vector<16xf32> to vector<1x16xf32>
    tpu.vector_store %arg7[%swap3A_342, %swap3A_343], %swap3A_346 {strides = array<i32>} : memref<4x128xf32, #tpu.memory_space<vmem>>, vector<1x16xf32>,
    %broadcast_in_dim3A_347 = arith.constant 0.000000e+00 : f32
    %broadcast_in_dim3A_348 = vector.broadcast %broadcast_in_dim3A_347 : f32 to vector<16xf32>
    %scan3A_349 = arith.constant 0 : i32
    %scan3A_350 = arith.constant 32 : i32
    %scan3A_351 = arith.addi %scan3A_349, %scan3A_350 : i32
    %scan3A_352 = arith.constant 1 : i32
    %scan3A_353 = scf.for %scan3A_895 = %scan3A_349 to %scan3A_351 step %scan3A_352 iter_args(%scan3A_896 = %broadcast_in_dim3A_348) -> (vector<16xf32>)  : i32 {
      %add3A_897 = arith.constant 40 : i32
      %add3A_898 = arith.addi %add3A_897, %scan3A_895 : i32
      %get3A_899 = arith.index_cast %add3A_898 : i32 to index
      %get3A_900 = arith.constant 48 : index
      %get3A_901 = tpu.vector_load %arg6[%get3A_899, %get3A_900] {strides = array<i32>} : memref<160x128xf32, #tpu.memory_space<vmem>>, vector<1x16xf32>,
      %get3A_902 = vector.shape_cast %get3A_901 : vector<1x16xf32> to vector<16xf32>
      %add3A_903 = arith.addf %scan3A_896, %get3A_902 : vector<16xf32>
      scf.yield %add3A_903 : vector<16xf32>
    }
    %scan3A_354 = arith.constant 32 : i32
    %get3A_355 = arith.constant 72 : i32
    %get3A_356 = arith.index_cast %get3A_355 : i32 to index
    %get3A_357 = arith.constant 48 : index
    %get3A_358 = tpu.vector_load %arg6[%get3A_356, %get3A_357] {strides = array<i32>} : memref<160x128xf32, #tpu.memory_space<vmem>>, vector<1x16xf32>,
    %get3A_359 = vector.shape_cast %get3A_358 : vector<1x16xf32> to vector<16xf32>
    %mul3A_360 = arith.constant 5.000000e-01 : f32
    %mul3A_361 = vector.broadcast %mul3A_360 : f32 to vector<16xf32>
    %mul3A_362 = arith.mulf %get3A_359, %mul3A_361 : vector<16xf32>
    %mul3A_363 = arith.constant 1.562500e-02 : f32
    %mul3A_364 = vector.broadcast %mul3A_363 : f32 to vector<16xf32>
    %mul3A_365 = arith.mulf %scan3A_353, %mul3A_364 : vector<16xf32>
    %add3A_366 = arith.addf %mul3A_362, %mul3A_365 : vector<16xf32>
    %swap3A_367 = arith.constant 1 : i32
    %swap3A_368 = arith.index_cast %swap3A_367 : i32 to index
    %swap3A_369 = arith.constant 48 : index
    %swap3A_370 = tpu.vector_load %arg7[%swap3A_368, %swap3A_369] {strides = array<i32>} : memref<4x128xf32, #tpu.memory_space<vmem>>, vector<1x16xf32>,
    %swap3A_371 = vector.shape_cast %swap3A_370 : vector<1x16xf32> to vector<16xf32>
    %swap3A_372 = vector.shape_cast %add3A_366 : vector<16xf32> to vector<1x16xf32>
    tpu.vector_store %arg7[%swap3A_368, %swap3A_369], %swap3A_372 {strides = array<i32>} : memref<4x128xf32, #tpu.memory_space<vmem>>, vector<1x16xf32>,
    %broadcast_in_dim3A_373 = arith.constant 0.000000e+00 : f32
    %broadcast_in_dim3A_374 = vector.broadcast %broadcast_in_dim3A_373 : f32 to vector<16xf32>
    %scan3A_375 = arith.constant 0 : i32
    %scan3A_376 = arith.constant 32 : i32
    %scan3A_377 = arith.addi %scan3A_375, %scan3A_376 : i32
    %scan3A_378 = arith.constant 1 : i32
    %scan3A_379 = scf.for %scan3A_895 = %scan3A_375 to %scan3A_377 step %scan3A_378 iter_args(%scan3A_896 = %broadcast_in_dim3A_374) -> (vector<16xf32>)  : i32 {
      %add3A_897 = arith.constant 40 : i32
      %add3A_898 = arith.addi %add3A_897, %scan3A_895 : i32
      %get3A_899 = arith.index_cast %add3A_898 : i32 to index
      %get3A_900 = arith.constant 64 : index
      %get3A_901 = tpu.vector_load %arg6[%get3A_899, %get3A_900] {strides = array<i32>} : memref<160x128xf32, #tpu.memory_space<vmem>>, vector<1x16xf32>,
      %get3A_902 = vector.shape_cast %get3A_901 : vector<1x16xf32> to vector<16xf32>
      %add3A_903 = arith.addf %scan3A_896, %get3A_902 : vector<16xf32>
      scf.yield %add3A_903 : vector<16xf32>
    }
    %scan3A_380 = arith.constant 32 : i32
    %get3A_381 = arith.constant 72 : i32
    %get3A_382 = arith.index_cast %get3A_381 : i32 to index
    %get3A_383 = arith.constant 64 : index
    %get3A_384 = tpu.vector_load %arg6[%get3A_382, %get3A_383] {strides = array<i32>} : memref<160x128xf32, #tpu.memory_space<vmem>>, vector<1x16xf32>,
    %get3A_385 = vector.shape_cast %get3A_384 : vector<1x16xf32> to vector<16xf32>
    %mul3A_386 = arith.constant 5.000000e-01 : f32
    %mul3A_387 = vector.broadcast %mul3A_386 : f32 to vector<16xf32>
    %mul3A_388 = arith.mulf %get3A_385, %mul3A_387 : vector<16xf32>
    %mul3A_389 = arith.constant 1.562500e-02 : f32
    %mul3A_390 = vector.broadcast %mul3A_389 : f32 to vector<16xf32>
    %mul3A_391 = arith.mulf %scan3A_379, %mul3A_390 : vector<16xf32>
    %add3A_392 = arith.addf %mul3A_388, %mul3A_391 : vector<16xf32>
    %swap3A_393 = arith.constant 1 : i32
    %swap3A_394 = arith.index_cast %swap3A_393 : i32 to index
    %swap3A_395 = arith.constant 64 : index
    %swap3A_396 = tpu.vector_load %arg7[%swap3A_394, %swap3A_395] {strides = array<i32>} : memref<4x128xf32, #tpu.memory_space<vmem>>, vector<1x16xf32>,
    %swap3A_397 = vector.shape_cast %swap3A_396 : vector<1x16xf32> to vector<16xf32>
    %swap3A_398 = vector.shape_cast %add3A_392 : vector<16xf32> to vector<1x16xf32>
    tpu.vector_store %arg7[%swap3A_394, %swap3A_395], %swap3A_398 {strides = array<i32>} : memref<4x128xf32, #tpu.memory_space<vmem>>, vector<1x16xf32>,
    %broadcast_in_dim3A_399 = arith.constant 0.000000e+00 : f32
    %broadcast_in_dim3A_400 = vector.broadcast %broadcast_in_dim3A_399 : f32 to vector<16xf32>
    %scan3A_401 = arith.constant 0 : i32
    %scan3A_402 = arith.constant 32 : i32
    %scan3A_403 = arith.addi %scan3A_401, %scan3A_402 : i32
    %scan3A_404 = arith.constant 1 : i32
    %scan3A_405 = scf.for %scan3A_895 = %scan3A_401 to %scan3A_403 step %scan3A_404 iter_args(%scan3A_896 = %broadcast_in_dim3A_400) -> (vector<16xf32>)  : i32 {
      %add3A_897 = arith.constant 40 : i32
      %add3A_898 = arith.addi %add3A_897, %scan3A_895 : i32
      %get3A_899 = arith.index_cast %add3A_898 : i32 to index
      %get3A_900 = arith.constant 80 : index
      %get3A_901 = tpu.vector_load %arg6[%get3A_899, %get3A_900] {strides = array<i32>} : memref<160x128xf32, #tpu.memory_space<vmem>>, vector<1x16xf32>,
      %get3A_902 = vector.shape_cast %get3A_901 : vector<1x16xf32> to vector<16xf32>
      %add3A_903 = arith.addf %scan3A_896, %get3A_902 : vector<16xf32>
      scf.yield %add3A_903 : vector<16xf32>
    }
    %scan3A_406 = arith.constant 32 : i32
    %get3A_407 = arith.constant 72 : i32
    %get3A_408 = arith.index_cast %get3A_407 : i32 to index
    %get3A_409 = arith.constant 80 : index
    %get3A_410 = tpu.vector_load %arg6[%get3A_408, %get3A_409] {strides = array<i32>} : memref<160x128xf32, #tpu.memory_space<vmem>>, vector<1x16xf32>,
    %get3A_411 = vector.shape_cast %get3A_410 : vector<1x16xf32> to vector<16xf32>
    %mul3A_412 = arith.constant 5.000000e-01 : f32
    %mul3A_413 = vector.broadcast %mul3A_412 : f32 to vector<16xf32>
    %mul3A_414 = arith.mulf %get3A_411, %mul3A_413 : vector<16xf32>
    %mul3A_415 = arith.constant 1.562500e-02 : f32
    %mul3A_416 = vector.broadcast %mul3A_415 : f32 to vector<16xf32>
    %mul3A_417 = arith.mulf %scan3A_405, %mul3A_416 : vector<16xf32>
    %add3A_418 = arith.addf %mul3A_414, %mul3A_417 : vector<16xf32>
    %swap3A_419 = arith.constant 1 : i32
    %swap3A_420 = arith.index_cast %swap3A_419 : i32 to index
    %swap3A_421 = arith.constant 80 : index
    %swap3A_422 = tpu.vector_load %arg7[%swap3A_420, %swap3A_421] {strides = array<i32>} : memref<4x128xf32, #tpu.memory_space<vmem>>, vector<1x16xf32>,
    %swap3A_423 = vector.shape_cast %swap3A_422 : vector<1x16xf32> to vector<16xf32>
    %swap3A_424 = vector.shape_cast %add3A_418 : vector<16xf32> to vector<1x16xf32>
    tpu.vector_store %arg7[%swap3A_420, %swap3A_421], %swap3A_424 {strides = array<i32>} : memref<4x128xf32, #tpu.memory_space<vmem>>, vector<1x16xf32>,
    %broadcast_in_dim3A_425 = arith.constant 0.000000e+00 : f32
    %broadcast_in_dim3A_426 = vector.broadcast %broadcast_in_dim3A_425 : f32 to vector<16xf32>
    %scan3A_427 = arith.constant 0 : i32
    %scan3A_428 = arith.constant 32 : i32
    %scan3A_429 = arith.addi %scan3A_427, %scan3A_428 : i32
    %scan3A_430 = arith.constant 1 : i32
    %scan3A_431 = scf.for %scan3A_895 = %scan3A_427 to %scan3A_429 step %scan3A_430 iter_args(%scan3A_896 = %broadcast_in_dim3A_426) -> (vector<16xf32>)  : i32 {
      %add3A_897 = arith.constant 40 : i32
      %add3A_898 = arith.addi %add3A_897, %scan3A_895 : i32
      %get3A_899 = arith.index_cast %add3A_898 : i32 to index
      %get3A_900 = arith.constant 96 : index
      %get3A_901 = tpu.vector_load %arg6[%get3A_899, %get3A_900] {strides = array<i32>} : memref<160x128xf32, #tpu.memory_space<vmem>>, vector<1x16xf32>,
      %get3A_902 = vector.shape_cast %get3A_901 : vector<1x16xf32> to vector<16xf32>
      %add3A_903 = arith.addf %scan3A_896, %get3A_902 : vector<16xf32>
      scf.yield %add3A_903 : vector<16xf32>
    }
    %scan3A_432 = arith.constant 32 : i32
    %get3A_433 = arith.constant 72 : i32
    %get3A_434 = arith.index_cast %get3A_433 : i32 to index
    %get3A_435 = arith.constant 96 : index
    %get3A_436 = tpu.vector_load %arg6[%get3A_434, %get3A_435] {strides = array<i32>} : memref<160x128xf32, #tpu.memory_space<vmem>>, vector<1x16xf32>,
    %get3A_437 = vector.shape_cast %get3A_436 : vector<1x16xf32> to vector<16xf32>
    %mul3A_438 = arith.constant 5.000000e-01 : f32
    %mul3A_439 = vector.broadcast %mul3A_438 : f32 to vector<16xf32>
    %mul3A_440 = arith.mulf %get3A_437, %mul3A_439 : vector<16xf32>
    %mul3A_441 = arith.constant 1.562500e-02 : f32
    %mul3A_442 = vector.broadcast %mul3A_441 : f32 to vector<16xf32>
    %mul3A_443 = arith.mulf %scan3A_431, %mul3A_442 : vector<16xf32>
    %add3A_444 = arith.addf %mul3A_440, %mul3A_443 : vector<16xf32>
    %swap3A_445 = arith.constant 1 : i32
    %swap3A_446 = arith.index_cast %swap3A_445 : i32 to index
    %swap3A_447 = arith.constant 96 : index
    %swap3A_448 = tpu.vector_load %arg7[%swap3A_446, %swap3A_447] {strides = array<i32>} : memref<4x128xf32, #tpu.memory_space<vmem>>, vector<1x16xf32>,
    %swap3A_449 = vector.shape_cast %swap3A_448 : vector<1x16xf32> to vector<16xf32>
    %swap3A_450 = vector.shape_cast %add3A_444 : vector<16xf32> to vector<1x16xf32>
    tpu.vector_store %arg7[%swap3A_446, %swap3A_447], %swap3A_450 {strides = array<i32>} : memref<4x128xf32, #tpu.memory_space<vmem>>, vector<1x16xf32>,
    %broadcast_in_dim3A_451 = arith.constant 0.000000e+00 : f32
    %broadcast_in_dim3A_452 = vector.broadcast %broadcast_in_dim3A_451 : f32 to vector<16xf32>
    %scan3A_453 = arith.constant 0 : i32
    %scan3A_454 = arith.constant 32 : i32
    %scan3A_455 = arith.addi %scan3A_453, %scan3A_454 : i32
    %scan3A_456 = arith.constant 1 : i32
    %scan3A_457 = scf.for %scan3A_895 = %scan3A_453 to %scan3A_455 step %scan3A_456 iter_args(%scan3A_896 = %broadcast_in_dim3A_452) -> (vector<16xf32>)  : i32 {
      %add3A_897 = arith.constant 40 : i32
      %add3A_898 = arith.addi %add3A_897, %scan3A_895 : i32
      %get3A_899 = arith.index_cast %add3A_898 : i32 to index
      %get3A_900 = arith.constant 112 : index
      %get3A_901 = tpu.vector_load %arg6[%get3A_899, %get3A_900] {strides = array<i32>} : memref<160x128xf32, #tpu.memory_space<vmem>>, vector<1x16xf32>,
      %get3A_902 = vector.shape_cast %get3A_901 : vector<1x16xf32> to vector<16xf32>
      %add3A_903 = arith.addf %scan3A_896, %get3A_902 : vector<16xf32>
      scf.yield %add3A_903 : vector<16xf32>
    }
    %scan3A_458 = arith.constant 32 : i32
    %get3A_459 = arith.constant 72 : i32
    %get3A_460 = arith.index_cast %get3A_459 : i32 to index
    %get3A_461 = arith.constant 112 : index
    %get3A_462 = tpu.vector_load %arg6[%get3A_460, %get3A_461] {strides = array<i32>} : memref<160x128xf32, #tpu.memory_space<vmem>>, vector<1x16xf32>,
    %get3A_463 = vector.shape_cast %get3A_462 : vector<1x16xf32> to vector<16xf32>
    %mul3A_464 = arith.constant 5.000000e-01 : f32
    %mul3A_465 = vector.broadcast %mul3A_464 : f32 to vector<16xf32>
    %mul3A_466 = arith.mulf %get3A_463, %mul3A_465 : vector<16xf32>
    %mul3A_467 = arith.constant 1.562500e-02 : f32
    %mul3A_468 = vector.broadcast %mul3A_467 : f32 to vector<16xf32>
    %mul3A_469 = arith.mulf %scan3A_457, %mul3A_468 : vector<16xf32>
    %add3A_470 = arith.addf %mul3A_466, %mul3A_469 : vector<16xf32>
    %swap3A_471 = arith.constant 1 : i32
    %swap3A_472 = arith.index_cast %swap3A_471 : i32 to index
    %swap3A_473 = arith.constant 112 : index
    %swap3A_474 = tpu.vector_load %arg7[%swap3A_472, %swap3A_473] {strides = array<i32>} : memref<4x128xf32, #tpu.memory_space<vmem>>, vector<1x16xf32>,
    %swap3A_475 = vector.shape_cast %swap3A_474 : vector<1x16xf32> to vector<16xf32>
    %swap3A_476 = vector.shape_cast %add3A_470 : vector<16xf32> to vector<1x16xf32>
    tpu.vector_store %arg7[%swap3A_472, %swap3A_473], %swap3A_476 {strides = array<i32>} : memref<4x128xf32, #tpu.memory_space<vmem>>, vector<1x16xf32>,
    %broadcast_in_dim3A_477 = arith.constant 0.000000e+00 : f32
    %broadcast_in_dim3A_478 = vector.broadcast %broadcast_in_dim3A_477 : f32 to vector<16xf32>
    %scan3A_479 = arith.constant 0 : i32
    %scan3A_480 = arith.constant 32 : i32
    %scan3A_481 = arith.addi %scan3A_479, %scan3A_480 : i32
    %scan3A_482 = arith.constant 1 : i32
    %scan3A_483 = scf.for %scan3A_895 = %scan3A_479 to %scan3A_481 step %scan3A_482 iter_args(%scan3A_896 = %broadcast_in_dim3A_478) -> (vector<16xf32>)  : i32 {
      %add3A_897 = arith.constant 80 : i32
      %add3A_898 = arith.addi %add3A_897, %scan3A_895 : i32
      %get3A_899 = arith.index_cast %add3A_898 : i32 to index
      %get3A_900 = arith.constant 0 : index
      %get3A_901 = tpu.vector_load %arg6[%get3A_899, %get3A_900] {strides = array<i32>} : memref<160x128xf32, #tpu.memory_space<vmem>>, vector<1x16xf32>,
      %get3A_902 = vector.shape_cast %get3A_901 : vector<1x16xf32> to vector<16xf32>
      %add3A_903 = arith.addf %scan3A_896, %get3A_902 : vector<16xf32>
      scf.yield %add3A_903 : vector<16xf32>
    }
    %scan3A_484 = arith.constant 32 : i32
    %get3A_485 = arith.constant 112 : i32
    %get3A_486 = arith.index_cast %get3A_485 : i32 to index
    %get3A_487 = arith.constant 0 : index
    %get3A_488 = tpu.vector_load %arg6[%get3A_486, %get3A_487] {strides = array<i32>} : memref<160x128xf32, #tpu.memory_space<vmem>>, vector<1x16xf32>,
    %get3A_489 = vector.shape_cast %get3A_488 : vector<1x16xf32> to vector<16xf32>
    %mul3A_490 = arith.constant 5.000000e-01 : f32
    %mul3A_491 = vector.broadcast %mul3A_490 : f32 to vector<16xf32>
    %mul3A_492 = arith.mulf %get3A_489, %mul3A_491 : vector<16xf32>
    %mul3A_493 = arith.constant 1.562500e-02 : f32
    %mul3A_494 = vector.broadcast %mul3A_493 : f32 to vector<16xf32>
    %mul3A_495 = arith.mulf %scan3A_483, %mul3A_494 : vector<16xf32>
    %add3A_496 = arith.addf %mul3A_492, %mul3A_495 : vector<16xf32>
    %swap3A_497 = arith.constant 2 : i32
    %swap3A_498 = arith.index_cast %swap3A_497 : i32 to index
    %swap3A_499 = arith.constant 0 : index
    %swap3A_500 = tpu.vector_load %arg7[%swap3A_498, %swap3A_499] {strides = array<i32>} : memref<4x128xf32, #tpu.memory_space<vmem>>, vector<1x16xf32>,
    %swap3A_501 = vector.shape_cast %swap3A_500 : vector<1x16xf32> to vector<16xf32>
    %swap3A_502 = vector.shape_cast %add3A_496 : vector<16xf32> to vector<1x16xf32>
    tpu.vector_store %arg7[%swap3A_498, %swap3A_499], %swap3A_502 {strides = array<i32>} : memref<4x128xf32, #tpu.memory_space<vmem>>, vector<1x16xf32>,
    %broadcast_in_dim3A_503 = arith.constant 0.000000e+00 : f32
    %broadcast_in_dim3A_504 = vector.broadcast %broadcast_in_dim3A_503 : f32 to vector<16xf32>
    %scan3A_505 = arith.constant 0 : i32
    %scan3A_506 = arith.constant 32 : i32
    %scan3A_507 = arith.addi %scan3A_505, %scan3A_506 : i32
    %scan3A_508 = arith.constant 1 : i32
    %scan3A_509 = scf.for %scan3A_895 = %scan3A_505 to %scan3A_507 step %scan3A_508 iter_args(%scan3A_896 = %broadcast_in_dim3A_504) -> (vector<16xf32>)  : i32 {
      %add3A_897 = arith.constant 80 : i32
      %add3A_898 = arith.addi %add3A_897, %scan3A_895 : i32
      %get3A_899 = arith.index_cast %add3A_898 : i32 to index
      %get3A_900 = arith.constant 16 : index
      %get3A_901 = tpu.vector_load %arg6[%get3A_899, %get3A_900] {strides = array<i32>} : memref<160x128xf32, #tpu.memory_space<vmem>>, vector<1x16xf32>,
      %get3A_902 = vector.shape_cast %get3A_901 : vector<1x16xf32> to vector<16xf32>
      %add3A_903 = arith.addf %scan3A_896, %get3A_902 : vector<16xf32>
      scf.yield %add3A_903 : vector<16xf32>
    }
    %scan3A_510 = arith.constant 32 : i32
    %get3A_511 = arith.constant 112 : i32
    %get3A_512 = arith.index_cast %get3A_511 : i32 to index
    %get3A_513 = arith.constant 16 : index
    %get3A_514 = tpu.vector_load %arg6[%get3A_512, %get3A_513] {strides = array<i32>} : memref<160x128xf32, #tpu.memory_space<vmem>>, vector<1x16xf32>,
    %get3A_515 = vector.shape_cast %get3A_514 : vector<1x16xf32> to vector<16xf32>
    %mul3A_516 = arith.constant 5.000000e-01 : f32
    %mul3A_517 = vector.broadcast %mul3A_516 : f32 to vector<16xf32>
    %mul3A_518 = arith.mulf %get3A_515, %mul3A_517 : vector<16xf32>
    %mul3A_519 = arith.constant 1.562500e-02 : f32
    %mul3A_520 = vector.broadcast %mul3A_519 : f32 to vector<16xf32>
    %mul3A_521 = arith.mulf %scan3A_509, %mul3A_520 : vector<16xf32>
    %add3A_522 = arith.addf %mul3A_518, %mul3A_521 : vector<16xf32>
    %swap3A_523 = arith.constant 2 : i32
    %swap3A_524 = arith.index_cast %swap3A_523 : i32 to index
    %swap3A_525 = arith.constant 16 : index
    %swap3A_526 = tpu.vector_load %arg7[%swap3A_524, %swap3A_525] {strides = array<i32>} : memref<4x128xf32, #tpu.memory_space<vmem>>, vector<1x16xf32>,
    %swap3A_527 = vector.shape_cast %swap3A_526 : vector<1x16xf32> to vector<16xf32>
    %swap3A_528 = vector.shape_cast %add3A_522 : vector<16xf32> to vector<1x16xf32>
    tpu.vector_store %arg7[%swap3A_524, %swap3A_525], %swap3A_528 {strides = array<i32>} : memref<4x128xf32, #tpu.memory_space<vmem>>, vector<1x16xf32>,
    %broadcast_in_dim3A_529 = arith.constant 0.000000e+00 : f32
    %broadcast_in_dim3A_530 = vector.broadcast %broadcast_in_dim3A_529 : f32 to vector<16xf32>
    %scan3A_531 = arith.constant 0 : i32
    %scan3A_532 = arith.constant 32 : i32
    %scan3A_533 = arith.addi %scan3A_531, %scan3A_532 : i32
    %scan3A_534 = arith.constant 1 : i32
    %scan3A_535 = scf.for %scan3A_895 = %scan3A_531 to %scan3A_533 step %scan3A_534 iter_args(%scan3A_896 = %broadcast_in_dim3A_530) -> (vector<16xf32>)  : i32 {
      %add3A_897 = arith.constant 80 : i32
      %add3A_898 = arith.addi %add3A_897, %scan3A_895 : i32
      %get3A_899 = arith.index_cast %add3A_898 : i32 to index
      %get3A_900 = arith.constant 32 : index
      %get3A_901 = tpu.vector_load %arg6[%get3A_899, %get3A_900] {strides = array<i32>} : memref<160x128xf32, #tpu.memory_space<vmem>>, vector<1x16xf32>,
      %get3A_902 = vector.shape_cast %get3A_901 : vector<1x16xf32> to vector<16xf32>
      %add3A_903 = arith.addf %scan3A_896, %get3A_902 : vector<16xf32>
      scf.yield %add3A_903 : vector<16xf32>
    }
    %scan3A_536 = arith.constant 32 : i32
    %get3A_537 = arith.constant 112 : i32
    %get3A_538 = arith.index_cast %get3A_537 : i32 to index
    %get3A_539 = arith.constant 32 : index
    %get3A_540 = tpu.vector_load %arg6[%get3A_538, %get3A_539] {strides = array<i32>} : memref<160x128xf32, #tpu.memory_space<vmem>>, vector<1x16xf32>,
    %get3A_541 = vector.shape_cast %get3A_540 : vector<1x16xf32> to vector<16xf32>
    %mul3A_542 = arith.constant 5.000000e-01 : f32
    %mul3A_543 = vector.broadcast %mul3A_542 : f32 to vector<16xf32>
    %mul3A_544 = arith.mulf %get3A_541, %mul3A_543 : vector<16xf32>
    %mul3A_545 = arith.constant 1.562500e-02 : f32
    %mul3A_546 = vector.broadcast %mul3A_545 : f32 to vector<16xf32>
    %mul3A_547 = arith.mulf %scan3A_535, %mul3A_546 : vector<16xf32>
    %add3A_548 = arith.addf %mul3A_544, %mul3A_547 : vector<16xf32>
    %swap3A_549 = arith.constant 2 : i32
    %swap3A_550 = arith.index_cast %swap3A_549 : i32 to index
    %swap3A_551 = arith.constant 32 : index
    %swap3A_552 = tpu.vector_load %arg7[%swap3A_550, %swap3A_551] {strides = array<i32>} : memref<4x128xf32, #tpu.memory_space<vmem>>, vector<1x16xf32>,
    %swap3A_553 = vector.shape_cast %swap3A_552 : vector<1x16xf32> to vector<16xf32>
    %swap3A_554 = vector.shape_cast %add3A_548 : vector<16xf32> to vector<1x16xf32>
    tpu.vector_store %arg7[%swap3A_550, %swap3A_551], %swap3A_554 {strides = array<i32>} : memref<4x128xf32, #tpu.memory_space<vmem>>, vector<1x16xf32>,
    %broadcast_in_dim3A_555 = arith.constant 0.000000e+00 : f32
    %broadcast_in_dim3A_556 = vector.broadcast %broadcast_in_dim3A_555 : f32 to vector<16xf32>
    %scan3A_557 = arith.constant 0 : i32
    %scan3A_558 = arith.constant 32 : i32
    %scan3A_559 = arith.addi %scan3A_557, %scan3A_558 : i32
    %scan3A_560 = arith.constant 1 : i32
    %scan3A_561 = scf.for %scan3A_895 = %scan3A_557 to %scan3A_559 step %scan3A_560 iter_args(%scan3A_896 = %broadcast_in_dim3A_556) -> (vector<16xf32>)  : i32 {
      %add3A_897 = arith.constant 80 : i32
      %add3A_898 = arith.addi %add3A_897, %scan3A_895 : i32
      %get3A_899 = arith.index_cast %add3A_898 : i32 to index
      %get3A_900 = arith.constant 48 : index
      %get3A_901 = tpu.vector_load %arg6[%get3A_899, %get3A_900] {strides = array<i32>} : memref<160x128xf32, #tpu.memory_space<vmem>>, vector<1x16xf32>,
      %get3A_902 = vector.shape_cast %get3A_901 : vector<1x16xf32> to vector<16xf32>
      %add3A_903 = arith.addf %scan3A_896, %get3A_902 : vector<16xf32>
      scf.yield %add3A_903 : vector<16xf32>
    }
    %scan3A_562 = arith.constant 32 : i32
    %get3A_563 = arith.constant 112 : i32
    %get3A_564 = arith.index_cast %get3A_563 : i32 to index
    %get3A_565 = arith.constant 48 : index
    %get3A_566 = tpu.vector_load %arg6[%get3A_564, %get3A_565] {strides = array<i32>} : memref<160x128xf32, #tpu.memory_space<vmem>>, vector<1x16xf32>,
    %get3A_567 = vector.shape_cast %get3A_566 : vector<1x16xf32> to vector<16xf32>
    %mul3A_568 = arith.constant 5.000000e-01 : f32
    %mul3A_569 = vector.broadcast %mul3A_568 : f32 to vector<16xf32>
    %mul3A_570 = arith.mulf %get3A_567, %mul3A_569 : vector<16xf32>
    %mul3A_571 = arith.constant 1.562500e-02 : f32
    %mul3A_572 = vector.broadcast %mul3A_571 : f32 to vector<16xf32>
    %mul3A_573 = arith.mulf %scan3A_561, %mul3A_572 : vector<16xf32>
    %add3A_574 = arith.addf %mul3A_570, %mul3A_573 : vector<16xf32>
    %swap3A_575 = arith.constant 2 : i32
    %swap3A_576 = arith.index_cast %swap3A_575 : i32 to index
    %swap3A_577 = arith.constant 48 : index
    %swap3A_578 = tpu.vector_load %arg7[%swap3A_576, %swap3A_577] {strides = array<i32>} : memref<4x128xf32, #tpu.memory_space<vmem>>, vector<1x16xf32>,
    %swap3A_579 = vector.shape_cast %swap3A_578 : vector<1x16xf32> to vector<16xf32>
    %swap3A_580 = vector.shape_cast %add3A_574 : vector<16xf32> to vector<1x16xf32>
    tpu.vector_store %arg7[%swap3A_576, %swap3A_577], %swap3A_580 {strides = array<i32>} : memref<4x128xf32, #tpu.memory_space<vmem>>, vector<1x16xf32>,
    %broadcast_in_dim3A_581 = arith.constant 0.000000e+00 : f32
    %broadcast_in_dim3A_582 = vector.broadcast %broadcast_in_dim3A_581 : f32 to vector<16xf32>
    %scan3A_583 = arith.constant 0 : i32
    %scan3A_584 = arith.constant 32 : i32
    %scan3A_585 = arith.addi %scan3A_583, %scan3A_584 : i32
    %scan3A_586 = arith.constant 1 : i32
    %scan3A_587 = scf.for %scan3A_895 = %scan3A_583 to %scan3A_585 step %scan3A_586 iter_args(%scan3A_896 = %broadcast_in_dim3A_582) -> (vector<16xf32>)  : i32 {
      %add3A_897 = arith.constant 80 : i32
      %add3A_898 = arith.addi %add3A_897, %scan3A_895 : i32
      %get3A_899 = arith.index_cast %add3A_898 : i32 to index
      %get3A_900 = arith.constant 64 : index
      %get3A_901 = tpu.vector_load %arg6[%get3A_899, %get3A_900] {strides = array<i32>} : memref<160x128xf32, #tpu.memory_space<vmem>>, vector<1x16xf32>,
      %get3A_902 = vector.shape_cast %get3A_901 : vector<1x16xf32> to vector<16xf32>
      %add3A_903 = arith.addf %scan3A_896, %get3A_902 : vector<16xf32>
      scf.yield %add3A_903 : vector<16xf32>
    }
    %scan3A_588 = arith.constant 32 : i32
    %get3A_589 = arith.constant 112 : i32
    %get3A_590 = arith.index_cast %get3A_589 : i32 to index
    %get3A_591 = arith.constant 64 : index
    %get3A_592 = tpu.vector_load %arg6[%get3A_590, %get3A_591] {strides = array<i32>} : memref<160x128xf32, #tpu.memory_space<vmem>>, vector<1x16xf32>,
    %get3A_593 = vector.shape_cast %get3A_592 : vector<1x16xf32> to vector<16xf32>
    %mul3A_594 = arith.constant 5.000000e-01 : f32
    %mul3A_595 = vector.broadcast %mul3A_594 : f32 to vector<16xf32>
    %mul3A_596 = arith.mulf %get3A_593, %mul3A_595 : vector<16xf32>
    %mul3A_597 = arith.constant 1.562500e-02 : f32
    %mul3A_598 = vector.broadcast %mul3A_597 : f32 to vector<16xf32>
    %mul3A_599 = arith.mulf %scan3A_587, %mul3A_598 : vector<16xf32>
    %add3A_600 = arith.addf %mul3A_596, %mul3A_599 : vector<16xf32>
    %swap3A_601 = arith.constant 2 : i32
    %swap3A_602 = arith.index_cast %swap3A_601 : i32 to index
    %swap3A_603 = arith.constant 64 : index
    %swap3A_604 = tpu.vector_load %arg7[%swap3A_602, %swap3A_603] {strides = array<i32>} : memref<4x128xf32, #tpu.memory_space<vmem>>, vector<1x16xf32>,
    %swap3A_605 = vector.shape_cast %swap3A_604 : vector<1x16xf32> to vector<16xf32>
    %swap3A_606 = vector.shape_cast %add3A_600 : vector<16xf32> to vector<1x16xf32>
    tpu.vector_store %arg7[%swap3A_602, %swap3A_603], %swap3A_606 {strides = array<i32>} : memref<4x128xf32, #tpu.memory_space<vmem>>, vector<1x16xf32>,
    %broadcast_in_dim3A_607 = arith.constant 0.000000e+00 : f32
    %broadcast_in_dim3A_608 = vector.broadcast %broadcast_in_dim3A_607 : f32 to vector<16xf32>
    %scan3A_609 = arith.constant 0 : i32
    %scan3A_610 = arith.constant 32 : i32
    %scan3A_611 = arith.addi %scan3A_609, %scan3A_610 : i32
    %scan3A_612 = arith.constant 1 : i32
    %scan3A_613 = scf.for %scan3A_895 = %scan3A_609 to %scan3A_611 step %scan3A_612 iter_args(%scan3A_896 = %broadcast_in_dim3A_608) -> (vector<16xf32>)  : i32 {
      %add3A_897 = arith.constant 80 : i32
      %add3A_898 = arith.addi %add3A_897, %scan3A_895 : i32
      %get3A_899 = arith.index_cast %add3A_898 : i32 to index
      %get3A_900 = arith.constant 80 : index
      %get3A_901 = tpu.vector_load %arg6[%get3A_899, %get3A_900] {strides = array<i32>} : memref<160x128xf32, #tpu.memory_space<vmem>>, vector<1x16xf32>,
      %get3A_902 = vector.shape_cast %get3A_901 : vector<1x16xf32> to vector<16xf32>
      %add3A_903 = arith.addf %scan3A_896, %get3A_902 : vector<16xf32>
      scf.yield %add3A_903 : vector<16xf32>
    }
    %scan3A_614 = arith.constant 32 : i32
    %get3A_615 = arith.constant 112 : i32
    %get3A_616 = arith.index_cast %get3A_615 : i32 to index
    %get3A_617 = arith.constant 80 : index
    %get3A_618 = tpu.vector_load %arg6[%get3A_616, %get3A_617] {strides = array<i32>} : memref<160x128xf32, #tpu.memory_space<vmem>>, vector<1x16xf32>,
    %get3A_619 = vector.shape_cast %get3A_618 : vector<1x16xf32> to vector<16xf32>
    %mul3A_620 = arith.constant 5.000000e-01 : f32
    %mul3A_621 = vector.broadcast %mul3A_620 : f32 to vector<16xf32>
    %mul3A_622 = arith.mulf %get3A_619, %mul3A_621 : vector<16xf32>
    %mul3A_623 = arith.constant 1.562500e-02 : f32
    %mul3A_624 = vector.broadcast %mul3A_623 : f32 to vector<16xf32>
    %mul3A_625 = arith.mulf %scan3A_613, %mul3A_624 : vector<16xf32>
    %add3A_626 = arith.addf %mul3A_622, %mul3A_625 : vector<16xf32>
    %swap3A_627 = arith.constant 2 : i32
    %swap3A_628 = arith.index_cast %swap3A_627 : i32 to index
    %swap3A_629 = arith.constant 80 : index
    %swap3A_630 = tpu.vector_load %arg7[%swap3A_628, %swap3A_629] {strides = array<i32>} : memref<4x128xf32, #tpu.memory_space<vmem>>, vector<1x16xf32>,
    %swap3A_631 = vector.shape_cast %swap3A_630 : vector<1x16xf32> to vector<16xf32>
    %swap3A_632 = vector.shape_cast %add3A_626 : vector<16xf32> to vector<1x16xf32>
    tpu.vector_store %arg7[%swap3A_628, %swap3A_629], %swap3A_632 {strides = array<i32>} : memref<4x128xf32, #tpu.memory_space<vmem>>, vector<1x16xf32>,
    %broadcast_in_dim3A_633 = arith.constant 0.000000e+00 : f32
    %broadcast_in_dim3A_634 = vector.broadcast %broadcast_in_dim3A_633 : f32 to vector<16xf32>
    %scan3A_635 = arith.constant 0 : i32
    %scan3A_636 = arith.constant 32 : i32
    %scan3A_637 = arith.addi %scan3A_635, %scan3A_636 : i32
    %scan3A_638 = arith.constant 1 : i32
    %scan3A_639 = scf.for %scan3A_895 = %scan3A_635 to %scan3A_637 step %scan3A_638 iter_args(%scan3A_896 = %broadcast_in_dim3A_634) -> (vector<16xf32>)  : i32 {
      %add3A_897 = arith.constant 80 : i32
      %add3A_898 = arith.addi %add3A_897, %scan3A_895 : i32
      %get3A_899 = arith.index_cast %add3A_898 : i32 to index
      %get3A_900 = arith.constant 96 : index
      %get3A_901 = tpu.vector_load %arg6[%get3A_899, %get3A_900] {strides = array<i32>} : memref<160x128xf32, #tpu.memory_space<vmem>>, vector<1x16xf32>,
      %get3A_902 = vector.shape_cast %get3A_901 : vector<1x16xf32> to vector<16xf32>
      %add3A_903 = arith.addf %scan3A_896, %get3A_902 : vector<16xf32>
      scf.yield %add3A_903 : vector<16xf32>
    }
    %scan3A_640 = arith.constant 32 : i32
    %get3A_641 = arith.constant 112 : i32
    %get3A_642 = arith.index_cast %get3A_641 : i32 to index
    %get3A_643 = arith.constant 96 : index
    %get3A_644 = tpu.vector_load %arg6[%get3A_642, %get3A_643] {strides = array<i32>} : memref<160x128xf32, #tpu.memory_space<vmem>>, vector<1x16xf32>,
    %get3A_645 = vector.shape_cast %get3A_644 : vector<1x16xf32> to vector<16xf32>
    %mul3A_646 = arith.constant 5.000000e-01 : f32
    %mul3A_647 = vector.broadcast %mul3A_646 : f32 to vector<16xf32>
    %mul3A_648 = arith.mulf %get3A_645, %mul3A_647 : vector<16xf32>
    %mul3A_649 = arith.constant 1.562500e-02 : f32
    %mul3A_650 = vector.broadcast %mul3A_649 : f32 to vector<16xf32>
    %mul3A_651 = arith.mulf %scan3A_639, %mul3A_650 : vector<16xf32>
    %add3A_652 = arith.addf %mul3A_648, %mul3A_651 : vector<16xf32>
    %swap3A_653 = arith.constant 2 : i32
    %swap3A_654 = arith.index_cast %swap3A_653 : i32 to index
    %swap3A_655 = arith.constant 96 : index
    %swap3A_656 = tpu.vector_load %arg7[%swap3A_654, %swap3A_655] {strides = array<i32>} : memref<4x128xf32, #tpu.memory_space<vmem>>, vector<1x16xf32>,
    %swap3A_657 = vector.shape_cast %swap3A_656 : vector<1x16xf32> to vector<16xf32>
    %swap3A_658 = vector.shape_cast %add3A_652 : vector<16xf32> to vector<1x16xf32>
    tpu.vector_store %arg7[%swap3A_654, %swap3A_655], %swap3A_658 {strides = array<i32>} : memref<4x128xf32, #tpu.memory_space<vmem>>, vector<1x16xf32>,
    %broadcast_in_dim3A_659 = arith.constant 0.000000e+00 : f32
    %broadcast_in_dim3A_660 = vector.broadcast %broadcast_in_dim3A_659 : f32 to vector<16xf32>
    %scan3A_661 = arith.constant 0 : i32
    %scan3A_662 = arith.constant 32 : i32
    %scan3A_663 = arith.addi %scan3A_661, %scan3A_662 : i32
    %scan3A_664 = arith.constant 1 : i32
    %scan3A_665 = scf.for %scan3A_895 = %scan3A_661 to %scan3A_663 step %scan3A_664 iter_args(%scan3A_896 = %broadcast_in_dim3A_660) -> (vector<16xf32>)  : i32 {
      %add3A_897 = arith.constant 80 : i32
      %add3A_898 = arith.addi %add3A_897, %scan3A_895 : i32
      %get3A_899 = arith.index_cast %add3A_898 : i32 to index
      %get3A_900 = arith.constant 112 : index
      %get3A_901 = tpu.vector_load %arg6[%get3A_899, %get3A_900] {strides = array<i32>} : memref<160x128xf32, #tpu.memory_space<vmem>>, vector<1x16xf32>,
      %get3A_902 = vector.shape_cast %get3A_901 : vector<1x16xf32> to vector<16xf32>
      %add3A_903 = arith.addf %scan3A_896, %get3A_902 : vector<16xf32>
      scf.yield %add3A_903 : vector<16xf32>
    }
    %scan3A_666 = arith.constant 32 : i32
    %get3A_667 = arith.constant 112 : i32
    %get3A_668 = arith.index_cast %get3A_667 : i32 to index
    %get3A_669 = arith.constant 112 : index
    %get3A_670 = tpu.vector_load %arg6[%get3A_668, %get3A_669] {strides = array<i32>} : memref<160x128xf32, #tpu.memory_space<vmem>>, vector<1x16xf32>,
    %get3A_671 = vector.shape_cast %get3A_670 : vector<1x16xf32> to vector<16xf32>
    %mul3A_672 = arith.constant 5.000000e-01 : f32
    %mul3A_673 = vector.broadcast %mul3A_672 : f32 to vector<16xf32>
    %mul3A_674 = arith.mulf %get3A_671, %mul3A_673 : vector<16xf32>
    %mul3A_675 = arith.constant 1.562500e-02 : f32
    %mul3A_676 = vector.broadcast %mul3A_675 : f32 to vector<16xf32>
    %mul3A_677 = arith.mulf %scan3A_665, %mul3A_676 : vector<16xf32>
    %add3A_678 = arith.addf %mul3A_674, %mul3A_677 : vector<16xf32>
    %swap3A_679 = arith.constant 2 : i32
    %swap3A_680 = arith.index_cast %swap3A_679 : i32 to index
    %swap3A_681 = arith.constant 112 : index
    %swap3A_682 = tpu.vector_load %arg7[%swap3A_680, %swap3A_681] {strides = array<i32>} : memref<4x128xf32, #tpu.memory_space<vmem>>, vector<1x16xf32>,
    %swap3A_683 = vector.shape_cast %swap3A_682 : vector<1x16xf32> to vector<16xf32>
    %swap3A_684 = vector.shape_cast %add3A_678 : vector<16xf32> to vector<1x16xf32>
    tpu.vector_store %arg7[%swap3A_680, %swap3A_681], %swap3A_684 {strides = array<i32>} : memref<4x128xf32, #tpu.memory_space<vmem>>, vector<1x16xf32>,
    %broadcast_in_dim3A_685 = arith.constant 0.000000e+00 : f32
    %broadcast_in_dim3A_686 = vector.broadcast %broadcast_in_dim3A_685 : f32 to vector<16xf32>
    %scan3A_687 = arith.constant 0 : i32
    %scan3A_688 = arith.constant 32 : i32
    %scan3A_689 = arith.addi %scan3A_687, %scan3A_688 : i32
    %scan3A_690 = arith.constant 1 : i32
    %scan3A_691 = scf.for %scan3A_895 = %scan3A_687 to %scan3A_689 step %scan3A_690 iter_args(%scan3A_896 = %broadcast_in_dim3A_686) -> (vector<16xf32>)  : i32 {
      %add3A_897 = arith.constant 120 : i32
      %add3A_898 = arith.addi %add3A_897, %scan3A_895 : i32
      %get3A_899 = arith.index_cast %add3A_898 : i32 to index
      %get3A_900 = arith.constant 0 : index
      %get3A_901 = tpu.vector_load %arg6[%get3A_899, %get3A_900] {strides = array<i32>} : memref<160x128xf32, #tpu.memory_space<vmem>>, vector<1x16xf32>,
      %get3A_902 = vector.shape_cast %get3A_901 : vector<1x16xf32> to vector<16xf32>
      %add3A_903 = arith.addf %scan3A_896, %get3A_902 : vector<16xf32>
      scf.yield %add3A_903 : vector<16xf32>
    }
    %scan3A_692 = arith.constant 32 : i32
    %get3A_693 = arith.constant 152 : i32
    %get3A_694 = arith.index_cast %get3A_693 : i32 to index
    %get3A_695 = arith.constant 0 : index
    %get3A_696 = tpu.vector_load %arg6[%get3A_694, %get3A_695] {strides = array<i32>} : memref<160x128xf32, #tpu.memory_space<vmem>>, vector<1x16xf32>,
    %get3A_697 = vector.shape_cast %get3A_696 : vector<1x16xf32> to vector<16xf32>
    %mul3A_698 = arith.constant 5.000000e-01 : f32
    %mul3A_699 = vector.broadcast %mul3A_698 : f32 to vector<16xf32>
    %mul3A_700 = arith.mulf %get3A_697, %mul3A_699 : vector<16xf32>
    %mul3A_701 = arith.constant 1.562500e-02 : f32
    %mul3A_702 = vector.broadcast %mul3A_701 : f32 to vector<16xf32>
    %mul3A_703 = arith.mulf %scan3A_691, %mul3A_702 : vector<16xf32>
    %add3A_704 = arith.addf %mul3A_700, %mul3A_703 : vector<16xf32>
    %swap3A_705 = arith.constant 3 : i32
    %swap3A_706 = arith.index_cast %swap3A_705 : i32 to index
    %swap3A_707 = arith.constant 0 : index
    %swap3A_708 = tpu.vector_load %arg7[%swap3A_706, %swap3A_707] {strides = array<i32>} : memref<4x128xf32, #tpu.memory_space<vmem>>, vector<1x16xf32>,
    %swap3A_709 = vector.shape_cast %swap3A_708 : vector<1x16xf32> to vector<16xf32>
    %swap3A_710 = vector.shape_cast %add3A_704 : vector<16xf32> to vector<1x16xf32>
    tpu.vector_store %arg7[%swap3A_706, %swap3A_707], %swap3A_710 {strides = array<i32>} : memref<4x128xf32, #tpu.memory_space<vmem>>, vector<1x16xf32>,
    %broadcast_in_dim3A_711 = arith.constant 0.000000e+00 : f32
    %broadcast_in_dim3A_712 = vector.broadcast %broadcast_in_dim3A_711 : f32 to vector<16xf32>
    %scan3A_713 = arith.constant 0 : i32
    %scan3A_714 = arith.constant 32 : i32
    %scan3A_715 = arith.addi %scan3A_713, %scan3A_714 : i32
    %scan3A_716 = arith.constant 1 : i32
    %scan3A_717 = scf.for %scan3A_895 = %scan3A_713 to %scan3A_715 step %scan3A_716 iter_args(%scan3A_896 = %broadcast_in_dim3A_712) -> (vector<16xf32>)  : i32 {
      %add3A_897 = arith.constant 120 : i32
      %add3A_898 = arith.addi %add3A_897, %scan3A_895 : i32
      %get3A_899 = arith.index_cast %add3A_898 : i32 to index
      %get3A_900 = arith.constant 16 : index
      %get3A_901 = tpu.vector_load %arg6[%get3A_899, %get3A_900] {strides = array<i32>} : memref<160x128xf32, #tpu.memory_space<vmem>>, vector<1x16xf32>,
      %get3A_902 = vector.shape_cast %get3A_901 : vector<1x16xf32> to vector<16xf32>
      %add3A_903 = arith.addf %scan3A_896, %get3A_902 : vector<16xf32>
      scf.yield %add3A_903 : vector<16xf32>
    }
    %scan3A_718 = arith.constant 32 : i32
    %get3A_719 = arith.constant 152 : i32
    %get3A_720 = arith.index_cast %get3A_719 : i32 to index
    %get3A_721 = arith.constant 16 : index
    %get3A_722 = tpu.vector_load %arg6[%get3A_720, %get3A_721] {strides = array<i32>} : memref<160x128xf32, #tpu.memory_space<vmem>>, vector<1x16xf32>,
    %get3A_723 = vector.shape_cast %get3A_722 : vector<1x16xf32> to vector<16xf32>
    %mul3A_724 = arith.constant 5.000000e-01 : f32
    %mul3A_725 = vector.broadcast %mul3A_724 : f32 to vector<16xf32>
    %mul3A_726 = arith.mulf %get3A_723, %mul3A_725 : vector<16xf32>
    %mul3A_727 = arith.constant 1.562500e-02 : f32
    %mul3A_728 = vector.broadcast %mul3A_727 : f32 to vector<16xf32>
    %mul3A_729 = arith.mulf %scan3A_717, %mul3A_728 : vector<16xf32>
    %add3A_730 = arith.addf %mul3A_726, %mul3A_729 : vector<16xf32>
    %swap3A_731 = arith.constant 3 : i32
    %swap3A_732 = arith.index_cast %swap3A_731 : i32 to index
    %swap3A_733 = arith.constant 16 : index
    %swap3A_734 = tpu.vector_load %arg7[%swap3A_732, %swap3A_733] {strides = array<i32>} : memref<4x128xf32, #tpu.memory_space<vmem>>, vector<1x16xf32>,
    %swap3A_735 = vector.shape_cast %swap3A_734 : vector<1x16xf32> to vector<16xf32>
    %swap3A_736 = vector.shape_cast %add3A_730 : vector<16xf32> to vector<1x16xf32>
    tpu.vector_store %arg7[%swap3A_732, %swap3A_733], %swap3A_736 {strides = array<i32>} : memref<4x128xf32, #tpu.memory_space<vmem>>, vector<1x16xf32>,
    %broadcast_in_dim3A_737 = arith.constant 0.000000e+00 : f32
    %broadcast_in_dim3A_738 = vector.broadcast %broadcast_in_dim3A_737 : f32 to vector<16xf32>
    %scan3A_739 = arith.constant 0 : i32
    %scan3A_740 = arith.constant 32 : i32
    %scan3A_741 = arith.addi %scan3A_739, %scan3A_740 : i32
    %scan3A_742 = arith.constant 1 : i32
    %scan3A_743 = scf.for %scan3A_895 = %scan3A_739 to %scan3A_741 step %scan3A_742 iter_args(%scan3A_896 = %broadcast_in_dim3A_738) -> (vector<16xf32>)  : i32 {
      %add3A_897 = arith.constant 120 : i32
      %add3A_898 = arith.addi %add3A_897, %scan3A_895 : i32
      %get3A_899 = arith.index_cast %add3A_898 : i32 to index
      %get3A_900 = arith.constant 32 : index
      %get3A_901 = tpu.vector_load %arg6[%get3A_899, %get3A_900] {strides = array<i32>} : memref<160x128xf32, #tpu.memory_space<vmem>>, vector<1x16xf32>,
      %get3A_902 = vector.shape_cast %get3A_901 : vector<1x16xf32> to vector<16xf32>
      %add3A_903 = arith.addf %scan3A_896, %get3A_902 : vector<16xf32>
      scf.yield %add3A_903 : vector<16xf32>
    }
    %scan3A_744 = arith.constant 32 : i32
    %get3A_745 = arith.constant 152 : i32
    %get3A_746 = arith.index_cast %get3A_745 : i32 to index
    %get3A_747 = arith.constant 32 : index
    %get3A_748 = tpu.vector_load %arg6[%get3A_746, %get3A_747] {strides = array<i32>} : memref<160x128xf32, #tpu.memory_space<vmem>>, vector<1x16xf32>,
    %get3A_749 = vector.shape_cast %get3A_748 : vector<1x16xf32> to vector<16xf32>
    %mul3A_750 = arith.constant 5.000000e-01 : f32
    %mul3A_751 = vector.broadcast %mul3A_750 : f32 to vector<16xf32>
    %mul3A_752 = arith.mulf %get3A_749, %mul3A_751 : vector<16xf32>
    %mul3A_753 = arith.constant 1.562500e-02 : f32
    %mul3A_754 = vector.broadcast %mul3A_753 : f32 to vector<16xf32>
    %mul3A_755 = arith.mulf %scan3A_743, %mul3A_754 : vector<16xf32>
    %add3A_756 = arith.addf %mul3A_752, %mul3A_755 : vector<16xf32>
    %swap3A_757 = arith.constant 3 : i32
    %swap3A_758 = arith.index_cast %swap3A_757 : i32 to index
    %swap3A_759 = arith.constant 32 : index
    %swap3A_760 = tpu.vector_load %arg7[%swap3A_758, %swap3A_759] {strides = array<i32>} : memref<4x128xf32, #tpu.memory_space<vmem>>, vector<1x16xf32>,
    %swap3A_761 = vector.shape_cast %swap3A_760 : vector<1x16xf32> to vector<16xf32>
    %swap3A_762 = vector.shape_cast %add3A_756 : vector<16xf32> to vector<1x16xf32>
    tpu.vector_store %arg7[%swap3A_758, %swap3A_759], %swap3A_762 {strides = array<i32>} : memref<4x128xf32, #tpu.memory_space<vmem>>, vector<1x16xf32>,
    %broadcast_in_dim3A_763 = arith.constant 0.000000e+00 : f32
    %broadcast_in_dim3A_764 = vector.broadcast %broadcast_in_dim3A_763 : f32 to vector<16xf32>
    %scan3A_765 = arith.constant 0 : i32
    %scan3A_766 = arith.constant 32 : i32
    %scan3A_767 = arith.addi %scan3A_765, %scan3A_766 : i32
    %scan3A_768 = arith.constant 1 : i32
    %scan3A_769 = scf.for %scan3A_895 = %scan3A_765 to %scan3A_767 step %scan3A_768 iter_args(%scan3A_896 = %broadcast_in_dim3A_764) -> (vector<16xf32>)  : i32 {
      %add3A_897 = arith.constant 120 : i32
      %add3A_898 = arith.addi %add3A_897, %scan3A_895 : i32
      %get3A_899 = arith.index_cast %add3A_898 : i32 to index
      %get3A_900 = arith.constant 48 : index
      %get3A_901 = tpu.vector_load %arg6[%get3A_899, %get3A_900] {strides = array<i32>} : memref<160x128xf32, #tpu.memory_space<vmem>>, vector<1x16xf32>,
      %get3A_902 = vector.shape_cast %get3A_901 : vector<1x16xf32> to vector<16xf32>
      %add3A_903 = arith.addf %scan3A_896, %get3A_902 : vector<16xf32>
      scf.yield %add3A_903 : vector<16xf32>
    }
    %scan3A_770 = arith.constant 32 : i32
    %get3A_771 = arith.constant 152 : i32
    %get3A_772 = arith.index_cast %get3A_771 : i32 to index
    %get3A_773 = arith.constant 48 : index
    %get3A_774 = tpu.vector_load %arg6[%get3A_772, %get3A_773] {strides = array<i32>} : memref<160x128xf32, #tpu.memory_space<vmem>>, vector<1x16xf32>,
    %get3A_775 = vector.shape_cast %get3A_774 : vector<1x16xf32> to vector<16xf32>
    %mul3A_776 = arith.constant 5.000000e-01 : f32
    %mul3A_777 = vector.broadcast %mul3A_776 : f32 to vector<16xf32>
    %mul3A_778 = arith.mulf %get3A_775, %mul3A_777 : vector<16xf32>
    %mul3A_779 = arith.constant 1.562500e-02 : f32
    %mul3A_780 = vector.broadcast %mul3A_779 : f32 to vector<16xf32>
    %mul3A_781 = arith.mulf %scan3A_769, %mul3A_780 : vector<16xf32>
    %add3A_782 = arith.addf %mul3A_778, %mul3A_781 : vector<16xf32>
    %swap3A_783 = arith.constant 3 : i32
    %swap3A_784 = arith.index_cast %swap3A_783 : i32 to index
    %swap3A_785 = arith.constant 48 : index
    %swap3A_786 = tpu.vector_load %arg7[%swap3A_784, %swap3A_785] {strides = array<i32>} : memref<4x128xf32, #tpu.memory_space<vmem>>, vector<1x16xf32>,
    %swap3A_787 = vector.shape_cast %swap3A_786 : vector<1x16xf32> to vector<16xf32>
    %swap3A_788 = vector.shape_cast %add3A_782 : vector<16xf32> to vector<1x16xf32>
    tpu.vector_store %arg7[%swap3A_784, %swap3A_785], %swap3A_788 {strides = array<i32>} : memref<4x128xf32, #tpu.memory_space<vmem>>, vector<1x16xf32>,
    %broadcast_in_dim3A_789 = arith.constant 0.000000e+00 : f32
    %broadcast_in_dim3A_790 = vector.broadcast %broadcast_in_dim3A_789 : f32 to vector<16xf32>
    %scan3A_791 = arith.constant 0 : i32
    %scan3A_792 = arith.constant 32 : i32
    %scan3A_793 = arith.addi %scan3A_791, %scan3A_792 : i32
    %scan3A_794 = arith.constant 1 : i32
    %scan3A_795 = scf.for %scan3A_895 = %scan3A_791 to %scan3A_793 step %scan3A_794 iter_args(%scan3A_896 = %broadcast_in_dim3A_790) -> (vector<16xf32>)  : i32 {
      %add3A_897 = arith.constant 120 : i32
      %add3A_898 = arith.addi %add3A_897, %scan3A_895 : i32
      %get3A_899 = arith.index_cast %add3A_898 : i32 to index
      %get3A_900 = arith.constant 64 : index
      %get3A_901 = tpu.vector_load %arg6[%get3A_899, %get3A_900] {strides = array<i32>} : memref<160x128xf32, #tpu.memory_space<vmem>>, vector<1x16xf32>,
      %get3A_902 = vector.shape_cast %get3A_901 : vector<1x16xf32> to vector<16xf32>
      %add3A_903 = arith.addf %scan3A_896, %get3A_902 : vector<16xf32>
      scf.yield %add3A_903 : vector<16xf32>
    }
    %scan3A_796 = arith.constant 32 : i32
    %get3A_797 = arith.constant 152 : i32
    %get3A_798 = arith.index_cast %get3A_797 : i32 to index
    %get3A_799 = arith.constant 64 : index
    %get3A_800 = tpu.vector_load %arg6[%get3A_798, %get3A_799] {strides = array<i32>} : memref<160x128xf32, #tpu.memory_space<vmem>>, vector<1x16xf32>,
    %get3A_801 = vector.shape_cast %get3A_800 : vector<1x16xf32> to vector<16xf32>
    %mul3A_802 = arith.constant 5.000000e-01 : f32
    %mul3A_803 = vector.broadcast %mul3A_802 : f32 to vector<16xf32>
    %mul3A_804 = arith.mulf %get3A_801, %mul3A_803 : vector<16xf32>
    %mul3A_805 = arith.constant 1.562500e-02 : f32
    %mul3A_806 = vector.broadcast %mul3A_805 : f32 to vector<16xf32>
    %mul3A_807 = arith.mulf %scan3A_795, %mul3A_806 : vector<16xf32>
    %add3A_808 = arith.addf %mul3A_804, %mul3A_807 : vector<16xf32>
    %swap3A_809 = arith.constant 3 : i32
    %swap3A_810 = arith.index_cast %swap3A_809 : i32 to index
    %swap3A_811 = arith.constant 64 : index
    %swap3A_812 = tpu.vector_load %arg7[%swap3A_810, %swap3A_811] {strides = array<i32>} : memref<4x128xf32, #tpu.memory_space<vmem>>, vector<1x16xf32>,
    %swap3A_813 = vector.shape_cast %swap3A_812 : vector<1x16xf32> to vector<16xf32>
    %swap3A_814 = vector.shape_cast %add3A_808 : vector<16xf32> to vector<1x16xf32>
    tpu.vector_store %arg7[%swap3A_810, %swap3A_811], %swap3A_814 {strides = array<i32>} : memref<4x128xf32, #tpu.memory_space<vmem>>, vector<1x16xf32>,
    %broadcast_in_dim3A_815 = arith.constant 0.000000e+00 : f32
    %broadcast_in_dim3A_816 = vector.broadcast %broadcast_in_dim3A_815 : f32 to vector<16xf32>
    %scan3A_817 = arith.constant 0 : i32
    %scan3A_818 = arith.constant 32 : i32
    %scan3A_819 = arith.addi %scan3A_817, %scan3A_818 : i32
    %scan3A_820 = arith.constant 1 : i32
    %scan3A_821 = scf.for %scan3A_895 = %scan3A_817 to %scan3A_819 step %scan3A_820 iter_args(%scan3A_896 = %broadcast_in_dim3A_816) -> (vector<16xf32>)  : i32 {
      %add3A_897 = arith.constant 120 : i32
      %add3A_898 = arith.addi %add3A_897, %scan3A_895 : i32
      %get3A_899 = arith.index_cast %add3A_898 : i32 to index
      %get3A_900 = arith.constant 80 : index
      %get3A_901 = tpu.vector_load %arg6[%get3A_899, %get3A_900] {strides = array<i32>} : memref<160x128xf32, #tpu.memory_space<vmem>>, vector<1x16xf32>,
      %get3A_902 = vector.shape_cast %get3A_901 : vector<1x16xf32> to vector<16xf32>
      %add3A_903 = arith.addf %scan3A_896, %get3A_902 : vector<16xf32>
      scf.yield %add3A_903 : vector<16xf32>
    }
    %scan3A_822 = arith.constant 32 : i32
    %get3A_823 = arith.constant 152 : i32
    %get3A_824 = arith.index_cast %get3A_823 : i32 to index
    %get3A_825 = arith.constant 80 : index
    %get3A_826 = tpu.vector_load %arg6[%get3A_824, %get3A_825] {strides = array<i32>} : memref<160x128xf32, #tpu.memory_space<vmem>>, vector<1x16xf32>,
    %get3A_827 = vector.shape_cast %get3A_826 : vector<1x16xf32> to vector<16xf32>
    %mul3A_828 = arith.constant 5.000000e-01 : f32
    %mul3A_829 = vector.broadcast %mul3A_828 : f32 to vector<16xf32>
    %mul3A_830 = arith.mulf %get3A_827, %mul3A_829 : vector<16xf32>
    %mul3A_831 = arith.constant 1.562500e-02 : f32
    %mul3A_832 = vector.broadcast %mul3A_831 : f32 to vector<16xf32>
    %mul3A_833 = arith.mulf %scan3A_821, %mul3A_832 : vector<16xf32>
    %add3A_834 = arith.addf %mul3A_830, %mul3A_833 : vector<16xf32>
    %swap3A_835 = arith.constant 3 : i32
    %swap3A_836 = arith.index_cast %swap3A_835 : i32 to index
    %swap3A_837 = arith.constant 80 : index
    %swap3A_838 = tpu.vector_load %arg7[%swap3A_836, %swap3A_837] {strides = array<i32>} : memref<4x128xf32, #tpu.memory_space<vmem>>, vector<1x16xf32>,
    %swap3A_839 = vector.shape_cast %swap3A_838 : vector<1x16xf32> to vector<16xf32>
    %swap3A_840 = vector.shape_cast %add3A_834 : vector<16xf32> to vector<1x16xf32>
    tpu.vector_store %arg7[%swap3A_836, %swap3A_837], %swap3A_840 {strides = array<i32>} : memref<4x128xf32, #tpu.memory_space<vmem>>, vector<1x16xf32>,
    %broadcast_in_dim3A_841 = arith.constant 0.000000e+00 : f32
    %broadcast_in_dim3A_842 = vector.broadcast %broadcast_in_dim3A_841 : f32 to vector<16xf32>
    %scan3A_843 = arith.constant 0 : i32
    %scan3A_844 = arith.constant 32 : i32
    %scan3A_845 = arith.addi %scan3A_843, %scan3A_844 : i32
    %scan3A_846 = arith.constant 1 : i32
    %scan3A_847 = scf.for %scan3A_895 = %scan3A_843 to %scan3A_845 step %scan3A_846 iter_args(%scan3A_896 = %broadcast_in_dim3A_842) -> (vector<16xf32>)  : i32 {
      %add3A_897 = arith.constant 120 : i32
      %add3A_898 = arith.addi %add3A_897, %scan3A_895 : i32
      %get3A_899 = arith.index_cast %add3A_898 : i32 to index
      %get3A_900 = arith.constant 96 : index
      %get3A_901 = tpu.vector_load %arg6[%get3A_899, %get3A_900] {strides = array<i32>} : memref<160x128xf32, #tpu.memory_space<vmem>>, vector<1x16xf32>,
      %get3A_902 = vector.shape_cast %get3A_901 : vector<1x16xf32> to vector<16xf32>
      %add3A_903 = arith.addf %scan3A_896, %get3A_902 : vector<16xf32>
      scf.yield %add3A_903 : vector<16xf32>
    }
    %scan3A_848 = arith.constant 32 : i32
    %get3A_849 = arith.constant 152 : i32
    %get3A_850 = arith.index_cast %get3A_849 : i32 to index
    %get3A_851 = arith.constant 96 : index
    %get3A_852 = tpu.vector_load %arg6[%get3A_850, %get3A_851] {strides = array<i32>} : memref<160x128xf32, #tpu.memory_space<vmem>>, vector<1x16xf32>,
    %get3A_853 = vector.shape_cast %get3A_852 : vector<1x16xf32> to vector<16xf32>
    %mul3A_854 = arith.constant 5.000000e-01 : f32
    %mul3A_855 = vector.broadcast %mul3A_854 : f32 to vector<16xf32>
    %mul3A_856 = arith.mulf %get3A_853, %mul3A_855 : vector<16xf32>
    %mul3A_857 = arith.constant 1.562500e-02 : f32
    %mul3A_858 = vector.broadcast %mul3A_857 : f32 to vector<16xf32>
    %mul3A_859 = arith.mulf %scan3A_847, %mul3A_858 : vector<16xf32>
    %add3A_860 = arith.addf %mul3A_856, %mul3A_859 : vector<16xf32>
    %swap3A_861 = arith.constant 3 : i32
    %swap3A_862 = arith.index_cast %swap3A_861 : i32 to index
    %swap3A_863 = arith.constant 96 : index
    %swap3A_864 = tpu.vector_load %arg7[%swap3A_862, %swap3A_863] {strides = array<i32>} : memref<4x128xf32, #tpu.memory_space<vmem>>, vector<1x16xf32>,
    %swap3A_865 = vector.shape_cast %swap3A_864 : vector<1x16xf32> to vector<16xf32>
    %swap3A_866 = vector.shape_cast %add3A_860 : vector<16xf32> to vector<1x16xf32>
    tpu.vector_store %arg7[%swap3A_862, %swap3A_863], %swap3A_866 {strides = array<i32>} : memref<4x128xf32, #tpu.memory_space<vmem>>, vector<1x16xf32>,
    %broadcast_in_dim3A_867 = arith.constant 0.000000e+00 : f32
    %broadcast_in_dim3A_868 = vector.broadcast %broadcast_in_dim3A_867 : f32 to vector<16xf32>
    %scan3A_869 = arith.constant 0 : i32
    %scan3A_870 = arith.constant 32 : i32
    %scan3A_871 = arith.addi %scan3A_869, %scan3A_870 : i32
    %scan3A_872 = arith.constant 1 : i32
    %scan3A_873 = scf.for %scan3A_895 = %scan3A_869 to %scan3A_871 step %scan3A_872 iter_args(%scan3A_896 = %broadcast_in_dim3A_868) -> (vector<16xf32>)  : i32 {
      %add3A_897 = arith.constant 120 : i32
      %add3A_898 = arith.addi %add3A_897, %scan3A_895 : i32
      %get3A_899 = arith.index_cast %add3A_898 : i32 to index
      %get3A_900 = arith.constant 112 : index
      %get3A_901 = tpu.vector_load %arg6[%get3A_899, %get3A_900] {strides = array<i32>} : memref<160x128xf32, #tpu.memory_space<vmem>>, vector<1x16xf32>,
      %get3A_902 = vector.shape_cast %get3A_901 : vector<1x16xf32> to vector<16xf32>
      %add3A_903 = arith.addf %scan3A_896, %get3A_902 : vector<16xf32>
      scf.yield %add3A_903 : vector<16xf32>
    }
    %scan3A_874 = arith.constant 32 : i32
    %get3A_875 = arith.constant 152 : i32
    %get3A_876 = arith.index_cast %get3A_875 : i32 to index
    %get3A_877 = arith.constant 112 : index
    %get3A_878 = tpu.vector_load %arg6[%get3A_876, %get3A_877] {strides = array<i32>} : memref<160x128xf32, #tpu.memory_space<vmem>>, vector<1x16xf32>,
    %get3A_879 = vector.shape_cast %get3A_878 : vector<1x16xf32> to vector<16xf32>
    %mul3A_880 = arith.constant 5.000000e-01 : f32
    %mul3A_881 = vector.broadcast %mul3A_880 : f32 to vector<16xf32>
    %mul3A_882 = arith.mulf %get3A_879, %mul3A_881 : vector<16xf32>
    %mul3A_883 = arith.constant 1.562500e-02 : f32
    %mul3A_884 = vector.broadcast %mul3A_883 : f32 to vector<16xf32>
    %mul3A_885 = arith.mulf %scan3A_873, %mul3A_884 : vector<16xf32>
    %add3A_886 = arith.addf %mul3A_882, %mul3A_885 : vector<16xf32>
    %swap3A_887 = arith.constant 3 : i32
    %swap3A_888 = arith.index_cast %swap3A_887 : i32 to index
    %swap3A_889 = arith.constant 112 : index
    %swap3A_890 = tpu.vector_load %arg7[%swap3A_888, %swap3A_889] {strides = array<i32>} : memref<4x128xf32, #tpu.memory_space<vmem>>, vector<1x16xf32>,
    %swap3A_891 = vector.shape_cast %swap3A_890 : vector<1x16xf32> to vector<16xf32>
    %swap3A_892 = vector.shape_cast %add3A_886 : vector<16xf32> to vector<1x16xf32>
    tpu.vector_store %arg7[%swap3A_888, %swap3A_889], %swap3A_892 {strides = array<i32>} : memref<4x128xf32, #tpu.memory_space<vmem>>, vector<1x16xf32>,
    %mul3A_893 = arith.constant 4 : i32
    %mul3A_894 = arith.muli %add3A, %mul3A_893 : i32
    "tpu.region"() ({
      %run_scoped3A = tpu.sem_alloc : memref<!tpu.dma_semaphore, #tpu.memory_space<semaphore_mem>>
      %dma_start3A_895 = arith.constant 0 : i32
      %dma_start3A_896 = tpu.memref_slice %arg4[%mul3A_894, %dma_start3A_895] : memref<128x128xf32, #tpu.memory_space<hbm>> -> memref<4x128xf32, #tpu.memory_space<hbm>>
      %dma_start3A_897 = arith.constant 0 : i32
      %dma_start3A_898 = tpu.memref_slice %arg4[%mul3A_894, %dma_start3A_897] : memref<128x128xf32, #tpu.memory_space<hbm>> -> memref<4x128xf32, #tpu.memory_space<hbm>>
      tpu.enqueue_dma source(%arg7 : memref<4x128xf32, #tpu.memory_space<vmem>>) target(%dma_start3A_898 : memref<4x128xf32, #tpu.memory_space<hbm>>) target_semaphore(%run_scoped3A : memref<!tpu.dma_semaphore, #tpu.memory_space<semaphore_mem>>)
      %dma_wait3A_899 = arith.constant 0 : i32
      %dma_wait3A_900 = tpu.memref_slice %arg4[%mul3A_894, %dma_wait3A_899] : memref<128x128xf32, #tpu.memory_space<hbm>> -> memref<4x128xf32, #tpu.memory_space<hbm>>
      %dma_wait3A_901 = arith.constant 0 : i32
      %dma_wait3A_902 = tpu.memref_slice %arg4[%mul3A_894, %dma_wait3A_901] : memref<128x128xf32, #tpu.memory_space<hbm>> -> memref<4x128xf32, #tpu.memory_space<hbm>>
      tpu.wait_dma2 semaphore(%run_scoped3A : memref<!tpu.dma_semaphore, #tpu.memory_space<semaphore_mem>>) src(%arg7 : memref<4x128xf32, #tpu.memory_space<vmem>>) dst(%dma_wait3A_902 : memref<4x128xf32, #tpu.memory_space<hbm>>)
      tpu.yield
    }) : () -> ()
    return
  }
}

module attributes {stable_mosaic.version = 14 : i64} {
  func.func @_k1_body(%arg0: i32, %arg1: memref<512x128xf32, #tpu.memory_space<vmem>>, %arg2: memref<512x128xf32, #tpu.memory_space<vmem>>, %arg3: memref<4000x128xf32, #tpu.memory_space<vmem>>, %arg4: memref<4000x128xf32, #tpu.memory_space<vmem>>, %arg5: memref<512x509xf32, #tpu.memory_space<vmem>>, %arg6: memref<1x1xf32, #tpu.memory_space<smem>>, %arg7: memref<512x8xi32, #tpu.memory_space<vmem>>, %arg8: memref<200x512xf32, #tpu.memory_space<vmem>>, %arg9: memref<200x512xi32, #tpu.memory_space<vmem>>) attributes {dimension_semantics = [#tpu.dimension_semantics<arbitrary>], iteration_bounds = array<i64: 25>, scalar_prefetch = 0 : i64, scratch_operands = 2 : i64, tpu.core_type = #tpu.core_type<tc>, window_params = [{pipeline_mode = #tpu.pipeline_mode<synchronous>, transform_indices = @transform_0, window_bounds = array<i64: 512, 128>}, {pipeline_mode = #tpu.pipeline_mode<synchronous>, transform_indices = @transform_1, window_bounds = array<i64: 512, 128>}, {transform_indices = @transform_2, window_bounds = array<i64: 4000, 128>}, {transform_indices = @transform_3, window_bounds = array<i64: 4000, 128>}, {pipeline_mode = #tpu.pipeline_mode<synchronous>, transform_indices = @transform_4, window_bounds = array<i64: 512, 509>}, {transform_indices = @transform_5, window_bounds = array<i64: 1, 1>}, {pipeline_mode = #tpu.pipeline_mode<synchronous>, transform_indices = @transform_6, window_bounds = array<i64: 512, 8>}]} {
    %get3A = arith.constant 0 : index
    %get3A_0 = arith.constant 0 : index
    %get3A_1 = vector.load %arg3[%get3A, %get3A_0] : memref<4000x128xf32, #tpu.memory_space<vmem>>, vector<4000x128xf32>
    %swap3A = arith.constant 0 : index
    %swap3A_2 = arith.constant 0 : index
    %swap3A_3 = vector.load %arg4[%swap3A, %swap3A_2] : memref<4000x128xf32, #tpu.memory_space<vmem>>, vector<4000x128xf32>
    tpu.vector_store %arg4[%swap3A, %swap3A_2], %get3A_1 {strides = array<i32>} : memref<4000x128xf32, #tpu.memory_space<vmem>>, vector<4000x128xf32>,
    %get3A_4 = arith.constant 0 : index
    %get3A_5 = arith.constant 0 : index
    %get3A_6 = vector.load %arg1[%get3A_4, %get3A_5] : memref<512x128xf32, #tpu.memory_space<vmem>>, vector<512x128xf32>
    %dot_general3A = arith.constant dense<0.000000e+00> : vector<512x4000xf32>
    %dot_general3A_7 = tpu.matmul %get3A_6, %get3A_1, %dot_general3A {dimension_numbers = #tpu.dot_dimension_numbers<[1], [1], [0], [0], [0, 0, 1, 0], [], []>, transpose_lhs_hint = false} : vector<512x128xf32>, vector<4000x128xf32>, vector<512x4000xf32> -> vector<512x4000xf32>
    %iota3A = tpu.iota {dimensions = array<i32: 1>} : vector<512x4000xi32>
    %bitcast_convert_type3A = tpu.bitcast %dot_general3A_7 : vector<512x4000xf32> -> vector<512x4000xi32>
    %and3A = arith.constant -4096 : i32
    %and3A_8 = vector.broadcast %and3A : i32 to vector<512x4000xi32>
    %and3A_9 = arith.andi %bitcast_convert_type3A, %and3A_8 : vector<512x4000xi32>
    %or3A = arith.ori %and3A_9, %iota3A : vector<512x4000xi32>
    %bitcast_convert_type3A_10 = tpu.bitcast %or3A : vector<512x4000xi32> -> vector<512x4000xf32>
    %reduce_max3A = arith.constant dense<0xFF800000> : vector<512xf32>
    %reduce_max3A_11 = vector.multi_reduction <maximumf>, %bitcast_convert_type3A_10, %reduce_max3A [1] : vector<512x4000xf32> to vector<512xf32>
    %broadcast_in_dim3A = vector.shape_cast %reduce_max3A_11 : vector<512xf32> to vector<512x1xf32>
    %lt3A = vector.broadcast %broadcast_in_dim3A : vector<512x1xf32> to vector<512x4000xf32>
    %lt3A_12 = arith.cmpf olt, %bitcast_convert_type3A_10, %lt3A : vector<512x4000xf32>
    %jit3A = arith.constant 0xFF800000 : f32
    %broadcast_in_dim3A_13 = vector.broadcast %jit3A : f32 to vector<512x4000xf32>
    %select_n3A = arith.select %lt3A_12, %bitcast_convert_type3A_10, %broadcast_in_dim3A_13 : vector<512x4000xi1>, vector<512x4000xf32>
    %reduce_max3A_14 = arith.constant dense<0xFF800000> : vector<512xf32>
    %reduce_max3A_15 = vector.multi_reduction <maximumf>, %select_n3A, %reduce_max3A_14 [1] : vector<512x4000xf32> to vector<512xf32>
    %broadcast_in_dim3A_16 = vector.shape_cast %reduce_max3A_15 : vector<512xf32> to vector<512x1xf32>
    %lt3A_17 = vector.broadcast %broadcast_in_dim3A_16 : vector<512x1xf32> to vector<512x4000xf32>
    %lt3A_18 = arith.cmpf olt, %bitcast_convert_type3A_10, %lt3A_17 : vector<512x4000xf32>
    %jit3A_19 = arith.constant 0xFF800000 : f32
    %broadcast_in_dim3A_20 = vector.broadcast %jit3A_19 : f32 to vector<512x4000xf32>
    %select_n3A_21 = arith.select %lt3A_18, %bitcast_convert_type3A_10, %broadcast_in_dim3A_20 : vector<512x4000xi1>, vector<512x4000xf32>
    %reduce_max3A_22 = arith.constant dense<0xFF800000> : vector<512xf32>
    %reduce_max3A_23 = vector.multi_reduction <maximumf>, %select_n3A_21, %reduce_max3A_22 [1] : vector<512x4000xf32> to vector<512xf32>
    %broadcast_in_dim3A_24 = vector.shape_cast %reduce_max3A_23 : vector<512xf32> to vector<512x1xf32>
    %lt3A_25 = vector.broadcast %broadcast_in_dim3A_24 : vector<512x1xf32> to vector<512x4000xf32>
    %lt3A_26 = arith.cmpf olt, %bitcast_convert_type3A_10, %lt3A_25 : vector<512x4000xf32>
    %jit3A_27 = arith.constant 0xFF800000 : f32
    %broadcast_in_dim3A_28 = vector.broadcast %jit3A_27 : f32 to vector<512x4000xf32>
    %select_n3A_29 = arith.select %lt3A_26, %bitcast_convert_type3A_10, %broadcast_in_dim3A_28 : vector<512x4000xi1>, vector<512x4000xf32>
    %reduce_max3A_30 = arith.constant dense<0xFF800000> : vector<512xf32>
    %reduce_max3A_31 = vector.multi_reduction <maximumf>, %select_n3A_29, %reduce_max3A_30 [1] : vector<512x4000xf32> to vector<512xf32>
    %broadcast_in_dim3A_32 = vector.shape_cast %reduce_max3A_31 : vector<512xf32> to vector<512x1xf32>
    %lt3A_33 = vector.broadcast %broadcast_in_dim3A_32 : vector<512x1xf32> to vector<512x4000xf32>
    %lt3A_34 = arith.cmpf olt, %bitcast_convert_type3A_10, %lt3A_33 : vector<512x4000xf32>
    %jit3A_35 = arith.constant 0xFF800000 : f32
    %broadcast_in_dim3A_36 = vector.broadcast %jit3A_35 : f32 to vector<512x4000xf32>
    %select_n3A_37 = arith.select %lt3A_34, %bitcast_convert_type3A_10, %broadcast_in_dim3A_36 : vector<512x4000xi1>, vector<512x4000xf32>
    %reduce_max3A_38 = arith.constant dense<0xFF800000> : vector<512xf32>
    %reduce_max3A_39 = vector.multi_reduction <maximumf>, %select_n3A_37, %reduce_max3A_38 [1] : vector<512x4000xf32> to vector<512xf32>
    %broadcast_in_dim3A_40 = vector.shape_cast %reduce_max3A_39 : vector<512xf32> to vector<512x1xf32>
    %lt3A_41 = vector.broadcast %broadcast_in_dim3A_40 : vector<512x1xf32> to vector<512x4000xf32>
    %lt3A_42 = arith.cmpf olt, %bitcast_convert_type3A_10, %lt3A_41 : vector<512x4000xf32>
    %jit3A_43 = arith.constant 0xFF800000 : f32
    %broadcast_in_dim3A_44 = vector.broadcast %jit3A_43 : f32 to vector<512x4000xf32>
    %select_n3A_45 = arith.select %lt3A_42, %bitcast_convert_type3A_10, %broadcast_in_dim3A_44 : vector<512x4000xi1>, vector<512x4000xf32>
    %reduce_max3A_46 = arith.constant dense<0xFF800000> : vector<512xf32>
    %reduce_max3A_47 = vector.multi_reduction <maximumf>, %select_n3A_45, %reduce_max3A_46 [1] : vector<512x4000xf32> to vector<512xf32>
    %broadcast_in_dim3A_48 = vector.shape_cast %reduce_max3A_47 : vector<512xf32> to vector<512x1xf32>
    %lt3A_49 = vector.broadcast %broadcast_in_dim3A_48 : vector<512x1xf32> to vector<512x4000xf32>
    %lt3A_50 = arith.cmpf olt, %bitcast_convert_type3A_10, %lt3A_49 : vector<512x4000xf32>
    %jit3A_51 = arith.constant 0xFF800000 : f32
    %broadcast_in_dim3A_52 = vector.broadcast %jit3A_51 : f32 to vector<512x4000xf32>
    %select_n3A_53 = arith.select %lt3A_50, %bitcast_convert_type3A_10, %broadcast_in_dim3A_52 : vector<512x4000xi1>, vector<512x4000xf32>
    %reduce_max3A_54 = arith.constant dense<0xFF800000> : vector<512xf32>
    %reduce_max3A_55 = vector.multi_reduction <maximumf>, %select_n3A_53, %reduce_max3A_54 [1] : vector<512x4000xf32> to vector<512xf32>
    %broadcast_in_dim3A_56 = vector.shape_cast %reduce_max3A_55 : vector<512xf32> to vector<512x1xf32>
    %lt3A_57 = vector.broadcast %broadcast_in_dim3A_56 : vector<512x1xf32> to vector<512x4000xf32>
    %lt3A_58 = arith.cmpf olt, %bitcast_convert_type3A_10, %lt3A_57 : vector<512x4000xf32>
    %jit3A_59 = arith.constant 0xFF800000 : f32
    %broadcast_in_dim3A_60 = vector.broadcast %jit3A_59 : f32 to vector<512x4000xf32>
    %select_n3A_61 = arith.select %lt3A_58, %bitcast_convert_type3A_10, %broadcast_in_dim3A_60 : vector<512x4000xi1>, vector<512x4000xf32>
    %reduce_max3A_62 = arith.constant dense<0xFF800000> : vector<512xf32>
    %reduce_max3A_63 = vector.multi_reduction <maximumf>, %select_n3A_61, %reduce_max3A_62 [1] : vector<512x4000xf32> to vector<512xf32>
    %broadcast_in_dim3A_64 = vector.shape_cast %reduce_max3A_63 : vector<512xf32> to vector<512x1xf32>
    %concatenate3A = tpu.concatenate %broadcast_in_dim3A, %broadcast_in_dim3A_16, %broadcast_in_dim3A_24, %broadcast_in_dim3A_32, %broadcast_in_dim3A_40, %broadcast_in_dim3A_48, %broadcast_in_dim3A_56, %broadcast_in_dim3A_64 in 1 : vector<512x1xf32>, vector<512x1xf32>, vector<512x1xf32>, vector<512x1xf32>, vector<512x1xf32>, vector<512x1xf32>, vector<512x1xf32>, vector<512x1xf32> -> vector<512x8xf32>
    %transpose3A = tpu.transpose %concatenate3A, [1, 0] : vector<512x8xf32> -> vector<8x512xf32>
    %mul3A = arith.constant 8 : i32
    %mul3A_65 = arith.muli %arg0, %mul3A : i32
    %swap3A_66 = arith.index_cast %mul3A_65 : i32 to index
    %swap3A_67 = arith.constant 0 : index
    %swap3A_68 = vector.load %arg8[%swap3A_66, %swap3A_67] : memref<200x512xf32, #tpu.memory_space<vmem>>, vector<8x512xf32>
    tpu.vector_store %arg8[%swap3A_66, %swap3A_67], %transpose3A {strides = array<i32>} : memref<200x512xf32, #tpu.memory_space<vmem>>, vector<8x512xf32>,
    %bitcast_convert_type3A_69 = tpu.bitcast %transpose3A : vector<8x512xf32> -> vector<8x512xi32>
    %and3A_70 = arith.constant 4095 : i32
    %and3A_71 = vector.broadcast %and3A_70 : i32 to vector<8x512xi32>
    %and3A_72 = arith.andi %bitcast_convert_type3A_69, %and3A_71 : vector<8x512xi32>
    %mul3A_73 = arith.constant 4000 : i32
    %mul3A_74 = arith.muli %arg0, %mul3A_73 : i32
    %add3A = vector.broadcast %mul3A_74 : i32 to vector<8x512xi32>
    %add3A_75 = arith.addi %and3A_72, %add3A : vector<8x512xi32>
    %mul3A_76 = arith.constant 8 : i32
    %mul3A_77 = arith.muli %arg0, %mul3A_76 : i32
    %swap3A_78 = arith.index_cast %mul3A_77 : i32 to index
    %swap3A_79 = arith.constant 0 : index
    %swap3A_80 = vector.load %arg9[%swap3A_78, %swap3A_79] : memref<200x512xi32, #tpu.memory_space<vmem>>, vector<8x512xi32>
    tpu.vector_store %arg9[%swap3A_78, %swap3A_79], %add3A_75 {strides = array<i32>} : memref<200x512xi32, #tpu.memory_space<vmem>>, vector<8x512xi32>,
    %eq3A = arith.constant 24 : i32
    %eq3A_81 = arith.cmpi eq, %arg0, %eq3A : i32
    %convert_element_type3A = arith.extui %eq3A_81 : i1 to i32
    %cond3A = arith.constant 0 : i32
    %cond3A_82 = arith.cmpi ne, %convert_element_type3A, %cond3A : i32
    scf.if %cond3A_82 {
      %get3A_83 = arith.constant 0 : index
      %get3A_84 = arith.constant 0 : index
      %get3A_85 = vector.load %arg8[%get3A_83, %get3A_84] : memref<200x512xf32, #tpu.memory_space<vmem>>, vector<200x512xf32>
      %get3A_86 = arith.constant 0 : index
      %get3A_87 = arith.constant 0 : index
      %get3A_88 = vector.load %arg9[%get3A_86, %get3A_87] : memref<200x512xi32, #tpu.memory_space<vmem>>, vector<200x512xi32>
      %reduce_max3A_89 = arith.constant dense<0xFF800000> : vector<512xf32>
      %reduce_max3A_90 = vector.multi_reduction <maximumf>, %get3A_85, %reduce_max3A_89 [0] : vector<200x512xf32> to vector<512xf32>
      %broadcast_in_dim3A_91 = vector.shape_cast %reduce_max3A_90 : vector<512xf32> to vector<1x512xf32>
      %eq3A_92 = vector.broadcast %broadcast_in_dim3A_91 : vector<1x512xf32> to vector<200x512xf32>
      %eq3A_93 = arith.cmpf oeq, %get3A_85, %eq3A_92 : vector<200x512xf32>
      %jit3A_94 = arith.constant 100000 : i32
      %broadcast_in_dim3A_95 = vector.broadcast %jit3A_94 : i32 to vector<200x512xi32>
      %select_n3A_96 = arith.select %eq3A_93, %get3A_88, %broadcast_in_dim3A_95 : vector<200x512xi1>, vector<200x512xi32>
      %reduce_min3A = arith.constant dense<2147483647> : vector<512xi32>
      %reduce_min3A_97 = vector.multi_reduction <minsi>, %select_n3A_96, %reduce_min3A [0] : vector<200x512xi32> to vector<512xi32>
      %broadcast_in_dim3A_98 = vector.shape_cast %reduce_min3A_97 : vector<512xi32> to vector<1x512xi32>
      %lt3A_99 = vector.broadcast %broadcast_in_dim3A_91 : vector<1x512xf32> to vector<200x512xf32>
      %lt3A_100 = arith.cmpf olt, %get3A_85, %lt3A_99 : vector<200x512xf32>
      %jit3A_101 = arith.constant 0xFF800000 : f32
      %broadcast_in_dim3A_102 = vector.broadcast %jit3A_101 : f32 to vector<200x512xf32>
      %select_n3A_103 = arith.select %lt3A_100, %get3A_85, %broadcast_in_dim3A_102 : vector<200x512xi1>, vector<200x512xf32>
      %reduce_max3A_104 = arith.constant dense<0xFF800000> : vector<512xf32>
      %reduce_max3A_105 = vector.multi_reduction <maximumf>, %select_n3A_103, %reduce_max3A_104 [0] : vector<200x512xf32> to vector<512xf32>
      %broadcast_in_dim3A_106 = vector.shape_cast %reduce_max3A_105 : vector<512xf32> to vector<1x512xf32>
      %eq3A_107 = vector.broadcast %broadcast_in_dim3A_106 : vector<1x512xf32> to vector<200x512xf32>
      %eq3A_108 = arith.cmpf oeq, %get3A_85, %eq3A_107 : vector<200x512xf32>
      %jit3A_109 = arith.constant 100000 : i32
      %broadcast_in_dim3A_110 = vector.broadcast %jit3A_109 : i32 to vector<200x512xi32>
      %select_n3A_111 = arith.select %eq3A_108, %get3A_88, %broadcast_in_dim3A_110 : vector<200x512xi1>, vector<200x512xi32>
      %reduce_min3A_112 = arith.constant dense<2147483647> : vector<512xi32>
      %reduce_min3A_113 = vector.multi_reduction <minsi>, %select_n3A_111, %reduce_min3A_112 [0] : vector<200x512xi32> to vector<512xi32>
      %broadcast_in_dim3A_114 = vector.shape_cast %reduce_min3A_113 : vector<512xi32> to vector<1x512xi32>
      %lt3A_115 = vector.broadcast %broadcast_in_dim3A_106 : vector<1x512xf32> to vector<200x512xf32>
      %lt3A_116 = arith.cmpf olt, %get3A_85, %lt3A_115 : vector<200x512xf32>
      %jit3A_117 = arith.constant 0xFF800000 : f32
      %broadcast_in_dim3A_118 = vector.broadcast %jit3A_117 : f32 to vector<200x512xf32>
      %select_n3A_119 = arith.select %lt3A_116, %get3A_85, %broadcast_in_dim3A_118 : vector<200x512xi1>, vector<200x512xf32>
      %reduce_max3A_120 = arith.constant dense<0xFF800000> : vector<512xf32>
      %reduce_max3A_121 = vector.multi_reduction <maximumf>, %select_n3A_119, %reduce_max3A_120 [0] : vector<200x512xf32> to vector<512xf32>
      %broadcast_in_dim3A_122 = vector.shape_cast %reduce_max3A_121 : vector<512xf32> to vector<1x512xf32>
      %eq3A_123 = vector.broadcast %broadcast_in_dim3A_122 : vector<1x512xf32> to vector<200x512xf32>
      %eq3A_124 = arith.cmpf oeq, %get3A_85, %eq3A_123 : vector<200x512xf32>
      %jit3A_125 = arith.constant 100000 : i32
      %broadcast_in_dim3A_126 = vector.broadcast %jit3A_125 : i32 to vector<200x512xi32>
      %select_n3A_127 = arith.select %eq3A_124, %get3A_88, %broadcast_in_dim3A_126 : vector<200x512xi1>, vector<200x512xi32>
      %reduce_min3A_128 = arith.constant dense<2147483647> : vector<512xi32>
      %reduce_min3A_129 = vector.multi_reduction <minsi>, %select_n3A_127, %reduce_min3A_128 [0] : vector<200x512xi32> to vector<512xi32>
      %broadcast_in_dim3A_130 = vector.shape_cast %reduce_min3A_129 : vector<512xi32> to vector<1x512xi32>
      %lt3A_131 = vector.broadcast %broadcast_in_dim3A_122 : vector<1x512xf32> to vector<200x512xf32>
      %lt3A_132 = arith.cmpf olt, %get3A_85, %lt3A_131 : vector<200x512xf32>
      %jit3A_133 = arith.constant 0xFF800000 : f32
      %broadcast_in_dim3A_134 = vector.broadcast %jit3A_133 : f32 to vector<200x512xf32>
      %select_n3A_135 = arith.select %lt3A_132, %get3A_85, %broadcast_in_dim3A_134 : vector<200x512xi1>, vector<200x512xf32>
      %reduce_max3A_136 = arith.constant dense<0xFF800000> : vector<512xf32>
      %reduce_max3A_137 = vector.multi_reduction <maximumf>, %select_n3A_135, %reduce_max3A_136 [0] : vector<200x512xf32> to vector<512xf32>
      %broadcast_in_dim3A_138 = vector.shape_cast %reduce_max3A_137 : vector<512xf32> to vector<1x512xf32>
      %eq3A_139 = vector.broadcast %broadcast_in_dim3A_138 : vector<1x512xf32> to vector<200x512xf32>
      %eq3A_140 = arith.cmpf oeq, %get3A_85, %eq3A_139 : vector<200x512xf32>
      %jit3A_141 = arith.constant 100000 : i32
      %broadcast_in_dim3A_142 = vector.broadcast %jit3A_141 : i32 to vector<200x512xi32>
      %select_n3A_143 = arith.select %eq3A_140, %get3A_88, %broadcast_in_dim3A_142 : vector<200x512xi1>, vector<200x512xi32>
      %reduce_min3A_144 = arith.constant dense<2147483647> : vector<512xi32>
      %reduce_min3A_145 = vector.multi_reduction <minsi>, %select_n3A_143, %reduce_min3A_144 [0] : vector<200x512xi32> to vector<512xi32>
      %broadcast_in_dim3A_146 = vector.shape_cast %reduce_min3A_145 : vector<512xi32> to vector<1x512xi32>
      %lt3A_147 = vector.broadcast %broadcast_in_dim3A_138 : vector<1x512xf32> to vector<200x512xf32>
      %lt3A_148 = arith.cmpf olt, %get3A_85, %lt3A_147 : vector<200x512xf32>
      %jit3A_149 = arith.constant 0xFF800000 : f32
      %broadcast_in_dim3A_150 = vector.broadcast %jit3A_149 : f32 to vector<200x512xf32>
      %select_n3A_151 = arith.select %lt3A_148, %get3A_85, %broadcast_in_dim3A_150 : vector<200x512xi1>, vector<200x512xf32>
      %reduce_max3A_152 = arith.constant dense<0xFF800000> : vector<512xf32>
      %reduce_max3A_153 = vector.multi_reduction <maximumf>, %select_n3A_151, %reduce_max3A_152 [0] : vector<200x512xf32> to vector<512xf32>
      %broadcast_in_dim3A_154 = vector.shape_cast %reduce_max3A_153 : vector<512xf32> to vector<1x512xf32>
      %eq3A_155 = vector.broadcast %broadcast_in_dim3A_154 : vector<1x512xf32> to vector<200x512xf32>
      %eq3A_156 = arith.cmpf oeq, %get3A_85, %eq3A_155 : vector<200x512xf32>
      %jit3A_157 = arith.constant 100000 : i32
      %broadcast_in_dim3A_158 = vector.broadcast %jit3A_157 : i32 to vector<200x512xi32>
      %select_n3A_159 = arith.select %eq3A_156, %get3A_88, %broadcast_in_dim3A_158 : vector<200x512xi1>, vector<200x512xi32>
      %reduce_min3A_160 = arith.constant dense<2147483647> : vector<512xi32>
      %reduce_min3A_161 = vector.multi_reduction <minsi>, %select_n3A_159, %reduce_min3A_160 [0] : vector<200x512xi32> to vector<512xi32>
      %broadcast_in_dim3A_162 = vector.shape_cast %reduce_min3A_161 : vector<512xi32> to vector<1x512xi32>
      %lt3A_163 = vector.broadcast %broadcast_in_dim3A_154 : vector<1x512xf32> to vector<200x512xf32>
      %lt3A_164 = arith.cmpf olt, %get3A_85, %lt3A_163 : vector<200x512xf32>
      %jit3A_165 = arith.constant 0xFF800000 : f32
      %broadcast_in_dim3A_166 = vector.broadcast %jit3A_165 : f32 to vector<200x512xf32>
      %select_n3A_167 = arith.select %lt3A_164, %get3A_85, %broadcast_in_dim3A_166 : vector<200x512xi1>, vector<200x512xf32>
      %reduce_max3A_168 = arith.constant dense<0xFF800000> : vector<512xf32>
      %reduce_max3A_169 = vector.multi_reduction <maximumf>, %select_n3A_167, %reduce_max3A_168 [0] : vector<200x512xf32> to vector<512xf32>
      %broadcast_in_dim3A_170 = vector.shape_cast %reduce_max3A_169 : vector<512xf32> to vector<1x512xf32>
      %eq3A_171 = vector.broadcast %broadcast_in_dim3A_170 : vector<1x512xf32> to vector<200x512xf32>
      %eq3A_172 = arith.cmpf oeq, %get3A_85, %eq3A_171 : vector<200x512xf32>
      %jit3A_173 = arith.constant 100000 : i32
      %broadcast_in_dim3A_174 = vector.broadcast %jit3A_173 : i32 to vector<200x512xi32>
      %select_n3A_175 = arith.select %eq3A_172, %get3A_88, %broadcast_in_dim3A_174 : vector<200x512xi1>, vector<200x512xi32>
      %reduce_min3A_176 = arith.constant dense<2147483647> : vector<512xi32>
      %reduce_min3A_177 = vector.multi_reduction <minsi>, %select_n3A_175, %reduce_min3A_176 [0] : vector<200x512xi32> to vector<512xi32>
      %broadcast_in_dim3A_178 = vector.shape_cast %reduce_min3A_177 : vector<512xi32> to vector<1x512xi32>
      %lt3A_179 = vector.broadcast %broadcast_in_dim3A_170 : vector<1x512xf32> to vector<200x512xf32>
      %lt3A_180 = arith.cmpf olt, %get3A_85, %lt3A_179 : vector<200x512xf32>
      %jit3A_181 = arith.constant 0xFF800000 : f32
      %broadcast_in_dim3A_182 = vector.broadcast %jit3A_181 : f32 to vector<200x512xf32>
      %select_n3A_183 = arith.select %lt3A_180, %get3A_85, %broadcast_in_dim3A_182 : vector<200x512xi1>, vector<200x512xf32>
      %reduce_max3A_184 = arith.constant dense<0xFF800000> : vector<512xf32>
      %reduce_max3A_185 = vector.multi_reduction <maximumf>, %select_n3A_183, %reduce_max3A_184 [0] : vector<200x512xf32> to vector<512xf32>
      %broadcast_in_dim3A_186 = vector.shape_cast %reduce_max3A_185 : vector<512xf32> to vector<1x512xf32>
      %eq3A_187 = vector.broadcast %broadcast_in_dim3A_186 : vector<1x512xf32> to vector<200x512xf32>
      %eq3A_188 = arith.cmpf oeq, %get3A_85, %eq3A_187 : vector<200x512xf32>
      %jit3A_189 = arith.constant 100000 : i32
      %broadcast_in_dim3A_190 = vector.broadcast %jit3A_189 : i32 to vector<200x512xi32>
      %select_n3A_191 = arith.select %eq3A_188, %get3A_88, %broadcast_in_dim3A_190 : vector<200x512xi1>, vector<200x512xi32>
      %reduce_min3A_192 = arith.constant dense<2147483647> : vector<512xi32>
      %reduce_min3A_193 = vector.multi_reduction <minsi>, %select_n3A_191, %reduce_min3A_192 [0] : vector<200x512xi32> to vector<512xi32>
      %broadcast_in_dim3A_194 = vector.shape_cast %reduce_min3A_193 : vector<512xi32> to vector<1x512xi32>
      %lt3A_195 = vector.broadcast %broadcast_in_dim3A_186 : vector<1x512xf32> to vector<200x512xf32>
      %lt3A_196 = arith.cmpf olt, %get3A_85, %lt3A_195 : vector<200x512xf32>
      %jit3A_197 = arith.constant 0xFF800000 : f32
      %broadcast_in_dim3A_198 = vector.broadcast %jit3A_197 : f32 to vector<200x512xf32>
      %select_n3A_199 = arith.select %lt3A_196, %get3A_85, %broadcast_in_dim3A_198 : vector<200x512xi1>, vector<200x512xf32>
      %reduce_max3A_200 = arith.constant dense<0xFF800000> : vector<512xf32>
      %reduce_max3A_201 = vector.multi_reduction <maximumf>, %select_n3A_199, %reduce_max3A_200 [0] : vector<200x512xf32> to vector<512xf32>
      %broadcast_in_dim3A_202 = vector.shape_cast %reduce_max3A_201 : vector<512xf32> to vector<1x512xf32>
      %eq3A_203 = vector.broadcast %broadcast_in_dim3A_202 : vector<1x512xf32> to vector<200x512xf32>
      %eq3A_204 = arith.cmpf oeq, %get3A_85, %eq3A_203 : vector<200x512xf32>
      %jit3A_205 = arith.constant 100000 : i32
      %broadcast_in_dim3A_206 = vector.broadcast %jit3A_205 : i32 to vector<200x512xi32>
      %select_n3A_207 = arith.select %eq3A_204, %get3A_88, %broadcast_in_dim3A_206 : vector<200x512xi1>, vector<200x512xi32>
      %reduce_min3A_208 = arith.constant dense<2147483647> : vector<512xi32>
      %reduce_min3A_209 = vector.multi_reduction <minsi>, %select_n3A_207, %reduce_min3A_208 [0] : vector<200x512xi32> to vector<512xi32>
      %broadcast_in_dim3A_210 = vector.shape_cast %reduce_min3A_209 : vector<512xi32> to vector<1x512xi32>
      %concatenate3A_211 = tpu.concatenate %broadcast_in_dim3A_91, %broadcast_in_dim3A_106, %broadcast_in_dim3A_122, %broadcast_in_dim3A_138, %broadcast_in_dim3A_154, %broadcast_in_dim3A_170, %broadcast_in_dim3A_186, %broadcast_in_dim3A_202 in 0 : vector<1x512xf32>, vector<1x512xf32>, vector<1x512xf32>, vector<1x512xf32>, vector<1x512xf32>, vector<1x512xf32>, vector<1x512xf32>, vector<1x512xf32> -> vector<8x512xf32>
      %concatenate3A_212 = tpu.concatenate %broadcast_in_dim3A_98, %broadcast_in_dim3A_114, %broadcast_in_dim3A_130, %broadcast_in_dim3A_146, %broadcast_in_dim3A_162, %broadcast_in_dim3A_178, %broadcast_in_dim3A_194, %broadcast_in_dim3A_210 in 0 : vector<1x512xi32>, vector<1x512xi32>, vector<1x512xi32>, vector<1x512xi32>, vector<1x512xi32>, vector<1x512xi32>, vector<1x512xi32>, vector<1x512xi32> -> vector<8x512xi32>
      %transpose3A_213 = tpu.transpose %concatenate3A_212, [1, 0] : vector<8x512xi32> -> vector<512x8xi32>
      %swap3A_214 = arith.constant 0 : index
      %swap3A_215 = arith.constant 0 : index
      %swap3A_216 = vector.load %arg7[%swap3A_214, %swap3A_215] : memref<512x8xi32, #tpu.memory_space<vmem>>, vector<512x8xi32>
      tpu.vector_store %arg7[%swap3A_214, %swap3A_215], %transpose3A_213 {strides = array<i32>} : memref<512x8xi32, #tpu.memory_space<vmem>>, vector<512x8xi32>,
      %reduce_sum3A = arith.constant dense<0.000000e+00> : vector<512xf32>
      %reduce_sum3A_217 = vector.multi_reduction <add>, %concatenate3A_211, %reduce_sum3A [0] : vector<8x512xf32> to vector<512xf32>
      %broadcast_in_dim3A_218 = vector.shape_cast %reduce_sum3A_217 : vector<512xf32> to vector<1x512xf32>
      %div3A = arith.constant 8.000000e+00 : f32
      %div3A_219 = vector.broadcast %div3A : f32 to vector<1x512xf32>
      %div3A_220 = arith.divf %broadcast_in_dim3A_218, %div3A_219 : vector<1x512xf32>
      %transpose3A_221 = tpu.transpose %div3A_220, [1, 0] : vector<1x512xf32> -> vector<512x1xf32>
      %get3A_222 = arith.constant 0 : index
      %get3A_223 = arith.constant 0 : index
      %get3A_224 = vector.load %arg1[%get3A_222, %get3A_223] : memref<512x128xf32, #tpu.memory_space<vmem>>, vector<512x128xf32>
      %get3A_225 = arith.constant 0 : index
      %get3A_226 = arith.constant 0 : index
      %get3A_227 = vector.load %arg2[%get3A_225, %get3A_226] : memref<512x128xf32, #tpu.memory_space<vmem>>, vector<512x128xf32>
      %dot_general3A_228 = arith.constant dense<0.000000e+00> : vector<512x512xf32>
      %dot_general3A_229 = tpu.matmul %get3A_224, %get3A_227, %dot_general3A_228 {dimension_numbers = #tpu.dot_dimension_numbers<[1], [1], [0], [0], [0, 0, 1, 0], [], []>, transpose_lhs_hint = false} : vector<512x128xf32>, vector<512x128xf32>, vector<512x512xf32> -> vector<512x512xf32>
      %iota3A_230 = tpu.iota {dimensions = array<i32: 1>} : vector<512x508xi32>
      %iota3A_231 = tpu.iota {dimensions = array<i32: 0>} : vector<512x508xi32>
      %jit3A_232 = arith.constant 128 : i32
      %eq3A_233 = arith.constant 0 : i32
      %eq3A_234 = arith.cmpi eq, %jit3A_232, %eq3A_233 : i32
      %jit3A_235 = arith.constant 1 : i32
      %select_n3A_236 = arith.select %eq3A_234, %jit3A_235, %jit3A_232 : i32
      %rem3A = vector.broadcast %select_n3A_236 : i32 to vector<512x508xi32>
      %rem3A_237 = arith.remsi %iota3A_231, %rem3A : vector<512x508xi32>
      %ne3A = arith.constant 0 : i32
      %ne3A_238 = vector.broadcast %ne3A : i32 to vector<512x508xi32>
      %ne3A_239 = arith.cmpi ne, %rem3A_237, %ne3A_238 : vector<512x508xi32>
      %lt3A_240 = arith.constant 0 : i32
      %lt3A_241 = vector.broadcast %lt3A_240 : i32 to vector<512x508xi32>
      %lt3A_242 = arith.cmpi slt, %rem3A_237, %lt3A_241 : vector<512x508xi32>
      %lt3A_243 = arith.constant 0 : i32
      %lt3A_244 = arith.cmpi slt, %select_n3A_236, %lt3A_243 : i32
      %ne3A_245 = vector.broadcast %lt3A_244 : i1 to vector<512x508xi1>
      %ne3A_246 = vector.broadcast %ne3A_245 : vector<512x508xi1> to vector<512x508xi1>
      %ne3A_247 = arith.xori %lt3A_242, %ne3A_246 : vector<512x508xi1>
      %and3A_248 = arith.andi %ne3A_247, %ne3A_239 : vector<512x508xi1>
      %add3A_249 = vector.broadcast %select_n3A_236 : i32 to vector<512x508xi32>
      %add3A_250 = arith.addi %rem3A_237, %add3A_249 : vector<512x508xi32>
      %select_n3A_251 = arith.select %and3A_248, %add3A_250, %rem3A_237 : vector<512x508xi1>, vector<512x508xi32>
      %mul3A_252 = arith.constant 4 : i32
      %mul3A_253 = vector.broadcast %mul3A_252 : i32 to vector<512x508xi32>
      %mul3A_254 = arith.muli %mul3A_253, %select_n3A_251 : vector<512x508xi32>
      %lt3A_255 = arith.cmpi slt, %iota3A_230, %mul3A_254 : vector<512x508xi32>
      %slice3A = vector.extract_strided_slice %dot_general3A_229 {offsets = [0, 0], sizes = [512, 508], strides = [1, 1]} : vector<512x512xf32> to vector<512x508xf32>
      %slice3A_256 = vector.extract_strided_slice %dot_general3A_229 {offsets = [0, 4], sizes = [512, 508], strides = [1, 1]} : vector<512x512xf32> to vector<512x508xf32>
      %select_n3A_257 = arith.select %lt3A_255, %slice3A, %slice3A_256 : vector<512x508xi1>, vector<512x508xf32>
      %mul3A_258 = arith.constant 14.2857141 : f32
      %mul3A_259 = vector.broadcast %mul3A_258 : f32 to vector<512x1xf32>
      %mul3A_260 = arith.mulf %transpose3A_221, %mul3A_259 : vector<512x1xf32>
      %exp3A = math.exp %mul3A_260 : vector<512x1xf32>
      %mul3A_261 = arith.constant 14.2857141 : f32
      %mul3A_262 = vector.broadcast %mul3A_261 : f32 to vector<512x508xf32>
      %mul3A_263 = arith.mulf %select_n3A_257, %mul3A_262 : vector<512x508xf32>
      %exp3A_264 = math.exp %mul3A_263 : vector<512x508xf32>
      %reduce_sum3A_265 = arith.constant dense<0.000000e+00> : vector<512xf32>
      %reduce_sum3A_266 = vector.multi_reduction <add>, %exp3A_264, %reduce_sum3A_265 [1] : vector<512x508xf32> to vector<512xf32>
      %broadcast_in_dim3A_267 = vector.shape_cast %reduce_sum3A_266 : vector<512xf32> to vector<512x1xf32>
      %reduce_sum3A_268 = vector.shape_cast %exp3A : vector<512x1xf32> to vector<1x512x1xf32>
      %reduce_sum3A_269 = arith.constant dense<0.000000e+00> : vector<1xf32>
      %reduce_sum3A_270 = vector.multi_reduction <add>, %reduce_sum3A_268, %reduce_sum3A_269 [1, 2] : vector<1x512x1xf32> to vector<1xf32>
      %reduce_sum3A_271 = vector.shape_cast %reduce_sum3A_270 : vector<1xf32> to vector<1x1x1xf32>
      %reduce_sum3A_272 = vector.extract %reduce_sum3A_271[0, 0, 0] : f32 from vector<1x1x1xf32>
      %reduce_sum3A_273 = vector.shape_cast %broadcast_in_dim3A_267 : vector<512x1xf32> to vector<1x512x1xf32>
      %reduce_sum3A_274 = arith.constant dense<0.000000e+00> : vector<1xf32>
      %reduce_sum3A_275 = vector.multi_reduction <add>, %reduce_sum3A_273, %reduce_sum3A_274 [1, 2] : vector<1x512x1xf32> to vector<1xf32>
      %reduce_sum3A_276 = vector.shape_cast %reduce_sum3A_275 : vector<1xf32> to vector<1x1x1xf32>
      %reduce_sum3A_277 = vector.extract %reduce_sum3A_276[0, 0, 0] : f32 from vector<1x1x1xf32>
      %add3A_278 = arith.addf %reduce_sum3A_272, %reduce_sum3A_277 : f32
      %div3A_279 = arith.constant 2.606080e+05 : f32
      %div3A_280 = arith.divf %add3A_278, %div3A_279 : f32
      %mul3A_281 = arith.constant 1.000000e+05 : f32
      %mul3A_282 = arith.mulf %div3A_280, %mul3A_281 : f32
      %div3A_283 = arith.constant 1.000000e+00 : f32
      %div3A_284 = arith.divf %div3A_283, %mul3A_282 : f32
      %mul3A_285 = vector.broadcast %div3A_284 : f32 to vector<512x1xf32>
      %mul3A_286 = arith.mulf %exp3A, %mul3A_285 : vector<512x1xf32>
      %mul3A_287 = vector.broadcast %div3A_284 : f32 to vector<512x508xf32>
      %mul3A_288 = arith.mulf %exp3A_264, %mul3A_287 : vector<512x508xf32>
      %concatenate3A_289 = tpu.concatenate %mul3A_286, %mul3A_288 in 1 : vector<512x1xf32>, vector<512x508xf32> -> vector<512x509xf32>
      %swap3A_290 = arith.constant 0 : index
      %swap3A_291 = arith.constant 0 : index
      %swap3A_292 = vector.load %arg5[%swap3A_290, %swap3A_291] : memref<512x509xf32, #tpu.memory_space<vmem>>, vector<512x509xf32>
      tpu.vector_store %arg5[%swap3A_290, %swap3A_291], %concatenate3A_289 {strides = array<i32>} : memref<512x509xf32, #tpu.memory_space<vmem>>, vector<512x509xf32>,
      %add3A_293 = arith.addf %exp3A, %broadcast_in_dim3A_267 : vector<512x1xf32>
      %mul3A_294 = vector.broadcast %div3A_284 : f32 to vector<512x1xf32>
      %mul3A_295 = arith.mulf %add3A_293, %mul3A_294 : vector<512x1xf32>
      %div3A_296 = arith.divf %mul3A_286, %mul3A_295 : vector<512x1xf32>
      %reduce_sum3A_297 = vector.shape_cast %div3A_296 : vector<512x1xf32> to vector<1x512x1xf32>
      %reduce_sum3A_298 = arith.constant dense<0.000000e+00> : vector<1xf32>
      %reduce_sum3A_299 = vector.multi_reduction <add>, %reduce_sum3A_297, %reduce_sum3A_298 [1, 2] : vector<1x512x1xf32> to vector<1xf32>
      %reduce_sum3A_300 = vector.shape_cast %reduce_sum3A_299 : vector<1xf32> to vector<1x1x1xf32>
      %reduce_sum3A_301 = vector.extract %reduce_sum3A_300[0, 0, 0] : f32 from vector<1x1x1xf32>
      %div3A_302 = arith.constant 5.120000e+02 : f32
      %div3A_303 = arith.divf %reduce_sum3A_301, %div3A_302 : f32
      %swap3A_304 = arith.constant 0 : index
      %swap3A_305 = arith.constant 0 : index
      %swap3A_306 = memref.load %arg6[%swap3A_304, %swap3A_305] : memref<1x1xf32, #tpu.memory_space<smem>>
      memref.store %div3A_303, %arg6[%swap3A_304, %swap3A_305] : memref<1x1xf32, #tpu.memory_space<smem>>
    } else {
    }
    return
  }
  func.func @transform_0(%arg0: i32) -> (i32, i32) {
    %c0_i32 = arith.constant 0 : i32
    %c0_i32_0 = arith.constant 0 : i32
    %c0_i32_1 = arith.constant 0 : i32
    return %c0_i32, %c0_i32_0 : i32, i32
  }
  func.func @transform_1(%arg0: i32) -> (i32, i32) {
    %c0_i32 = arith.constant 0 : i32
    %c0_i32_0 = arith.constant 0 : i32
    %c0_i32_1 = arith.constant 0 : i32
    return %c0_i32, %c0_i32_0 : i32, i32
  }
  func.func @transform_2(%arg0: i32) -> (i32, i32) {
    %c0_i32 = arith.constant 0 : i32
    %c0_i32_0 = arith.constant 0 : i32
    return %arg0, %c0_i32 : i32, i32
  }
  func.func @transform_3(%arg0: i32) -> (i32, i32) {
    %c0_i32 = arith.constant 0 : i32
    %c0_i32_0 = arith.constant 0 : i32
    return %arg0, %c0_i32 : i32, i32
  }
  func.func @transform_4(%arg0: i32) -> (i32, i32) {
    %c0_i32 = arith.constant 0 : i32
    %c0_i32_0 = arith.constant 0 : i32
    %c0_i32_1 = arith.constant 0 : i32
    return %c0_i32, %c0_i32_0 : i32, i32
  }
  func.func @transform_5(%arg0: i32) -> (i32, i32) {
    %c0_i32 = arith.constant 0 : i32
    %c0_i32_0 = arith.constant 0 : i32
    %c0_i32_1 = arith.constant 0 : i32
    return %c0_i32, %c0_i32_0 : i32, i32
  }
  func.func @transform_6(%arg0: i32) -> (i32, i32) {
    %c0_i32 = arith.constant 0 : i32
    %c0_i32_0 = arith.constant 0 : i32
    %c0_i32_1 = arith.constant 0 : i32
    return %c0_i32, %c0_i32_0 : i32, i32
  }
}

module attributes {stable_mosaic.version = 14 : i64} {
  func.func @_k3_body(%arg0: memref<128xi32, #tpu.memory_space<smem>>, %arg1: memref<128xi32, #tpu.memory_space<smem>>, %arg2: memref<128x128xf32, #tpu.memory_space<vmem>>, %arg3: memref<100000x128xf32, #tpu.memory_space<any>>, %arg4: memref<100000x128xf32, #tpu.memory_space<any>>, %arg5: memref<128x128xf32, #tpu.memory_space<vmem>>, %arg6: memref<!tpu.dma_semaphore, #tpu.memory_space<semaphore_mem>>) attributes {dimension_semantics = [], scalar_prefetch = 0 : i64, scratch_operands = 2 : i64, tpu.core_type = #tpu.core_type<tc>} {
    %get3A = arith.constant 0 : index
    %get3A_0 = arith.constant 0 : index
    %get3A_1 = vector.load %arg2[%get3A, %get3A_0] : memref<128x128xf32, #tpu.memory_space<vmem>>, vector<128x128xf32>
    %mul3A = arith.mulf %get3A_1, %get3A_1 : vector<128x128xf32>
    %reduce_sum3A = arith.constant dense<0.000000e+00> : vector<128xf32>
    %reduce_sum3A_2 = vector.multi_reduction <add>, %mul3A, %reduce_sum3A [1] : vector<128x128xf32> to vector<128xf32>
    %broadcast_in_dim3A = vector.shape_cast %reduce_sum3A_2 : vector<128xf32> to vector<128x1xf32>
    %sqrt3A = math.sqrt %broadcast_in_dim3A : vector<128x1xf32>
    %max3A = arith.constant 9.99999996E-13 : f32
    %max3A_3 = vector.broadcast %max3A : f32 to vector<128x1xf32>
    %max3A_4 = arith.maximumf %sqrt3A, %max3A_3 : vector<128x1xf32>
    %div3A = vector.broadcast %max3A_4 : vector<128x1xf32> to vector<128x128xf32>
    %div3A_5 = arith.divf %get3A_1, %div3A : vector<128x128xf32>
    %swap3A = arith.constant 0 : index
    %swap3A_6 = arith.constant 0 : index
    %swap3A_7 = vector.load %arg5[%swap3A, %swap3A_6] : memref<128x128xf32, #tpu.memory_space<vmem>>, vector<128x128xf32>
    tpu.vector_store %arg5[%swap3A, %swap3A_6], %div3A_5 {strides = array<i32>} : memref<128x128xf32, #tpu.memory_space<vmem>>, vector<128x128xf32>,
    %get3A_8 = arith.constant 0 : index
    %get3A_9 = memref.load %arg1[%get3A_8] : memref<128xi32, #tpu.memory_space<smem>>
    %get3A_10 = arith.constant 0 : index
    %get3A_11 = memref.load %arg0[%get3A_10] : memref<128xi32, #tpu.memory_space<smem>>
    %dma_start3A = arith.constant 0 : i32
    %dma_start3A_12 = tpu.memref_slice %arg4[%get3A_11, %dma_start3A] : memref<100000x128xf32, #tpu.memory_space<any>> -> memref<1x128xf32, #tpu.memory_space<any>>
    %dma_start3A_13 = arith.constant 0 : i32
    %dma_start3A_14 = tpu.memref_slice %arg5[%get3A_9, %dma_start3A_13] : memref<128x128xf32, #tpu.memory_space<vmem>> -> memref<1x128xf32, #tpu.memory_space<vmem>>
    tpu.enqueue_dma source(%dma_start3A_14 : memref<1x128xf32, #tpu.memory_space<vmem>>) target(%dma_start3A_12 : memref<1x128xf32, #tpu.memory_space<any>>) target_semaphore(%arg6 : memref<!tpu.dma_semaphore, #tpu.memory_space<semaphore_mem>>)
    %get3A_15 = arith.constant 1 : index
    %get3A_16 = memref.load %arg1[%get3A_15] : memref<128xi32, #tpu.memory_space<smem>>
    %get3A_17 = arith.constant 1 : index
    %get3A_18 = memref.load %arg0[%get3A_17] : memref<128xi32, #tpu.memory_space<smem>>
    %dma_start3A_19 = arith.constant 0 : i32
    %dma_start3A_20 = tpu.memref_slice %arg4[%get3A_18, %dma_start3A_19] : memref<100000x128xf32, #tpu.memory_space<any>> -> memref<1x128xf32, #tpu.memory_space<any>>
    %dma_start3A_21 = arith.constant 0 : i32
    %dma_start3A_22 = tpu.memref_slice %arg5[%get3A_16, %dma_start3A_21] : memref<128x128xf32, #tpu.memory_space<vmem>> -> memref<1x128xf32, #tpu.memory_space<vmem>>
    tpu.enqueue_dma source(%dma_start3A_22 : memref<1x128xf32, #tpu.memory_space<vmem>>) target(%dma_start3A_20 : memref<1x128xf32, #tpu.memory_space<any>>) target_semaphore(%arg6 : memref<!tpu.dma_semaphore, #tpu.memory_space<semaphore_mem>>)
    %get3A_23 = arith.constant 2 : index
    %get3A_24 = memref.load %arg1[%get3A_23] : memref<128xi32, #tpu.memory_space<smem>>
    %get3A_25 = arith.constant 2 : index
    %get3A_26 = memref.load %arg0[%get3A_25] : memref<128xi32, #tpu.memory_space<smem>>
    %dma_start3A_27 = arith.constant 0 : i32
    %dma_start3A_28 = tpu.memref_slice %arg4[%get3A_26, %dma_start3A_27] : memref<100000x128xf32, #tpu.memory_space<any>> -> memref<1x128xf32, #tpu.memory_space<any>>
    %dma_start3A_29 = arith.constant 0 : i32
    %dma_start3A_30 = tpu.memref_slice %arg5[%get3A_24, %dma_start3A_29] : memref<128x128xf32, #tpu.memory_space<vmem>> -> memref<1x128xf32, #tpu.memory_space<vmem>>
    tpu.enqueue_dma source(%dma_start3A_30 : memref<1x128xf32, #tpu.memory_space<vmem>>) target(%dma_start3A_28 : memref<1x128xf32, #tpu.memory_space<any>>) target_semaphore(%arg6 : memref<!tpu.dma_semaphore, #tpu.memory_space<semaphore_mem>>)
    %get3A_31 = arith.constant 3 : index
    %get3A_32 = memref.load %arg1[%get3A_31] : memref<128xi32, #tpu.memory_space<smem>>
    %get3A_33 = arith.constant 3 : index
    %get3A_34 = memref.load %arg0[%get3A_33] : memref<128xi32, #tpu.memory_space<smem>>
    %dma_start3A_35 = arith.constant 0 : i32
    %dma_start3A_36 = tpu.memref_slice %arg4[%get3A_34, %dma_start3A_35] : memref<100000x128xf32, #tpu.memory_space<any>> -> memref<1x128xf32, #tpu.memory_space<any>>
    %dma_start3A_37 = arith.constant 0 : i32
    %dma_start3A_38 = tpu.memref_slice %arg5[%get3A_32, %dma_start3A_37] : memref<128x128xf32, #tpu.memory_space<vmem>> -> memref<1x128xf32, #tpu.memory_space<vmem>>
    tpu.enqueue_dma source(%dma_start3A_38 : memref<1x128xf32, #tpu.memory_space<vmem>>) target(%dma_start3A_36 : memref<1x128xf32, #tpu.memory_space<any>>) target_semaphore(%arg6 : memref<!tpu.dma_semaphore, #tpu.memory_space<semaphore_mem>>)
    %get3A_39 = arith.constant 4 : index
    %get3A_40 = memref.load %arg1[%get3A_39] : memref<128xi32, #tpu.memory_space<smem>>
    %get3A_41 = arith.constant 4 : index
    %get3A_42 = memref.load %arg0[%get3A_41] : memref<128xi32, #tpu.memory_space<smem>>
    %dma_start3A_43 = arith.constant 0 : i32
    %dma_start3A_44 = tpu.memref_slice %arg4[%get3A_42, %dma_start3A_43] : memref<100000x128xf32, #tpu.memory_space<any>> -> memref<1x128xf32, #tpu.memory_space<any>>
    %dma_start3A_45 = arith.constant 0 : i32
    %dma_start3A_46 = tpu.memref_slice %arg5[%get3A_40, %dma_start3A_45] : memref<128x128xf32, #tpu.memory_space<vmem>> -> memref<1x128xf32, #tpu.memory_space<vmem>>
    tpu.enqueue_dma source(%dma_start3A_46 : memref<1x128xf32, #tpu.memory_space<vmem>>) target(%dma_start3A_44 : memref<1x128xf32, #tpu.memory_space<any>>) target_semaphore(%arg6 : memref<!tpu.dma_semaphore, #tpu.memory_space<semaphore_mem>>)
    %get3A_47 = arith.constant 5 : index
    %get3A_48 = memref.load %arg1[%get3A_47] : memref<128xi32, #tpu.memory_space<smem>>
    %get3A_49 = arith.constant 5 : index
    %get3A_50 = memref.load %arg0[%get3A_49] : memref<128xi32, #tpu.memory_space<smem>>
    %dma_start3A_51 = arith.constant 0 : i32
    %dma_start3A_52 = tpu.memref_slice %arg4[%get3A_50, %dma_start3A_51] : memref<100000x128xf32, #tpu.memory_space<any>> -> memref<1x128xf32, #tpu.memory_space<any>>
    %dma_start3A_53 = arith.constant 0 : i32
    %dma_start3A_54 = tpu.memref_slice %arg5[%get3A_48, %dma_start3A_53] : memref<128x128xf32, #tpu.memory_space<vmem>> -> memref<1x128xf32, #tpu.memory_space<vmem>>
    tpu.enqueue_dma source(%dma_start3A_54 : memref<1x128xf32, #tpu.memory_space<vmem>>) target(%dma_start3A_52 : memref<1x128xf32, #tpu.memory_space<any>>) target_semaphore(%arg6 : memref<!tpu.dma_semaphore, #tpu.memory_space<semaphore_mem>>)
    %get3A_55 = arith.constant 6 : index
    %get3A_56 = memref.load %arg1[%get3A_55] : memref<128xi32, #tpu.memory_space<smem>>
    %get3A_57 = arith.constant 6 : index
    %get3A_58 = memref.load %arg0[%get3A_57] : memref<128xi32, #tpu.memory_space<smem>>
    %dma_start3A_59 = arith.constant 0 : i32
    %dma_start3A_60 = tpu.memref_slice %arg4[%get3A_58, %dma_start3A_59] : memref<100000x128xf32, #tpu.memory_space<any>> -> memref<1x128xf32, #tpu.memory_space<any>>
    %dma_start3A_61 = arith.constant 0 : i32
    %dma_start3A_62 = tpu.memref_slice %arg5[%get3A_56, %dma_start3A_61] : memref<128x128xf32, #tpu.memory_space<vmem>> -> memref<1x128xf32, #tpu.memory_space<vmem>>
    tpu.enqueue_dma source(%dma_start3A_62 : memref<1x128xf32, #tpu.memory_space<vmem>>) target(%dma_start3A_60 : memref<1x128xf32, #tpu.memory_space<any>>) target_semaphore(%arg6 : memref<!tpu.dma_semaphore, #tpu.memory_space<semaphore_mem>>)
    %get3A_63 = arith.constant 7 : index
    %get3A_64 = memref.load %arg1[%get3A_63] : memref<128xi32, #tpu.memory_space<smem>>
    %get3A_65 = arith.constant 7 : index
    %get3A_66 = memref.load %arg0[%get3A_65] : memref<128xi32, #tpu.memory_space<smem>>
    %dma_start3A_67 = arith.constant 0 : i32
    %dma_start3A_68 = tpu.memref_slice %arg4[%get3A_66, %dma_start3A_67] : memref<100000x128xf32, #tpu.memory_space<any>> -> memref<1x128xf32, #tpu.memory_space<any>>
    %dma_start3A_69 = arith.constant 0 : i32
    %dma_start3A_70 = tpu.memref_slice %arg5[%get3A_64, %dma_start3A_69] : memref<128x128xf32, #tpu.memory_space<vmem>> -> memref<1x128xf32, #tpu.memory_space<vmem>>
    tpu.enqueue_dma source(%dma_start3A_70 : memref<1x128xf32, #tpu.memory_space<vmem>>) target(%dma_start3A_68 : memref<1x128xf32, #tpu.memory_space<any>>) target_semaphore(%arg6 : memref<!tpu.dma_semaphore, #tpu.memory_space<semaphore_mem>>)
    %get3A_71 = arith.constant 8 : index
    %get3A_72 = memref.load %arg1[%get3A_71] : memref<128xi32, #tpu.memory_space<smem>>
    %get3A_73 = arith.constant 8 : index
    %get3A_74 = memref.load %arg0[%get3A_73] : memref<128xi32, #tpu.memory_space<smem>>
    %dma_start3A_75 = arith.constant 0 : i32
    %dma_start3A_76 = tpu.memref_slice %arg4[%get3A_74, %dma_start3A_75] : memref<100000x128xf32, #tpu.memory_space<any>> -> memref<1x128xf32, #tpu.memory_space<any>>
    %dma_start3A_77 = arith.constant 0 : i32
    %dma_start3A_78 = tpu.memref_slice %arg5[%get3A_72, %dma_start3A_77] : memref<128x128xf32, #tpu.memory_space<vmem>> -> memref<1x128xf32, #tpu.memory_space<vmem>>
    tpu.enqueue_dma source(%dma_start3A_78 : memref<1x128xf32, #tpu.memory_space<vmem>>) target(%dma_start3A_76 : memref<1x128xf32, #tpu.memory_space<any>>) target_semaphore(%arg6 : memref<!tpu.dma_semaphore, #tpu.memory_space<semaphore_mem>>)
    %get3A_79 = arith.constant 9 : index
    %get3A_80 = memref.load %arg1[%get3A_79] : memref<128xi32, #tpu.memory_space<smem>>
    %get3A_81 = arith.constant 9 : index
    %get3A_82 = memref.load %arg0[%get3A_81] : memref<128xi32, #tpu.memory_space<smem>>
    %dma_start3A_83 = arith.constant 0 : i32
    %dma_start3A_84 = tpu.memref_slice %arg4[%get3A_82, %dma_start3A_83] : memref<100000x128xf32, #tpu.memory_space<any>> -> memref<1x128xf32, #tpu.memory_space<any>>
    %dma_start3A_85 = arith.constant 0 : i32
    %dma_start3A_86 = tpu.memref_slice %arg5[%get3A_80, %dma_start3A_85] : memref<128x128xf32, #tpu.memory_space<vmem>> -> memref<1x128xf32, #tpu.memory_space<vmem>>
    tpu.enqueue_dma source(%dma_start3A_86 : memref<1x128xf32, #tpu.memory_space<vmem>>) target(%dma_start3A_84 : memref<1x128xf32, #tpu.memory_space<any>>) target_semaphore(%arg6 : memref<!tpu.dma_semaphore, #tpu.memory_space<semaphore_mem>>)
    %get3A_87 = arith.constant 10 : index
    %get3A_88 = memref.load %arg1[%get3A_87] : memref<128xi32, #tpu.memory_space<smem>>
    %get3A_89 = arith.constant 10 : index
    %get3A_90 = memref.load %arg0[%get3A_89] : memref<128xi32, #tpu.memory_space<smem>>
    %dma_start3A_91 = arith.constant 0 : i32
    %dma_start3A_92 = tpu.memref_slice %arg4[%get3A_90, %dma_start3A_91] : memref<100000x128xf32, #tpu.memory_space<any>> -> memref<1x128xf32, #tpu.memory_space<any>>
    %dma_start3A_93 = arith.constant 0 : i32
    %dma_start3A_94 = tpu.memref_slice %arg5[%get3A_88, %dma_start3A_93] : memref<128x128xf32, #tpu.memory_space<vmem>> -> memref<1x128xf32, #tpu.memory_space<vmem>>
    tpu.enqueue_dma source(%dma_start3A_94 : memref<1x128xf32, #tpu.memory_space<vmem>>) target(%dma_start3A_92 : memref<1x128xf32, #tpu.memory_space<any>>) target_semaphore(%arg6 : memref<!tpu.dma_semaphore, #tpu.memory_space<semaphore_mem>>)
    %get3A_95 = arith.constant 11 : index
    %get3A_96 = memref.load %arg1[%get3A_95] : memref<128xi32, #tpu.memory_space<smem>>
    %get3A_97 = arith.constant 11 : index
    %get3A_98 = memref.load %arg0[%get3A_97] : memref<128xi32, #tpu.memory_space<smem>>
    %dma_start3A_99 = arith.constant 0 : i32
    %dma_start3A_100 = tpu.memref_slice %arg4[%get3A_98, %dma_start3A_99] : memref<100000x128xf32, #tpu.memory_space<any>> -> memref<1x128xf32, #tpu.memory_space<any>>
    %dma_start3A_101 = arith.constant 0 : i32
    %dma_start3A_102 = tpu.memref_slice %arg5[%get3A_96, %dma_start3A_101] : memref<128x128xf32, #tpu.memory_space<vmem>> -> memref<1x128xf32, #tpu.memory_space<vmem>>
    tpu.enqueue_dma source(%dma_start3A_102 : memref<1x128xf32, #tpu.memory_space<vmem>>) target(%dma_start3A_100 : memref<1x128xf32, #tpu.memory_space<any>>) target_semaphore(%arg6 : memref<!tpu.dma_semaphore, #tpu.memory_space<semaphore_mem>>)
    %get3A_103 = arith.constant 12 : index
    %get3A_104 = memref.load %arg1[%get3A_103] : memref<128xi32, #tpu.memory_space<smem>>
    %get3A_105 = arith.constant 12 : index
    %get3A_106 = memref.load %arg0[%get3A_105] : memref<128xi32, #tpu.memory_space<smem>>
    %dma_start3A_107 = arith.constant 0 : i32
    %dma_start3A_108 = tpu.memref_slice %arg4[%get3A_106, %dma_start3A_107] : memref<100000x128xf32, #tpu.memory_space<any>> -> memref<1x128xf32, #tpu.memory_space<any>>
    %dma_start3A_109 = arith.constant 0 : i32
    %dma_start3A_110 = tpu.memref_slice %arg5[%get3A_104, %dma_start3A_109] : memref<128x128xf32, #tpu.memory_space<vmem>> -> memref<1x128xf32, #tpu.memory_space<vmem>>
    tpu.enqueue_dma source(%dma_start3A_110 : memref<1x128xf32, #tpu.memory_space<vmem>>) target(%dma_start3A_108 : memref<1x128xf32, #tpu.memory_space<any>>) target_semaphore(%arg6 : memref<!tpu.dma_semaphore, #tpu.memory_space<semaphore_mem>>)
    %get3A_111 = arith.constant 13 : index
    %get3A_112 = memref.load %arg1[%get3A_111] : memref<128xi32, #tpu.memory_space<smem>>
    %get3A_113 = arith.constant 13 : index
    %get3A_114 = memref.load %arg0[%get3A_113] : memref<128xi32, #tpu.memory_space<smem>>
    %dma_start3A_115 = arith.constant 0 : i32
    %dma_start3A_116 = tpu.memref_slice %arg4[%get3A_114, %dma_start3A_115] : memref<100000x128xf32, #tpu.memory_space<any>> -> memref<1x128xf32, #tpu.memory_space<any>>
    %dma_start3A_117 = arith.constant 0 : i32
    %dma_start3A_118 = tpu.memref_slice %arg5[%get3A_112, %dma_start3A_117] : memref<128x128xf32, #tpu.memory_space<vmem>> -> memref<1x128xf32, #tpu.memory_space<vmem>>
    tpu.enqueue_dma source(%dma_start3A_118 : memref<1x128xf32, #tpu.memory_space<vmem>>) target(%dma_start3A_116 : memref<1x128xf32, #tpu.memory_space<any>>) target_semaphore(%arg6 : memref<!tpu.dma_semaphore, #tpu.memory_space<semaphore_mem>>)
    %get3A_119 = arith.constant 14 : index
    %get3A_120 = memref.load %arg1[%get3A_119] : memref<128xi32, #tpu.memory_space<smem>>
    %get3A_121 = arith.constant 14 : index
    %get3A_122 = memref.load %arg0[%get3A_121] : memref<128xi32, #tpu.memory_space<smem>>
    %dma_start3A_123 = arith.constant 0 : i32
    %dma_start3A_124 = tpu.memref_slice %arg4[%get3A_122, %dma_start3A_123] : memref<100000x128xf32, #tpu.memory_space<any>> -> memref<1x128xf32, #tpu.memory_space<any>>
    %dma_start3A_125 = arith.constant 0 : i32
    %dma_start3A_126 = tpu.memref_slice %arg5[%get3A_120, %dma_start3A_125] : memref<128x128xf32, #tpu.memory_space<vmem>> -> memref<1x128xf32, #tpu.memory_space<vmem>>
    tpu.enqueue_dma source(%dma_start3A_126 : memref<1x128xf32, #tpu.memory_space<vmem>>) target(%dma_start3A_124 : memref<1x128xf32, #tpu.memory_space<any>>) target_semaphore(%arg6 : memref<!tpu.dma_semaphore, #tpu.memory_space<semaphore_mem>>)
    %get3A_127 = arith.constant 15 : index
    %get3A_128 = memref.load %arg1[%get3A_127] : memref<128xi32, #tpu.memory_space<smem>>
    %get3A_129 = arith.constant 15 : index
    %get3A_130 = memref.load %arg0[%get3A_129] : memref<128xi32, #tpu.memory_space<smem>>
    %dma_start3A_131 = arith.constant 0 : i32
    %dma_start3A_132 = tpu.memref_slice %arg4[%get3A_130, %dma_start3A_131] : memref<100000x128xf32, #tpu.memory_space<any>> -> memref<1x128xf32, #tpu.memory_space<any>>
    %dma_start3A_133 = arith.constant 0 : i32
    %dma_start3A_134 = tpu.memref_slice %arg5[%get3A_128, %dma_start3A_133] : memref<128x128xf32, #tpu.memory_space<vmem>> -> memref<1x128xf32, #tpu.memory_space<vmem>>
    tpu.enqueue_dma source(%dma_start3A_134 : memref<1x128xf32, #tpu.memory_space<vmem>>) target(%dma_start3A_132 : memref<1x128xf32, #tpu.memory_space<any>>) target_semaphore(%arg6 : memref<!tpu.dma_semaphore, #tpu.memory_space<semaphore_mem>>)
    %get3A_135 = arith.constant 16 : index
    %get3A_136 = memref.load %arg1[%get3A_135] : memref<128xi32, #tpu.memory_space<smem>>
    %get3A_137 = arith.constant 16 : index
    %get3A_138 = memref.load %arg0[%get3A_137] : memref<128xi32, #tpu.memory_space<smem>>
    %dma_start3A_139 = arith.constant 0 : i32
    %dma_start3A_140 = tpu.memref_slice %arg4[%get3A_138, %dma_start3A_139] : memref<100000x128xf32, #tpu.memory_space<any>> -> memref<1x128xf32, #tpu.memory_space<any>>
    %dma_start3A_141 = arith.constant 0 : i32
    %dma_start3A_142 = tpu.memref_slice %arg5[%get3A_136, %dma_start3A_141] : memref<128x128xf32, #tpu.memory_space<vmem>> -> memref<1x128xf32, #tpu.memory_space<vmem>>
    tpu.enqueue_dma source(%dma_start3A_142 : memref<1x128xf32, #tpu.memory_space<vmem>>) target(%dma_start3A_140 : memref<1x128xf32, #tpu.memory_space<any>>) target_semaphore(%arg6 : memref<!tpu.dma_semaphore, #tpu.memory_space<semaphore_mem>>)
    %get3A_143 = arith.constant 17 : index
    %get3A_144 = memref.load %arg1[%get3A_143] : memref<128xi32, #tpu.memory_space<smem>>
    %get3A_145 = arith.constant 17 : index
    %get3A_146 = memref.load %arg0[%get3A_145] : memref<128xi32, #tpu.memory_space<smem>>
    %dma_start3A_147 = arith.constant 0 : i32
    %dma_start3A_148 = tpu.memref_slice %arg4[%get3A_146, %dma_start3A_147] : memref<100000x128xf32, #tpu.memory_space<any>> -> memref<1x128xf32, #tpu.memory_space<any>>
    %dma_start3A_149 = arith.constant 0 : i32
    %dma_start3A_150 = tpu.memref_slice %arg5[%get3A_144, %dma_start3A_149] : memref<128x128xf32, #tpu.memory_space<vmem>> -> memref<1x128xf32, #tpu.memory_space<vmem>>
    tpu.enqueue_dma source(%dma_start3A_150 : memref<1x128xf32, #tpu.memory_space<vmem>>) target(%dma_start3A_148 : memref<1x128xf32, #tpu.memory_space<any>>) target_semaphore(%arg6 : memref<!tpu.dma_semaphore, #tpu.memory_space<semaphore_mem>>)
    %get3A_151 = arith.constant 18 : index
    %get3A_152 = memref.load %arg1[%get3A_151] : memref<128xi32, #tpu.memory_space<smem>>
    %get3A_153 = arith.constant 18 : index
    %get3A_154 = memref.load %arg0[%get3A_153] : memref<128xi32, #tpu.memory_space<smem>>
    %dma_start3A_155 = arith.constant 0 : i32
    %dma_start3A_156 = tpu.memref_slice %arg4[%get3A_154, %dma_start3A_155] : memref<100000x128xf32, #tpu.memory_space<any>> -> memref<1x128xf32, #tpu.memory_space<any>>
    %dma_start3A_157 = arith.constant 0 : i32
    %dma_start3A_158 = tpu.memref_slice %arg5[%get3A_152, %dma_start3A_157] : memref<128x128xf32, #tpu.memory_space<vmem>> -> memref<1x128xf32, #tpu.memory_space<vmem>>
    tpu.enqueue_dma source(%dma_start3A_158 : memref<1x128xf32, #tpu.memory_space<vmem>>) target(%dma_start3A_156 : memref<1x128xf32, #tpu.memory_space<any>>) target_semaphore(%arg6 : memref<!tpu.dma_semaphore, #tpu.memory_space<semaphore_mem>>)
    %get3A_159 = arith.constant 19 : index
    %get3A_160 = memref.load %arg1[%get3A_159] : memref<128xi32, #tpu.memory_space<smem>>
    %get3A_161 = arith.constant 19 : index
    %get3A_162 = memref.load %arg0[%get3A_161] : memref<128xi32, #tpu.memory_space<smem>>
    %dma_start3A_163 = arith.constant 0 : i32
    %dma_start3A_164 = tpu.memref_slice %arg4[%get3A_162, %dma_start3A_163] : memref<100000x128xf32, #tpu.memory_space<any>> -> memref<1x128xf32, #tpu.memory_space<any>>
    %dma_start3A_165 = arith.constant 0 : i32
    %dma_start3A_166 = tpu.memref_slice %arg5[%get3A_160, %dma_start3A_165] : memref<128x128xf32, #tpu.memory_space<vmem>> -> memref<1x128xf32, #tpu.memory_space<vmem>>
    tpu.enqueue_dma source(%dma_start3A_166 : memref<1x128xf32, #tpu.memory_space<vmem>>) target(%dma_start3A_164 : memref<1x128xf32, #tpu.memory_space<any>>) target_semaphore(%arg6 : memref<!tpu.dma_semaphore, #tpu.memory_space<semaphore_mem>>)
    %get3A_167 = arith.constant 20 : index
    %get3A_168 = memref.load %arg1[%get3A_167] : memref<128xi32, #tpu.memory_space<smem>>
    %get3A_169 = arith.constant 20 : index
    %get3A_170 = memref.load %arg0[%get3A_169] : memref<128xi32, #tpu.memory_space<smem>>
    %dma_start3A_171 = arith.constant 0 : i32
    %dma_start3A_172 = tpu.memref_slice %arg4[%get3A_170, %dma_start3A_171] : memref<100000x128xf32, #tpu.memory_space<any>> -> memref<1x128xf32, #tpu.memory_space<any>>
    %dma_start3A_173 = arith.constant 0 : i32
    %dma_start3A_174 = tpu.memref_slice %arg5[%get3A_168, %dma_start3A_173] : memref<128x128xf32, #tpu.memory_space<vmem>> -> memref<1x128xf32, #tpu.memory_space<vmem>>
    tpu.enqueue_dma source(%dma_start3A_174 : memref<1x128xf32, #tpu.memory_space<vmem>>) target(%dma_start3A_172 : memref<1x128xf32, #tpu.memory_space<any>>) target_semaphore(%arg6 : memref<!tpu.dma_semaphore, #tpu.memory_space<semaphore_mem>>)
    %get3A_175 = arith.constant 21 : index
    %get3A_176 = memref.load %arg1[%get3A_175] : memref<128xi32, #tpu.memory_space<smem>>
    %get3A_177 = arith.constant 21 : index
    %get3A_178 = memref.load %arg0[%get3A_177] : memref<128xi32, #tpu.memory_space<smem>>
    %dma_start3A_179 = arith.constant 0 : i32
    %dma_start3A_180 = tpu.memref_slice %arg4[%get3A_178, %dma_start3A_179] : memref<100000x128xf32, #tpu.memory_space<any>> -> memref<1x128xf32, #tpu.memory_space<any>>
    %dma_start3A_181 = arith.constant 0 : i32
    %dma_start3A_182 = tpu.memref_slice %arg5[%get3A_176, %dma_start3A_181] : memref<128x128xf32, #tpu.memory_space<vmem>> -> memref<1x128xf32, #tpu.memory_space<vmem>>
    tpu.enqueue_dma source(%dma_start3A_182 : memref<1x128xf32, #tpu.memory_space<vmem>>) target(%dma_start3A_180 : memref<1x128xf32, #tpu.memory_space<any>>) target_semaphore(%arg6 : memref<!tpu.dma_semaphore, #tpu.memory_space<semaphore_mem>>)
    %get3A_183 = arith.constant 22 : index
    %get3A_184 = memref.load %arg1[%get3A_183] : memref<128xi32, #tpu.memory_space<smem>>
    %get3A_185 = arith.constant 22 : index
    %get3A_186 = memref.load %arg0[%get3A_185] : memref<128xi32, #tpu.memory_space<smem>>
    %dma_start3A_187 = arith.constant 0 : i32
    %dma_start3A_188 = tpu.memref_slice %arg4[%get3A_186, %dma_start3A_187] : memref<100000x128xf32, #tpu.memory_space<any>> -> memref<1x128xf32, #tpu.memory_space<any>>
    %dma_start3A_189 = arith.constant 0 : i32
    %dma_start3A_190 = tpu.memref_slice %arg5[%get3A_184, %dma_start3A_189] : memref<128x128xf32, #tpu.memory_space<vmem>> -> memref<1x128xf32, #tpu.memory_space<vmem>>
    tpu.enqueue_dma source(%dma_start3A_190 : memref<1x128xf32, #tpu.memory_space<vmem>>) target(%dma_start3A_188 : memref<1x128xf32, #tpu.memory_space<any>>) target_semaphore(%arg6 : memref<!tpu.dma_semaphore, #tpu.memory_space<semaphore_mem>>)
    %get3A_191 = arith.constant 23 : index
    %get3A_192 = memref.load %arg1[%get3A_191] : memref<128xi32, #tpu.memory_space<smem>>
    %get3A_193 = arith.constant 23 : index
    %get3A_194 = memref.load %arg0[%get3A_193] : memref<128xi32, #tpu.memory_space<smem>>
    %dma_start3A_195 = arith.constant 0 : i32
    %dma_start3A_196 = tpu.memref_slice %arg4[%get3A_194, %dma_start3A_195] : memref<100000x128xf32, #tpu.memory_space<any>> -> memref<1x128xf32, #tpu.memory_space<any>>
    %dma_start3A_197 = arith.constant 0 : i32
    %dma_start3A_198 = tpu.memref_slice %arg5[%get3A_192, %dma_start3A_197] : memref<128x128xf32, #tpu.memory_space<vmem>> -> memref<1x128xf32, #tpu.memory_space<vmem>>
    tpu.enqueue_dma source(%dma_start3A_198 : memref<1x128xf32, #tpu.memory_space<vmem>>) target(%dma_start3A_196 : memref<1x128xf32, #tpu.memory_space<any>>) target_semaphore(%arg6 : memref<!tpu.dma_semaphore, #tpu.memory_space<semaphore_mem>>)
    %get3A_199 = arith.constant 24 : index
    %get3A_200 = memref.load %arg1[%get3A_199] : memref<128xi32, #tpu.memory_space<smem>>
    %get3A_201 = arith.constant 24 : index
    %get3A_202 = memref.load %arg0[%get3A_201] : memref<128xi32, #tpu.memory_space<smem>>
    %dma_start3A_203 = arith.constant 0 : i32
    %dma_start3A_204 = tpu.memref_slice %arg4[%get3A_202, %dma_start3A_203] : memref<100000x128xf32, #tpu.memory_space<any>> -> memref<1x128xf32, #tpu.memory_space<any>>
    %dma_start3A_205 = arith.constant 0 : i32
    %dma_start3A_206 = tpu.memref_slice %arg5[%get3A_200, %dma_start3A_205] : memref<128x128xf32, #tpu.memory_space<vmem>> -> memref<1x128xf32, #tpu.memory_space<vmem>>
    tpu.enqueue_dma source(%dma_start3A_206 : memref<1x128xf32, #tpu.memory_space<vmem>>) target(%dma_start3A_204 : memref<1x128xf32, #tpu.memory_space<any>>) target_semaphore(%arg6 : memref<!tpu.dma_semaphore, #tpu.memory_space<semaphore_mem>>)
    %get3A_207 = arith.constant 25 : index
    %get3A_208 = memref.load %arg1[%get3A_207] : memref<128xi32, #tpu.memory_space<smem>>
    %get3A_209 = arith.constant 25 : index
    %get3A_210 = memref.load %arg0[%get3A_209] : memref<128xi32, #tpu.memory_space<smem>>
    %dma_start3A_211 = arith.constant 0 : i32
    %dma_start3A_212 = tpu.memref_slice %arg4[%get3A_210, %dma_start3A_211] : memref<100000x128xf32, #tpu.memory_space<any>> -> memref<1x128xf32, #tpu.memory_space<any>>
    %dma_start3A_213 = arith.constant 0 : i32
    %dma_start3A_214 = tpu.memref_slice %arg5[%get3A_208, %dma_start3A_213] : memref<128x128xf32, #tpu.memory_space<vmem>> -> memref<1x128xf32, #tpu.memory_space<vmem>>
    tpu.enqueue_dma source(%dma_start3A_214 : memref<1x128xf32, #tpu.memory_space<vmem>>) target(%dma_start3A_212 : memref<1x128xf32, #tpu.memory_space<any>>) target_semaphore(%arg6 : memref<!tpu.dma_semaphore, #tpu.memory_space<semaphore_mem>>)
    %get3A_215 = arith.constant 26 : index
    %get3A_216 = memref.load %arg1[%get3A_215] : memref<128xi32, #tpu.memory_space<smem>>
    %get3A_217 = arith.constant 26 : index
    %get3A_218 = memref.load %arg0[%get3A_217] : memref<128xi32, #tpu.memory_space<smem>>
    %dma_start3A_219 = arith.constant 0 : i32
    %dma_start3A_220 = tpu.memref_slice %arg4[%get3A_218, %dma_start3A_219] : memref<100000x128xf32, #tpu.memory_space<any>> -> memref<1x128xf32, #tpu.memory_space<any>>
    %dma_start3A_221 = arith.constant 0 : i32
    %dma_start3A_222 = tpu.memref_slice %arg5[%get3A_216, %dma_start3A_221] : memref<128x128xf32, #tpu.memory_space<vmem>> -> memref<1x128xf32, #tpu.memory_space<vmem>>
    tpu.enqueue_dma source(%dma_start3A_222 : memref<1x128xf32, #tpu.memory_space<vmem>>) target(%dma_start3A_220 : memref<1x128xf32, #tpu.memory_space<any>>) target_semaphore(%arg6 : memref<!tpu.dma_semaphore, #tpu.memory_space<semaphore_mem>>)
    %get3A_223 = arith.constant 27 : index
    %get3A_224 = memref.load %arg1[%get3A_223] : memref<128xi32, #tpu.memory_space<smem>>
    %get3A_225 = arith.constant 27 : index
    %get3A_226 = memref.load %arg0[%get3A_225] : memref<128xi32, #tpu.memory_space<smem>>
    %dma_start3A_227 = arith.constant 0 : i32
    %dma_start3A_228 = tpu.memref_slice %arg4[%get3A_226, %dma_start3A_227] : memref<100000x128xf32, #tpu.memory_space<any>> -> memref<1x128xf32, #tpu.memory_space<any>>
    %dma_start3A_229 = arith.constant 0 : i32
    %dma_start3A_230 = tpu.memref_slice %arg5[%get3A_224, %dma_start3A_229] : memref<128x128xf32, #tpu.memory_space<vmem>> -> memref<1x128xf32, #tpu.memory_space<vmem>>
    tpu.enqueue_dma source(%dma_start3A_230 : memref<1x128xf32, #tpu.memory_space<vmem>>) target(%dma_start3A_228 : memref<1x128xf32, #tpu.memory_space<any>>) target_semaphore(%arg6 : memref<!tpu.dma_semaphore, #tpu.memory_space<semaphore_mem>>)
    %get3A_231 = arith.constant 28 : index
    %get3A_232 = memref.load %arg1[%get3A_231] : memref<128xi32, #tpu.memory_space<smem>>
    %get3A_233 = arith.constant 28 : index
    %get3A_234 = memref.load %arg0[%get3A_233] : memref<128xi32, #tpu.memory_space<smem>>
    %dma_start3A_235 = arith.constant 0 : i32
    %dma_start3A_236 = tpu.memref_slice %arg4[%get3A_234, %dma_start3A_235] : memref<100000x128xf32, #tpu.memory_space<any>> -> memref<1x128xf32, #tpu.memory_space<any>>
    %dma_start3A_237 = arith.constant 0 : i32
    %dma_start3A_238 = tpu.memref_slice %arg5[%get3A_232, %dma_start3A_237] : memref<128x128xf32, #tpu.memory_space<vmem>> -> memref<1x128xf32, #tpu.memory_space<vmem>>
    tpu.enqueue_dma source(%dma_start3A_238 : memref<1x128xf32, #tpu.memory_space<vmem>>) target(%dma_start3A_236 : memref<1x128xf32, #tpu.memory_space<any>>) target_semaphore(%arg6 : memref<!tpu.dma_semaphore, #tpu.memory_space<semaphore_mem>>)
    %get3A_239 = arith.constant 29 : index
    %get3A_240 = memref.load %arg1[%get3A_239] : memref<128xi32, #tpu.memory_space<smem>>
    %get3A_241 = arith.constant 29 : index
    %get3A_242 = memref.load %arg0[%get3A_241] : memref<128xi32, #tpu.memory_space<smem>>
    %dma_start3A_243 = arith.constant 0 : i32
    %dma_start3A_244 = tpu.memref_slice %arg4[%get3A_242, %dma_start3A_243] : memref<100000x128xf32, #tpu.memory_space<any>> -> memref<1x128xf32, #tpu.memory_space<any>>
    %dma_start3A_245 = arith.constant 0 : i32
    %dma_start3A_246 = tpu.memref_slice %arg5[%get3A_240, %dma_start3A_245] : memref<128x128xf32, #tpu.memory_space<vmem>> -> memref<1x128xf32, #tpu.memory_space<vmem>>
    tpu.enqueue_dma source(%dma_start3A_246 : memref<1x128xf32, #tpu.memory_space<vmem>>) target(%dma_start3A_244 : memref<1x128xf32, #tpu.memory_space<any>>) target_semaphore(%arg6 : memref<!tpu.dma_semaphore, #tpu.memory_space<semaphore_mem>>)
    %get3A_247 = arith.constant 30 : index
    %get3A_248 = memref.load %arg1[%get3A_247] : memref<128xi32, #tpu.memory_space<smem>>
    %get3A_249 = arith.constant 30 : index
    %get3A_250 = memref.load %arg0[%get3A_249] : memref<128xi32, #tpu.memory_space<smem>>
    %dma_start3A_251 = arith.constant 0 : i32
    %dma_start3A_252 = tpu.memref_slice %arg4[%get3A_250, %dma_start3A_251] : memref<100000x128xf32, #tpu.memory_space<any>> -> memref<1x128xf32, #tpu.memory_space<any>>
    %dma_start3A_253 = arith.constant 0 : i32
    %dma_start3A_254 = tpu.memref_slice %arg5[%get3A_248, %dma_start3A_253] : memref<128x128xf32, #tpu.memory_space<vmem>> -> memref<1x128xf32, #tpu.memory_space<vmem>>
    tpu.enqueue_dma source(%dma_start3A_254 : memref<1x128xf32, #tpu.memory_space<vmem>>) target(%dma_start3A_252 : memref<1x128xf32, #tpu.memory_space<any>>) target_semaphore(%arg6 : memref<!tpu.dma_semaphore, #tpu.memory_space<semaphore_mem>>)
    %get3A_255 = arith.constant 31 : index
    %get3A_256 = memref.load %arg1[%get3A_255] : memref<128xi32, #tpu.memory_space<smem>>
    %get3A_257 = arith.constant 31 : index
    %get3A_258 = memref.load %arg0[%get3A_257] : memref<128xi32, #tpu.memory_space<smem>>
    %dma_start3A_259 = arith.constant 0 : i32
    %dma_start3A_260 = tpu.memref_slice %arg4[%get3A_258, %dma_start3A_259] : memref<100000x128xf32, #tpu.memory_space<any>> -> memref<1x128xf32, #tpu.memory_space<any>>
    %dma_start3A_261 = arith.constant 0 : i32
    %dma_start3A_262 = tpu.memref_slice %arg5[%get3A_256, %dma_start3A_261] : memref<128x128xf32, #tpu.memory_space<vmem>> -> memref<1x128xf32, #tpu.memory_space<vmem>>
    tpu.enqueue_dma source(%dma_start3A_262 : memref<1x128xf32, #tpu.memory_space<vmem>>) target(%dma_start3A_260 : memref<1x128xf32, #tpu.memory_space<any>>) target_semaphore(%arg6 : memref<!tpu.dma_semaphore, #tpu.memory_space<semaphore_mem>>)
    %get3A_263 = arith.constant 32 : index
    %get3A_264 = memref.load %arg1[%get3A_263] : memref<128xi32, #tpu.memory_space<smem>>
    %get3A_265 = arith.constant 32 : index
    %get3A_266 = memref.load %arg0[%get3A_265] : memref<128xi32, #tpu.memory_space<smem>>
    %dma_start3A_267 = arith.constant 0 : i32
    %dma_start3A_268 = tpu.memref_slice %arg4[%get3A_266, %dma_start3A_267] : memref<100000x128xf32, #tpu.memory_space<any>> -> memref<1x128xf32, #tpu.memory_space<any>>
    %dma_start3A_269 = arith.constant 0 : i32
    %dma_start3A_270 = tpu.memref_slice %arg5[%get3A_264, %dma_start3A_269] : memref<128x128xf32, #tpu.memory_space<vmem>> -> memref<1x128xf32, #tpu.memory_space<vmem>>
    tpu.enqueue_dma source(%dma_start3A_270 : memref<1x128xf32, #tpu.memory_space<vmem>>) target(%dma_start3A_268 : memref<1x128xf32, #tpu.memory_space<any>>) target_semaphore(%arg6 : memref<!tpu.dma_semaphore, #tpu.memory_space<semaphore_mem>>)
    %get3A_271 = arith.constant 33 : index
    %get3A_272 = memref.load %arg1[%get3A_271] : memref<128xi32, #tpu.memory_space<smem>>
    %get3A_273 = arith.constant 33 : index
    %get3A_274 = memref.load %arg0[%get3A_273] : memref<128xi32, #tpu.memory_space<smem>>
    %dma_start3A_275 = arith.constant 0 : i32
    %dma_start3A_276 = tpu.memref_slice %arg4[%get3A_274, %dma_start3A_275] : memref<100000x128xf32, #tpu.memory_space<any>> -> memref<1x128xf32, #tpu.memory_space<any>>
    %dma_start3A_277 = arith.constant 0 : i32
    %dma_start3A_278 = tpu.memref_slice %arg5[%get3A_272, %dma_start3A_277] : memref<128x128xf32, #tpu.memory_space<vmem>> -> memref<1x128xf32, #tpu.memory_space<vmem>>
    tpu.enqueue_dma source(%dma_start3A_278 : memref<1x128xf32, #tpu.memory_space<vmem>>) target(%dma_start3A_276 : memref<1x128xf32, #tpu.memory_space<any>>) target_semaphore(%arg6 : memref<!tpu.dma_semaphore, #tpu.memory_space<semaphore_mem>>)
    %get3A_279 = arith.constant 34 : index
    %get3A_280 = memref.load %arg1[%get3A_279] : memref<128xi32, #tpu.memory_space<smem>>
    %get3A_281 = arith.constant 34 : index
    %get3A_282 = memref.load %arg0[%get3A_281] : memref<128xi32, #tpu.memory_space<smem>>
    %dma_start3A_283 = arith.constant 0 : i32
    %dma_start3A_284 = tpu.memref_slice %arg4[%get3A_282, %dma_start3A_283] : memref<100000x128xf32, #tpu.memory_space<any>> -> memref<1x128xf32, #tpu.memory_space<any>>
    %dma_start3A_285 = arith.constant 0 : i32
    %dma_start3A_286 = tpu.memref_slice %arg5[%get3A_280, %dma_start3A_285] : memref<128x128xf32, #tpu.memory_space<vmem>> -> memref<1x128xf32, #tpu.memory_space<vmem>>
    tpu.enqueue_dma source(%dma_start3A_286 : memref<1x128xf32, #tpu.memory_space<vmem>>) target(%dma_start3A_284 : memref<1x128xf32, #tpu.memory_space<any>>) target_semaphore(%arg6 : memref<!tpu.dma_semaphore, #tpu.memory_space<semaphore_mem>>)
    %get3A_287 = arith.constant 35 : index
    %get3A_288 = memref.load %arg1[%get3A_287] : memref<128xi32, #tpu.memory_space<smem>>
    %get3A_289 = arith.constant 35 : index
    %get3A_290 = memref.load %arg0[%get3A_289] : memref<128xi32, #tpu.memory_space<smem>>
    %dma_start3A_291 = arith.constant 0 : i32
    %dma_start3A_292 = tpu.memref_slice %arg4[%get3A_290, %dma_start3A_291] : memref<100000x128xf32, #tpu.memory_space<any>> -> memref<1x128xf32, #tpu.memory_space<any>>
    %dma_start3A_293 = arith.constant 0 : i32
    %dma_start3A_294 = tpu.memref_slice %arg5[%get3A_288, %dma_start3A_293] : memref<128x128xf32, #tpu.memory_space<vmem>> -> memref<1x128xf32, #tpu.memory_space<vmem>>
    tpu.enqueue_dma source(%dma_start3A_294 : memref<1x128xf32, #tpu.memory_space<vmem>>) target(%dma_start3A_292 : memref<1x128xf32, #tpu.memory_space<any>>) target_semaphore(%arg6 : memref<!tpu.dma_semaphore, #tpu.memory_space<semaphore_mem>>)
    %get3A_295 = arith.constant 36 : index
    %get3A_296 = memref.load %arg1[%get3A_295] : memref<128xi32, #tpu.memory_space<smem>>
    %get3A_297 = arith.constant 36 : index
    %get3A_298 = memref.load %arg0[%get3A_297] : memref<128xi32, #tpu.memory_space<smem>>
    %dma_start3A_299 = arith.constant 0 : i32
    %dma_start3A_300 = tpu.memref_slice %arg4[%get3A_298, %dma_start3A_299] : memref<100000x128xf32, #tpu.memory_space<any>> -> memref<1x128xf32, #tpu.memory_space<any>>
    %dma_start3A_301 = arith.constant 0 : i32
    %dma_start3A_302 = tpu.memref_slice %arg5[%get3A_296, %dma_start3A_301] : memref<128x128xf32, #tpu.memory_space<vmem>> -> memref<1x128xf32, #tpu.memory_space<vmem>>
    tpu.enqueue_dma source(%dma_start3A_302 : memref<1x128xf32, #tpu.memory_space<vmem>>) target(%dma_start3A_300 : memref<1x128xf32, #tpu.memory_space<any>>) target_semaphore(%arg6 : memref<!tpu.dma_semaphore, #tpu.memory_space<semaphore_mem>>)
    %get3A_303 = arith.constant 37 : index
    %get3A_304 = memref.load %arg1[%get3A_303] : memref<128xi32, #tpu.memory_space<smem>>
    %get3A_305 = arith.constant 37 : index
    %get3A_306 = memref.load %arg0[%get3A_305] : memref<128xi32, #tpu.memory_space<smem>>
    %dma_start3A_307 = arith.constant 0 : i32
    %dma_start3A_308 = tpu.memref_slice %arg4[%get3A_306, %dma_start3A_307] : memref<100000x128xf32, #tpu.memory_space<any>> -> memref<1x128xf32, #tpu.memory_space<any>>
    %dma_start3A_309 = arith.constant 0 : i32
    %dma_start3A_310 = tpu.memref_slice %arg5[%get3A_304, %dma_start3A_309] : memref<128x128xf32, #tpu.memory_space<vmem>> -> memref<1x128xf32, #tpu.memory_space<vmem>>
    tpu.enqueue_dma source(%dma_start3A_310 : memref<1x128xf32, #tpu.memory_space<vmem>>) target(%dma_start3A_308 : memref<1x128xf32, #tpu.memory_space<any>>) target_semaphore(%arg6 : memref<!tpu.dma_semaphore, #tpu.memory_space<semaphore_mem>>)
    %get3A_311 = arith.constant 38 : index
    %get3A_312 = memref.load %arg1[%get3A_311] : memref<128xi32, #tpu.memory_space<smem>>
    %get3A_313 = arith.constant 38 : index
    %get3A_314 = memref.load %arg0[%get3A_313] : memref<128xi32, #tpu.memory_space<smem>>
    %dma_start3A_315 = arith.constant 0 : i32
    %dma_start3A_316 = tpu.memref_slice %arg4[%get3A_314, %dma_start3A_315] : memref<100000x128xf32, #tpu.memory_space<any>> -> memref<1x128xf32, #tpu.memory_space<any>>
    %dma_start3A_317 = arith.constant 0 : i32
    %dma_start3A_318 = tpu.memref_slice %arg5[%get3A_312, %dma_start3A_317] : memref<128x128xf32, #tpu.memory_space<vmem>> -> memref<1x128xf32, #tpu.memory_space<vmem>>
    tpu.enqueue_dma source(%dma_start3A_318 : memref<1x128xf32, #tpu.memory_space<vmem>>) target(%dma_start3A_316 : memref<1x128xf32, #tpu.memory_space<any>>) target_semaphore(%arg6 : memref<!tpu.dma_semaphore, #tpu.memory_space<semaphore_mem>>)
    %get3A_319 = arith.constant 39 : index
    %get3A_320 = memref.load %arg1[%get3A_319] : memref<128xi32, #tpu.memory_space<smem>>
    %get3A_321 = arith.constant 39 : index
    %get3A_322 = memref.load %arg0[%get3A_321] : memref<128xi32, #tpu.memory_space<smem>>
    %dma_start3A_323 = arith.constant 0 : i32
    %dma_start3A_324 = tpu.memref_slice %arg4[%get3A_322, %dma_start3A_323] : memref<100000x128xf32, #tpu.memory_space<any>> -> memref<1x128xf32, #tpu.memory_space<any>>
    %dma_start3A_325 = arith.constant 0 : i32
    %dma_start3A_326 = tpu.memref_slice %arg5[%get3A_320, %dma_start3A_325] : memref<128x128xf32, #tpu.memory_space<vmem>> -> memref<1x128xf32, #tpu.memory_space<vmem>>
    tpu.enqueue_dma source(%dma_start3A_326 : memref<1x128xf32, #tpu.memory_space<vmem>>) target(%dma_start3A_324 : memref<1x128xf32, #tpu.memory_space<any>>) target_semaphore(%arg6 : memref<!tpu.dma_semaphore, #tpu.memory_space<semaphore_mem>>)
    %get3A_327 = arith.constant 40 : index
    %get3A_328 = memref.load %arg1[%get3A_327] : memref<128xi32, #tpu.memory_space<smem>>
    %get3A_329 = arith.constant 40 : index
    %get3A_330 = memref.load %arg0[%get3A_329] : memref<128xi32, #tpu.memory_space<smem>>
    %dma_start3A_331 = arith.constant 0 : i32
    %dma_start3A_332 = tpu.memref_slice %arg4[%get3A_330, %dma_start3A_331] : memref<100000x128xf32, #tpu.memory_space<any>> -> memref<1x128xf32, #tpu.memory_space<any>>
    %dma_start3A_333 = arith.constant 0 : i32
    %dma_start3A_334 = tpu.memref_slice %arg5[%get3A_328, %dma_start3A_333] : memref<128x128xf32, #tpu.memory_space<vmem>> -> memref<1x128xf32, #tpu.memory_space<vmem>>
    tpu.enqueue_dma source(%dma_start3A_334 : memref<1x128xf32, #tpu.memory_space<vmem>>) target(%dma_start3A_332 : memref<1x128xf32, #tpu.memory_space<any>>) target_semaphore(%arg6 : memref<!tpu.dma_semaphore, #tpu.memory_space<semaphore_mem>>)
    %get3A_335 = arith.constant 41 : index
    %get3A_336 = memref.load %arg1[%get3A_335] : memref<128xi32, #tpu.memory_space<smem>>
    %get3A_337 = arith.constant 41 : index
    %get3A_338 = memref.load %arg0[%get3A_337] : memref<128xi32, #tpu.memory_space<smem>>
    %dma_start3A_339 = arith.constant 0 : i32
    %dma_start3A_340 = tpu.memref_slice %arg4[%get3A_338, %dma_start3A_339] : memref<100000x128xf32, #tpu.memory_space<any>> -> memref<1x128xf32, #tpu.memory_space<any>>
    %dma_start3A_341 = arith.constant 0 : i32
    %dma_start3A_342 = tpu.memref_slice %arg5[%get3A_336, %dma_start3A_341] : memref<128x128xf32, #tpu.memory_space<vmem>> -> memref<1x128xf32, #tpu.memory_space<vmem>>
    tpu.enqueue_dma source(%dma_start3A_342 : memref<1x128xf32, #tpu.memory_space<vmem>>) target(%dma_start3A_340 : memref<1x128xf32, #tpu.memory_space<any>>) target_semaphore(%arg6 : memref<!tpu.dma_semaphore, #tpu.memory_space<semaphore_mem>>)
    %get3A_343 = arith.constant 42 : index
    %get3A_344 = memref.load %arg1[%get3A_343] : memref<128xi32, #tpu.memory_space<smem>>
    %get3A_345 = arith.constant 42 : index
    %get3A_346 = memref.load %arg0[%get3A_345] : memref<128xi32, #tpu.memory_space<smem>>
    %dma_start3A_347 = arith.constant 0 : i32
    %dma_start3A_348 = tpu.memref_slice %arg4[%get3A_346, %dma_start3A_347] : memref<100000x128xf32, #tpu.memory_space<any>> -> memref<1x128xf32, #tpu.memory_space<any>>
    %dma_start3A_349 = arith.constant 0 : i32
    %dma_start3A_350 = tpu.memref_slice %arg5[%get3A_344, %dma_start3A_349] : memref<128x128xf32, #tpu.memory_space<vmem>> -> memref<1x128xf32, #tpu.memory_space<vmem>>
    tpu.enqueue_dma source(%dma_start3A_350 : memref<1x128xf32, #tpu.memory_space<vmem>>) target(%dma_start3A_348 : memref<1x128xf32, #tpu.memory_space<any>>) target_semaphore(%arg6 : memref<!tpu.dma_semaphore, #tpu.memory_space<semaphore_mem>>)
    %get3A_351 = arith.constant 43 : index
    %get3A_352 = memref.load %arg1[%get3A_351] : memref<128xi32, #tpu.memory_space<smem>>
    %get3A_353 = arith.constant 43 : index
    %get3A_354 = memref.load %arg0[%get3A_353] : memref<128xi32, #tpu.memory_space<smem>>
    %dma_start3A_355 = arith.constant 0 : i32
    %dma_start3A_356 = tpu.memref_slice %arg4[%get3A_354, %dma_start3A_355] : memref<100000x128xf32, #tpu.memory_space<any>> -> memref<1x128xf32, #tpu.memory_space<any>>
    %dma_start3A_357 = arith.constant 0 : i32
    %dma_start3A_358 = tpu.memref_slice %arg5[%get3A_352, %dma_start3A_357] : memref<128x128xf32, #tpu.memory_space<vmem>> -> memref<1x128xf32, #tpu.memory_space<vmem>>
    tpu.enqueue_dma source(%dma_start3A_358 : memref<1x128xf32, #tpu.memory_space<vmem>>) target(%dma_start3A_356 : memref<1x128xf32, #tpu.memory_space<any>>) target_semaphore(%arg6 : memref<!tpu.dma_semaphore, #tpu.memory_space<semaphore_mem>>)
    %get3A_359 = arith.constant 44 : index
    %get3A_360 = memref.load %arg1[%get3A_359] : memref<128xi32, #tpu.memory_space<smem>>
    %get3A_361 = arith.constant 44 : index
    %get3A_362 = memref.load %arg0[%get3A_361] : memref<128xi32, #tpu.memory_space<smem>>
    %dma_start3A_363 = arith.constant 0 : i32
    %dma_start3A_364 = tpu.memref_slice %arg4[%get3A_362, %dma_start3A_363] : memref<100000x128xf32, #tpu.memory_space<any>> -> memref<1x128xf32, #tpu.memory_space<any>>
    %dma_start3A_365 = arith.constant 0 : i32
    %dma_start3A_366 = tpu.memref_slice %arg5[%get3A_360, %dma_start3A_365] : memref<128x128xf32, #tpu.memory_space<vmem>> -> memref<1x128xf32, #tpu.memory_space<vmem>>
    tpu.enqueue_dma source(%dma_start3A_366 : memref<1x128xf32, #tpu.memory_space<vmem>>) target(%dma_start3A_364 : memref<1x128xf32, #tpu.memory_space<any>>) target_semaphore(%arg6 : memref<!tpu.dma_semaphore, #tpu.memory_space<semaphore_mem>>)
    %get3A_367 = arith.constant 45 : index
    %get3A_368 = memref.load %arg1[%get3A_367] : memref<128xi32, #tpu.memory_space<smem>>
    %get3A_369 = arith.constant 45 : index
    %get3A_370 = memref.load %arg0[%get3A_369] : memref<128xi32, #tpu.memory_space<smem>>
    %dma_start3A_371 = arith.constant 0 : i32
    %dma_start3A_372 = tpu.memref_slice %arg4[%get3A_370, %dma_start3A_371] : memref<100000x128xf32, #tpu.memory_space<any>> -> memref<1x128xf32, #tpu.memory_space<any>>
    %dma_start3A_373 = arith.constant 0 : i32
    %dma_start3A_374 = tpu.memref_slice %arg5[%get3A_368, %dma_start3A_373] : memref<128x128xf32, #tpu.memory_space<vmem>> -> memref<1x128xf32, #tpu.memory_space<vmem>>
    tpu.enqueue_dma source(%dma_start3A_374 : memref<1x128xf32, #tpu.memory_space<vmem>>) target(%dma_start3A_372 : memref<1x128xf32, #tpu.memory_space<any>>) target_semaphore(%arg6 : memref<!tpu.dma_semaphore, #tpu.memory_space<semaphore_mem>>)
    %get3A_375 = arith.constant 46 : index
    %get3A_376 = memref.load %arg1[%get3A_375] : memref<128xi32, #tpu.memory_space<smem>>
    %get3A_377 = arith.constant 46 : index
    %get3A_378 = memref.load %arg0[%get3A_377] : memref<128xi32, #tpu.memory_space<smem>>
    %dma_start3A_379 = arith.constant 0 : i32
    %dma_start3A_380 = tpu.memref_slice %arg4[%get3A_378, %dma_start3A_379] : memref<100000x128xf32, #tpu.memory_space<any>> -> memref<1x128xf32, #tpu.memory_space<any>>
    %dma_start3A_381 = arith.constant 0 : i32
    %dma_start3A_382 = tpu.memref_slice %arg5[%get3A_376, %dma_start3A_381] : memref<128x128xf32, #tpu.memory_space<vmem>> -> memref<1x128xf32, #tpu.memory_space<vmem>>
    tpu.enqueue_dma source(%dma_start3A_382 : memref<1x128xf32, #tpu.memory_space<vmem>>) target(%dma_start3A_380 : memref<1x128xf32, #tpu.memory_space<any>>) target_semaphore(%arg6 : memref<!tpu.dma_semaphore, #tpu.memory_space<semaphore_mem>>)
    %get3A_383 = arith.constant 47 : index
    %get3A_384 = memref.load %arg1[%get3A_383] : memref<128xi32, #tpu.memory_space<smem>>
    %get3A_385 = arith.constant 47 : index
    %get3A_386 = memref.load %arg0[%get3A_385] : memref<128xi32, #tpu.memory_space<smem>>
    %dma_start3A_387 = arith.constant 0 : i32
    %dma_start3A_388 = tpu.memref_slice %arg4[%get3A_386, %dma_start3A_387] : memref<100000x128xf32, #tpu.memory_space<any>> -> memref<1x128xf32, #tpu.memory_space<any>>
    %dma_start3A_389 = arith.constant 0 : i32
    %dma_start3A_390 = tpu.memref_slice %arg5[%get3A_384, %dma_start3A_389] : memref<128x128xf32, #tpu.memory_space<vmem>> -> memref<1x128xf32, #tpu.memory_space<vmem>>
    tpu.enqueue_dma source(%dma_start3A_390 : memref<1x128xf32, #tpu.memory_space<vmem>>) target(%dma_start3A_388 : memref<1x128xf32, #tpu.memory_space<any>>) target_semaphore(%arg6 : memref<!tpu.dma_semaphore, #tpu.memory_space<semaphore_mem>>)
    %get3A_391 = arith.constant 48 : index
    %get3A_392 = memref.load %arg1[%get3A_391] : memref<128xi32, #tpu.memory_space<smem>>
    %get3A_393 = arith.constant 48 : index
    %get3A_394 = memref.load %arg0[%get3A_393] : memref<128xi32, #tpu.memory_space<smem>>
    %dma_start3A_395 = arith.constant 0 : i32
    %dma_start3A_396 = tpu.memref_slice %arg4[%get3A_394, %dma_start3A_395] : memref<100000x128xf32, #tpu.memory_space<any>> -> memref<1x128xf32, #tpu.memory_space<any>>
    %dma_start3A_397 = arith.constant 0 : i32
    %dma_start3A_398 = tpu.memref_slice %arg5[%get3A_392, %dma_start3A_397] : memref<128x128xf32, #tpu.memory_space<vmem>> -> memref<1x128xf32, #tpu.memory_space<vmem>>
    tpu.enqueue_dma source(%dma_start3A_398 : memref<1x128xf32, #tpu.memory_space<vmem>>) target(%dma_start3A_396 : memref<1x128xf32, #tpu.memory_space<any>>) target_semaphore(%arg6 : memref<!tpu.dma_semaphore, #tpu.memory_space<semaphore_mem>>)
    %get3A_399 = arith.constant 49 : index
    %get3A_400 = memref.load %arg1[%get3A_399] : memref<128xi32, #tpu.memory_space<smem>>
    %get3A_401 = arith.constant 49 : index
    %get3A_402 = memref.load %arg0[%get3A_401] : memref<128xi32, #tpu.memory_space<smem>>
    %dma_start3A_403 = arith.constant 0 : i32
    %dma_start3A_404 = tpu.memref_slice %arg4[%get3A_402, %dma_start3A_403] : memref<100000x128xf32, #tpu.memory_space<any>> -> memref<1x128xf32, #tpu.memory_space<any>>
    %dma_start3A_405 = arith.constant 0 : i32
    %dma_start3A_406 = tpu.memref_slice %arg5[%get3A_400, %dma_start3A_405] : memref<128x128xf32, #tpu.memory_space<vmem>> -> memref<1x128xf32, #tpu.memory_space<vmem>>
    tpu.enqueue_dma source(%dma_start3A_406 : memref<1x128xf32, #tpu.memory_space<vmem>>) target(%dma_start3A_404 : memref<1x128xf32, #tpu.memory_space<any>>) target_semaphore(%arg6 : memref<!tpu.dma_semaphore, #tpu.memory_space<semaphore_mem>>)
    %get3A_407 = arith.constant 50 : index
    %get3A_408 = memref.load %arg1[%get3A_407] : memref<128xi32, #tpu.memory_space<smem>>
    %get3A_409 = arith.constant 50 : index
    %get3A_410 = memref.load %arg0[%get3A_409] : memref<128xi32, #tpu.memory_space<smem>>
    %dma_start3A_411 = arith.constant 0 : i32
    %dma_start3A_412 = tpu.memref_slice %arg4[%get3A_410, %dma_start3A_411] : memref<100000x128xf32, #tpu.memory_space<any>> -> memref<1x128xf32, #tpu.memory_space<any>>
    %dma_start3A_413 = arith.constant 0 : i32
    %dma_start3A_414 = tpu.memref_slice %arg5[%get3A_408, %dma_start3A_413] : memref<128x128xf32, #tpu.memory_space<vmem>> -> memref<1x128xf32, #tpu.memory_space<vmem>>
    tpu.enqueue_dma source(%dma_start3A_414 : memref<1x128xf32, #tpu.memory_space<vmem>>) target(%dma_start3A_412 : memref<1x128xf32, #tpu.memory_space<any>>) target_semaphore(%arg6 : memref<!tpu.dma_semaphore, #tpu.memory_space<semaphore_mem>>)
    %get3A_415 = arith.constant 51 : index
    %get3A_416 = memref.load %arg1[%get3A_415] : memref<128xi32, #tpu.memory_space<smem>>
    %get3A_417 = arith.constant 51 : index
    %get3A_418 = memref.load %arg0[%get3A_417] : memref<128xi32, #tpu.memory_space<smem>>
    %dma_start3A_419 = arith.constant 0 : i32
    %dma_start3A_420 = tpu.memref_slice %arg4[%get3A_418, %dma_start3A_419] : memref<100000x128xf32, #tpu.memory_space<any>> -> memref<1x128xf32, #tpu.memory_space<any>>
    %dma_start3A_421 = arith.constant 0 : i32
    %dma_start3A_422 = tpu.memref_slice %arg5[%get3A_416, %dma_start3A_421] : memref<128x128xf32, #tpu.memory_space<vmem>> -> memref<1x128xf32, #tpu.memory_space<vmem>>
    tpu.enqueue_dma source(%dma_start3A_422 : memref<1x128xf32, #tpu.memory_space<vmem>>) target(%dma_start3A_420 : memref<1x128xf32, #tpu.memory_space<any>>) target_semaphore(%arg6 : memref<!tpu.dma_semaphore, #tpu.memory_space<semaphore_mem>>)
    %get3A_423 = arith.constant 52 : index
    %get3A_424 = memref.load %arg1[%get3A_423] : memref<128xi32, #tpu.memory_space<smem>>
    %get3A_425 = arith.constant 52 : index
    %get3A_426 = memref.load %arg0[%get3A_425] : memref<128xi32, #tpu.memory_space<smem>>
    %dma_start3A_427 = arith.constant 0 : i32
    %dma_start3A_428 = tpu.memref_slice %arg4[%get3A_426, %dma_start3A_427] : memref<100000x128xf32, #tpu.memory_space<any>> -> memref<1x128xf32, #tpu.memory_space<any>>
    %dma_start3A_429 = arith.constant 0 : i32
    %dma_start3A_430 = tpu.memref_slice %arg5[%get3A_424, %dma_start3A_429] : memref<128x128xf32, #tpu.memory_space<vmem>> -> memref<1x128xf32, #tpu.memory_space<vmem>>
    tpu.enqueue_dma source(%dma_start3A_430 : memref<1x128xf32, #tpu.memory_space<vmem>>) target(%dma_start3A_428 : memref<1x128xf32, #tpu.memory_space<any>>) target_semaphore(%arg6 : memref<!tpu.dma_semaphore, #tpu.memory_space<semaphore_mem>>)
    %get3A_431 = arith.constant 53 : index
    %get3A_432 = memref.load %arg1[%get3A_431] : memref<128xi32, #tpu.memory_space<smem>>
    %get3A_433 = arith.constant 53 : index
    %get3A_434 = memref.load %arg0[%get3A_433] : memref<128xi32, #tpu.memory_space<smem>>
    %dma_start3A_435 = arith.constant 0 : i32
    %dma_start3A_436 = tpu.memref_slice %arg4[%get3A_434, %dma_start3A_435] : memref<100000x128xf32, #tpu.memory_space<any>> -> memref<1x128xf32, #tpu.memory_space<any>>
    %dma_start3A_437 = arith.constant 0 : i32
    %dma_start3A_438 = tpu.memref_slice %arg5[%get3A_432, %dma_start3A_437] : memref<128x128xf32, #tpu.memory_space<vmem>> -> memref<1x128xf32, #tpu.memory_space<vmem>>
    tpu.enqueue_dma source(%dma_start3A_438 : memref<1x128xf32, #tpu.memory_space<vmem>>) target(%dma_start3A_436 : memref<1x128xf32, #tpu.memory_space<any>>) target_semaphore(%arg6 : memref<!tpu.dma_semaphore, #tpu.memory_space<semaphore_mem>>)
    %get3A_439 = arith.constant 54 : index
    %get3A_440 = memref.load %arg1[%get3A_439] : memref<128xi32, #tpu.memory_space<smem>>
    %get3A_441 = arith.constant 54 : index
    %get3A_442 = memref.load %arg0[%get3A_441] : memref<128xi32, #tpu.memory_space<smem>>
    %dma_start3A_443 = arith.constant 0 : i32
    %dma_start3A_444 = tpu.memref_slice %arg4[%get3A_442, %dma_start3A_443] : memref<100000x128xf32, #tpu.memory_space<any>> -> memref<1x128xf32, #tpu.memory_space<any>>
    %dma_start3A_445 = arith.constant 0 : i32
    %dma_start3A_446 = tpu.memref_slice %arg5[%get3A_440, %dma_start3A_445] : memref<128x128xf32, #tpu.memory_space<vmem>> -> memref<1x128xf32, #tpu.memory_space<vmem>>
    tpu.enqueue_dma source(%dma_start3A_446 : memref<1x128xf32, #tpu.memory_space<vmem>>) target(%dma_start3A_444 : memref<1x128xf32, #tpu.memory_space<any>>) target_semaphore(%arg6 : memref<!tpu.dma_semaphore, #tpu.memory_space<semaphore_mem>>)
    %get3A_447 = arith.constant 55 : index
    %get3A_448 = memref.load %arg1[%get3A_447] : memref<128xi32, #tpu.memory_space<smem>>
    %get3A_449 = arith.constant 55 : index
    %get3A_450 = memref.load %arg0[%get3A_449] : memref<128xi32, #tpu.memory_space<smem>>
    %dma_start3A_451 = arith.constant 0 : i32
    %dma_start3A_452 = tpu.memref_slice %arg4[%get3A_450, %dma_start3A_451] : memref<100000x128xf32, #tpu.memory_space<any>> -> memref<1x128xf32, #tpu.memory_space<any>>
    %dma_start3A_453 = arith.constant 0 : i32
    %dma_start3A_454 = tpu.memref_slice %arg5[%get3A_448, %dma_start3A_453] : memref<128x128xf32, #tpu.memory_space<vmem>> -> memref<1x128xf32, #tpu.memory_space<vmem>>
    tpu.enqueue_dma source(%dma_start3A_454 : memref<1x128xf32, #tpu.memory_space<vmem>>) target(%dma_start3A_452 : memref<1x128xf32, #tpu.memory_space<any>>) target_semaphore(%arg6 : memref<!tpu.dma_semaphore, #tpu.memory_space<semaphore_mem>>)
    %get3A_455 = arith.constant 56 : index
    %get3A_456 = memref.load %arg1[%get3A_455] : memref<128xi32, #tpu.memory_space<smem>>
    %get3A_457 = arith.constant 56 : index
    %get3A_458 = memref.load %arg0[%get3A_457] : memref<128xi32, #tpu.memory_space<smem>>
    %dma_start3A_459 = arith.constant 0 : i32
    %dma_start3A_460 = tpu.memref_slice %arg4[%get3A_458, %dma_start3A_459] : memref<100000x128xf32, #tpu.memory_space<any>> -> memref<1x128xf32, #tpu.memory_space<any>>
    %dma_start3A_461 = arith.constant 0 : i32
    %dma_start3A_462 = tpu.memref_slice %arg5[%get3A_456, %dma_start3A_461] : memref<128x128xf32, #tpu.memory_space<vmem>> -> memref<1x128xf32, #tpu.memory_space<vmem>>
    tpu.enqueue_dma source(%dma_start3A_462 : memref<1x128xf32, #tpu.memory_space<vmem>>) target(%dma_start3A_460 : memref<1x128xf32, #tpu.memory_space<any>>) target_semaphore(%arg6 : memref<!tpu.dma_semaphore, #tpu.memory_space<semaphore_mem>>)
    %get3A_463 = arith.constant 57 : index
    %get3A_464 = memref.load %arg1[%get3A_463] : memref<128xi32, #tpu.memory_space<smem>>
    %get3A_465 = arith.constant 57 : index
    %get3A_466 = memref.load %arg0[%get3A_465] : memref<128xi32, #tpu.memory_space<smem>>
    %dma_start3A_467 = arith.constant 0 : i32
    %dma_start3A_468 = tpu.memref_slice %arg4[%get3A_466, %dma_start3A_467] : memref<100000x128xf32, #tpu.memory_space<any>> -> memref<1x128xf32, #tpu.memory_space<any>>
    %dma_start3A_469 = arith.constant 0 : i32
    %dma_start3A_470 = tpu.memref_slice %arg5[%get3A_464, %dma_start3A_469] : memref<128x128xf32, #tpu.memory_space<vmem>> -> memref<1x128xf32, #tpu.memory_space<vmem>>
    tpu.enqueue_dma source(%dma_start3A_470 : memref<1x128xf32, #tpu.memory_space<vmem>>) target(%dma_start3A_468 : memref<1x128xf32, #tpu.memory_space<any>>) target_semaphore(%arg6 : memref<!tpu.dma_semaphore, #tpu.memory_space<semaphore_mem>>)
    %get3A_471 = arith.constant 58 : index
    %get3A_472 = memref.load %arg1[%get3A_471] : memref<128xi32, #tpu.memory_space<smem>>
    %get3A_473 = arith.constant 58 : index
    %get3A_474 = memref.load %arg0[%get3A_473] : memref<128xi32, #tpu.memory_space<smem>>
    %dma_start3A_475 = arith.constant 0 : i32
    %dma_start3A_476 = tpu.memref_slice %arg4[%get3A_474, %dma_start3A_475] : memref<100000x128xf32, #tpu.memory_space<any>> -> memref<1x128xf32, #tpu.memory_space<any>>
    %dma_start3A_477 = arith.constant 0 : i32
    %dma_start3A_478 = tpu.memref_slice %arg5[%get3A_472, %dma_start3A_477] : memref<128x128xf32, #tpu.memory_space<vmem>> -> memref<1x128xf32, #tpu.memory_space<vmem>>
    tpu.enqueue_dma source(%dma_start3A_478 : memref<1x128xf32, #tpu.memory_space<vmem>>) target(%dma_start3A_476 : memref<1x128xf32, #tpu.memory_space<any>>) target_semaphore(%arg6 : memref<!tpu.dma_semaphore, #tpu.memory_space<semaphore_mem>>)
    %get3A_479 = arith.constant 59 : index
    %get3A_480 = memref.load %arg1[%get3A_479] : memref<128xi32, #tpu.memory_space<smem>>
    %get3A_481 = arith.constant 59 : index
    %get3A_482 = memref.load %arg0[%get3A_481] : memref<128xi32, #tpu.memory_space<smem>>
    %dma_start3A_483 = arith.constant 0 : i32
    %dma_start3A_484 = tpu.memref_slice %arg4[%get3A_482, %dma_start3A_483] : memref<100000x128xf32, #tpu.memory_space<any>> -> memref<1x128xf32, #tpu.memory_space<any>>
    %dma_start3A_485 = arith.constant 0 : i32
    %dma_start3A_486 = tpu.memref_slice %arg5[%get3A_480, %dma_start3A_485] : memref<128x128xf32, #tpu.memory_space<vmem>> -> memref<1x128xf32, #tpu.memory_space<vmem>>
    tpu.enqueue_dma source(%dma_start3A_486 : memref<1x128xf32, #tpu.memory_space<vmem>>) target(%dma_start3A_484 : memref<1x128xf32, #tpu.memory_space<any>>) target_semaphore(%arg6 : memref<!tpu.dma_semaphore, #tpu.memory_space<semaphore_mem>>)
    %get3A_487 = arith.constant 60 : index
    %get3A_488 = memref.load %arg1[%get3A_487] : memref<128xi32, #tpu.memory_space<smem>>
    %get3A_489 = arith.constant 60 : index
    %get3A_490 = memref.load %arg0[%get3A_489] : memref<128xi32, #tpu.memory_space<smem>>
    %dma_start3A_491 = arith.constant 0 : i32
    %dma_start3A_492 = tpu.memref_slice %arg4[%get3A_490, %dma_start3A_491] : memref<100000x128xf32, #tpu.memory_space<any>> -> memref<1x128xf32, #tpu.memory_space<any>>
    %dma_start3A_493 = arith.constant 0 : i32
    %dma_start3A_494 = tpu.memref_slice %arg5[%get3A_488, %dma_start3A_493] : memref<128x128xf32, #tpu.memory_space<vmem>> -> memref<1x128xf32, #tpu.memory_space<vmem>>
    tpu.enqueue_dma source(%dma_start3A_494 : memref<1x128xf32, #tpu.memory_space<vmem>>) target(%dma_start3A_492 : memref<1x128xf32, #tpu.memory_space<any>>) target_semaphore(%arg6 : memref<!tpu.dma_semaphore, #tpu.memory_space<semaphore_mem>>)
    %get3A_495 = arith.constant 61 : index
    %get3A_496 = memref.load %arg1[%get3A_495] : memref<128xi32, #tpu.memory_space<smem>>
    %get3A_497 = arith.constant 61 : index
    %get3A_498 = memref.load %arg0[%get3A_497] : memref<128xi32, #tpu.memory_space<smem>>
    %dma_start3A_499 = arith.constant 0 : i32
    %dma_start3A_500 = tpu.memref_slice %arg4[%get3A_498, %dma_start3A_499] : memref<100000x128xf32, #tpu.memory_space<any>> -> memref<1x128xf32, #tpu.memory_space<any>>
    %dma_start3A_501 = arith.constant 0 : i32
    %dma_start3A_502 = tpu.memref_slice %arg5[%get3A_496, %dma_start3A_501] : memref<128x128xf32, #tpu.memory_space<vmem>> -> memref<1x128xf32, #tpu.memory_space<vmem>>
    tpu.enqueue_dma source(%dma_start3A_502 : memref<1x128xf32, #tpu.memory_space<vmem>>) target(%dma_start3A_500 : memref<1x128xf32, #tpu.memory_space<any>>) target_semaphore(%arg6 : memref<!tpu.dma_semaphore, #tpu.memory_space<semaphore_mem>>)
    %get3A_503 = arith.constant 62 : index
    %get3A_504 = memref.load %arg1[%get3A_503] : memref<128xi32, #tpu.memory_space<smem>>
    %get3A_505 = arith.constant 62 : index
    %get3A_506 = memref.load %arg0[%get3A_505] : memref<128xi32, #tpu.memory_space<smem>>
    %dma_start3A_507 = arith.constant 0 : i32
    %dma_start3A_508 = tpu.memref_slice %arg4[%get3A_506, %dma_start3A_507] : memref<100000x128xf32, #tpu.memory_space<any>> -> memref<1x128xf32, #tpu.memory_space<any>>
    %dma_start3A_509 = arith.constant 0 : i32
    %dma_start3A_510 = tpu.memref_slice %arg5[%get3A_504, %dma_start3A_509] : memref<128x128xf32, #tpu.memory_space<vmem>> -> memref<1x128xf32, #tpu.memory_space<vmem>>
    tpu.enqueue_dma source(%dma_start3A_510 : memref<1x128xf32, #tpu.memory_space<vmem>>) target(%dma_start3A_508 : memref<1x128xf32, #tpu.memory_space<any>>) target_semaphore(%arg6 : memref<!tpu.dma_semaphore, #tpu.memory_space<semaphore_mem>>)
    %get3A_511 = arith.constant 63 : index
    %get3A_512 = memref.load %arg1[%get3A_511] : memref<128xi32, #tpu.memory_space<smem>>
    %get3A_513 = arith.constant 63 : index
    %get3A_514 = memref.load %arg0[%get3A_513] : memref<128xi32, #tpu.memory_space<smem>>
    %dma_start3A_515 = arith.constant 0 : i32
    %dma_start3A_516 = tpu.memref_slice %arg4[%get3A_514, %dma_start3A_515] : memref<100000x128xf32, #tpu.memory_space<any>> -> memref<1x128xf32, #tpu.memory_space<any>>
    %dma_start3A_517 = arith.constant 0 : i32
    %dma_start3A_518 = tpu.memref_slice %arg5[%get3A_512, %dma_start3A_517] : memref<128x128xf32, #tpu.memory_space<vmem>> -> memref<1x128xf32, #tpu.memory_space<vmem>>
    tpu.enqueue_dma source(%dma_start3A_518 : memref<1x128xf32, #tpu.memory_space<vmem>>) target(%dma_start3A_516 : memref<1x128xf32, #tpu.memory_space<any>>) target_semaphore(%arg6 : memref<!tpu.dma_semaphore, #tpu.memory_space<semaphore_mem>>)
    %get3A_519 = arith.constant 64 : index
    %get3A_520 = memref.load %arg1[%get3A_519] : memref<128xi32, #tpu.memory_space<smem>>
    %get3A_521 = arith.constant 64 : index
    %get3A_522 = memref.load %arg0[%get3A_521] : memref<128xi32, #tpu.memory_space<smem>>
    %dma_start3A_523 = arith.constant 0 : i32
    %dma_start3A_524 = tpu.memref_slice %arg4[%get3A_522, %dma_start3A_523] : memref<100000x128xf32, #tpu.memory_space<any>> -> memref<1x128xf32, #tpu.memory_space<any>>
    %dma_start3A_525 = arith.constant 0 : i32
    %dma_start3A_526 = tpu.memref_slice %arg5[%get3A_520, %dma_start3A_525] : memref<128x128xf32, #tpu.memory_space<vmem>> -> memref<1x128xf32, #tpu.memory_space<vmem>>
    tpu.enqueue_dma source(%dma_start3A_526 : memref<1x128xf32, #tpu.memory_space<vmem>>) target(%dma_start3A_524 : memref<1x128xf32, #tpu.memory_space<any>>) target_semaphore(%arg6 : memref<!tpu.dma_semaphore, #tpu.memory_space<semaphore_mem>>)
    %get3A_527 = arith.constant 65 : index
    %get3A_528 = memref.load %arg1[%get3A_527] : memref<128xi32, #tpu.memory_space<smem>>
    %get3A_529 = arith.constant 65 : index
    %get3A_530 = memref.load %arg0[%get3A_529] : memref<128xi32, #tpu.memory_space<smem>>
    %dma_start3A_531 = arith.constant 0 : i32
    %dma_start3A_532 = tpu.memref_slice %arg4[%get3A_530, %dma_start3A_531] : memref<100000x128xf32, #tpu.memory_space<any>> -> memref<1x128xf32, #tpu.memory_space<any>>
    %dma_start3A_533 = arith.constant 0 : i32
    %dma_start3A_534 = tpu.memref_slice %arg5[%get3A_528, %dma_start3A_533] : memref<128x128xf32, #tpu.memory_space<vmem>> -> memref<1x128xf32, #tpu.memory_space<vmem>>
    tpu.enqueue_dma source(%dma_start3A_534 : memref<1x128xf32, #tpu.memory_space<vmem>>) target(%dma_start3A_532 : memref<1x128xf32, #tpu.memory_space<any>>) target_semaphore(%arg6 : memref<!tpu.dma_semaphore, #tpu.memory_space<semaphore_mem>>)
    %get3A_535 = arith.constant 66 : index
    %get3A_536 = memref.load %arg1[%get3A_535] : memref<128xi32, #tpu.memory_space<smem>>
    %get3A_537 = arith.constant 66 : index
    %get3A_538 = memref.load %arg0[%get3A_537] : memref<128xi32, #tpu.memory_space<smem>>
    %dma_start3A_539 = arith.constant 0 : i32
    %dma_start3A_540 = tpu.memref_slice %arg4[%get3A_538, %dma_start3A_539] : memref<100000x128xf32, #tpu.memory_space<any>> -> memref<1x128xf32, #tpu.memory_space<any>>
    %dma_start3A_541 = arith.constant 0 : i32
    %dma_start3A_542 = tpu.memref_slice %arg5[%get3A_536, %dma_start3A_541] : memref<128x128xf32, #tpu.memory_space<vmem>> -> memref<1x128xf32, #tpu.memory_space<vmem>>
    tpu.enqueue_dma source(%dma_start3A_542 : memref<1x128xf32, #tpu.memory_space<vmem>>) target(%dma_start3A_540 : memref<1x128xf32, #tpu.memory_space<any>>) target_semaphore(%arg6 : memref<!tpu.dma_semaphore, #tpu.memory_space<semaphore_mem>>)
    %get3A_543 = arith.constant 67 : index
    %get3A_544 = memref.load %arg1[%get3A_543] : memref<128xi32, #tpu.memory_space<smem>>
    %get3A_545 = arith.constant 67 : index
    %get3A_546 = memref.load %arg0[%get3A_545] : memref<128xi32, #tpu.memory_space<smem>>
    %dma_start3A_547 = arith.constant 0 : i32
    %dma_start3A_548 = tpu.memref_slice %arg4[%get3A_546, %dma_start3A_547] : memref<100000x128xf32, #tpu.memory_space<any>> -> memref<1x128xf32, #tpu.memory_space<any>>
    %dma_start3A_549 = arith.constant 0 : i32
    %dma_start3A_550 = tpu.memref_slice %arg5[%get3A_544, %dma_start3A_549] : memref<128x128xf32, #tpu.memory_space<vmem>> -> memref<1x128xf32, #tpu.memory_space<vmem>>
    tpu.enqueue_dma source(%dma_start3A_550 : memref<1x128xf32, #tpu.memory_space<vmem>>) target(%dma_start3A_548 : memref<1x128xf32, #tpu.memory_space<any>>) target_semaphore(%arg6 : memref<!tpu.dma_semaphore, #tpu.memory_space<semaphore_mem>>)
    %get3A_551 = arith.constant 68 : index
    %get3A_552 = memref.load %arg1[%get3A_551] : memref<128xi32, #tpu.memory_space<smem>>
    %get3A_553 = arith.constant 68 : index
    %get3A_554 = memref.load %arg0[%get3A_553] : memref<128xi32, #tpu.memory_space<smem>>
    %dma_start3A_555 = arith.constant 0 : i32
    %dma_start3A_556 = tpu.memref_slice %arg4[%get3A_554, %dma_start3A_555] : memref<100000x128xf32, #tpu.memory_space<any>> -> memref<1x128xf32, #tpu.memory_space<any>>
    %dma_start3A_557 = arith.constant 0 : i32
    %dma_start3A_558 = tpu.memref_slice %arg5[%get3A_552, %dma_start3A_557] : memref<128x128xf32, #tpu.memory_space<vmem>> -> memref<1x128xf32, #tpu.memory_space<vmem>>
    tpu.enqueue_dma source(%dma_start3A_558 : memref<1x128xf32, #tpu.memory_space<vmem>>) target(%dma_start3A_556 : memref<1x128xf32, #tpu.memory_space<any>>) target_semaphore(%arg6 : memref<!tpu.dma_semaphore, #tpu.memory_space<semaphore_mem>>)
    %get3A_559 = arith.constant 69 : index
    %get3A_560 = memref.load %arg1[%get3A_559] : memref<128xi32, #tpu.memory_space<smem>>
    %get3A_561 = arith.constant 69 : index
    %get3A_562 = memref.load %arg0[%get3A_561] : memref<128xi32, #tpu.memory_space<smem>>
    %dma_start3A_563 = arith.constant 0 : i32
    %dma_start3A_564 = tpu.memref_slice %arg4[%get3A_562, %dma_start3A_563] : memref<100000x128xf32, #tpu.memory_space<any>> -> memref<1x128xf32, #tpu.memory_space<any>>
    %dma_start3A_565 = arith.constant 0 : i32
    %dma_start3A_566 = tpu.memref_slice %arg5[%get3A_560, %dma_start3A_565] : memref<128x128xf32, #tpu.memory_space<vmem>> -> memref<1x128xf32, #tpu.memory_space<vmem>>
    tpu.enqueue_dma source(%dma_start3A_566 : memref<1x128xf32, #tpu.memory_space<vmem>>) target(%dma_start3A_564 : memref<1x128xf32, #tpu.memory_space<any>>) target_semaphore(%arg6 : memref<!tpu.dma_semaphore, #tpu.memory_space<semaphore_mem>>)
    %get3A_567 = arith.constant 70 : index
    %get3A_568 = memref.load %arg1[%get3A_567] : memref<128xi32, #tpu.memory_space<smem>>
    %get3A_569 = arith.constant 70 : index
    %get3A_570 = memref.load %arg0[%get3A_569] : memref<128xi32, #tpu.memory_space<smem>>
    %dma_start3A_571 = arith.constant 0 : i32
    %dma_start3A_572 = tpu.memref_slice %arg4[%get3A_570, %dma_start3A_571] : memref<100000x128xf32, #tpu.memory_space<any>> -> memref<1x128xf32, #tpu.memory_space<any>>
    %dma_start3A_573 = arith.constant 0 : i32
    %dma_start3A_574 = tpu.memref_slice %arg5[%get3A_568, %dma_start3A_573] : memref<128x128xf32, #tpu.memory_space<vmem>> -> memref<1x128xf32, #tpu.memory_space<vmem>>
    tpu.enqueue_dma source(%dma_start3A_574 : memref<1x128xf32, #tpu.memory_space<vmem>>) target(%dma_start3A_572 : memref<1x128xf32, #tpu.memory_space<any>>) target_semaphore(%arg6 : memref<!tpu.dma_semaphore, #tpu.memory_space<semaphore_mem>>)
    %get3A_575 = arith.constant 71 : index
    %get3A_576 = memref.load %arg1[%get3A_575] : memref<128xi32, #tpu.memory_space<smem>>
    %get3A_577 = arith.constant 71 : index
    %get3A_578 = memref.load %arg0[%get3A_577] : memref<128xi32, #tpu.memory_space<smem>>
    %dma_start3A_579 = arith.constant 0 : i32
    %dma_start3A_580 = tpu.memref_slice %arg4[%get3A_578, %dma_start3A_579] : memref<100000x128xf32, #tpu.memory_space<any>> -> memref<1x128xf32, #tpu.memory_space<any>>
    %dma_start3A_581 = arith.constant 0 : i32
    %dma_start3A_582 = tpu.memref_slice %arg5[%get3A_576, %dma_start3A_581] : memref<128x128xf32, #tpu.memory_space<vmem>> -> memref<1x128xf32, #tpu.memory_space<vmem>>
    tpu.enqueue_dma source(%dma_start3A_582 : memref<1x128xf32, #tpu.memory_space<vmem>>) target(%dma_start3A_580 : memref<1x128xf32, #tpu.memory_space<any>>) target_semaphore(%arg6 : memref<!tpu.dma_semaphore, #tpu.memory_space<semaphore_mem>>)
    %get3A_583 = arith.constant 72 : index
    %get3A_584 = memref.load %arg1[%get3A_583] : memref<128xi32, #tpu.memory_space<smem>>
    %get3A_585 = arith.constant 72 : index
    %get3A_586 = memref.load %arg0[%get3A_585] : memref<128xi32, #tpu.memory_space<smem>>
    %dma_start3A_587 = arith.constant 0 : i32
    %dma_start3A_588 = tpu.memref_slice %arg4[%get3A_586, %dma_start3A_587] : memref<100000x128xf32, #tpu.memory_space<any>> -> memref<1x128xf32, #tpu.memory_space<any>>
    %dma_start3A_589 = arith.constant 0 : i32
    %dma_start3A_590 = tpu.memref_slice %arg5[%get3A_584, %dma_start3A_589] : memref<128x128xf32, #tpu.memory_space<vmem>> -> memref<1x128xf32, #tpu.memory_space<vmem>>
    tpu.enqueue_dma source(%dma_start3A_590 : memref<1x128xf32, #tpu.memory_space<vmem>>) target(%dma_start3A_588 : memref<1x128xf32, #tpu.memory_space<any>>) target_semaphore(%arg6 : memref<!tpu.dma_semaphore, #tpu.memory_space<semaphore_mem>>)
    %get3A_591 = arith.constant 73 : index
    %get3A_592 = memref.load %arg1[%get3A_591] : memref<128xi32, #tpu.memory_space<smem>>
    %get3A_593 = arith.constant 73 : index
    %get3A_594 = memref.load %arg0[%get3A_593] : memref<128xi32, #tpu.memory_space<smem>>
    %dma_start3A_595 = arith.constant 0 : i32
    %dma_start3A_596 = tpu.memref_slice %arg4[%get3A_594, %dma_start3A_595] : memref<100000x128xf32, #tpu.memory_space<any>> -> memref<1x128xf32, #tpu.memory_space<any>>
    %dma_start3A_597 = arith.constant 0 : i32
    %dma_start3A_598 = tpu.memref_slice %arg5[%get3A_592, %dma_start3A_597] : memref<128x128xf32, #tpu.memory_space<vmem>> -> memref<1x128xf32, #tpu.memory_space<vmem>>
    tpu.enqueue_dma source(%dma_start3A_598 : memref<1x128xf32, #tpu.memory_space<vmem>>) target(%dma_start3A_596 : memref<1x128xf32, #tpu.memory_space<any>>) target_semaphore(%arg6 : memref<!tpu.dma_semaphore, #tpu.memory_space<semaphore_mem>>)
    %get3A_599 = arith.constant 74 : index
    %get3A_600 = memref.load %arg1[%get3A_599] : memref<128xi32, #tpu.memory_space<smem>>
    %get3A_601 = arith.constant 74 : index
    %get3A_602 = memref.load %arg0[%get3A_601] : memref<128xi32, #tpu.memory_space<smem>>
    %dma_start3A_603 = arith.constant 0 : i32
    %dma_start3A_604 = tpu.memref_slice %arg4[%get3A_602, %dma_start3A_603] : memref<100000x128xf32, #tpu.memory_space<any>> -> memref<1x128xf32, #tpu.memory_space<any>>
    %dma_start3A_605 = arith.constant 0 : i32
    %dma_start3A_606 = tpu.memref_slice %arg5[%get3A_600, %dma_start3A_605] : memref<128x128xf32, #tpu.memory_space<vmem>> -> memref<1x128xf32, #tpu.memory_space<vmem>>
    tpu.enqueue_dma source(%dma_start3A_606 : memref<1x128xf32, #tpu.memory_space<vmem>>) target(%dma_start3A_604 : memref<1x128xf32, #tpu.memory_space<any>>) target_semaphore(%arg6 : memref<!tpu.dma_semaphore, #tpu.memory_space<semaphore_mem>>)
    %get3A_607 = arith.constant 75 : index
    %get3A_608 = memref.load %arg1[%get3A_607] : memref<128xi32, #tpu.memory_space<smem>>
    %get3A_609 = arith.constant 75 : index
    %get3A_610 = memref.load %arg0[%get3A_609] : memref<128xi32, #tpu.memory_space<smem>>
    %dma_start3A_611 = arith.constant 0 : i32
    %dma_start3A_612 = tpu.memref_slice %arg4[%get3A_610, %dma_start3A_611] : memref<100000x128xf32, #tpu.memory_space<any>> -> memref<1x128xf32, #tpu.memory_space<any>>
    %dma_start3A_613 = arith.constant 0 : i32
    %dma_start3A_614 = tpu.memref_slice %arg5[%get3A_608, %dma_start3A_613] : memref<128x128xf32, #tpu.memory_space<vmem>> -> memref<1x128xf32, #tpu.memory_space<vmem>>
    tpu.enqueue_dma source(%dma_start3A_614 : memref<1x128xf32, #tpu.memory_space<vmem>>) target(%dma_start3A_612 : memref<1x128xf32, #tpu.memory_space<any>>) target_semaphore(%arg6 : memref<!tpu.dma_semaphore, #tpu.memory_space<semaphore_mem>>)
    %get3A_615 = arith.constant 76 : index
    %get3A_616 = memref.load %arg1[%get3A_615] : memref<128xi32, #tpu.memory_space<smem>>
    %get3A_617 = arith.constant 76 : index
    %get3A_618 = memref.load %arg0[%get3A_617] : memref<128xi32, #tpu.memory_space<smem>>
    %dma_start3A_619 = arith.constant 0 : i32
    %dma_start3A_620 = tpu.memref_slice %arg4[%get3A_618, %dma_start3A_619] : memref<100000x128xf32, #tpu.memory_space<any>> -> memref<1x128xf32, #tpu.memory_space<any>>
    %dma_start3A_621 = arith.constant 0 : i32
    %dma_start3A_622 = tpu.memref_slice %arg5[%get3A_616, %dma_start3A_621] : memref<128x128xf32, #tpu.memory_space<vmem>> -> memref<1x128xf32, #tpu.memory_space<vmem>>
    tpu.enqueue_dma source(%dma_start3A_622 : memref<1x128xf32, #tpu.memory_space<vmem>>) target(%dma_start3A_620 : memref<1x128xf32, #tpu.memory_space<any>>) target_semaphore(%arg6 : memref<!tpu.dma_semaphore, #tpu.memory_space<semaphore_mem>>)
    %get3A_623 = arith.constant 77 : index
    %get3A_624 = memref.load %arg1[%get3A_623] : memref<128xi32, #tpu.memory_space<smem>>
    %get3A_625 = arith.constant 77 : index
    %get3A_626 = memref.load %arg0[%get3A_625] : memref<128xi32, #tpu.memory_space<smem>>
    %dma_start3A_627 = arith.constant 0 : i32
    %dma_start3A_628 = tpu.memref_slice %arg4[%get3A_626, %dma_start3A_627] : memref<100000x128xf32, #tpu.memory_space<any>> -> memref<1x128xf32, #tpu.memory_space<any>>
    %dma_start3A_629 = arith.constant 0 : i32
    %dma_start3A_630 = tpu.memref_slice %arg5[%get3A_624, %dma_start3A_629] : memref<128x128xf32, #tpu.memory_space<vmem>> -> memref<1x128xf32, #tpu.memory_space<vmem>>
    tpu.enqueue_dma source(%dma_start3A_630 : memref<1x128xf32, #tpu.memory_space<vmem>>) target(%dma_start3A_628 : memref<1x128xf32, #tpu.memory_space<any>>) target_semaphore(%arg6 : memref<!tpu.dma_semaphore, #tpu.memory_space<semaphore_mem>>)
    %get3A_631 = arith.constant 78 : index
    %get3A_632 = memref.load %arg1[%get3A_631] : memref<128xi32, #tpu.memory_space<smem>>
    %get3A_633 = arith.constant 78 : index
    %get3A_634 = memref.load %arg0[%get3A_633] : memref<128xi32, #tpu.memory_space<smem>>
    %dma_start3A_635 = arith.constant 0 : i32
    %dma_start3A_636 = tpu.memref_slice %arg4[%get3A_634, %dma_start3A_635] : memref<100000x128xf32, #tpu.memory_space<any>> -> memref<1x128xf32, #tpu.memory_space<any>>
    %dma_start3A_637 = arith.constant 0 : i32
    %dma_start3A_638 = tpu.memref_slice %arg5[%get3A_632, %dma_start3A_637] : memref<128x128xf32, #tpu.memory_space<vmem>> -> memref<1x128xf32, #tpu.memory_space<vmem>>
    tpu.enqueue_dma source(%dma_start3A_638 : memref<1x128xf32, #tpu.memory_space<vmem>>) target(%dma_start3A_636 : memref<1x128xf32, #tpu.memory_space<any>>) target_semaphore(%arg6 : memref<!tpu.dma_semaphore, #tpu.memory_space<semaphore_mem>>)
    %get3A_639 = arith.constant 79 : index
    %get3A_640 = memref.load %arg1[%get3A_639] : memref<128xi32, #tpu.memory_space<smem>>
    %get3A_641 = arith.constant 79 : index
    %get3A_642 = memref.load %arg0[%get3A_641] : memref<128xi32, #tpu.memory_space<smem>>
    %dma_start3A_643 = arith.constant 0 : i32
    %dma_start3A_644 = tpu.memref_slice %arg4[%get3A_642, %dma_start3A_643] : memref<100000x128xf32, #tpu.memory_space<any>> -> memref<1x128xf32, #tpu.memory_space<any>>
    %dma_start3A_645 = arith.constant 0 : i32
    %dma_start3A_646 = tpu.memref_slice %arg5[%get3A_640, %dma_start3A_645] : memref<128x128xf32, #tpu.memory_space<vmem>> -> memref<1x128xf32, #tpu.memory_space<vmem>>
    tpu.enqueue_dma source(%dma_start3A_646 : memref<1x128xf32, #tpu.memory_space<vmem>>) target(%dma_start3A_644 : memref<1x128xf32, #tpu.memory_space<any>>) target_semaphore(%arg6 : memref<!tpu.dma_semaphore, #tpu.memory_space<semaphore_mem>>)
    %get3A_647 = arith.constant 80 : index
    %get3A_648 = memref.load %arg1[%get3A_647] : memref<128xi32, #tpu.memory_space<smem>>
    %get3A_649 = arith.constant 80 : index
    %get3A_650 = memref.load %arg0[%get3A_649] : memref<128xi32, #tpu.memory_space<smem>>
    %dma_start3A_651 = arith.constant 0 : i32
    %dma_start3A_652 = tpu.memref_slice %arg4[%get3A_650, %dma_start3A_651] : memref<100000x128xf32, #tpu.memory_space<any>> -> memref<1x128xf32, #tpu.memory_space<any>>
    %dma_start3A_653 = arith.constant 0 : i32
    %dma_start3A_654 = tpu.memref_slice %arg5[%get3A_648, %dma_start3A_653] : memref<128x128xf32, #tpu.memory_space<vmem>> -> memref<1x128xf32, #tpu.memory_space<vmem>>
    tpu.enqueue_dma source(%dma_start3A_654 : memref<1x128xf32, #tpu.memory_space<vmem>>) target(%dma_start3A_652 : memref<1x128xf32, #tpu.memory_space<any>>) target_semaphore(%arg6 : memref<!tpu.dma_semaphore, #tpu.memory_space<semaphore_mem>>)
    %get3A_655 = arith.constant 81 : index
    %get3A_656 = memref.load %arg1[%get3A_655] : memref<128xi32, #tpu.memory_space<smem>>
    %get3A_657 = arith.constant 81 : index
    %get3A_658 = memref.load %arg0[%get3A_657] : memref<128xi32, #tpu.memory_space<smem>>
    %dma_start3A_659 = arith.constant 0 : i32
    %dma_start3A_660 = tpu.memref_slice %arg4[%get3A_658, %dma_start3A_659] : memref<100000x128xf32, #tpu.memory_space<any>> -> memref<1x128xf32, #tpu.memory_space<any>>
    %dma_start3A_661 = arith.constant 0 : i32
    %dma_start3A_662 = tpu.memref_slice %arg5[%get3A_656, %dma_start3A_661] : memref<128x128xf32, #tpu.memory_space<vmem>> -> memref<1x128xf32, #tpu.memory_space<vmem>>
    tpu.enqueue_dma source(%dma_start3A_662 : memref<1x128xf32, #tpu.memory_space<vmem>>) target(%dma_start3A_660 : memref<1x128xf32, #tpu.memory_space<any>>) target_semaphore(%arg6 : memref<!tpu.dma_semaphore, #tpu.memory_space<semaphore_mem>>)
    %get3A_663 = arith.constant 82 : index
    %get3A_664 = memref.load %arg1[%get3A_663] : memref<128xi32, #tpu.memory_space<smem>>
    %get3A_665 = arith.constant 82 : index
    %get3A_666 = memref.load %arg0[%get3A_665] : memref<128xi32, #tpu.memory_space<smem>>
    %dma_start3A_667 = arith.constant 0 : i32
    %dma_start3A_668 = tpu.memref_slice %arg4[%get3A_666, %dma_start3A_667] : memref<100000x128xf32, #tpu.memory_space<any>> -> memref<1x128xf32, #tpu.memory_space<any>>
    %dma_start3A_669 = arith.constant 0 : i32
    %dma_start3A_670 = tpu.memref_slice %arg5[%get3A_664, %dma_start3A_669] : memref<128x128xf32, #tpu.memory_space<vmem>> -> memref<1x128xf32, #tpu.memory_space<vmem>>
    tpu.enqueue_dma source(%dma_start3A_670 : memref<1x128xf32, #tpu.memory_space<vmem>>) target(%dma_start3A_668 : memref<1x128xf32, #tpu.memory_space<any>>) target_semaphore(%arg6 : memref<!tpu.dma_semaphore, #tpu.memory_space<semaphore_mem>>)
    %get3A_671 = arith.constant 83 : index
    %get3A_672 = memref.load %arg1[%get3A_671] : memref<128xi32, #tpu.memory_space<smem>>
    %get3A_673 = arith.constant 83 : index
    %get3A_674 = memref.load %arg0[%get3A_673] : memref<128xi32, #tpu.memory_space<smem>>
    %dma_start3A_675 = arith.constant 0 : i32
    %dma_start3A_676 = tpu.memref_slice %arg4[%get3A_674, %dma_start3A_675] : memref<100000x128xf32, #tpu.memory_space<any>> -> memref<1x128xf32, #tpu.memory_space<any>>
    %dma_start3A_677 = arith.constant 0 : i32
    %dma_start3A_678 = tpu.memref_slice %arg5[%get3A_672, %dma_start3A_677] : memref<128x128xf32, #tpu.memory_space<vmem>> -> memref<1x128xf32, #tpu.memory_space<vmem>>
    tpu.enqueue_dma source(%dma_start3A_678 : memref<1x128xf32, #tpu.memory_space<vmem>>) target(%dma_start3A_676 : memref<1x128xf32, #tpu.memory_space<any>>) target_semaphore(%arg6 : memref<!tpu.dma_semaphore, #tpu.memory_space<semaphore_mem>>)
    %get3A_679 = arith.constant 84 : index
    %get3A_680 = memref.load %arg1[%get3A_679] : memref<128xi32, #tpu.memory_space<smem>>
    %get3A_681 = arith.constant 84 : index
    %get3A_682 = memref.load %arg0[%get3A_681] : memref<128xi32, #tpu.memory_space<smem>>
    %dma_start3A_683 = arith.constant 0 : i32
    %dma_start3A_684 = tpu.memref_slice %arg4[%get3A_682, %dma_start3A_683] : memref<100000x128xf32, #tpu.memory_space<any>> -> memref<1x128xf32, #tpu.memory_space<any>>
    %dma_start3A_685 = arith.constant 0 : i32
    %dma_start3A_686 = tpu.memref_slice %arg5[%get3A_680, %dma_start3A_685] : memref<128x128xf32, #tpu.memory_space<vmem>> -> memref<1x128xf32, #tpu.memory_space<vmem>>
    tpu.enqueue_dma source(%dma_start3A_686 : memref<1x128xf32, #tpu.memory_space<vmem>>) target(%dma_start3A_684 : memref<1x128xf32, #tpu.memory_space<any>>) target_semaphore(%arg6 : memref<!tpu.dma_semaphore, #tpu.memory_space<semaphore_mem>>)
    %get3A_687 = arith.constant 85 : index
    %get3A_688 = memref.load %arg1[%get3A_687] : memref<128xi32, #tpu.memory_space<smem>>
    %get3A_689 = arith.constant 85 : index
    %get3A_690 = memref.load %arg0[%get3A_689] : memref<128xi32, #tpu.memory_space<smem>>
    %dma_start3A_691 = arith.constant 0 : i32
    %dma_start3A_692 = tpu.memref_slice %arg4[%get3A_690, %dma_start3A_691] : memref<100000x128xf32, #tpu.memory_space<any>> -> memref<1x128xf32, #tpu.memory_space<any>>
    %dma_start3A_693 = arith.constant 0 : i32
    %dma_start3A_694 = tpu.memref_slice %arg5[%get3A_688, %dma_start3A_693] : memref<128x128xf32, #tpu.memory_space<vmem>> -> memref<1x128xf32, #tpu.memory_space<vmem>>
    tpu.enqueue_dma source(%dma_start3A_694 : memref<1x128xf32, #tpu.memory_space<vmem>>) target(%dma_start3A_692 : memref<1x128xf32, #tpu.memory_space<any>>) target_semaphore(%arg6 : memref<!tpu.dma_semaphore, #tpu.memory_space<semaphore_mem>>)
    %get3A_695 = arith.constant 86 : index
    %get3A_696 = memref.load %arg1[%get3A_695] : memref<128xi32, #tpu.memory_space<smem>>
    %get3A_697 = arith.constant 86 : index
    %get3A_698 = memref.load %arg0[%get3A_697] : memref<128xi32, #tpu.memory_space<smem>>
    %dma_start3A_699 = arith.constant 0 : i32
    %dma_start3A_700 = tpu.memref_slice %arg4[%get3A_698, %dma_start3A_699] : memref<100000x128xf32, #tpu.memory_space<any>> -> memref<1x128xf32, #tpu.memory_space<any>>
    %dma_start3A_701 = arith.constant 0 : i32
    %dma_start3A_702 = tpu.memref_slice %arg5[%get3A_696, %dma_start3A_701] : memref<128x128xf32, #tpu.memory_space<vmem>> -> memref<1x128xf32, #tpu.memory_space<vmem>>
    tpu.enqueue_dma source(%dma_start3A_702 : memref<1x128xf32, #tpu.memory_space<vmem>>) target(%dma_start3A_700 : memref<1x128xf32, #tpu.memory_space<any>>) target_semaphore(%arg6 : memref<!tpu.dma_semaphore, #tpu.memory_space<semaphore_mem>>)
    %get3A_703 = arith.constant 87 : index
    %get3A_704 = memref.load %arg1[%get3A_703] : memref<128xi32, #tpu.memory_space<smem>>
    %get3A_705 = arith.constant 87 : index
    %get3A_706 = memref.load %arg0[%get3A_705] : memref<128xi32, #tpu.memory_space<smem>>
    %dma_start3A_707 = arith.constant 0 : i32
    %dma_start3A_708 = tpu.memref_slice %arg4[%get3A_706, %dma_start3A_707] : memref<100000x128xf32, #tpu.memory_space<any>> -> memref<1x128xf32, #tpu.memory_space<any>>
    %dma_start3A_709 = arith.constant 0 : i32
    %dma_start3A_710 = tpu.memref_slice %arg5[%get3A_704, %dma_start3A_709] : memref<128x128xf32, #tpu.memory_space<vmem>> -> memref<1x128xf32, #tpu.memory_space<vmem>>
    tpu.enqueue_dma source(%dma_start3A_710 : memref<1x128xf32, #tpu.memory_space<vmem>>) target(%dma_start3A_708 : memref<1x128xf32, #tpu.memory_space<any>>) target_semaphore(%arg6 : memref<!tpu.dma_semaphore, #tpu.memory_space<semaphore_mem>>)
    %get3A_711 = arith.constant 88 : index
    %get3A_712 = memref.load %arg1[%get3A_711] : memref<128xi32, #tpu.memory_space<smem>>
    %get3A_713 = arith.constant 88 : index
    %get3A_714 = memref.load %arg0[%get3A_713] : memref<128xi32, #tpu.memory_space<smem>>
    %dma_start3A_715 = arith.constant 0 : i32
    %dma_start3A_716 = tpu.memref_slice %arg4[%get3A_714, %dma_start3A_715] : memref<100000x128xf32, #tpu.memory_space<any>> -> memref<1x128xf32, #tpu.memory_space<any>>
    %dma_start3A_717 = arith.constant 0 : i32
    %dma_start3A_718 = tpu.memref_slice %arg5[%get3A_712, %dma_start3A_717] : memref<128x128xf32, #tpu.memory_space<vmem>> -> memref<1x128xf32, #tpu.memory_space<vmem>>
    tpu.enqueue_dma source(%dma_start3A_718 : memref<1x128xf32, #tpu.memory_space<vmem>>) target(%dma_start3A_716 : memref<1x128xf32, #tpu.memory_space<any>>) target_semaphore(%arg6 : memref<!tpu.dma_semaphore, #tpu.memory_space<semaphore_mem>>)
    %get3A_719 = arith.constant 89 : index
    %get3A_720 = memref.load %arg1[%get3A_719] : memref<128xi32, #tpu.memory_space<smem>>
    %get3A_721 = arith.constant 89 : index
    %get3A_722 = memref.load %arg0[%get3A_721] : memref<128xi32, #tpu.memory_space<smem>>
    %dma_start3A_723 = arith.constant 0 : i32
    %dma_start3A_724 = tpu.memref_slice %arg4[%get3A_722, %dma_start3A_723] : memref<100000x128xf32, #tpu.memory_space<any>> -> memref<1x128xf32, #tpu.memory_space<any>>
    %dma_start3A_725 = arith.constant 0 : i32
    %dma_start3A_726 = tpu.memref_slice %arg5[%get3A_720, %dma_start3A_725] : memref<128x128xf32, #tpu.memory_space<vmem>> -> memref<1x128xf32, #tpu.memory_space<vmem>>
    tpu.enqueue_dma source(%dma_start3A_726 : memref<1x128xf32, #tpu.memory_space<vmem>>) target(%dma_start3A_724 : memref<1x128xf32, #tpu.memory_space<any>>) target_semaphore(%arg6 : memref<!tpu.dma_semaphore, #tpu.memory_space<semaphore_mem>>)
    %get3A_727 = arith.constant 90 : index
    %get3A_728 = memref.load %arg1[%get3A_727] : memref<128xi32, #tpu.memory_space<smem>>
    %get3A_729 = arith.constant 90 : index
    %get3A_730 = memref.load %arg0[%get3A_729] : memref<128xi32, #tpu.memory_space<smem>>
    %dma_start3A_731 = arith.constant 0 : i32
    %dma_start3A_732 = tpu.memref_slice %arg4[%get3A_730, %dma_start3A_731] : memref<100000x128xf32, #tpu.memory_space<any>> -> memref<1x128xf32, #tpu.memory_space<any>>
    %dma_start3A_733 = arith.constant 0 : i32
    %dma_start3A_734 = tpu.memref_slice %arg5[%get3A_728, %dma_start3A_733] : memref<128x128xf32, #tpu.memory_space<vmem>> -> memref<1x128xf32, #tpu.memory_space<vmem>>
    tpu.enqueue_dma source(%dma_start3A_734 : memref<1x128xf32, #tpu.memory_space<vmem>>) target(%dma_start3A_732 : memref<1x128xf32, #tpu.memory_space<any>>) target_semaphore(%arg6 : memref<!tpu.dma_semaphore, #tpu.memory_space<semaphore_mem>>)
    %get3A_735 = arith.constant 91 : index
    %get3A_736 = memref.load %arg1[%get3A_735] : memref<128xi32, #tpu.memory_space<smem>>
    %get3A_737 = arith.constant 91 : index
    %get3A_738 = memref.load %arg0[%get3A_737] : memref<128xi32, #tpu.memory_space<smem>>
    %dma_start3A_739 = arith.constant 0 : i32
    %dma_start3A_740 = tpu.memref_slice %arg4[%get3A_738, %dma_start3A_739] : memref<100000x128xf32, #tpu.memory_space<any>> -> memref<1x128xf32, #tpu.memory_space<any>>
    %dma_start3A_741 = arith.constant 0 : i32
    %dma_start3A_742 = tpu.memref_slice %arg5[%get3A_736, %dma_start3A_741] : memref<128x128xf32, #tpu.memory_space<vmem>> -> memref<1x128xf32, #tpu.memory_space<vmem>>
    tpu.enqueue_dma source(%dma_start3A_742 : memref<1x128xf32, #tpu.memory_space<vmem>>) target(%dma_start3A_740 : memref<1x128xf32, #tpu.memory_space<any>>) target_semaphore(%arg6 : memref<!tpu.dma_semaphore, #tpu.memory_space<semaphore_mem>>)
    %get3A_743 = arith.constant 92 : index
    %get3A_744 = memref.load %arg1[%get3A_743] : memref<128xi32, #tpu.memory_space<smem>>
    %get3A_745 = arith.constant 92 : index
    %get3A_746 = memref.load %arg0[%get3A_745] : memref<128xi32, #tpu.memory_space<smem>>
    %dma_start3A_747 = arith.constant 0 : i32
    %dma_start3A_748 = tpu.memref_slice %arg4[%get3A_746, %dma_start3A_747] : memref<100000x128xf32, #tpu.memory_space<any>> -> memref<1x128xf32, #tpu.memory_space<any>>
    %dma_start3A_749 = arith.constant 0 : i32
    %dma_start3A_750 = tpu.memref_slice %arg5[%get3A_744, %dma_start3A_749] : memref<128x128xf32, #tpu.memory_space<vmem>> -> memref<1x128xf32, #tpu.memory_space<vmem>>
    tpu.enqueue_dma source(%dma_start3A_750 : memref<1x128xf32, #tpu.memory_space<vmem>>) target(%dma_start3A_748 : memref<1x128xf32, #tpu.memory_space<any>>) target_semaphore(%arg6 : memref<!tpu.dma_semaphore, #tpu.memory_space<semaphore_mem>>)
    %get3A_751 = arith.constant 93 : index
    %get3A_752 = memref.load %arg1[%get3A_751] : memref<128xi32, #tpu.memory_space<smem>>
    %get3A_753 = arith.constant 93 : index
    %get3A_754 = memref.load %arg0[%get3A_753] : memref<128xi32, #tpu.memory_space<smem>>
    %dma_start3A_755 = arith.constant 0 : i32
    %dma_start3A_756 = tpu.memref_slice %arg4[%get3A_754, %dma_start3A_755] : memref<100000x128xf32, #tpu.memory_space<any>> -> memref<1x128xf32, #tpu.memory_space<any>>
    %dma_start3A_757 = arith.constant 0 : i32
    %dma_start3A_758 = tpu.memref_slice %arg5[%get3A_752, %dma_start3A_757] : memref<128x128xf32, #tpu.memory_space<vmem>> -> memref<1x128xf32, #tpu.memory_space<vmem>>
    tpu.enqueue_dma source(%dma_start3A_758 : memref<1x128xf32, #tpu.memory_space<vmem>>) target(%dma_start3A_756 : memref<1x128xf32, #tpu.memory_space<any>>) target_semaphore(%arg6 : memref<!tpu.dma_semaphore, #tpu.memory_space<semaphore_mem>>)
    %get3A_759 = arith.constant 94 : index
    %get3A_760 = memref.load %arg1[%get3A_759] : memref<128xi32, #tpu.memory_space<smem>>
    %get3A_761 = arith.constant 94 : index
    %get3A_762 = memref.load %arg0[%get3A_761] : memref<128xi32, #tpu.memory_space<smem>>
    %dma_start3A_763 = arith.constant 0 : i32
    %dma_start3A_764 = tpu.memref_slice %arg4[%get3A_762, %dma_start3A_763] : memref<100000x128xf32, #tpu.memory_space<any>> -> memref<1x128xf32, #tpu.memory_space<any>>
    %dma_start3A_765 = arith.constant 0 : i32
    %dma_start3A_766 = tpu.memref_slice %arg5[%get3A_760, %dma_start3A_765] : memref<128x128xf32, #tpu.memory_space<vmem>> -> memref<1x128xf32, #tpu.memory_space<vmem>>
    tpu.enqueue_dma source(%dma_start3A_766 : memref<1x128xf32, #tpu.memory_space<vmem>>) target(%dma_start3A_764 : memref<1x128xf32, #tpu.memory_space<any>>) target_semaphore(%arg6 : memref<!tpu.dma_semaphore, #tpu.memory_space<semaphore_mem>>)
    %get3A_767 = arith.constant 95 : index
    %get3A_768 = memref.load %arg1[%get3A_767] : memref<128xi32, #tpu.memory_space<smem>>
    %get3A_769 = arith.constant 95 : index
    %get3A_770 = memref.load %arg0[%get3A_769] : memref<128xi32, #tpu.memory_space<smem>>
    %dma_start3A_771 = arith.constant 0 : i32
    %dma_start3A_772 = tpu.memref_slice %arg4[%get3A_770, %dma_start3A_771] : memref<100000x128xf32, #tpu.memory_space<any>> -> memref<1x128xf32, #tpu.memory_space<any>>
    %dma_start3A_773 = arith.constant 0 : i32
    %dma_start3A_774 = tpu.memref_slice %arg5[%get3A_768, %dma_start3A_773] : memref<128x128xf32, #tpu.memory_space<vmem>> -> memref<1x128xf32, #tpu.memory_space<vmem>>
    tpu.enqueue_dma source(%dma_start3A_774 : memref<1x128xf32, #tpu.memory_space<vmem>>) target(%dma_start3A_772 : memref<1x128xf32, #tpu.memory_space<any>>) target_semaphore(%arg6 : memref<!tpu.dma_semaphore, #tpu.memory_space<semaphore_mem>>)
    %get3A_775 = arith.constant 96 : index
    %get3A_776 = memref.load %arg1[%get3A_775] : memref<128xi32, #tpu.memory_space<smem>>
    %get3A_777 = arith.constant 96 : index
    %get3A_778 = memref.load %arg0[%get3A_777] : memref<128xi32, #tpu.memory_space<smem>>
    %dma_start3A_779 = arith.constant 0 : i32
    %dma_start3A_780 = tpu.memref_slice %arg4[%get3A_778, %dma_start3A_779] : memref<100000x128xf32, #tpu.memory_space<any>> -> memref<1x128xf32, #tpu.memory_space<any>>
    %dma_start3A_781 = arith.constant 0 : i32
    %dma_start3A_782 = tpu.memref_slice %arg5[%get3A_776, %dma_start3A_781] : memref<128x128xf32, #tpu.memory_space<vmem>> -> memref<1x128xf32, #tpu.memory_space<vmem>>
    tpu.enqueue_dma source(%dma_start3A_782 : memref<1x128xf32, #tpu.memory_space<vmem>>) target(%dma_start3A_780 : memref<1x128xf32, #tpu.memory_space<any>>) target_semaphore(%arg6 : memref<!tpu.dma_semaphore, #tpu.memory_space<semaphore_mem>>)
    %get3A_783 = arith.constant 97 : index
    %get3A_784 = memref.load %arg1[%get3A_783] : memref<128xi32, #tpu.memory_space<smem>>
    %get3A_785 = arith.constant 97 : index
    %get3A_786 = memref.load %arg0[%get3A_785] : memref<128xi32, #tpu.memory_space<smem>>
    %dma_start3A_787 = arith.constant 0 : i32
    %dma_start3A_788 = tpu.memref_slice %arg4[%get3A_786, %dma_start3A_787] : memref<100000x128xf32, #tpu.memory_space<any>> -> memref<1x128xf32, #tpu.memory_space<any>>
    %dma_start3A_789 = arith.constant 0 : i32
    %dma_start3A_790 = tpu.memref_slice %arg5[%get3A_784, %dma_start3A_789] : memref<128x128xf32, #tpu.memory_space<vmem>> -> memref<1x128xf32, #tpu.memory_space<vmem>>
    tpu.enqueue_dma source(%dma_start3A_790 : memref<1x128xf32, #tpu.memory_space<vmem>>) target(%dma_start3A_788 : memref<1x128xf32, #tpu.memory_space<any>>) target_semaphore(%arg6 : memref<!tpu.dma_semaphore, #tpu.memory_space<semaphore_mem>>)
    %get3A_791 = arith.constant 98 : index
    %get3A_792 = memref.load %arg1[%get3A_791] : memref<128xi32, #tpu.memory_space<smem>>
    %get3A_793 = arith.constant 98 : index
    %get3A_794 = memref.load %arg0[%get3A_793] : memref<128xi32, #tpu.memory_space<smem>>
    %dma_start3A_795 = arith.constant 0 : i32
    %dma_start3A_796 = tpu.memref_slice %arg4[%get3A_794, %dma_start3A_795] : memref<100000x128xf32, #tpu.memory_space<any>> -> memref<1x128xf32, #tpu.memory_space<any>>
    %dma_start3A_797 = arith.constant 0 : i32
    %dma_start3A_798 = tpu.memref_slice %arg5[%get3A_792, %dma_start3A_797] : memref<128x128xf32, #tpu.memory_space<vmem>> -> memref<1x128xf32, #tpu.memory_space<vmem>>
    tpu.enqueue_dma source(%dma_start3A_798 : memref<1x128xf32, #tpu.memory_space<vmem>>) target(%dma_start3A_796 : memref<1x128xf32, #tpu.memory_space<any>>) target_semaphore(%arg6 : memref<!tpu.dma_semaphore, #tpu.memory_space<semaphore_mem>>)
    %get3A_799 = arith.constant 99 : index
    %get3A_800 = memref.load %arg1[%get3A_799] : memref<128xi32, #tpu.memory_space<smem>>
    %get3A_801 = arith.constant 99 : index
    %get3A_802 = memref.load %arg0[%get3A_801] : memref<128xi32, #tpu.memory_space<smem>>
    %dma_start3A_803 = arith.constant 0 : i32
    %dma_start3A_804 = tpu.memref_slice %arg4[%get3A_802, %dma_start3A_803] : memref<100000x128xf32, #tpu.memory_space<any>> -> memref<1x128xf32, #tpu.memory_space<any>>
    %dma_start3A_805 = arith.constant 0 : i32
    %dma_start3A_806 = tpu.memref_slice %arg5[%get3A_800, %dma_start3A_805] : memref<128x128xf32, #tpu.memory_space<vmem>> -> memref<1x128xf32, #tpu.memory_space<vmem>>
    tpu.enqueue_dma source(%dma_start3A_806 : memref<1x128xf32, #tpu.memory_space<vmem>>) target(%dma_start3A_804 : memref<1x128xf32, #tpu.memory_space<any>>) target_semaphore(%arg6 : memref<!tpu.dma_semaphore, #tpu.memory_space<semaphore_mem>>)
    %get3A_807 = arith.constant 100 : index
    %get3A_808 = memref.load %arg1[%get3A_807] : memref<128xi32, #tpu.memory_space<smem>>
    %get3A_809 = arith.constant 100 : index
    %get3A_810 = memref.load %arg0[%get3A_809] : memref<128xi32, #tpu.memory_space<smem>>
    %dma_start3A_811 = arith.constant 0 : i32
    %dma_start3A_812 = tpu.memref_slice %arg4[%get3A_810, %dma_start3A_811] : memref<100000x128xf32, #tpu.memory_space<any>> -> memref<1x128xf32, #tpu.memory_space<any>>
    %dma_start3A_813 = arith.constant 0 : i32
    %dma_start3A_814 = tpu.memref_slice %arg5[%get3A_808, %dma_start3A_813] : memref<128x128xf32, #tpu.memory_space<vmem>> -> memref<1x128xf32, #tpu.memory_space<vmem>>
    tpu.enqueue_dma source(%dma_start3A_814 : memref<1x128xf32, #tpu.memory_space<vmem>>) target(%dma_start3A_812 : memref<1x128xf32, #tpu.memory_space<any>>) target_semaphore(%arg6 : memref<!tpu.dma_semaphore, #tpu.memory_space<semaphore_mem>>)
    %get3A_815 = arith.constant 101 : index
    %get3A_816 = memref.load %arg1[%get3A_815] : memref<128xi32, #tpu.memory_space<smem>>
    %get3A_817 = arith.constant 101 : index
    %get3A_818 = memref.load %arg0[%get3A_817] : memref<128xi32, #tpu.memory_space<smem>>
    %dma_start3A_819 = arith.constant 0 : i32
    %dma_start3A_820 = tpu.memref_slice %arg4[%get3A_818, %dma_start3A_819] : memref<100000x128xf32, #tpu.memory_space<any>> -> memref<1x128xf32, #tpu.memory_space<any>>
    %dma_start3A_821 = arith.constant 0 : i32
    %dma_start3A_822 = tpu.memref_slice %arg5[%get3A_816, %dma_start3A_821] : memref<128x128xf32, #tpu.memory_space<vmem>> -> memref<1x128xf32, #tpu.memory_space<vmem>>
    tpu.enqueue_dma source(%dma_start3A_822 : memref<1x128xf32, #tpu.memory_space<vmem>>) target(%dma_start3A_820 : memref<1x128xf32, #tpu.memory_space<any>>) target_semaphore(%arg6 : memref<!tpu.dma_semaphore, #tpu.memory_space<semaphore_mem>>)
    %get3A_823 = arith.constant 102 : index
    %get3A_824 = memref.load %arg1[%get3A_823] : memref<128xi32, #tpu.memory_space<smem>>
    %get3A_825 = arith.constant 102 : index
    %get3A_826 = memref.load %arg0[%get3A_825] : memref<128xi32, #tpu.memory_space<smem>>
    %dma_start3A_827 = arith.constant 0 : i32
    %dma_start3A_828 = tpu.memref_slice %arg4[%get3A_826, %dma_start3A_827] : memref<100000x128xf32, #tpu.memory_space<any>> -> memref<1x128xf32, #tpu.memory_space<any>>
    %dma_start3A_829 = arith.constant 0 : i32
    %dma_start3A_830 = tpu.memref_slice %arg5[%get3A_824, %dma_start3A_829] : memref<128x128xf32, #tpu.memory_space<vmem>> -> memref<1x128xf32, #tpu.memory_space<vmem>>
    tpu.enqueue_dma source(%dma_start3A_830 : memref<1x128xf32, #tpu.memory_space<vmem>>) target(%dma_start3A_828 : memref<1x128xf32, #tpu.memory_space<any>>) target_semaphore(%arg6 : memref<!tpu.dma_semaphore, #tpu.memory_space<semaphore_mem>>)
    %get3A_831 = arith.constant 103 : index
    %get3A_832 = memref.load %arg1[%get3A_831] : memref<128xi32, #tpu.memory_space<smem>>
    %get3A_833 = arith.constant 103 : index
    %get3A_834 = memref.load %arg0[%get3A_833] : memref<128xi32, #tpu.memory_space<smem>>
    %dma_start3A_835 = arith.constant 0 : i32
    %dma_start3A_836 = tpu.memref_slice %arg4[%get3A_834, %dma_start3A_835] : memref<100000x128xf32, #tpu.memory_space<any>> -> memref<1x128xf32, #tpu.memory_space<any>>
    %dma_start3A_837 = arith.constant 0 : i32
    %dma_start3A_838 = tpu.memref_slice %arg5[%get3A_832, %dma_start3A_837] : memref<128x128xf32, #tpu.memory_space<vmem>> -> memref<1x128xf32, #tpu.memory_space<vmem>>
    tpu.enqueue_dma source(%dma_start3A_838 : memref<1x128xf32, #tpu.memory_space<vmem>>) target(%dma_start3A_836 : memref<1x128xf32, #tpu.memory_space<any>>) target_semaphore(%arg6 : memref<!tpu.dma_semaphore, #tpu.memory_space<semaphore_mem>>)
    %get3A_839 = arith.constant 104 : index
    %get3A_840 = memref.load %arg1[%get3A_839] : memref<128xi32, #tpu.memory_space<smem>>
    %get3A_841 = arith.constant 104 : index
    %get3A_842 = memref.load %arg0[%get3A_841] : memref<128xi32, #tpu.memory_space<smem>>
    %dma_start3A_843 = arith.constant 0 : i32
    %dma_start3A_844 = tpu.memref_slice %arg4[%get3A_842, %dma_start3A_843] : memref<100000x128xf32, #tpu.memory_space<any>> -> memref<1x128xf32, #tpu.memory_space<any>>
    %dma_start3A_845 = arith.constant 0 : i32
    %dma_start3A_846 = tpu.memref_slice %arg5[%get3A_840, %dma_start3A_845] : memref<128x128xf32, #tpu.memory_space<vmem>> -> memref<1x128xf32, #tpu.memory_space<vmem>>
    tpu.enqueue_dma source(%dma_start3A_846 : memref<1x128xf32, #tpu.memory_space<vmem>>) target(%dma_start3A_844 : memref<1x128xf32, #tpu.memory_space<any>>) target_semaphore(%arg6 : memref<!tpu.dma_semaphore, #tpu.memory_space<semaphore_mem>>)
    %get3A_847 = arith.constant 105 : index
    %get3A_848 = memref.load %arg1[%get3A_847] : memref<128xi32, #tpu.memory_space<smem>>
    %get3A_849 = arith.constant 105 : index
    %get3A_850 = memref.load %arg0[%get3A_849] : memref<128xi32, #tpu.memory_space<smem>>
    %dma_start3A_851 = arith.constant 0 : i32
    %dma_start3A_852 = tpu.memref_slice %arg4[%get3A_850, %dma_start3A_851] : memref<100000x128xf32, #tpu.memory_space<any>> -> memref<1x128xf32, #tpu.memory_space<any>>
    %dma_start3A_853 = arith.constant 0 : i32
    %dma_start3A_854 = tpu.memref_slice %arg5[%get3A_848, %dma_start3A_853] : memref<128x128xf32, #tpu.memory_space<vmem>> -> memref<1x128xf32, #tpu.memory_space<vmem>>
    tpu.enqueue_dma source(%dma_start3A_854 : memref<1x128xf32, #tpu.memory_space<vmem>>) target(%dma_start3A_852 : memref<1x128xf32, #tpu.memory_space<any>>) target_semaphore(%arg6 : memref<!tpu.dma_semaphore, #tpu.memory_space<semaphore_mem>>)
    %get3A_855 = arith.constant 106 : index
    %get3A_856 = memref.load %arg1[%get3A_855] : memref<128xi32, #tpu.memory_space<smem>>
    %get3A_857 = arith.constant 106 : index
    %get3A_858 = memref.load %arg0[%get3A_857] : memref<128xi32, #tpu.memory_space<smem>>
    %dma_start3A_859 = arith.constant 0 : i32
    %dma_start3A_860 = tpu.memref_slice %arg4[%get3A_858, %dma_start3A_859] : memref<100000x128xf32, #tpu.memory_space<any>> -> memref<1x128xf32, #tpu.memory_space<any>>
    %dma_start3A_861 = arith.constant 0 : i32
    %dma_start3A_862 = tpu.memref_slice %arg5[%get3A_856, %dma_start3A_861] : memref<128x128xf32, #tpu.memory_space<vmem>> -> memref<1x128xf32, #tpu.memory_space<vmem>>
    tpu.enqueue_dma source(%dma_start3A_862 : memref<1x128xf32, #tpu.memory_space<vmem>>) target(%dma_start3A_860 : memref<1x128xf32, #tpu.memory_space<any>>) target_semaphore(%arg6 : memref<!tpu.dma_semaphore, #tpu.memory_space<semaphore_mem>>)
    %get3A_863 = arith.constant 107 : index
    %get3A_864 = memref.load %arg1[%get3A_863] : memref<128xi32, #tpu.memory_space<smem>>
    %get3A_865 = arith.constant 107 : index
    %get3A_866 = memref.load %arg0[%get3A_865] : memref<128xi32, #tpu.memory_space<smem>>
    %dma_start3A_867 = arith.constant 0 : i32
    %dma_start3A_868 = tpu.memref_slice %arg4[%get3A_866, %dma_start3A_867] : memref<100000x128xf32, #tpu.memory_space<any>> -> memref<1x128xf32, #tpu.memory_space<any>>
    %dma_start3A_869 = arith.constant 0 : i32
    %dma_start3A_870 = tpu.memref_slice %arg5[%get3A_864, %dma_start3A_869] : memref<128x128xf32, #tpu.memory_space<vmem>> -> memref<1x128xf32, #tpu.memory_space<vmem>>
    tpu.enqueue_dma source(%dma_start3A_870 : memref<1x128xf32, #tpu.memory_space<vmem>>) target(%dma_start3A_868 : memref<1x128xf32, #tpu.memory_space<any>>) target_semaphore(%arg6 : memref<!tpu.dma_semaphore, #tpu.memory_space<semaphore_mem>>)
    %get3A_871 = arith.constant 108 : index
    %get3A_872 = memref.load %arg1[%get3A_871] : memref<128xi32, #tpu.memory_space<smem>>
    %get3A_873 = arith.constant 108 : index
    %get3A_874 = memref.load %arg0[%get3A_873] : memref<128xi32, #tpu.memory_space<smem>>
    %dma_start3A_875 = arith.constant 0 : i32
    %dma_start3A_876 = tpu.memref_slice %arg4[%get3A_874, %dma_start3A_875] : memref<100000x128xf32, #tpu.memory_space<any>> -> memref<1x128xf32, #tpu.memory_space<any>>
    %dma_start3A_877 = arith.constant 0 : i32
    %dma_start3A_878 = tpu.memref_slice %arg5[%get3A_872, %dma_start3A_877] : memref<128x128xf32, #tpu.memory_space<vmem>> -> memref<1x128xf32, #tpu.memory_space<vmem>>
    tpu.enqueue_dma source(%dma_start3A_878 : memref<1x128xf32, #tpu.memory_space<vmem>>) target(%dma_start3A_876 : memref<1x128xf32, #tpu.memory_space<any>>) target_semaphore(%arg6 : memref<!tpu.dma_semaphore, #tpu.memory_space<semaphore_mem>>)
    %get3A_879 = arith.constant 109 : index
    %get3A_880 = memref.load %arg1[%get3A_879] : memref<128xi32, #tpu.memory_space<smem>>
    %get3A_881 = arith.constant 109 : index
    %get3A_882 = memref.load %arg0[%get3A_881] : memref<128xi32, #tpu.memory_space<smem>>
    %dma_start3A_883 = arith.constant 0 : i32
    %dma_start3A_884 = tpu.memref_slice %arg4[%get3A_882, %dma_start3A_883] : memref<100000x128xf32, #tpu.memory_space<any>> -> memref<1x128xf32, #tpu.memory_space<any>>
    %dma_start3A_885 = arith.constant 0 : i32
    %dma_start3A_886 = tpu.memref_slice %arg5[%get3A_880, %dma_start3A_885] : memref<128x128xf32, #tpu.memory_space<vmem>> -> memref<1x128xf32, #tpu.memory_space<vmem>>
    tpu.enqueue_dma source(%dma_start3A_886 : memref<1x128xf32, #tpu.memory_space<vmem>>) target(%dma_start3A_884 : memref<1x128xf32, #tpu.memory_space<any>>) target_semaphore(%arg6 : memref<!tpu.dma_semaphore, #tpu.memory_space<semaphore_mem>>)
    %get3A_887 = arith.constant 110 : index
    %get3A_888 = memref.load %arg1[%get3A_887] : memref<128xi32, #tpu.memory_space<smem>>
    %get3A_889 = arith.constant 110 : index
    %get3A_890 = memref.load %arg0[%get3A_889] : memref<128xi32, #tpu.memory_space<smem>>
    %dma_start3A_891 = arith.constant 0 : i32
    %dma_start3A_892 = tpu.memref_slice %arg4[%get3A_890, %dma_start3A_891] : memref<100000x128xf32, #tpu.memory_space<any>> -> memref<1x128xf32, #tpu.memory_space<any>>
    %dma_start3A_893 = arith.constant 0 : i32
    %dma_start3A_894 = tpu.memref_slice %arg5[%get3A_888, %dma_start3A_893] : memref<128x128xf32, #tpu.memory_space<vmem>> -> memref<1x128xf32, #tpu.memory_space<vmem>>
    tpu.enqueue_dma source(%dma_start3A_894 : memref<1x128xf32, #tpu.memory_space<vmem>>) target(%dma_start3A_892 : memref<1x128xf32, #tpu.memory_space<any>>) target_semaphore(%arg6 : memref<!tpu.dma_semaphore, #tpu.memory_space<semaphore_mem>>)
    %get3A_895 = arith.constant 111 : index
    %get3A_896 = memref.load %arg1[%get3A_895] : memref<128xi32, #tpu.memory_space<smem>>
    %get3A_897 = arith.constant 111 : index
    %get3A_898 = memref.load %arg0[%get3A_897] : memref<128xi32, #tpu.memory_space<smem>>
    %dma_start3A_899 = arith.constant 0 : i32
    %dma_start3A_900 = tpu.memref_slice %arg4[%get3A_898, %dma_start3A_899] : memref<100000x128xf32, #tpu.memory_space<any>> -> memref<1x128xf32, #tpu.memory_space<any>>
    %dma_start3A_901 = arith.constant 0 : i32
    %dma_start3A_902 = tpu.memref_slice %arg5[%get3A_896, %dma_start3A_901] : memref<128x128xf32, #tpu.memory_space<vmem>> -> memref<1x128xf32, #tpu.memory_space<vmem>>
    tpu.enqueue_dma source(%dma_start3A_902 : memref<1x128xf32, #tpu.memory_space<vmem>>) target(%dma_start3A_900 : memref<1x128xf32, #tpu.memory_space<any>>) target_semaphore(%arg6 : memref<!tpu.dma_semaphore, #tpu.memory_space<semaphore_mem>>)
    %get3A_903 = arith.constant 112 : index
    %get3A_904 = memref.load %arg1[%get3A_903] : memref<128xi32, #tpu.memory_space<smem>>
    %get3A_905 = arith.constant 112 : index
    %get3A_906 = memref.load %arg0[%get3A_905] : memref<128xi32, #tpu.memory_space<smem>>
    %dma_start3A_907 = arith.constant 0 : i32
    %dma_start3A_908 = tpu.memref_slice %arg4[%get3A_906, %dma_start3A_907] : memref<100000x128xf32, #tpu.memory_space<any>> -> memref<1x128xf32, #tpu.memory_space<any>>
    %dma_start3A_909 = arith.constant 0 : i32
    %dma_start3A_910 = tpu.memref_slice %arg5[%get3A_904, %dma_start3A_909] : memref<128x128xf32, #tpu.memory_space<vmem>> -> memref<1x128xf32, #tpu.memory_space<vmem>>
    tpu.enqueue_dma source(%dma_start3A_910 : memref<1x128xf32, #tpu.memory_space<vmem>>) target(%dma_start3A_908 : memref<1x128xf32, #tpu.memory_space<any>>) target_semaphore(%arg6 : memref<!tpu.dma_semaphore, #tpu.memory_space<semaphore_mem>>)
    %get3A_911 = arith.constant 113 : index
    %get3A_912 = memref.load %arg1[%get3A_911] : memref<128xi32, #tpu.memory_space<smem>>
    %get3A_913 = arith.constant 113 : index
    %get3A_914 = memref.load %arg0[%get3A_913] : memref<128xi32, #tpu.memory_space<smem>>
    %dma_start3A_915 = arith.constant 0 : i32
    %dma_start3A_916 = tpu.memref_slice %arg4[%get3A_914, %dma_start3A_915] : memref<100000x128xf32, #tpu.memory_space<any>> -> memref<1x128xf32, #tpu.memory_space<any>>
    %dma_start3A_917 = arith.constant 0 : i32
    %dma_start3A_918 = tpu.memref_slice %arg5[%get3A_912, %dma_start3A_917] : memref<128x128xf32, #tpu.memory_space<vmem>> -> memref<1x128xf32, #tpu.memory_space<vmem>>
    tpu.enqueue_dma source(%dma_start3A_918 : memref<1x128xf32, #tpu.memory_space<vmem>>) target(%dma_start3A_916 : memref<1x128xf32, #tpu.memory_space<any>>) target_semaphore(%arg6 : memref<!tpu.dma_semaphore, #tpu.memory_space<semaphore_mem>>)
    %get3A_919 = arith.constant 114 : index
    %get3A_920 = memref.load %arg1[%get3A_919] : memref<128xi32, #tpu.memory_space<smem>>
    %get3A_921 = arith.constant 114 : index
    %get3A_922 = memref.load %arg0[%get3A_921] : memref<128xi32, #tpu.memory_space<smem>>
    %dma_start3A_923 = arith.constant 0 : i32
    %dma_start3A_924 = tpu.memref_slice %arg4[%get3A_922, %dma_start3A_923] : memref<100000x128xf32, #tpu.memory_space<any>> -> memref<1x128xf32, #tpu.memory_space<any>>
    %dma_start3A_925 = arith.constant 0 : i32
    %dma_start3A_926 = tpu.memref_slice %arg5[%get3A_920, %dma_start3A_925] : memref<128x128xf32, #tpu.memory_space<vmem>> -> memref<1x128xf32, #tpu.memory_space<vmem>>
    tpu.enqueue_dma source(%dma_start3A_926 : memref<1x128xf32, #tpu.memory_space<vmem>>) target(%dma_start3A_924 : memref<1x128xf32, #tpu.memory_space<any>>) target_semaphore(%arg6 : memref<!tpu.dma_semaphore, #tpu.memory_space<semaphore_mem>>)
    %get3A_927 = arith.constant 115 : index
    %get3A_928 = memref.load %arg1[%get3A_927] : memref<128xi32, #tpu.memory_space<smem>>
    %get3A_929 = arith.constant 115 : index
    %get3A_930 = memref.load %arg0[%get3A_929] : memref<128xi32, #tpu.memory_space<smem>>
    %dma_start3A_931 = arith.constant 0 : i32
    %dma_start3A_932 = tpu.memref_slice %arg4[%get3A_930, %dma_start3A_931] : memref<100000x128xf32, #tpu.memory_space<any>> -> memref<1x128xf32, #tpu.memory_space<any>>
    %dma_start3A_933 = arith.constant 0 : i32
    %dma_start3A_934 = tpu.memref_slice %arg5[%get3A_928, %dma_start3A_933] : memref<128x128xf32, #tpu.memory_space<vmem>> -> memref<1x128xf32, #tpu.memory_space<vmem>>
    tpu.enqueue_dma source(%dma_start3A_934 : memref<1x128xf32, #tpu.memory_space<vmem>>) target(%dma_start3A_932 : memref<1x128xf32, #tpu.memory_space<any>>) target_semaphore(%arg6 : memref<!tpu.dma_semaphore, #tpu.memory_space<semaphore_mem>>)
    %get3A_935 = arith.constant 116 : index
    %get3A_936 = memref.load %arg1[%get3A_935] : memref<128xi32, #tpu.memory_space<smem>>
    %get3A_937 = arith.constant 116 : index
    %get3A_938 = memref.load %arg0[%get3A_937] : memref<128xi32, #tpu.memory_space<smem>>
    %dma_start3A_939 = arith.constant 0 : i32
    %dma_start3A_940 = tpu.memref_slice %arg4[%get3A_938, %dma_start3A_939] : memref<100000x128xf32, #tpu.memory_space<any>> -> memref<1x128xf32, #tpu.memory_space<any>>
    %dma_start3A_941 = arith.constant 0 : i32
    %dma_start3A_942 = tpu.memref_slice %arg5[%get3A_936, %dma_start3A_941] : memref<128x128xf32, #tpu.memory_space<vmem>> -> memref<1x128xf32, #tpu.memory_space<vmem>>
    tpu.enqueue_dma source(%dma_start3A_942 : memref<1x128xf32, #tpu.memory_space<vmem>>) target(%dma_start3A_940 : memref<1x128xf32, #tpu.memory_space<any>>) target_semaphore(%arg6 : memref<!tpu.dma_semaphore, #tpu.memory_space<semaphore_mem>>)
    %get3A_943 = arith.constant 117 : index
    %get3A_944 = memref.load %arg1[%get3A_943] : memref<128xi32, #tpu.memory_space<smem>>
    %get3A_945 = arith.constant 117 : index
    %get3A_946 = memref.load %arg0[%get3A_945] : memref<128xi32, #tpu.memory_space<smem>>
    %dma_start3A_947 = arith.constant 0 : i32
    %dma_start3A_948 = tpu.memref_slice %arg4[%get3A_946, %dma_start3A_947] : memref<100000x128xf32, #tpu.memory_space<any>> -> memref<1x128xf32, #tpu.memory_space<any>>
    %dma_start3A_949 = arith.constant 0 : i32
    %dma_start3A_950 = tpu.memref_slice %arg5[%get3A_944, %dma_start3A_949] : memref<128x128xf32, #tpu.memory_space<vmem>> -> memref<1x128xf32, #tpu.memory_space<vmem>>
    tpu.enqueue_dma source(%dma_start3A_950 : memref<1x128xf32, #tpu.memory_space<vmem>>) target(%dma_start3A_948 : memref<1x128xf32, #tpu.memory_space<any>>) target_semaphore(%arg6 : memref<!tpu.dma_semaphore, #tpu.memory_space<semaphore_mem>>)
    %get3A_951 = arith.constant 118 : index
    %get3A_952 = memref.load %arg1[%get3A_951] : memref<128xi32, #tpu.memory_space<smem>>
    %get3A_953 = arith.constant 118 : index
    %get3A_954 = memref.load %arg0[%get3A_953] : memref<128xi32, #tpu.memory_space<smem>>
    %dma_start3A_955 = arith.constant 0 : i32
    %dma_start3A_956 = tpu.memref_slice %arg4[%get3A_954, %dma_start3A_955] : memref<100000x128xf32, #tpu.memory_space<any>> -> memref<1x128xf32, #tpu.memory_space<any>>
    %dma_start3A_957 = arith.constant 0 : i32
    %dma_start3A_958 = tpu.memref_slice %arg5[%get3A_952, %dma_start3A_957] : memref<128x128xf32, #tpu.memory_space<vmem>> -> memref<1x128xf32, #tpu.memory_space<vmem>>
    tpu.enqueue_dma source(%dma_start3A_958 : memref<1x128xf32, #tpu.memory_space<vmem>>) target(%dma_start3A_956 : memref<1x128xf32, #tpu.memory_space<any>>) target_semaphore(%arg6 : memref<!tpu.dma_semaphore, #tpu.memory_space<semaphore_mem>>)
    %get3A_959 = arith.constant 119 : index
    %get3A_960 = memref.load %arg1[%get3A_959] : memref<128xi32, #tpu.memory_space<smem>>
    %get3A_961 = arith.constant 119 : index
    %get3A_962 = memref.load %arg0[%get3A_961] : memref<128xi32, #tpu.memory_space<smem>>
    %dma_start3A_963 = arith.constant 0 : i32
    %dma_start3A_964 = tpu.memref_slice %arg4[%get3A_962, %dma_start3A_963] : memref<100000x128xf32, #tpu.memory_space<any>> -> memref<1x128xf32, #tpu.memory_space<any>>
    %dma_start3A_965 = arith.constant 0 : i32
    %dma_start3A_966 = tpu.memref_slice %arg5[%get3A_960, %dma_start3A_965] : memref<128x128xf32, #tpu.memory_space<vmem>> -> memref<1x128xf32, #tpu.memory_space<vmem>>
    tpu.enqueue_dma source(%dma_start3A_966 : memref<1x128xf32, #tpu.memory_space<vmem>>) target(%dma_start3A_964 : memref<1x128xf32, #tpu.memory_space<any>>) target_semaphore(%arg6 : memref<!tpu.dma_semaphore, #tpu.memory_space<semaphore_mem>>)
    %get3A_967 = arith.constant 120 : index
    %get3A_968 = memref.load %arg1[%get3A_967] : memref<128xi32, #tpu.memory_space<smem>>
    %get3A_969 = arith.constant 120 : index
    %get3A_970 = memref.load %arg0[%get3A_969] : memref<128xi32, #tpu.memory_space<smem>>
    %dma_start3A_971 = arith.constant 0 : i32
    %dma_start3A_972 = tpu.memref_slice %arg4[%get3A_970, %dma_start3A_971] : memref<100000x128xf32, #tpu.memory_space<any>> -> memref<1x128xf32, #tpu.memory_space<any>>
    %dma_start3A_973 = arith.constant 0 : i32
    %dma_start3A_974 = tpu.memref_slice %arg5[%get3A_968, %dma_start3A_973] : memref<128x128xf32, #tpu.memory_space<vmem>> -> memref<1x128xf32, #tpu.memory_space<vmem>>
    tpu.enqueue_dma source(%dma_start3A_974 : memref<1x128xf32, #tpu.memory_space<vmem>>) target(%dma_start3A_972 : memref<1x128xf32, #tpu.memory_space<any>>) target_semaphore(%arg6 : memref<!tpu.dma_semaphore, #tpu.memory_space<semaphore_mem>>)
    %get3A_975 = arith.constant 121 : index
    %get3A_976 = memref.load %arg1[%get3A_975] : memref<128xi32, #tpu.memory_space<smem>>
    %get3A_977 = arith.constant 121 : index
    %get3A_978 = memref.load %arg0[%get3A_977] : memref<128xi32, #tpu.memory_space<smem>>
    %dma_start3A_979 = arith.constant 0 : i32
    %dma_start3A_980 = tpu.memref_slice %arg4[%get3A_978, %dma_start3A_979] : memref<100000x128xf32, #tpu.memory_space<any>> -> memref<1x128xf32, #tpu.memory_space<any>>
    %dma_start3A_981 = arith.constant 0 : i32
    %dma_start3A_982 = tpu.memref_slice %arg5[%get3A_976, %dma_start3A_981] : memref<128x128xf32, #tpu.memory_space<vmem>> -> memref<1x128xf32, #tpu.memory_space<vmem>>
    tpu.enqueue_dma source(%dma_start3A_982 : memref<1x128xf32, #tpu.memory_space<vmem>>) target(%dma_start3A_980 : memref<1x128xf32, #tpu.memory_space<any>>) target_semaphore(%arg6 : memref<!tpu.dma_semaphore, #tpu.memory_space<semaphore_mem>>)
    %get3A_983 = arith.constant 122 : index
    %get3A_984 = memref.load %arg1[%get3A_983] : memref<128xi32, #tpu.memory_space<smem>>
    %get3A_985 = arith.constant 122 : index
    %get3A_986 = memref.load %arg0[%get3A_985] : memref<128xi32, #tpu.memory_space<smem>>
    %dma_start3A_987 = arith.constant 0 : i32
    %dma_start3A_988 = tpu.memref_slice %arg4[%get3A_986, %dma_start3A_987] : memref<100000x128xf32, #tpu.memory_space<any>> -> memref<1x128xf32, #tpu.memory_space<any>>
    %dma_start3A_989 = arith.constant 0 : i32
    %dma_start3A_990 = tpu.memref_slice %arg5[%get3A_984, %dma_start3A_989] : memref<128x128xf32, #tpu.memory_space<vmem>> -> memref<1x128xf32, #tpu.memory_space<vmem>>
    tpu.enqueue_dma source(%dma_start3A_990 : memref<1x128xf32, #tpu.memory_space<vmem>>) target(%dma_start3A_988 : memref<1x128xf32, #tpu.memory_space<any>>) target_semaphore(%arg6 : memref<!tpu.dma_semaphore, #tpu.memory_space<semaphore_mem>>)
    %get3A_991 = arith.constant 123 : index
    %get3A_992 = memref.load %arg1[%get3A_991] : memref<128xi32, #tpu.memory_space<smem>>
    %get3A_993 = arith.constant 123 : index
    %get3A_994 = memref.load %arg0[%get3A_993] : memref<128xi32, #tpu.memory_space<smem>>
    %dma_start3A_995 = arith.constant 0 : i32
    %dma_start3A_996 = tpu.memref_slice %arg4[%get3A_994, %dma_start3A_995] : memref<100000x128xf32, #tpu.memory_space<any>> -> memref<1x128xf32, #tpu.memory_space<any>>
    %dma_start3A_997 = arith.constant 0 : i32
    %dma_start3A_998 = tpu.memref_slice %arg5[%get3A_992, %dma_start3A_997] : memref<128x128xf32, #tpu.memory_space<vmem>> -> memref<1x128xf32, #tpu.memory_space<vmem>>
    tpu.enqueue_dma source(%dma_start3A_998 : memref<1x128xf32, #tpu.memory_space<vmem>>) target(%dma_start3A_996 : memref<1x128xf32, #tpu.memory_space<any>>) target_semaphore(%arg6 : memref<!tpu.dma_semaphore, #tpu.memory_space<semaphore_mem>>)
    %get3A_999 = arith.constant 124 : index
    %get3A_1000 = memref.load %arg1[%get3A_999] : memref<128xi32, #tpu.memory_space<smem>>
    %get3A_1001 = arith.constant 124 : index
    %get3A_1002 = memref.load %arg0[%get3A_1001] : memref<128xi32, #tpu.memory_space<smem>>
    %dma_start3A_1003 = arith.constant 0 : i32
    %dma_start3A_1004 = tpu.memref_slice %arg4[%get3A_1002, %dma_start3A_1003] : memref<100000x128xf32, #tpu.memory_space<any>> -> memref<1x128xf32, #tpu.memory_space<any>>
    %dma_start3A_1005 = arith.constant 0 : i32
    %dma_start3A_1006 = tpu.memref_slice %arg5[%get3A_1000, %dma_start3A_1005] : memref<128x128xf32, #tpu.memory_space<vmem>> -> memref<1x128xf32, #tpu.memory_space<vmem>>
    tpu.enqueue_dma source(%dma_start3A_1006 : memref<1x128xf32, #tpu.memory_space<vmem>>) target(%dma_start3A_1004 : memref<1x128xf32, #tpu.memory_space<any>>) target_semaphore(%arg6 : memref<!tpu.dma_semaphore, #tpu.memory_space<semaphore_mem>>)
    %get3A_1007 = arith.constant 125 : index
    %get3A_1008 = memref.load %arg1[%get3A_1007] : memref<128xi32, #tpu.memory_space<smem>>
    %get3A_1009 = arith.constant 125 : index
    %get3A_1010 = memref.load %arg0[%get3A_1009] : memref<128xi32, #tpu.memory_space<smem>>
    %dma_start3A_1011 = arith.constant 0 : i32
    %dma_start3A_1012 = tpu.memref_slice %arg4[%get3A_1010, %dma_start3A_1011] : memref<100000x128xf32, #tpu.memory_space<any>> -> memref<1x128xf32, #tpu.memory_space<any>>
    %dma_start3A_1013 = arith.constant 0 : i32
    %dma_start3A_1014 = tpu.memref_slice %arg5[%get3A_1008, %dma_start3A_1013] : memref<128x128xf32, #tpu.memory_space<vmem>> -> memref<1x128xf32, #tpu.memory_space<vmem>>
    tpu.enqueue_dma source(%dma_start3A_1014 : memref<1x128xf32, #tpu.memory_space<vmem>>) target(%dma_start3A_1012 : memref<1x128xf32, #tpu.memory_space<any>>) target_semaphore(%arg6 : memref<!tpu.dma_semaphore, #tpu.memory_space<semaphore_mem>>)
    %get3A_1015 = arith.constant 126 : index
    %get3A_1016 = memref.load %arg1[%get3A_1015] : memref<128xi32, #tpu.memory_space<smem>>
    %get3A_1017 = arith.constant 126 : index
    %get3A_1018 = memref.load %arg0[%get3A_1017] : memref<128xi32, #tpu.memory_space<smem>>
    %dma_start3A_1019 = arith.constant 0 : i32
    %dma_start3A_1020 = tpu.memref_slice %arg4[%get3A_1018, %dma_start3A_1019] : memref<100000x128xf32, #tpu.memory_space<any>> -> memref<1x128xf32, #tpu.memory_space<any>>
    %dma_start3A_1021 = arith.constant 0 : i32
    %dma_start3A_1022 = tpu.memref_slice %arg5[%get3A_1016, %dma_start3A_1021] : memref<128x128xf32, #tpu.memory_space<vmem>> -> memref<1x128xf32, #tpu.memory_space<vmem>>
    tpu.enqueue_dma source(%dma_start3A_1022 : memref<1x128xf32, #tpu.memory_space<vmem>>) target(%dma_start3A_1020 : memref<1x128xf32, #tpu.memory_space<any>>) target_semaphore(%arg6 : memref<!tpu.dma_semaphore, #tpu.memory_space<semaphore_mem>>)
    %get3A_1023 = arith.constant 127 : index
    %get3A_1024 = memref.load %arg1[%get3A_1023] : memref<128xi32, #tpu.memory_space<smem>>
    %get3A_1025 = arith.constant 127 : index
    %get3A_1026 = memref.load %arg0[%get3A_1025] : memref<128xi32, #tpu.memory_space<smem>>
    %dma_start3A_1027 = arith.constant 0 : i32
    %dma_start3A_1028 = tpu.memref_slice %arg4[%get3A_1026, %dma_start3A_1027] : memref<100000x128xf32, #tpu.memory_space<any>> -> memref<1x128xf32, #tpu.memory_space<any>>
    %dma_start3A_1029 = arith.constant 0 : i32
    %dma_start3A_1030 = tpu.memref_slice %arg5[%get3A_1024, %dma_start3A_1029] : memref<128x128xf32, #tpu.memory_space<vmem>> -> memref<1x128xf32, #tpu.memory_space<vmem>>
    tpu.enqueue_dma source(%dma_start3A_1030 : memref<1x128xf32, #tpu.memory_space<vmem>>) target(%dma_start3A_1028 : memref<1x128xf32, #tpu.memory_space<any>>) target_semaphore(%arg6 : memref<!tpu.dma_semaphore, #tpu.memory_space<semaphore_mem>>)
    %dma_wait3A = arith.constant 0 : i32
    %dma_wait3A_1031 = arith.constant 0 : i32
    %dma_wait3A_1032 = tpu.memref_slice %arg4[%dma_wait3A, %dma_wait3A_1031] : memref<100000x128xf32, #tpu.memory_space<any>> -> memref<1x128xf32, #tpu.memory_space<any>>
    %dma_wait3A_1033 = arith.constant 0 : i32
    %dma_wait3A_1034 = arith.constant 0 : i32
    %dma_wait3A_1035 = tpu.memref_slice %arg5[%dma_wait3A_1033, %dma_wait3A_1034] : memref<128x128xf32, #tpu.memory_space<vmem>> -> memref<1x128xf32, #tpu.memory_space<vmem>>
    tpu.wait_dma2 semaphore(%arg6 : memref<!tpu.dma_semaphore, #tpu.memory_space<semaphore_mem>>) src(%dma_wait3A_1035 : memref<1x128xf32, #tpu.memory_space<vmem>>) dst(%dma_wait3A_1032 : memref<1x128xf32, #tpu.memory_space<any>>)
    %dma_wait3A_1036 = arith.constant 0 : i32
    %dma_wait3A_1037 = arith.constant 0 : i32
    %dma_wait3A_1038 = tpu.memref_slice %arg4[%dma_wait3A_1036, %dma_wait3A_1037] : memref<100000x128xf32, #tpu.memory_space<any>> -> memref<1x128xf32, #tpu.memory_space<any>>
    %dma_wait3A_1039 = arith.constant 0 : i32
    %dma_wait3A_1040 = arith.constant 0 : i32
    %dma_wait3A_1041 = tpu.memref_slice %arg5[%dma_wait3A_1039, %dma_wait3A_1040] : memref<128x128xf32, #tpu.memory_space<vmem>> -> memref<1x128xf32, #tpu.memory_space<vmem>>
    tpu.wait_dma2 semaphore(%arg6 : memref<!tpu.dma_semaphore, #tpu.memory_space<semaphore_mem>>) src(%dma_wait3A_1041 : memref<1x128xf32, #tpu.memory_space<vmem>>) dst(%dma_wait3A_1038 : memref<1x128xf32, #tpu.memory_space<any>>)
    %dma_wait3A_1042 = arith.constant 0 : i32
    %dma_wait3A_1043 = arith.constant 0 : i32
    %dma_wait3A_1044 = tpu.memref_slice %arg4[%dma_wait3A_1042, %dma_wait3A_1043] : memref<100000x128xf32, #tpu.memory_space<any>> -> memref<1x128xf32, #tpu.memory_space<any>>
    %dma_wait3A_1045 = arith.constant 0 : i32
    %dma_wait3A_1046 = arith.constant 0 : i32
    %dma_wait3A_1047 = tpu.memref_slice %arg5[%dma_wait3A_1045, %dma_wait3A_1046] : memref<128x128xf32, #tpu.memory_space<vmem>> -> memref<1x128xf32, #tpu.memory_space<vmem>>
    tpu.wait_dma2 semaphore(%arg6 : memref<!tpu.dma_semaphore, #tpu.memory_space<semaphore_mem>>) src(%dma_wait3A_1047 : memref<1x128xf32, #tpu.memory_space<vmem>>) dst(%dma_wait3A_1044 : memref<1x128xf32, #tpu.memory_space<any>>)
    %dma_wait3A_1048 = arith.constant 0 : i32
    %dma_wait3A_1049 = arith.constant 0 : i32
    %dma_wait3A_1050 = tpu.memref_slice %arg4[%dma_wait3A_1048, %dma_wait3A_1049] : memref<100000x128xf32, #tpu.memory_space<any>> -> memref<1x128xf32, #tpu.memory_space<any>>
    %dma_wait3A_1051 = arith.constant 0 : i32
    %dma_wait3A_1052 = arith.constant 0 : i32
    %dma_wait3A_1053 = tpu.memref_slice %arg5[%dma_wait3A_1051, %dma_wait3A_1052] : memref<128x128xf32, #tpu.memory_space<vmem>> -> memref<1x128xf32, #tpu.memory_space<vmem>>
    tpu.wait_dma2 semaphore(%arg6 : memref<!tpu.dma_semaphore, #tpu.memory_space<semaphore_mem>>) src(%dma_wait3A_1053 : memref<1x128xf32, #tpu.memory_space<vmem>>) dst(%dma_wait3A_1050 : memref<1x128xf32, #tpu.memory_space<any>>)
    %dma_wait3A_1054 = arith.constant 0 : i32
    %dma_wait3A_1055 = arith.constant 0 : i32
    %dma_wait3A_1056 = tpu.memref_slice %arg4[%dma_wait3A_1054, %dma_wait3A_1055] : memref<100000x128xf32, #tpu.memory_space<any>> -> memref<1x128xf32, #tpu.memory_space<any>>
    %dma_wait3A_1057 = arith.constant 0 : i32
    %dma_wait3A_1058 = arith.constant 0 : i32
    %dma_wait3A_1059 = tpu.memref_slice %arg5[%dma_wait3A_1057, %dma_wait3A_1058] : memref<128x128xf32, #tpu.memory_space<vmem>> -> memref<1x128xf32, #tpu.memory_space<vmem>>
    tpu.wait_dma2 semaphore(%arg6 : memref<!tpu.dma_semaphore, #tpu.memory_space<semaphore_mem>>) src(%dma_wait3A_1059 : memref<1x128xf32, #tpu.memory_space<vmem>>) dst(%dma_wait3A_1056 : memref<1x128xf32, #tpu.memory_space<any>>)
    %dma_wait3A_1060 = arith.constant 0 : i32
    %dma_wait3A_1061 = arith.constant 0 : i32
    %dma_wait3A_1062 = tpu.memref_slice %arg4[%dma_wait3A_1060, %dma_wait3A_1061] : memref<100000x128xf32, #tpu.memory_space<any>> -> memref<1x128xf32, #tpu.memory_space<any>>
    %dma_wait3A_1063 = arith.constant 0 : i32
    %dma_wait3A_1064 = arith.constant 0 : i32
    %dma_wait3A_1065 = tpu.memref_slice %arg5[%dma_wait3A_1063, %dma_wait3A_1064] : memref<128x128xf32, #tpu.memory_space<vmem>> -> memref<1x128xf32, #tpu.memory_space<vmem>>
    tpu.wait_dma2 semaphore(%arg6 : memref<!tpu.dma_semaphore, #tpu.memory_space<semaphore_mem>>) src(%dma_wait3A_1065 : memref<1x128xf32, #tpu.memory_space<vmem>>) dst(%dma_wait3A_1062 : memref<1x128xf32, #tpu.memory_space<any>>)
    %dma_wait3A_1066 = arith.constant 0 : i32
    %dma_wait3A_1067 = arith.constant 0 : i32
    %dma_wait3A_1068 = tpu.memref_slice %arg4[%dma_wait3A_1066, %dma_wait3A_1067] : memref<100000x128xf32, #tpu.memory_space<any>> -> memref<1x128xf32, #tpu.memory_space<any>>
    %dma_wait3A_1069 = arith.constant 0 : i32
    %dma_wait3A_1070 = arith.constant 0 : i32
    %dma_wait3A_1071 = tpu.memref_slice %arg5[%dma_wait3A_1069, %dma_wait3A_1070] : memref<128x128xf32, #tpu.memory_space<vmem>> -> memref<1x128xf32, #tpu.memory_space<vmem>>
    tpu.wait_dma2 semaphore(%arg6 : memref<!tpu.dma_semaphore, #tpu.memory_space<semaphore_mem>>) src(%dma_wait3A_1071 : memref<1x128xf32, #tpu.memory_space<vmem>>) dst(%dma_wait3A_1068 : memref<1x128xf32, #tpu.memory_space<any>>)
    %dma_wait3A_1072 = arith.constant 0 : i32
    %dma_wait3A_1073 = arith.constant 0 : i32
    %dma_wait3A_1074 = tpu.memref_slice %arg4[%dma_wait3A_1072, %dma_wait3A_1073] : memref<100000x128xf32, #tpu.memory_space<any>> -> memref<1x128xf32, #tpu.memory_space<any>>
    %dma_wait3A_1075 = arith.constant 0 : i32
    %dma_wait3A_1076 = arith.constant 0 : i32
    %dma_wait3A_1077 = tpu.memref_slice %arg5[%dma_wait3A_1075, %dma_wait3A_1076] : memref<128x128xf32, #tpu.memory_space<vmem>> -> memref<1x128xf32, #tpu.memory_space<vmem>>
    tpu.wait_dma2 semaphore(%arg6 : memref<!tpu.dma_semaphore, #tpu.memory_space<semaphore_mem>>) src(%dma_wait3A_1077 : memref<1x128xf32, #tpu.memory_space<vmem>>) dst(%dma_wait3A_1074 : memref<1x128xf32, #tpu.memory_space<any>>)
    %dma_wait3A_1078 = arith.constant 0 : i32
    %dma_wait3A_1079 = arith.constant 0 : i32
    %dma_wait3A_1080 = tpu.memref_slice %arg4[%dma_wait3A_1078, %dma_wait3A_1079] : memref<100000x128xf32, #tpu.memory_space<any>> -> memref<1x128xf32, #tpu.memory_space<any>>
    %dma_wait3A_1081 = arith.constant 0 : i32
    %dma_wait3A_1082 = arith.constant 0 : i32
    %dma_wait3A_1083 = tpu.memref_slice %arg5[%dma_wait3A_1081, %dma_wait3A_1082] : memref<128x128xf32, #tpu.memory_space<vmem>> -> memref<1x128xf32, #tpu.memory_space<vmem>>
    tpu.wait_dma2 semaphore(%arg6 : memref<!tpu.dma_semaphore, #tpu.memory_space<semaphore_mem>>) src(%dma_wait3A_1083 : memref<1x128xf32, #tpu.memory_space<vmem>>) dst(%dma_wait3A_1080 : memref<1x128xf32, #tpu.memory_space<any>>)
    %dma_wait3A_1084 = arith.constant 0 : i32
    %dma_wait3A_1085 = arith.constant 0 : i32
    %dma_wait3A_1086 = tpu.memref_slice %arg4[%dma_wait3A_1084, %dma_wait3A_1085] : memref<100000x128xf32, #tpu.memory_space<any>> -> memref<1x128xf32, #tpu.memory_space<any>>
    %dma_wait3A_1087 = arith.constant 0 : i32
    %dma_wait3A_1088 = arith.constant 0 : i32
    %dma_wait3A_1089 = tpu.memref_slice %arg5[%dma_wait3A_1087, %dma_wait3A_1088] : memref<128x128xf32, #tpu.memory_space<vmem>> -> memref<1x128xf32, #tpu.memory_space<vmem>>
    tpu.wait_dma2 semaphore(%arg6 : memref<!tpu.dma_semaphore, #tpu.memory_space<semaphore_mem>>) src(%dma_wait3A_1089 : memref<1x128xf32, #tpu.memory_space<vmem>>) dst(%dma_wait3A_1086 : memref<1x128xf32, #tpu.memory_space<any>>)
    %dma_wait3A_1090 = arith.constant 0 : i32
    %dma_wait3A_1091 = arith.constant 0 : i32
    %dma_wait3A_1092 = tpu.memref_slice %arg4[%dma_wait3A_1090, %dma_wait3A_1091] : memref<100000x128xf32, #tpu.memory_space<any>> -> memref<1x128xf32, #tpu.memory_space<any>>
    %dma_wait3A_1093 = arith.constant 0 : i32
    %dma_wait3A_1094 = arith.constant 0 : i32
    %dma_wait3A_1095 = tpu.memref_slice %arg5[%dma_wait3A_1093, %dma_wait3A_1094] : memref<128x128xf32, #tpu.memory_space<vmem>> -> memref<1x128xf32, #tpu.memory_space<vmem>>
    tpu.wait_dma2 semaphore(%arg6 : memref<!tpu.dma_semaphore, #tpu.memory_space<semaphore_mem>>) src(%dma_wait3A_1095 : memref<1x128xf32, #tpu.memory_space<vmem>>) dst(%dma_wait3A_1092 : memref<1x128xf32, #tpu.memory_space<any>>)
    %dma_wait3A_1096 = arith.constant 0 : i32
    %dma_wait3A_1097 = arith.constant 0 : i32
    %dma_wait3A_1098 = tpu.memref_slice %arg4[%dma_wait3A_1096, %dma_wait3A_1097] : memref<100000x128xf32, #tpu.memory_space<any>> -> memref<1x128xf32, #tpu.memory_space<any>>
    %dma_wait3A_1099 = arith.constant 0 : i32
    %dma_wait3A_1100 = arith.constant 0 : i32
    %dma_wait3A_1101 = tpu.memref_slice %arg5[%dma_wait3A_1099, %dma_wait3A_1100] : memref<128x128xf32, #tpu.memory_space<vmem>> -> memref<1x128xf32, #tpu.memory_space<vmem>>
    tpu.wait_dma2 semaphore(%arg6 : memref<!tpu.dma_semaphore, #tpu.memory_space<semaphore_mem>>) src(%dma_wait3A_1101 : memref<1x128xf32, #tpu.memory_space<vmem>>) dst(%dma_wait3A_1098 : memref<1x128xf32, #tpu.memory_space<any>>)
    %dma_wait3A_1102 = arith.constant 0 : i32
    %dma_wait3A_1103 = arith.constant 0 : i32
    %dma_wait3A_1104 = tpu.memref_slice %arg4[%dma_wait3A_1102, %dma_wait3A_1103] : memref<100000x128xf32, #tpu.memory_space<any>> -> memref<1x128xf32, #tpu.memory_space<any>>
    %dma_wait3A_1105 = arith.constant 0 : i32
    %dma_wait3A_1106 = arith.constant 0 : i32
    %dma_wait3A_1107 = tpu.memref_slice %arg5[%dma_wait3A_1105, %dma_wait3A_1106] : memref<128x128xf32, #tpu.memory_space<vmem>> -> memref<1x128xf32, #tpu.memory_space<vmem>>
    tpu.wait_dma2 semaphore(%arg6 : memref<!tpu.dma_semaphore, #tpu.memory_space<semaphore_mem>>) src(%dma_wait3A_1107 : memref<1x128xf32, #tpu.memory_space<vmem>>) dst(%dma_wait3A_1104 : memref<1x128xf32, #tpu.memory_space<any>>)
    %dma_wait3A_1108 = arith.constant 0 : i32
    %dma_wait3A_1109 = arith.constant 0 : i32
    %dma_wait3A_1110 = tpu.memref_slice %arg4[%dma_wait3A_1108, %dma_wait3A_1109] : memref<100000x128xf32, #tpu.memory_space<any>> -> memref<1x128xf32, #tpu.memory_space<any>>
    %dma_wait3A_1111 = arith.constant 0 : i32
    %dma_wait3A_1112 = arith.constant 0 : i32
    %dma_wait3A_1113 = tpu.memref_slice %arg5[%dma_wait3A_1111, %dma_wait3A_1112] : memref<128x128xf32, #tpu.memory_space<vmem>> -> memref<1x128xf32, #tpu.memory_space<vmem>>
    tpu.wait_dma2 semaphore(%arg6 : memref<!tpu.dma_semaphore, #tpu.memory_space<semaphore_mem>>) src(%dma_wait3A_1113 : memref<1x128xf32, #tpu.memory_space<vmem>>) dst(%dma_wait3A_1110 : memref<1x128xf32, #tpu.memory_space<any>>)
    %dma_wait3A_1114 = arith.constant 0 : i32
    %dma_wait3A_1115 = arith.constant 0 : i32
    %dma_wait3A_1116 = tpu.memref_slice %arg4[%dma_wait3A_1114, %dma_wait3A_1115] : memref<100000x128xf32, #tpu.memory_space<any>> -> memref<1x128xf32, #tpu.memory_space<any>>
    %dma_wait3A_1117 = arith.constant 0 : i32
    %dma_wait3A_1118 = arith.constant 0 : i32
    %dma_wait3A_1119 = tpu.memref_slice %arg5[%dma_wait3A_1117, %dma_wait3A_1118] : memref<128x128xf32, #tpu.memory_space<vmem>> -> memref<1x128xf32, #tpu.memory_space<vmem>>
    tpu.wait_dma2 semaphore(%arg6 : memref<!tpu.dma_semaphore, #tpu.memory_space<semaphore_mem>>) src(%dma_wait3A_1119 : memref<1x128xf32, #tpu.memory_space<vmem>>) dst(%dma_wait3A_1116 : memref<1x128xf32, #tpu.memory_space<any>>)
    %dma_wait3A_1120 = arith.constant 0 : i32
    %dma_wait3A_1121 = arith.constant 0 : i32
    %dma_wait3A_1122 = tpu.memref_slice %arg4[%dma_wait3A_1120, %dma_wait3A_1121] : memref<100000x128xf32, #tpu.memory_space<any>> -> memref<1x128xf32, #tpu.memory_space<any>>
    %dma_wait3A_1123 = arith.constant 0 : i32
    %dma_wait3A_1124 = arith.constant 0 : i32
    %dma_wait3A_1125 = tpu.memref_slice %arg5[%dma_wait3A_1123, %dma_wait3A_1124] : memref<128x128xf32, #tpu.memory_space<vmem>> -> memref<1x128xf32, #tpu.memory_space<vmem>>
    tpu.wait_dma2 semaphore(%arg6 : memref<!tpu.dma_semaphore, #tpu.memory_space<semaphore_mem>>) src(%dma_wait3A_1125 : memref<1x128xf32, #tpu.memory_space<vmem>>) dst(%dma_wait3A_1122 : memref<1x128xf32, #tpu.memory_space<any>>)
    %dma_wait3A_1126 = arith.constant 0 : i32
    %dma_wait3A_1127 = arith.constant 0 : i32
    %dma_wait3A_1128 = tpu.memref_slice %arg4[%dma_wait3A_1126, %dma_wait3A_1127] : memref<100000x128xf32, #tpu.memory_space<any>> -> memref<1x128xf32, #tpu.memory_space<any>>
    %dma_wait3A_1129 = arith.constant 0 : i32
    %dma_wait3A_1130 = arith.constant 0 : i32
    %dma_wait3A_1131 = tpu.memref_slice %arg5[%dma_wait3A_1129, %dma_wait3A_1130] : memref<128x128xf32, #tpu.memory_space<vmem>> -> memref<1x128xf32, #tpu.memory_space<vmem>>
    tpu.wait_dma2 semaphore(%arg6 : memref<!tpu.dma_semaphore, #tpu.memory_space<semaphore_mem>>) src(%dma_wait3A_1131 : memref<1x128xf32, #tpu.memory_space<vmem>>) dst(%dma_wait3A_1128 : memref<1x128xf32, #tpu.memory_space<any>>)
    %dma_wait3A_1132 = arith.constant 0 : i32
    %dma_wait3A_1133 = arith.constant 0 : i32
    %dma_wait3A_1134 = tpu.memref_slice %arg4[%dma_wait3A_1132, %dma_wait3A_1133] : memref<100000x128xf32, #tpu.memory_space<any>> -> memref<1x128xf32, #tpu.memory_space<any>>
    %dma_wait3A_1135 = arith.constant 0 : i32
    %dma_wait3A_1136 = arith.constant 0 : i32
    %dma_wait3A_1137 = tpu.memref_slice %arg5[%dma_wait3A_1135, %dma_wait3A_1136] : memref<128x128xf32, #tpu.memory_space<vmem>> -> memref<1x128xf32, #tpu.memory_space<vmem>>
    tpu.wait_dma2 semaphore(%arg6 : memref<!tpu.dma_semaphore, #tpu.memory_space<semaphore_mem>>) src(%dma_wait3A_1137 : memref<1x128xf32, #tpu.memory_space<vmem>>) dst(%dma_wait3A_1134 : memref<1x128xf32, #tpu.memory_space<any>>)
    %dma_wait3A_1138 = arith.constant 0 : i32
    %dma_wait3A_1139 = arith.constant 0 : i32
    %dma_wait3A_1140 = tpu.memref_slice %arg4[%dma_wait3A_1138, %dma_wait3A_1139] : memref<100000x128xf32, #tpu.memory_space<any>> -> memref<1x128xf32, #tpu.memory_space<any>>
    %dma_wait3A_1141 = arith.constant 0 : i32
    %dma_wait3A_1142 = arith.constant 0 : i32
    %dma_wait3A_1143 = tpu.memref_slice %arg5[%dma_wait3A_1141, %dma_wait3A_1142] : memref<128x128xf32, #tpu.memory_space<vmem>> -> memref<1x128xf32, #tpu.memory_space<vmem>>
    tpu.wait_dma2 semaphore(%arg6 : memref<!tpu.dma_semaphore, #tpu.memory_space<semaphore_mem>>) src(%dma_wait3A_1143 : memref<1x128xf32, #tpu.memory_space<vmem>>) dst(%dma_wait3A_1140 : memref<1x128xf32, #tpu.memory_space<any>>)
    %dma_wait3A_1144 = arith.constant 0 : i32
    %dma_wait3A_1145 = arith.constant 0 : i32
    %dma_wait3A_1146 = tpu.memref_slice %arg4[%dma_wait3A_1144, %dma_wait3A_1145] : memref<100000x128xf32, #tpu.memory_space<any>> -> memref<1x128xf32, #tpu.memory_space<any>>
    %dma_wait3A_1147 = arith.constant 0 : i32
    %dma_wait3A_1148 = arith.constant 0 : i32
    %dma_wait3A_1149 = tpu.memref_slice %arg5[%dma_wait3A_1147, %dma_wait3A_1148] : memref<128x128xf32, #tpu.memory_space<vmem>> -> memref<1x128xf32, #tpu.memory_space<vmem>>
    tpu.wait_dma2 semaphore(%arg6 : memref<!tpu.dma_semaphore, #tpu.memory_space<semaphore_mem>>) src(%dma_wait3A_1149 : memref<1x128xf32, #tpu.memory_space<vmem>>) dst(%dma_wait3A_1146 : memref<1x128xf32, #tpu.memory_space<any>>)
    %dma_wait3A_1150 = arith.constant 0 : i32
    %dma_wait3A_1151 = arith.constant 0 : i32
    %dma_wait3A_1152 = tpu.memref_slice %arg4[%dma_wait3A_1150, %dma_wait3A_1151] : memref<100000x128xf32, #tpu.memory_space<any>> -> memref<1x128xf32, #tpu.memory_space<any>>
    %dma_wait3A_1153 = arith.constant 0 : i32
    %dma_wait3A_1154 = arith.constant 0 : i32
    %dma_wait3A_1155 = tpu.memref_slice %arg5[%dma_wait3A_1153, %dma_wait3A_1154] : memref<128x128xf32, #tpu.memory_space<vmem>> -> memref<1x128xf32, #tpu.memory_space<vmem>>
    tpu.wait_dma2 semaphore(%arg6 : memref<!tpu.dma_semaphore, #tpu.memory_space<semaphore_mem>>) src(%dma_wait3A_1155 : memref<1x128xf32, #tpu.memory_space<vmem>>) dst(%dma_wait3A_1152 : memref<1x128xf32, #tpu.memory_space<any>>)
    %dma_wait3A_1156 = arith.constant 0 : i32
    %dma_wait3A_1157 = arith.constant 0 : i32
    %dma_wait3A_1158 = tpu.memref_slice %arg4[%dma_wait3A_1156, %dma_wait3A_1157] : memref<100000x128xf32, #tpu.memory_space<any>> -> memref<1x128xf32, #tpu.memory_space<any>>
    %dma_wait3A_1159 = arith.constant 0 : i32
    %dma_wait3A_1160 = arith.constant 0 : i32
    %dma_wait3A_1161 = tpu.memref_slice %arg5[%dma_wait3A_1159, %dma_wait3A_1160] : memref<128x128xf32, #tpu.memory_space<vmem>> -> memref<1x128xf32, #tpu.memory_space<vmem>>
    tpu.wait_dma2 semaphore(%arg6 : memref<!tpu.dma_semaphore, #tpu.memory_space<semaphore_mem>>) src(%dma_wait3A_1161 : memref<1x128xf32, #tpu.memory_space<vmem>>) dst(%dma_wait3A_1158 : memref<1x128xf32, #tpu.memory_space<any>>)
    %dma_wait3A_1162 = arith.constant 0 : i32
    %dma_wait3A_1163 = arith.constant 0 : i32
    %dma_wait3A_1164 = tpu.memref_slice %arg4[%dma_wait3A_1162, %dma_wait3A_1163] : memref<100000x128xf32, #tpu.memory_space<any>> -> memref<1x128xf32, #tpu.memory_space<any>>
    %dma_wait3A_1165 = arith.constant 0 : i32
    %dma_wait3A_1166 = arith.constant 0 : i32
    %dma_wait3A_1167 = tpu.memref_slice %arg5[%dma_wait3A_1165, %dma_wait3A_1166] : memref<128x128xf32, #tpu.memory_space<vmem>> -> memref<1x128xf32, #tpu.memory_space<vmem>>
    tpu.wait_dma2 semaphore(%arg6 : memref<!tpu.dma_semaphore, #tpu.memory_space<semaphore_mem>>) src(%dma_wait3A_1167 : memref<1x128xf32, #tpu.memory_space<vmem>>) dst(%dma_wait3A_1164 : memref<1x128xf32, #tpu.memory_space<any>>)
    %dma_wait3A_1168 = arith.constant 0 : i32
    %dma_wait3A_1169 = arith.constant 0 : i32
    %dma_wait3A_1170 = tpu.memref_slice %arg4[%dma_wait3A_1168, %dma_wait3A_1169] : memref<100000x128xf32, #tpu.memory_space<any>> -> memref<1x128xf32, #tpu.memory_space<any>>
    %dma_wait3A_1171 = arith.constant 0 : i32
    %dma_wait3A_1172 = arith.constant 0 : i32
    %dma_wait3A_1173 = tpu.memref_slice %arg5[%dma_wait3A_1171, %dma_wait3A_1172] : memref<128x128xf32, #tpu.memory_space<vmem>> -> memref<1x128xf32, #tpu.memory_space<vmem>>
    tpu.wait_dma2 semaphore(%arg6 : memref<!tpu.dma_semaphore, #tpu.memory_space<semaphore_mem>>) src(%dma_wait3A_1173 : memref<1x128xf32, #tpu.memory_space<vmem>>) dst(%dma_wait3A_1170 : memref<1x128xf32, #tpu.memory_space<any>>)
    %dma_wait3A_1174 = arith.constant 0 : i32
    %dma_wait3A_1175 = arith.constant 0 : i32
    %dma_wait3A_1176 = tpu.memref_slice %arg4[%dma_wait3A_1174, %dma_wait3A_1175] : memref<100000x128xf32, #tpu.memory_space<any>> -> memref<1x128xf32, #tpu.memory_space<any>>
    %dma_wait3A_1177 = arith.constant 0 : i32
    %dma_wait3A_1178 = arith.constant 0 : i32
    %dma_wait3A_1179 = tpu.memref_slice %arg5[%dma_wait3A_1177, %dma_wait3A_1178] : memref<128x128xf32, #tpu.memory_space<vmem>> -> memref<1x128xf32, #tpu.memory_space<vmem>>
    tpu.wait_dma2 semaphore(%arg6 : memref<!tpu.dma_semaphore, #tpu.memory_space<semaphore_mem>>) src(%dma_wait3A_1179 : memref<1x128xf32, #tpu.memory_space<vmem>>) dst(%dma_wait3A_1176 : memref<1x128xf32, #tpu.memory_space<any>>)
    %dma_wait3A_1180 = arith.constant 0 : i32
    %dma_wait3A_1181 = arith.constant 0 : i32
    %dma_wait3A_1182 = tpu.memref_slice %arg4[%dma_wait3A_1180, %dma_wait3A_1181] : memref<100000x128xf32, #tpu.memory_space<any>> -> memref<1x128xf32, #tpu.memory_space<any>>
    %dma_wait3A_1183 = arith.constant 0 : i32
    %dma_wait3A_1184 = arith.constant 0 : i32
    %dma_wait3A_1185 = tpu.memref_slice %arg5[%dma_wait3A_1183, %dma_wait3A_1184] : memref<128x128xf32, #tpu.memory_space<vmem>> -> memref<1x128xf32, #tpu.memory_space<vmem>>
    tpu.wait_dma2 semaphore(%arg6 : memref<!tpu.dma_semaphore, #tpu.memory_space<semaphore_mem>>) src(%dma_wait3A_1185 : memref<1x128xf32, #tpu.memory_space<vmem>>) dst(%dma_wait3A_1182 : memref<1x128xf32, #tpu.memory_space<any>>)
    %dma_wait3A_1186 = arith.constant 0 : i32
    %dma_wait3A_1187 = arith.constant 0 : i32
    %dma_wait3A_1188 = tpu.memref_slice %arg4[%dma_wait3A_1186, %dma_wait3A_1187] : memref<100000x128xf32, #tpu.memory_space<any>> -> memref<1x128xf32, #tpu.memory_space<any>>
    %dma_wait3A_1189 = arith.constant 0 : i32
    %dma_wait3A_1190 = arith.constant 0 : i32
    %dma_wait3A_1191 = tpu.memref_slice %arg5[%dma_wait3A_1189, %dma_wait3A_1190] : memref<128x128xf32, #tpu.memory_space<vmem>> -> memref<1x128xf32, #tpu.memory_space<vmem>>
    tpu.wait_dma2 semaphore(%arg6 : memref<!tpu.dma_semaphore, #tpu.memory_space<semaphore_mem>>) src(%dma_wait3A_1191 : memref<1x128xf32, #tpu.memory_space<vmem>>) dst(%dma_wait3A_1188 : memref<1x128xf32, #tpu.memory_space<any>>)
    %dma_wait3A_1192 = arith.constant 0 : i32
    %dma_wait3A_1193 = arith.constant 0 : i32
    %dma_wait3A_1194 = tpu.memref_slice %arg4[%dma_wait3A_1192, %dma_wait3A_1193] : memref<100000x128xf32, #tpu.memory_space<any>> -> memref<1x128xf32, #tpu.memory_space<any>>
    %dma_wait3A_1195 = arith.constant 0 : i32
    %dma_wait3A_1196 = arith.constant 0 : i32
    %dma_wait3A_1197 = tpu.memref_slice %arg5[%dma_wait3A_1195, %dma_wait3A_1196] : memref<128x128xf32, #tpu.memory_space<vmem>> -> memref<1x128xf32, #tpu.memory_space<vmem>>
    tpu.wait_dma2 semaphore(%arg6 : memref<!tpu.dma_semaphore, #tpu.memory_space<semaphore_mem>>) src(%dma_wait3A_1197 : memref<1x128xf32, #tpu.memory_space<vmem>>) dst(%dma_wait3A_1194 : memref<1x128xf32, #tpu.memory_space<any>>)
    %dma_wait3A_1198 = arith.constant 0 : i32
    %dma_wait3A_1199 = arith.constant 0 : i32
    %dma_wait3A_1200 = tpu.memref_slice %arg4[%dma_wait3A_1198, %dma_wait3A_1199] : memref<100000x128xf32, #tpu.memory_space<any>> -> memref<1x128xf32, #tpu.memory_space<any>>
    %dma_wait3A_1201 = arith.constant 0 : i32
    %dma_wait3A_1202 = arith.constant 0 : i32
    %dma_wait3A_1203 = tpu.memref_slice %arg5[%dma_wait3A_1201, %dma_wait3A_1202] : memref<128x128xf32, #tpu.memory_space<vmem>> -> memref<1x128xf32, #tpu.memory_space<vmem>>
    tpu.wait_dma2 semaphore(%arg6 : memref<!tpu.dma_semaphore, #tpu.memory_space<semaphore_mem>>) src(%dma_wait3A_1203 : memref<1x128xf32, #tpu.memory_space<vmem>>) dst(%dma_wait3A_1200 : memref<1x128xf32, #tpu.memory_space<any>>)
    %dma_wait3A_1204 = arith.constant 0 : i32
    %dma_wait3A_1205 = arith.constant 0 : i32
    %dma_wait3A_1206 = tpu.memref_slice %arg4[%dma_wait3A_1204, %dma_wait3A_1205] : memref<100000x128xf32, #tpu.memory_space<any>> -> memref<1x128xf32, #tpu.memory_space<any>>
    %dma_wait3A_1207 = arith.constant 0 : i32
    %dma_wait3A_1208 = arith.constant 0 : i32
    %dma_wait3A_1209 = tpu.memref_slice %arg5[%dma_wait3A_1207, %dma_wait3A_1208] : memref<128x128xf32, #tpu.memory_space<vmem>> -> memref<1x128xf32, #tpu.memory_space<vmem>>
    tpu.wait_dma2 semaphore(%arg6 : memref<!tpu.dma_semaphore, #tpu.memory_space<semaphore_mem>>) src(%dma_wait3A_1209 : memref<1x128xf32, #tpu.memory_space<vmem>>) dst(%dma_wait3A_1206 : memref<1x128xf32, #tpu.memory_space<any>>)
    %dma_wait3A_1210 = arith.constant 0 : i32
    %dma_wait3A_1211 = arith.constant 0 : i32
    %dma_wait3A_1212 = tpu.memref_slice %arg4[%dma_wait3A_1210, %dma_wait3A_1211] : memref<100000x128xf32, #tpu.memory_space<any>> -> memref<1x128xf32, #tpu.memory_space<any>>
    %dma_wait3A_1213 = arith.constant 0 : i32
    %dma_wait3A_1214 = arith.constant 0 : i32
    %dma_wait3A_1215 = tpu.memref_slice %arg5[%dma_wait3A_1213, %dma_wait3A_1214] : memref<128x128xf32, #tpu.memory_space<vmem>> -> memref<1x128xf32, #tpu.memory_space<vmem>>
    tpu.wait_dma2 semaphore(%arg6 : memref<!tpu.dma_semaphore, #tpu.memory_space<semaphore_mem>>) src(%dma_wait3A_1215 : memref<1x128xf32, #tpu.memory_space<vmem>>) dst(%dma_wait3A_1212 : memref<1x128xf32, #tpu.memory_space<any>>)
    %dma_wait3A_1216 = arith.constant 0 : i32
    %dma_wait3A_1217 = arith.constant 0 : i32
    %dma_wait3A_1218 = tpu.memref_slice %arg4[%dma_wait3A_1216, %dma_wait3A_1217] : memref<100000x128xf32, #tpu.memory_space<any>> -> memref<1x128xf32, #tpu.memory_space<any>>
    %dma_wait3A_1219 = arith.constant 0 : i32
    %dma_wait3A_1220 = arith.constant 0 : i32
    %dma_wait3A_1221 = tpu.memref_slice %arg5[%dma_wait3A_1219, %dma_wait3A_1220] : memref<128x128xf32, #tpu.memory_space<vmem>> -> memref<1x128xf32, #tpu.memory_space<vmem>>
    tpu.wait_dma2 semaphore(%arg6 : memref<!tpu.dma_semaphore, #tpu.memory_space<semaphore_mem>>) src(%dma_wait3A_1221 : memref<1x128xf32, #tpu.memory_space<vmem>>) dst(%dma_wait3A_1218 : memref<1x128xf32, #tpu.memory_space<any>>)
    %dma_wait3A_1222 = arith.constant 0 : i32
    %dma_wait3A_1223 = arith.constant 0 : i32
    %dma_wait3A_1224 = tpu.memref_slice %arg4[%dma_wait3A_1222, %dma_wait3A_1223] : memref<100000x128xf32, #tpu.memory_space<any>> -> memref<1x128xf32, #tpu.memory_space<any>>
    %dma_wait3A_1225 = arith.constant 0 : i32
    %dma_wait3A_1226 = arith.constant 0 : i32
    %dma_wait3A_1227 = tpu.memref_slice %arg5[%dma_wait3A_1225, %dma_wait3A_1226] : memref<128x128xf32, #tpu.memory_space<vmem>> -> memref<1x128xf32, #tpu.memory_space<vmem>>
    tpu.wait_dma2 semaphore(%arg6 : memref<!tpu.dma_semaphore, #tpu.memory_space<semaphore_mem>>) src(%dma_wait3A_1227 : memref<1x128xf32, #tpu.memory_space<vmem>>) dst(%dma_wait3A_1224 : memref<1x128xf32, #tpu.memory_space<any>>)
    %dma_wait3A_1228 = arith.constant 0 : i32
    %dma_wait3A_1229 = arith.constant 0 : i32
    %dma_wait3A_1230 = tpu.memref_slice %arg4[%dma_wait3A_1228, %dma_wait3A_1229] : memref<100000x128xf32, #tpu.memory_space<any>> -> memref<1x128xf32, #tpu.memory_space<any>>
    %dma_wait3A_1231 = arith.constant 0 : i32
    %dma_wait3A_1232 = arith.constant 0 : i32
    %dma_wait3A_1233 = tpu.memref_slice %arg5[%dma_wait3A_1231, %dma_wait3A_1232] : memref<128x128xf32, #tpu.memory_space<vmem>> -> memref<1x128xf32, #tpu.memory_space<vmem>>
    tpu.wait_dma2 semaphore(%arg6 : memref<!tpu.dma_semaphore, #tpu.memory_space<semaphore_mem>>) src(%dma_wait3A_1233 : memref<1x128xf32, #tpu.memory_space<vmem>>) dst(%dma_wait3A_1230 : memref<1x128xf32, #tpu.memory_space<any>>)
    %dma_wait3A_1234 = arith.constant 0 : i32
    %dma_wait3A_1235 = arith.constant 0 : i32
    %dma_wait3A_1236 = tpu.memref_slice %arg4[%dma_wait3A_1234, %dma_wait3A_1235] : memref<100000x128xf32, #tpu.memory_space<any>> -> memref<1x128xf32, #tpu.memory_space<any>>
    %dma_wait3A_1237 = arith.constant 0 : i32
    %dma_wait3A_1238 = arith.constant 0 : i32
    %dma_wait3A_1239 = tpu.memref_slice %arg5[%dma_wait3A_1237, %dma_wait3A_1238] : memref<128x128xf32, #tpu.memory_space<vmem>> -> memref<1x128xf32, #tpu.memory_space<vmem>>
    tpu.wait_dma2 semaphore(%arg6 : memref<!tpu.dma_semaphore, #tpu.memory_space<semaphore_mem>>) src(%dma_wait3A_1239 : memref<1x128xf32, #tpu.memory_space<vmem>>) dst(%dma_wait3A_1236 : memref<1x128xf32, #tpu.memory_space<any>>)
    %dma_wait3A_1240 = arith.constant 0 : i32
    %dma_wait3A_1241 = arith.constant 0 : i32
    %dma_wait3A_1242 = tpu.memref_slice %arg4[%dma_wait3A_1240, %dma_wait3A_1241] : memref<100000x128xf32, #tpu.memory_space<any>> -> memref<1x128xf32, #tpu.memory_space<any>>
    %dma_wait3A_1243 = arith.constant 0 : i32
    %dma_wait3A_1244 = arith.constant 0 : i32
    %dma_wait3A_1245 = tpu.memref_slice %arg5[%dma_wait3A_1243, %dma_wait3A_1244] : memref<128x128xf32, #tpu.memory_space<vmem>> -> memref<1x128xf32, #tpu.memory_space<vmem>>
    tpu.wait_dma2 semaphore(%arg6 : memref<!tpu.dma_semaphore, #tpu.memory_space<semaphore_mem>>) src(%dma_wait3A_1245 : memref<1x128xf32, #tpu.memory_space<vmem>>) dst(%dma_wait3A_1242 : memref<1x128xf32, #tpu.memory_space<any>>)
    %dma_wait3A_1246 = arith.constant 0 : i32
    %dma_wait3A_1247 = arith.constant 0 : i32
    %dma_wait3A_1248 = tpu.memref_slice %arg4[%dma_wait3A_1246, %dma_wait3A_1247] : memref<100000x128xf32, #tpu.memory_space<any>> -> memref<1x128xf32, #tpu.memory_space<any>>
    %dma_wait3A_1249 = arith.constant 0 : i32
    %dma_wait3A_1250 = arith.constant 0 : i32
    %dma_wait3A_1251 = tpu.memref_slice %arg5[%dma_wait3A_1249, %dma_wait3A_1250] : memref<128x128xf32, #tpu.memory_space<vmem>> -> memref<1x128xf32, #tpu.memory_space<vmem>>
    tpu.wait_dma2 semaphore(%arg6 : memref<!tpu.dma_semaphore, #tpu.memory_space<semaphore_mem>>) src(%dma_wait3A_1251 : memref<1x128xf32, #tpu.memory_space<vmem>>) dst(%dma_wait3A_1248 : memref<1x128xf32, #tpu.memory_space<any>>)
    %dma_wait3A_1252 = arith.constant 0 : i32
    %dma_wait3A_1253 = arith.constant 0 : i32
    %dma_wait3A_1254 = tpu.memref_slice %arg4[%dma_wait3A_1252, %dma_wait3A_1253] : memref<100000x128xf32, #tpu.memory_space<any>> -> memref<1x128xf32, #tpu.memory_space<any>>
    %dma_wait3A_1255 = arith.constant 0 : i32
    %dma_wait3A_1256 = arith.constant 0 : i32
    %dma_wait3A_1257 = tpu.memref_slice %arg5[%dma_wait3A_1255, %dma_wait3A_1256] : memref<128x128xf32, #tpu.memory_space<vmem>> -> memref<1x128xf32, #tpu.memory_space<vmem>>
    tpu.wait_dma2 semaphore(%arg6 : memref<!tpu.dma_semaphore, #tpu.memory_space<semaphore_mem>>) src(%dma_wait3A_1257 : memref<1x128xf32, #tpu.memory_space<vmem>>) dst(%dma_wait3A_1254 : memref<1x128xf32, #tpu.memory_space<any>>)
    %dma_wait3A_1258 = arith.constant 0 : i32
    %dma_wait3A_1259 = arith.constant 0 : i32
    %dma_wait3A_1260 = tpu.memref_slice %arg4[%dma_wait3A_1258, %dma_wait3A_1259] : memref<100000x128xf32, #tpu.memory_space<any>> -> memref<1x128xf32, #tpu.memory_space<any>>
    %dma_wait3A_1261 = arith.constant 0 : i32
    %dma_wait3A_1262 = arith.constant 0 : i32
    %dma_wait3A_1263 = tpu.memref_slice %arg5[%dma_wait3A_1261, %dma_wait3A_1262] : memref<128x128xf32, #tpu.memory_space<vmem>> -> memref<1x128xf32, #tpu.memory_space<vmem>>
    tpu.wait_dma2 semaphore(%arg6 : memref<!tpu.dma_semaphore, #tpu.memory_space<semaphore_mem>>) src(%dma_wait3A_1263 : memref<1x128xf32, #tpu.memory_space<vmem>>) dst(%dma_wait3A_1260 : memref<1x128xf32, #tpu.memory_space<any>>)
    %dma_wait3A_1264 = arith.constant 0 : i32
    %dma_wait3A_1265 = arith.constant 0 : i32
    %dma_wait3A_1266 = tpu.memref_slice %arg4[%dma_wait3A_1264, %dma_wait3A_1265] : memref<100000x128xf32, #tpu.memory_space<any>> -> memref<1x128xf32, #tpu.memory_space<any>>
    %dma_wait3A_1267 = arith.constant 0 : i32
    %dma_wait3A_1268 = arith.constant 0 : i32
    %dma_wait3A_1269 = tpu.memref_slice %arg5[%dma_wait3A_1267, %dma_wait3A_1268] : memref<128x128xf32, #tpu.memory_space<vmem>> -> memref<1x128xf32, #tpu.memory_space<vmem>>
    tpu.wait_dma2 semaphore(%arg6 : memref<!tpu.dma_semaphore, #tpu.memory_space<semaphore_mem>>) src(%dma_wait3A_1269 : memref<1x128xf32, #tpu.memory_space<vmem>>) dst(%dma_wait3A_1266 : memref<1x128xf32, #tpu.memory_space<any>>)
    %dma_wait3A_1270 = arith.constant 0 : i32
    %dma_wait3A_1271 = arith.constant 0 : i32
    %dma_wait3A_1272 = tpu.memref_slice %arg4[%dma_wait3A_1270, %dma_wait3A_1271] : memref<100000x128xf32, #tpu.memory_space<any>> -> memref<1x128xf32, #tpu.memory_space<any>>
    %dma_wait3A_1273 = arith.constant 0 : i32
    %dma_wait3A_1274 = arith.constant 0 : i32
    %dma_wait3A_1275 = tpu.memref_slice %arg5[%dma_wait3A_1273, %dma_wait3A_1274] : memref<128x128xf32, #tpu.memory_space<vmem>> -> memref<1x128xf32, #tpu.memory_space<vmem>>
    tpu.wait_dma2 semaphore(%arg6 : memref<!tpu.dma_semaphore, #tpu.memory_space<semaphore_mem>>) src(%dma_wait3A_1275 : memref<1x128xf32, #tpu.memory_space<vmem>>) dst(%dma_wait3A_1272 : memref<1x128xf32, #tpu.memory_space<any>>)
    %dma_wait3A_1276 = arith.constant 0 : i32
    %dma_wait3A_1277 = arith.constant 0 : i32
    %dma_wait3A_1278 = tpu.memref_slice %arg4[%dma_wait3A_1276, %dma_wait3A_1277] : memref<100000x128xf32, #tpu.memory_space<any>> -> memref<1x128xf32, #tpu.memory_space<any>>
    %dma_wait3A_1279 = arith.constant 0 : i32
    %dma_wait3A_1280 = arith.constant 0 : i32
    %dma_wait3A_1281 = tpu.memref_slice %arg5[%dma_wait3A_1279, %dma_wait3A_1280] : memref<128x128xf32, #tpu.memory_space<vmem>> -> memref<1x128xf32, #tpu.memory_space<vmem>>
    tpu.wait_dma2 semaphore(%arg6 : memref<!tpu.dma_semaphore, #tpu.memory_space<semaphore_mem>>) src(%dma_wait3A_1281 : memref<1x128xf32, #tpu.memory_space<vmem>>) dst(%dma_wait3A_1278 : memref<1x128xf32, #tpu.memory_space<any>>)
    %dma_wait3A_1282 = arith.constant 0 : i32
    %dma_wait3A_1283 = arith.constant 0 : i32
    %dma_wait3A_1284 = tpu.memref_slice %arg4[%dma_wait3A_1282, %dma_wait3A_1283] : memref<100000x128xf32, #tpu.memory_space<any>> -> memref<1x128xf32, #tpu.memory_space<any>>
    %dma_wait3A_1285 = arith.constant 0 : i32
    %dma_wait3A_1286 = arith.constant 0 : i32
    %dma_wait3A_1287 = tpu.memref_slice %arg5[%dma_wait3A_1285, %dma_wait3A_1286] : memref<128x128xf32, #tpu.memory_space<vmem>> -> memref<1x128xf32, #tpu.memory_space<vmem>>
    tpu.wait_dma2 semaphore(%arg6 : memref<!tpu.dma_semaphore, #tpu.memory_space<semaphore_mem>>) src(%dma_wait3A_1287 : memref<1x128xf32, #tpu.memory_space<vmem>>) dst(%dma_wait3A_1284 : memref<1x128xf32, #tpu.memory_space<any>>)
    %dma_wait3A_1288 = arith.constant 0 : i32
    %dma_wait3A_1289 = arith.constant 0 : i32
    %dma_wait3A_1290 = tpu.memref_slice %arg4[%dma_wait3A_1288, %dma_wait3A_1289] : memref<100000x128xf32, #tpu.memory_space<any>> -> memref<1x128xf32, #tpu.memory_space<any>>
    %dma_wait3A_1291 = arith.constant 0 : i32
    %dma_wait3A_1292 = arith.constant 0 : i32
    %dma_wait3A_1293 = tpu.memref_slice %arg5[%dma_wait3A_1291, %dma_wait3A_1292] : memref<128x128xf32, #tpu.memory_space<vmem>> -> memref<1x128xf32, #tpu.memory_space<vmem>>
    tpu.wait_dma2 semaphore(%arg6 : memref<!tpu.dma_semaphore, #tpu.memory_space<semaphore_mem>>) src(%dma_wait3A_1293 : memref<1x128xf32, #tpu.memory_space<vmem>>) dst(%dma_wait3A_1290 : memref<1x128xf32, #tpu.memory_space<any>>)
    %dma_wait3A_1294 = arith.constant 0 : i32
    %dma_wait3A_1295 = arith.constant 0 : i32
    %dma_wait3A_1296 = tpu.memref_slice %arg4[%dma_wait3A_1294, %dma_wait3A_1295] : memref<100000x128xf32, #tpu.memory_space<any>> -> memref<1x128xf32, #tpu.memory_space<any>>
    %dma_wait3A_1297 = arith.constant 0 : i32
    %dma_wait3A_1298 = arith.constant 0 : i32
    %dma_wait3A_1299 = tpu.memref_slice %arg5[%dma_wait3A_1297, %dma_wait3A_1298] : memref<128x128xf32, #tpu.memory_space<vmem>> -> memref<1x128xf32, #tpu.memory_space<vmem>>
    tpu.wait_dma2 semaphore(%arg6 : memref<!tpu.dma_semaphore, #tpu.memory_space<semaphore_mem>>) src(%dma_wait3A_1299 : memref<1x128xf32, #tpu.memory_space<vmem>>) dst(%dma_wait3A_1296 : memref<1x128xf32, #tpu.memory_space<any>>)
    %dma_wait3A_1300 = arith.constant 0 : i32
    %dma_wait3A_1301 = arith.constant 0 : i32
    %dma_wait3A_1302 = tpu.memref_slice %arg4[%dma_wait3A_1300, %dma_wait3A_1301] : memref<100000x128xf32, #tpu.memory_space<any>> -> memref<1x128xf32, #tpu.memory_space<any>>
    %dma_wait3A_1303 = arith.constant 0 : i32
    %dma_wait3A_1304 = arith.constant 0 : i32
    %dma_wait3A_1305 = tpu.memref_slice %arg5[%dma_wait3A_1303, %dma_wait3A_1304] : memref<128x128xf32, #tpu.memory_space<vmem>> -> memref<1x128xf32, #tpu.memory_space<vmem>>
    tpu.wait_dma2 semaphore(%arg6 : memref<!tpu.dma_semaphore, #tpu.memory_space<semaphore_mem>>) src(%dma_wait3A_1305 : memref<1x128xf32, #tpu.memory_space<vmem>>) dst(%dma_wait3A_1302 : memref<1x128xf32, #tpu.memory_space<any>>)
    %dma_wait3A_1306 = arith.constant 0 : i32
    %dma_wait3A_1307 = arith.constant 0 : i32
    %dma_wait3A_1308 = tpu.memref_slice %arg4[%dma_wait3A_1306, %dma_wait3A_1307] : memref<100000x128xf32, #tpu.memory_space<any>> -> memref<1x128xf32, #tpu.memory_space<any>>
    %dma_wait3A_1309 = arith.constant 0 : i32
    %dma_wait3A_1310 = arith.constant 0 : i32
    %dma_wait3A_1311 = tpu.memref_slice %arg5[%dma_wait3A_1309, %dma_wait3A_1310] : memref<128x128xf32, #tpu.memory_space<vmem>> -> memref<1x128xf32, #tpu.memory_space<vmem>>
    tpu.wait_dma2 semaphore(%arg6 : memref<!tpu.dma_semaphore, #tpu.memory_space<semaphore_mem>>) src(%dma_wait3A_1311 : memref<1x128xf32, #tpu.memory_space<vmem>>) dst(%dma_wait3A_1308 : memref<1x128xf32, #tpu.memory_space<any>>)
    %dma_wait3A_1312 = arith.constant 0 : i32
    %dma_wait3A_1313 = arith.constant 0 : i32
    %dma_wait3A_1314 = tpu.memref_slice %arg4[%dma_wait3A_1312, %dma_wait3A_1313] : memref<100000x128xf32, #tpu.memory_space<any>> -> memref<1x128xf32, #tpu.memory_space<any>>
    %dma_wait3A_1315 = arith.constant 0 : i32
    %dma_wait3A_1316 = arith.constant 0 : i32
    %dma_wait3A_1317 = tpu.memref_slice %arg5[%dma_wait3A_1315, %dma_wait3A_1316] : memref<128x128xf32, #tpu.memory_space<vmem>> -> memref<1x128xf32, #tpu.memory_space<vmem>>
    tpu.wait_dma2 semaphore(%arg6 : memref<!tpu.dma_semaphore, #tpu.memory_space<semaphore_mem>>) src(%dma_wait3A_1317 : memref<1x128xf32, #tpu.memory_space<vmem>>) dst(%dma_wait3A_1314 : memref<1x128xf32, #tpu.memory_space<any>>)
    %dma_wait3A_1318 = arith.constant 0 : i32
    %dma_wait3A_1319 = arith.constant 0 : i32
    %dma_wait3A_1320 = tpu.memref_slice %arg4[%dma_wait3A_1318, %dma_wait3A_1319] : memref<100000x128xf32, #tpu.memory_space<any>> -> memref<1x128xf32, #tpu.memory_space<any>>
    %dma_wait3A_1321 = arith.constant 0 : i32
    %dma_wait3A_1322 = arith.constant 0 : i32
    %dma_wait3A_1323 = tpu.memref_slice %arg5[%dma_wait3A_1321, %dma_wait3A_1322] : memref<128x128xf32, #tpu.memory_space<vmem>> -> memref<1x128xf32, #tpu.memory_space<vmem>>
    tpu.wait_dma2 semaphore(%arg6 : memref<!tpu.dma_semaphore, #tpu.memory_space<semaphore_mem>>) src(%dma_wait3A_1323 : memref<1x128xf32, #tpu.memory_space<vmem>>) dst(%dma_wait3A_1320 : memref<1x128xf32, #tpu.memory_space<any>>)
    %dma_wait3A_1324 = arith.constant 0 : i32
    %dma_wait3A_1325 = arith.constant 0 : i32
    %dma_wait3A_1326 = tpu.memref_slice %arg4[%dma_wait3A_1324, %dma_wait3A_1325] : memref<100000x128xf32, #tpu.memory_space<any>> -> memref<1x128xf32, #tpu.memory_space<any>>
    %dma_wait3A_1327 = arith.constant 0 : i32
    %dma_wait3A_1328 = arith.constant 0 : i32
    %dma_wait3A_1329 = tpu.memref_slice %arg5[%dma_wait3A_1327, %dma_wait3A_1328] : memref<128x128xf32, #tpu.memory_space<vmem>> -> memref<1x128xf32, #tpu.memory_space<vmem>>
    tpu.wait_dma2 semaphore(%arg6 : memref<!tpu.dma_semaphore, #tpu.memory_space<semaphore_mem>>) src(%dma_wait3A_1329 : memref<1x128xf32, #tpu.memory_space<vmem>>) dst(%dma_wait3A_1326 : memref<1x128xf32, #tpu.memory_space<any>>)
    %dma_wait3A_1330 = arith.constant 0 : i32
    %dma_wait3A_1331 = arith.constant 0 : i32
    %dma_wait3A_1332 = tpu.memref_slice %arg4[%dma_wait3A_1330, %dma_wait3A_1331] : memref<100000x128xf32, #tpu.memory_space<any>> -> memref<1x128xf32, #tpu.memory_space<any>>
    %dma_wait3A_1333 = arith.constant 0 : i32
    %dma_wait3A_1334 = arith.constant 0 : i32
    %dma_wait3A_1335 = tpu.memref_slice %arg5[%dma_wait3A_1333, %dma_wait3A_1334] : memref<128x128xf32, #tpu.memory_space<vmem>> -> memref<1x128xf32, #tpu.memory_space<vmem>>
    tpu.wait_dma2 semaphore(%arg6 : memref<!tpu.dma_semaphore, #tpu.memory_space<semaphore_mem>>) src(%dma_wait3A_1335 : memref<1x128xf32, #tpu.memory_space<vmem>>) dst(%dma_wait3A_1332 : memref<1x128xf32, #tpu.memory_space<any>>)
    %dma_wait3A_1336 = arith.constant 0 : i32
    %dma_wait3A_1337 = arith.constant 0 : i32
    %dma_wait3A_1338 = tpu.memref_slice %arg4[%dma_wait3A_1336, %dma_wait3A_1337] : memref<100000x128xf32, #tpu.memory_space<any>> -> memref<1x128xf32, #tpu.memory_space<any>>
    %dma_wait3A_1339 = arith.constant 0 : i32
    %dma_wait3A_1340 = arith.constant 0 : i32
    %dma_wait3A_1341 = tpu.memref_slice %arg5[%dma_wait3A_1339, %dma_wait3A_1340] : memref<128x128xf32, #tpu.memory_space<vmem>> -> memref<1x128xf32, #tpu.memory_space<vmem>>
    tpu.wait_dma2 semaphore(%arg6 : memref<!tpu.dma_semaphore, #tpu.memory_space<semaphore_mem>>) src(%dma_wait3A_1341 : memref<1x128xf32, #tpu.memory_space<vmem>>) dst(%dma_wait3A_1338 : memref<1x128xf32, #tpu.memory_space<any>>)
    %dma_wait3A_1342 = arith.constant 0 : i32
    %dma_wait3A_1343 = arith.constant 0 : i32
    %dma_wait3A_1344 = tpu.memref_slice %arg4[%dma_wait3A_1342, %dma_wait3A_1343] : memref<100000x128xf32, #tpu.memory_space<any>> -> memref<1x128xf32, #tpu.memory_space<any>>
    %dma_wait3A_1345 = arith.constant 0 : i32
    %dma_wait3A_1346 = arith.constant 0 : i32
    %dma_wait3A_1347 = tpu.memref_slice %arg5[%dma_wait3A_1345, %dma_wait3A_1346] : memref<128x128xf32, #tpu.memory_space<vmem>> -> memref<1x128xf32, #tpu.memory_space<vmem>>
    tpu.wait_dma2 semaphore(%arg6 : memref<!tpu.dma_semaphore, #tpu.memory_space<semaphore_mem>>) src(%dma_wait3A_1347 : memref<1x128xf32, #tpu.memory_space<vmem>>) dst(%dma_wait3A_1344 : memref<1x128xf32, #tpu.memory_space<any>>)
    %dma_wait3A_1348 = arith.constant 0 : i32
    %dma_wait3A_1349 = arith.constant 0 : i32
    %dma_wait3A_1350 = tpu.memref_slice %arg4[%dma_wait3A_1348, %dma_wait3A_1349] : memref<100000x128xf32, #tpu.memory_space<any>> -> memref<1x128xf32, #tpu.memory_space<any>>
    %dma_wait3A_1351 = arith.constant 0 : i32
    %dma_wait3A_1352 = arith.constant 0 : i32
    %dma_wait3A_1353 = tpu.memref_slice %arg5[%dma_wait3A_1351, %dma_wait3A_1352] : memref<128x128xf32, #tpu.memory_space<vmem>> -> memref<1x128xf32, #tpu.memory_space<vmem>>
    tpu.wait_dma2 semaphore(%arg6 : memref<!tpu.dma_semaphore, #tpu.memory_space<semaphore_mem>>) src(%dma_wait3A_1353 : memref<1x128xf32, #tpu.memory_space<vmem>>) dst(%dma_wait3A_1350 : memref<1x128xf32, #tpu.memory_space<any>>)
    %dma_wait3A_1354 = arith.constant 0 : i32
    %dma_wait3A_1355 = arith.constant 0 : i32
    %dma_wait3A_1356 = tpu.memref_slice %arg4[%dma_wait3A_1354, %dma_wait3A_1355] : memref<100000x128xf32, #tpu.memory_space<any>> -> memref<1x128xf32, #tpu.memory_space<any>>
    %dma_wait3A_1357 = arith.constant 0 : i32
    %dma_wait3A_1358 = arith.constant 0 : i32
    %dma_wait3A_1359 = tpu.memref_slice %arg5[%dma_wait3A_1357, %dma_wait3A_1358] : memref<128x128xf32, #tpu.memory_space<vmem>> -> memref<1x128xf32, #tpu.memory_space<vmem>>
    tpu.wait_dma2 semaphore(%arg6 : memref<!tpu.dma_semaphore, #tpu.memory_space<semaphore_mem>>) src(%dma_wait3A_1359 : memref<1x128xf32, #tpu.memory_space<vmem>>) dst(%dma_wait3A_1356 : memref<1x128xf32, #tpu.memory_space<any>>)
    %dma_wait3A_1360 = arith.constant 0 : i32
    %dma_wait3A_1361 = arith.constant 0 : i32
    %dma_wait3A_1362 = tpu.memref_slice %arg4[%dma_wait3A_1360, %dma_wait3A_1361] : memref<100000x128xf32, #tpu.memory_space<any>> -> memref<1x128xf32, #tpu.memory_space<any>>
    %dma_wait3A_1363 = arith.constant 0 : i32
    %dma_wait3A_1364 = arith.constant 0 : i32
    %dma_wait3A_1365 = tpu.memref_slice %arg5[%dma_wait3A_1363, %dma_wait3A_1364] : memref<128x128xf32, #tpu.memory_space<vmem>> -> memref<1x128xf32, #tpu.memory_space<vmem>>
    tpu.wait_dma2 semaphore(%arg6 : memref<!tpu.dma_semaphore, #tpu.memory_space<semaphore_mem>>) src(%dma_wait3A_1365 : memref<1x128xf32, #tpu.memory_space<vmem>>) dst(%dma_wait3A_1362 : memref<1x128xf32, #tpu.memory_space<any>>)
    %dma_wait3A_1366 = arith.constant 0 : i32
    %dma_wait3A_1367 = arith.constant 0 : i32
    %dma_wait3A_1368 = tpu.memref_slice %arg4[%dma_wait3A_1366, %dma_wait3A_1367] : memref<100000x128xf32, #tpu.memory_space<any>> -> memref<1x128xf32, #tpu.memory_space<any>>
    %dma_wait3A_1369 = arith.constant 0 : i32
    %dma_wait3A_1370 = arith.constant 0 : i32
    %dma_wait3A_1371 = tpu.memref_slice %arg5[%dma_wait3A_1369, %dma_wait3A_1370] : memref<128x128xf32, #tpu.memory_space<vmem>> -> memref<1x128xf32, #tpu.memory_space<vmem>>
    tpu.wait_dma2 semaphore(%arg6 : memref<!tpu.dma_semaphore, #tpu.memory_space<semaphore_mem>>) src(%dma_wait3A_1371 : memref<1x128xf32, #tpu.memory_space<vmem>>) dst(%dma_wait3A_1368 : memref<1x128xf32, #tpu.memory_space<any>>)
    %dma_wait3A_1372 = arith.constant 0 : i32
    %dma_wait3A_1373 = arith.constant 0 : i32
    %dma_wait3A_1374 = tpu.memref_slice %arg4[%dma_wait3A_1372, %dma_wait3A_1373] : memref<100000x128xf32, #tpu.memory_space<any>> -> memref<1x128xf32, #tpu.memory_space<any>>
    %dma_wait3A_1375 = arith.constant 0 : i32
    %dma_wait3A_1376 = arith.constant 0 : i32
    %dma_wait3A_1377 = tpu.memref_slice %arg5[%dma_wait3A_1375, %dma_wait3A_1376] : memref<128x128xf32, #tpu.memory_space<vmem>> -> memref<1x128xf32, #tpu.memory_space<vmem>>
    tpu.wait_dma2 semaphore(%arg6 : memref<!tpu.dma_semaphore, #tpu.memory_space<semaphore_mem>>) src(%dma_wait3A_1377 : memref<1x128xf32, #tpu.memory_space<vmem>>) dst(%dma_wait3A_1374 : memref<1x128xf32, #tpu.memory_space<any>>)
    %dma_wait3A_1378 = arith.constant 0 : i32
    %dma_wait3A_1379 = arith.constant 0 : i32
    %dma_wait3A_1380 = tpu.memref_slice %arg4[%dma_wait3A_1378, %dma_wait3A_1379] : memref<100000x128xf32, #tpu.memory_space<any>> -> memref<1x128xf32, #tpu.memory_space<any>>
    %dma_wait3A_1381 = arith.constant 0 : i32
    %dma_wait3A_1382 = arith.constant 0 : i32
    %dma_wait3A_1383 = tpu.memref_slice %arg5[%dma_wait3A_1381, %dma_wait3A_1382] : memref<128x128xf32, #tpu.memory_space<vmem>> -> memref<1x128xf32, #tpu.memory_space<vmem>>
    tpu.wait_dma2 semaphore(%arg6 : memref<!tpu.dma_semaphore, #tpu.memory_space<semaphore_mem>>) src(%dma_wait3A_1383 : memref<1x128xf32, #tpu.memory_space<vmem>>) dst(%dma_wait3A_1380 : memref<1x128xf32, #tpu.memory_space<any>>)
    %dma_wait3A_1384 = arith.constant 0 : i32
    %dma_wait3A_1385 = arith.constant 0 : i32
    %dma_wait3A_1386 = tpu.memref_slice %arg4[%dma_wait3A_1384, %dma_wait3A_1385] : memref<100000x128xf32, #tpu.memory_space<any>> -> memref<1x128xf32, #tpu.memory_space<any>>
    %dma_wait3A_1387 = arith.constant 0 : i32
    %dma_wait3A_1388 = arith.constant 0 : i32
    %dma_wait3A_1389 = tpu.memref_slice %arg5[%dma_wait3A_1387, %dma_wait3A_1388] : memref<128x128xf32, #tpu.memory_space<vmem>> -> memref<1x128xf32, #tpu.memory_space<vmem>>
    tpu.wait_dma2 semaphore(%arg6 : memref<!tpu.dma_semaphore, #tpu.memory_space<semaphore_mem>>) src(%dma_wait3A_1389 : memref<1x128xf32, #tpu.memory_space<vmem>>) dst(%dma_wait3A_1386 : memref<1x128xf32, #tpu.memory_space<any>>)
    %dma_wait3A_1390 = arith.constant 0 : i32
    %dma_wait3A_1391 = arith.constant 0 : i32
    %dma_wait3A_1392 = tpu.memref_slice %arg4[%dma_wait3A_1390, %dma_wait3A_1391] : memref<100000x128xf32, #tpu.memory_space<any>> -> memref<1x128xf32, #tpu.memory_space<any>>
    %dma_wait3A_1393 = arith.constant 0 : i32
    %dma_wait3A_1394 = arith.constant 0 : i32
    %dma_wait3A_1395 = tpu.memref_slice %arg5[%dma_wait3A_1393, %dma_wait3A_1394] : memref<128x128xf32, #tpu.memory_space<vmem>> -> memref<1x128xf32, #tpu.memory_space<vmem>>
    tpu.wait_dma2 semaphore(%arg6 : memref<!tpu.dma_semaphore, #tpu.memory_space<semaphore_mem>>) src(%dma_wait3A_1395 : memref<1x128xf32, #tpu.memory_space<vmem>>) dst(%dma_wait3A_1392 : memref<1x128xf32, #tpu.memory_space<any>>)
    %dma_wait3A_1396 = arith.constant 0 : i32
    %dma_wait3A_1397 = arith.constant 0 : i32
    %dma_wait3A_1398 = tpu.memref_slice %arg4[%dma_wait3A_1396, %dma_wait3A_1397] : memref<100000x128xf32, #tpu.memory_space<any>> -> memref<1x128xf32, #tpu.memory_space<any>>
    %dma_wait3A_1399 = arith.constant 0 : i32
    %dma_wait3A_1400 = arith.constant 0 : i32
    %dma_wait3A_1401 = tpu.memref_slice %arg5[%dma_wait3A_1399, %dma_wait3A_1400] : memref<128x128xf32, #tpu.memory_space<vmem>> -> memref<1x128xf32, #tpu.memory_space<vmem>>
    tpu.wait_dma2 semaphore(%arg6 : memref<!tpu.dma_semaphore, #tpu.memory_space<semaphore_mem>>) src(%dma_wait3A_1401 : memref<1x128xf32, #tpu.memory_space<vmem>>) dst(%dma_wait3A_1398 : memref<1x128xf32, #tpu.memory_space<any>>)
    %dma_wait3A_1402 = arith.constant 0 : i32
    %dma_wait3A_1403 = arith.constant 0 : i32
    %dma_wait3A_1404 = tpu.memref_slice %arg4[%dma_wait3A_1402, %dma_wait3A_1403] : memref<100000x128xf32, #tpu.memory_space<any>> -> memref<1x128xf32, #tpu.memory_space<any>>
    %dma_wait3A_1405 = arith.constant 0 : i32
    %dma_wait3A_1406 = arith.constant 0 : i32
    %dma_wait3A_1407 = tpu.memref_slice %arg5[%dma_wait3A_1405, %dma_wait3A_1406] : memref<128x128xf32, #tpu.memory_space<vmem>> -> memref<1x128xf32, #tpu.memory_space<vmem>>
    tpu.wait_dma2 semaphore(%arg6 : memref<!tpu.dma_semaphore, #tpu.memory_space<semaphore_mem>>) src(%dma_wait3A_1407 : memref<1x128xf32, #tpu.memory_space<vmem>>) dst(%dma_wait3A_1404 : memref<1x128xf32, #tpu.memory_space<any>>)
    %dma_wait3A_1408 = arith.constant 0 : i32
    %dma_wait3A_1409 = arith.constant 0 : i32
    %dma_wait3A_1410 = tpu.memref_slice %arg4[%dma_wait3A_1408, %dma_wait3A_1409] : memref<100000x128xf32, #tpu.memory_space<any>> -> memref<1x128xf32, #tpu.memory_space<any>>
    %dma_wait3A_1411 = arith.constant 0 : i32
    %dma_wait3A_1412 = arith.constant 0 : i32
    %dma_wait3A_1413 = tpu.memref_slice %arg5[%dma_wait3A_1411, %dma_wait3A_1412] : memref<128x128xf32, #tpu.memory_space<vmem>> -> memref<1x128xf32, #tpu.memory_space<vmem>>
    tpu.wait_dma2 semaphore(%arg6 : memref<!tpu.dma_semaphore, #tpu.memory_space<semaphore_mem>>) src(%dma_wait3A_1413 : memref<1x128xf32, #tpu.memory_space<vmem>>) dst(%dma_wait3A_1410 : memref<1x128xf32, #tpu.memory_space<any>>)
    %dma_wait3A_1414 = arith.constant 0 : i32
    %dma_wait3A_1415 = arith.constant 0 : i32
    %dma_wait3A_1416 = tpu.memref_slice %arg4[%dma_wait3A_1414, %dma_wait3A_1415] : memref<100000x128xf32, #tpu.memory_space<any>> -> memref<1x128xf32, #tpu.memory_space<any>>
    %dma_wait3A_1417 = arith.constant 0 : i32
    %dma_wait3A_1418 = arith.constant 0 : i32
    %dma_wait3A_1419 = tpu.memref_slice %arg5[%dma_wait3A_1417, %dma_wait3A_1418] : memref<128x128xf32, #tpu.memory_space<vmem>> -> memref<1x128xf32, #tpu.memory_space<vmem>>
    tpu.wait_dma2 semaphore(%arg6 : memref<!tpu.dma_semaphore, #tpu.memory_space<semaphore_mem>>) src(%dma_wait3A_1419 : memref<1x128xf32, #tpu.memory_space<vmem>>) dst(%dma_wait3A_1416 : memref<1x128xf32, #tpu.memory_space<any>>)
    %dma_wait3A_1420 = arith.constant 0 : i32
    %dma_wait3A_1421 = arith.constant 0 : i32
    %dma_wait3A_1422 = tpu.memref_slice %arg4[%dma_wait3A_1420, %dma_wait3A_1421] : memref<100000x128xf32, #tpu.memory_space<any>> -> memref<1x128xf32, #tpu.memory_space<any>>
    %dma_wait3A_1423 = arith.constant 0 : i32
    %dma_wait3A_1424 = arith.constant 0 : i32
    %dma_wait3A_1425 = tpu.memref_slice %arg5[%dma_wait3A_1423, %dma_wait3A_1424] : memref<128x128xf32, #tpu.memory_space<vmem>> -> memref<1x128xf32, #tpu.memory_space<vmem>>
    tpu.wait_dma2 semaphore(%arg6 : memref<!tpu.dma_semaphore, #tpu.memory_space<semaphore_mem>>) src(%dma_wait3A_1425 : memref<1x128xf32, #tpu.memory_space<vmem>>) dst(%dma_wait3A_1422 : memref<1x128xf32, #tpu.memory_space<any>>)
    %dma_wait3A_1426 = arith.constant 0 : i32
    %dma_wait3A_1427 = arith.constant 0 : i32
    %dma_wait3A_1428 = tpu.memref_slice %arg4[%dma_wait3A_1426, %dma_wait3A_1427] : memref<100000x128xf32, #tpu.memory_space<any>> -> memref<1x128xf32, #tpu.memory_space<any>>
    %dma_wait3A_1429 = arith.constant 0 : i32
    %dma_wait3A_1430 = arith.constant 0 : i32
    %dma_wait3A_1431 = tpu.memref_slice %arg5[%dma_wait3A_1429, %dma_wait3A_1430] : memref<128x128xf32, #tpu.memory_space<vmem>> -> memref<1x128xf32, #tpu.memory_space<vmem>>
    tpu.wait_dma2 semaphore(%arg6 : memref<!tpu.dma_semaphore, #tpu.memory_space<semaphore_mem>>) src(%dma_wait3A_1431 : memref<1x128xf32, #tpu.memory_space<vmem>>) dst(%dma_wait3A_1428 : memref<1x128xf32, #tpu.memory_space<any>>)
    %dma_wait3A_1432 = arith.constant 0 : i32
    %dma_wait3A_1433 = arith.constant 0 : i32
    %dma_wait3A_1434 = tpu.memref_slice %arg4[%dma_wait3A_1432, %dma_wait3A_1433] : memref<100000x128xf32, #tpu.memory_space<any>> -> memref<1x128xf32, #tpu.memory_space<any>>
    %dma_wait3A_1435 = arith.constant 0 : i32
    %dma_wait3A_1436 = arith.constant 0 : i32
    %dma_wait3A_1437 = tpu.memref_slice %arg5[%dma_wait3A_1435, %dma_wait3A_1436] : memref<128x128xf32, #tpu.memory_space<vmem>> -> memref<1x128xf32, #tpu.memory_space<vmem>>
    tpu.wait_dma2 semaphore(%arg6 : memref<!tpu.dma_semaphore, #tpu.memory_space<semaphore_mem>>) src(%dma_wait3A_1437 : memref<1x128xf32, #tpu.memory_space<vmem>>) dst(%dma_wait3A_1434 : memref<1x128xf32, #tpu.memory_space<any>>)
    %dma_wait3A_1438 = arith.constant 0 : i32
    %dma_wait3A_1439 = arith.constant 0 : i32
    %dma_wait3A_1440 = tpu.memref_slice %arg4[%dma_wait3A_1438, %dma_wait3A_1439] : memref<100000x128xf32, #tpu.memory_space<any>> -> memref<1x128xf32, #tpu.memory_space<any>>
    %dma_wait3A_1441 = arith.constant 0 : i32
    %dma_wait3A_1442 = arith.constant 0 : i32
    %dma_wait3A_1443 = tpu.memref_slice %arg5[%dma_wait3A_1441, %dma_wait3A_1442] : memref<128x128xf32, #tpu.memory_space<vmem>> -> memref<1x128xf32, #tpu.memory_space<vmem>>
    tpu.wait_dma2 semaphore(%arg6 : memref<!tpu.dma_semaphore, #tpu.memory_space<semaphore_mem>>) src(%dma_wait3A_1443 : memref<1x128xf32, #tpu.memory_space<vmem>>) dst(%dma_wait3A_1440 : memref<1x128xf32, #tpu.memory_space<any>>)
    %dma_wait3A_1444 = arith.constant 0 : i32
    %dma_wait3A_1445 = arith.constant 0 : i32
    %dma_wait3A_1446 = tpu.memref_slice %arg4[%dma_wait3A_1444, %dma_wait3A_1445] : memref<100000x128xf32, #tpu.memory_space<any>> -> memref<1x128xf32, #tpu.memory_space<any>>
    %dma_wait3A_1447 = arith.constant 0 : i32
    %dma_wait3A_1448 = arith.constant 0 : i32
    %dma_wait3A_1449 = tpu.memref_slice %arg5[%dma_wait3A_1447, %dma_wait3A_1448] : memref<128x128xf32, #tpu.memory_space<vmem>> -> memref<1x128xf32, #tpu.memory_space<vmem>>
    tpu.wait_dma2 semaphore(%arg6 : memref<!tpu.dma_semaphore, #tpu.memory_space<semaphore_mem>>) src(%dma_wait3A_1449 : memref<1x128xf32, #tpu.memory_space<vmem>>) dst(%dma_wait3A_1446 : memref<1x128xf32, #tpu.memory_space<any>>)
    %dma_wait3A_1450 = arith.constant 0 : i32
    %dma_wait3A_1451 = arith.constant 0 : i32
    %dma_wait3A_1452 = tpu.memref_slice %arg4[%dma_wait3A_1450, %dma_wait3A_1451] : memref<100000x128xf32, #tpu.memory_space<any>> -> memref<1x128xf32, #tpu.memory_space<any>>
    %dma_wait3A_1453 = arith.constant 0 : i32
    %dma_wait3A_1454 = arith.constant 0 : i32
    %dma_wait3A_1455 = tpu.memref_slice %arg5[%dma_wait3A_1453, %dma_wait3A_1454] : memref<128x128xf32, #tpu.memory_space<vmem>> -> memref<1x128xf32, #tpu.memory_space<vmem>>
    tpu.wait_dma2 semaphore(%arg6 : memref<!tpu.dma_semaphore, #tpu.memory_space<semaphore_mem>>) src(%dma_wait3A_1455 : memref<1x128xf32, #tpu.memory_space<vmem>>) dst(%dma_wait3A_1452 : memref<1x128xf32, #tpu.memory_space<any>>)
    %dma_wait3A_1456 = arith.constant 0 : i32
    %dma_wait3A_1457 = arith.constant 0 : i32
    %dma_wait3A_1458 = tpu.memref_slice %arg4[%dma_wait3A_1456, %dma_wait3A_1457] : memref<100000x128xf32, #tpu.memory_space<any>> -> memref<1x128xf32, #tpu.memory_space<any>>
    %dma_wait3A_1459 = arith.constant 0 : i32
    %dma_wait3A_1460 = arith.constant 0 : i32
    %dma_wait3A_1461 = tpu.memref_slice %arg5[%dma_wait3A_1459, %dma_wait3A_1460] : memref<128x128xf32, #tpu.memory_space<vmem>> -> memref<1x128xf32, #tpu.memory_space<vmem>>
    tpu.wait_dma2 semaphore(%arg6 : memref<!tpu.dma_semaphore, #tpu.memory_space<semaphore_mem>>) src(%dma_wait3A_1461 : memref<1x128xf32, #tpu.memory_space<vmem>>) dst(%dma_wait3A_1458 : memref<1x128xf32, #tpu.memory_space<any>>)
    %dma_wait3A_1462 = arith.constant 0 : i32
    %dma_wait3A_1463 = arith.constant 0 : i32
    %dma_wait3A_1464 = tpu.memref_slice %arg4[%dma_wait3A_1462, %dma_wait3A_1463] : memref<100000x128xf32, #tpu.memory_space<any>> -> memref<1x128xf32, #tpu.memory_space<any>>
    %dma_wait3A_1465 = arith.constant 0 : i32
    %dma_wait3A_1466 = arith.constant 0 : i32
    %dma_wait3A_1467 = tpu.memref_slice %arg5[%dma_wait3A_1465, %dma_wait3A_1466] : memref<128x128xf32, #tpu.memory_space<vmem>> -> memref<1x128xf32, #tpu.memory_space<vmem>>
    tpu.wait_dma2 semaphore(%arg6 : memref<!tpu.dma_semaphore, #tpu.memory_space<semaphore_mem>>) src(%dma_wait3A_1467 : memref<1x128xf32, #tpu.memory_space<vmem>>) dst(%dma_wait3A_1464 : memref<1x128xf32, #tpu.memory_space<any>>)
    %dma_wait3A_1468 = arith.constant 0 : i32
    %dma_wait3A_1469 = arith.constant 0 : i32
    %dma_wait3A_1470 = tpu.memref_slice %arg4[%dma_wait3A_1468, %dma_wait3A_1469] : memref<100000x128xf32, #tpu.memory_space<any>> -> memref<1x128xf32, #tpu.memory_space<any>>
    %dma_wait3A_1471 = arith.constant 0 : i32
    %dma_wait3A_1472 = arith.constant 0 : i32
    %dma_wait3A_1473 = tpu.memref_slice %arg5[%dma_wait3A_1471, %dma_wait3A_1472] : memref<128x128xf32, #tpu.memory_space<vmem>> -> memref<1x128xf32, #tpu.memory_space<vmem>>
    tpu.wait_dma2 semaphore(%arg6 : memref<!tpu.dma_semaphore, #tpu.memory_space<semaphore_mem>>) src(%dma_wait3A_1473 : memref<1x128xf32, #tpu.memory_space<vmem>>) dst(%dma_wait3A_1470 : memref<1x128xf32, #tpu.memory_space<any>>)
    %dma_wait3A_1474 = arith.constant 0 : i32
    %dma_wait3A_1475 = arith.constant 0 : i32
    %dma_wait3A_1476 = tpu.memref_slice %arg4[%dma_wait3A_1474, %dma_wait3A_1475] : memref<100000x128xf32, #tpu.memory_space<any>> -> memref<1x128xf32, #tpu.memory_space<any>>
    %dma_wait3A_1477 = arith.constant 0 : i32
    %dma_wait3A_1478 = arith.constant 0 : i32
    %dma_wait3A_1479 = tpu.memref_slice %arg5[%dma_wait3A_1477, %dma_wait3A_1478] : memref<128x128xf32, #tpu.memory_space<vmem>> -> memref<1x128xf32, #tpu.memory_space<vmem>>
    tpu.wait_dma2 semaphore(%arg6 : memref<!tpu.dma_semaphore, #tpu.memory_space<semaphore_mem>>) src(%dma_wait3A_1479 : memref<1x128xf32, #tpu.memory_space<vmem>>) dst(%dma_wait3A_1476 : memref<1x128xf32, #tpu.memory_space<any>>)
    %dma_wait3A_1480 = arith.constant 0 : i32
    %dma_wait3A_1481 = arith.constant 0 : i32
    %dma_wait3A_1482 = tpu.memref_slice %arg4[%dma_wait3A_1480, %dma_wait3A_1481] : memref<100000x128xf32, #tpu.memory_space<any>> -> memref<1x128xf32, #tpu.memory_space<any>>
    %dma_wait3A_1483 = arith.constant 0 : i32
    %dma_wait3A_1484 = arith.constant 0 : i32
    %dma_wait3A_1485 = tpu.memref_slice %arg5[%dma_wait3A_1483, %dma_wait3A_1484] : memref<128x128xf32, #tpu.memory_space<vmem>> -> memref<1x128xf32, #tpu.memory_space<vmem>>
    tpu.wait_dma2 semaphore(%arg6 : memref<!tpu.dma_semaphore, #tpu.memory_space<semaphore_mem>>) src(%dma_wait3A_1485 : memref<1x128xf32, #tpu.memory_space<vmem>>) dst(%dma_wait3A_1482 : memref<1x128xf32, #tpu.memory_space<any>>)
    %dma_wait3A_1486 = arith.constant 0 : i32
    %dma_wait3A_1487 = arith.constant 0 : i32
    %dma_wait3A_1488 = tpu.memref_slice %arg4[%dma_wait3A_1486, %dma_wait3A_1487] : memref<100000x128xf32, #tpu.memory_space<any>> -> memref<1x128xf32, #tpu.memory_space<any>>
    %dma_wait3A_1489 = arith.constant 0 : i32
    %dma_wait3A_1490 = arith.constant 0 : i32
    %dma_wait3A_1491 = tpu.memref_slice %arg5[%dma_wait3A_1489, %dma_wait3A_1490] : memref<128x128xf32, #tpu.memory_space<vmem>> -> memref<1x128xf32, #tpu.memory_space<vmem>>
    tpu.wait_dma2 semaphore(%arg6 : memref<!tpu.dma_semaphore, #tpu.memory_space<semaphore_mem>>) src(%dma_wait3A_1491 : memref<1x128xf32, #tpu.memory_space<vmem>>) dst(%dma_wait3A_1488 : memref<1x128xf32, #tpu.memory_space<any>>)
    %dma_wait3A_1492 = arith.constant 0 : i32
    %dma_wait3A_1493 = arith.constant 0 : i32
    %dma_wait3A_1494 = tpu.memref_slice %arg4[%dma_wait3A_1492, %dma_wait3A_1493] : memref<100000x128xf32, #tpu.memory_space<any>> -> memref<1x128xf32, #tpu.memory_space<any>>
    %dma_wait3A_1495 = arith.constant 0 : i32
    %dma_wait3A_1496 = arith.constant 0 : i32
    %dma_wait3A_1497 = tpu.memref_slice %arg5[%dma_wait3A_1495, %dma_wait3A_1496] : memref<128x128xf32, #tpu.memory_space<vmem>> -> memref<1x128xf32, #tpu.memory_space<vmem>>
    tpu.wait_dma2 semaphore(%arg6 : memref<!tpu.dma_semaphore, #tpu.memory_space<semaphore_mem>>) src(%dma_wait3A_1497 : memref<1x128xf32, #tpu.memory_space<vmem>>) dst(%dma_wait3A_1494 : memref<1x128xf32, #tpu.memory_space<any>>)
    %dma_wait3A_1498 = arith.constant 0 : i32
    %dma_wait3A_1499 = arith.constant 0 : i32
    %dma_wait3A_1500 = tpu.memref_slice %arg4[%dma_wait3A_1498, %dma_wait3A_1499] : memref<100000x128xf32, #tpu.memory_space<any>> -> memref<1x128xf32, #tpu.memory_space<any>>
    %dma_wait3A_1501 = arith.constant 0 : i32
    %dma_wait3A_1502 = arith.constant 0 : i32
    %dma_wait3A_1503 = tpu.memref_slice %arg5[%dma_wait3A_1501, %dma_wait3A_1502] : memref<128x128xf32, #tpu.memory_space<vmem>> -> memref<1x128xf32, #tpu.memory_space<vmem>>
    tpu.wait_dma2 semaphore(%arg6 : memref<!tpu.dma_semaphore, #tpu.memory_space<semaphore_mem>>) src(%dma_wait3A_1503 : memref<1x128xf32, #tpu.memory_space<vmem>>) dst(%dma_wait3A_1500 : memref<1x128xf32, #tpu.memory_space<any>>)
    %dma_wait3A_1504 = arith.constant 0 : i32
    %dma_wait3A_1505 = arith.constant 0 : i32
    %dma_wait3A_1506 = tpu.memref_slice %arg4[%dma_wait3A_1504, %dma_wait3A_1505] : memref<100000x128xf32, #tpu.memory_space<any>> -> memref<1x128xf32, #tpu.memory_space<any>>
    %dma_wait3A_1507 = arith.constant 0 : i32
    %dma_wait3A_1508 = arith.constant 0 : i32
    %dma_wait3A_1509 = tpu.memref_slice %arg5[%dma_wait3A_1507, %dma_wait3A_1508] : memref<128x128xf32, #tpu.memory_space<vmem>> -> memref<1x128xf32, #tpu.memory_space<vmem>>
    tpu.wait_dma2 semaphore(%arg6 : memref<!tpu.dma_semaphore, #tpu.memory_space<semaphore_mem>>) src(%dma_wait3A_1509 : memref<1x128xf32, #tpu.memory_space<vmem>>) dst(%dma_wait3A_1506 : memref<1x128xf32, #tpu.memory_space<any>>)
    %dma_wait3A_1510 = arith.constant 0 : i32
    %dma_wait3A_1511 = arith.constant 0 : i32
    %dma_wait3A_1512 = tpu.memref_slice %arg4[%dma_wait3A_1510, %dma_wait3A_1511] : memref<100000x128xf32, #tpu.memory_space<any>> -> memref<1x128xf32, #tpu.memory_space<any>>
    %dma_wait3A_1513 = arith.constant 0 : i32
    %dma_wait3A_1514 = arith.constant 0 : i32
    %dma_wait3A_1515 = tpu.memref_slice %arg5[%dma_wait3A_1513, %dma_wait3A_1514] : memref<128x128xf32, #tpu.memory_space<vmem>> -> memref<1x128xf32, #tpu.memory_space<vmem>>
    tpu.wait_dma2 semaphore(%arg6 : memref<!tpu.dma_semaphore, #tpu.memory_space<semaphore_mem>>) src(%dma_wait3A_1515 : memref<1x128xf32, #tpu.memory_space<vmem>>) dst(%dma_wait3A_1512 : memref<1x128xf32, #tpu.memory_space<any>>)
    %dma_wait3A_1516 = arith.constant 0 : i32
    %dma_wait3A_1517 = arith.constant 0 : i32
    %dma_wait3A_1518 = tpu.memref_slice %arg4[%dma_wait3A_1516, %dma_wait3A_1517] : memref<100000x128xf32, #tpu.memory_space<any>> -> memref<1x128xf32, #tpu.memory_space<any>>
    %dma_wait3A_1519 = arith.constant 0 : i32
    %dma_wait3A_1520 = arith.constant 0 : i32
    %dma_wait3A_1521 = tpu.memref_slice %arg5[%dma_wait3A_1519, %dma_wait3A_1520] : memref<128x128xf32, #tpu.memory_space<vmem>> -> memref<1x128xf32, #tpu.memory_space<vmem>>
    tpu.wait_dma2 semaphore(%arg6 : memref<!tpu.dma_semaphore, #tpu.memory_space<semaphore_mem>>) src(%dma_wait3A_1521 : memref<1x128xf32, #tpu.memory_space<vmem>>) dst(%dma_wait3A_1518 : memref<1x128xf32, #tpu.memory_space<any>>)
    %dma_wait3A_1522 = arith.constant 0 : i32
    %dma_wait3A_1523 = arith.constant 0 : i32
    %dma_wait3A_1524 = tpu.memref_slice %arg4[%dma_wait3A_1522, %dma_wait3A_1523] : memref<100000x128xf32, #tpu.memory_space<any>> -> memref<1x128xf32, #tpu.memory_space<any>>
    %dma_wait3A_1525 = arith.constant 0 : i32
    %dma_wait3A_1526 = arith.constant 0 : i32
    %dma_wait3A_1527 = tpu.memref_slice %arg5[%dma_wait3A_1525, %dma_wait3A_1526] : memref<128x128xf32, #tpu.memory_space<vmem>> -> memref<1x128xf32, #tpu.memory_space<vmem>>
    tpu.wait_dma2 semaphore(%arg6 : memref<!tpu.dma_semaphore, #tpu.memory_space<semaphore_mem>>) src(%dma_wait3A_1527 : memref<1x128xf32, #tpu.memory_space<vmem>>) dst(%dma_wait3A_1524 : memref<1x128xf32, #tpu.memory_space<any>>)
    %dma_wait3A_1528 = arith.constant 0 : i32
    %dma_wait3A_1529 = arith.constant 0 : i32
    %dma_wait3A_1530 = tpu.memref_slice %arg4[%dma_wait3A_1528, %dma_wait3A_1529] : memref<100000x128xf32, #tpu.memory_space<any>> -> memref<1x128xf32, #tpu.memory_space<any>>
    %dma_wait3A_1531 = arith.constant 0 : i32
    %dma_wait3A_1532 = arith.constant 0 : i32
    %dma_wait3A_1533 = tpu.memref_slice %arg5[%dma_wait3A_1531, %dma_wait3A_1532] : memref<128x128xf32, #tpu.memory_space<vmem>> -> memref<1x128xf32, #tpu.memory_space<vmem>>
    tpu.wait_dma2 semaphore(%arg6 : memref<!tpu.dma_semaphore, #tpu.memory_space<semaphore_mem>>) src(%dma_wait3A_1533 : memref<1x128xf32, #tpu.memory_space<vmem>>) dst(%dma_wait3A_1530 : memref<1x128xf32, #tpu.memory_space<any>>)
    %dma_wait3A_1534 = arith.constant 0 : i32
    %dma_wait3A_1535 = arith.constant 0 : i32
    %dma_wait3A_1536 = tpu.memref_slice %arg4[%dma_wait3A_1534, %dma_wait3A_1535] : memref<100000x128xf32, #tpu.memory_space<any>> -> memref<1x128xf32, #tpu.memory_space<any>>
    %dma_wait3A_1537 = arith.constant 0 : i32
    %dma_wait3A_1538 = arith.constant 0 : i32
    %dma_wait3A_1539 = tpu.memref_slice %arg5[%dma_wait3A_1537, %dma_wait3A_1538] : memref<128x128xf32, #tpu.memory_space<vmem>> -> memref<1x128xf32, #tpu.memory_space<vmem>>
    tpu.wait_dma2 semaphore(%arg6 : memref<!tpu.dma_semaphore, #tpu.memory_space<semaphore_mem>>) src(%dma_wait3A_1539 : memref<1x128xf32, #tpu.memory_space<vmem>>) dst(%dma_wait3A_1536 : memref<1x128xf32, #tpu.memory_space<any>>)
    %dma_wait3A_1540 = arith.constant 0 : i32
    %dma_wait3A_1541 = arith.constant 0 : i32
    %dma_wait3A_1542 = tpu.memref_slice %arg4[%dma_wait3A_1540, %dma_wait3A_1541] : memref<100000x128xf32, #tpu.memory_space<any>> -> memref<1x128xf32, #tpu.memory_space<any>>
    %dma_wait3A_1543 = arith.constant 0 : i32
    %dma_wait3A_1544 = arith.constant 0 : i32
    %dma_wait3A_1545 = tpu.memref_slice %arg5[%dma_wait3A_1543, %dma_wait3A_1544] : memref<128x128xf32, #tpu.memory_space<vmem>> -> memref<1x128xf32, #tpu.memory_space<vmem>>
    tpu.wait_dma2 semaphore(%arg6 : memref<!tpu.dma_semaphore, #tpu.memory_space<semaphore_mem>>) src(%dma_wait3A_1545 : memref<1x128xf32, #tpu.memory_space<vmem>>) dst(%dma_wait3A_1542 : memref<1x128xf32, #tpu.memory_space<any>>)
    %dma_wait3A_1546 = arith.constant 0 : i32
    %dma_wait3A_1547 = arith.constant 0 : i32
    %dma_wait3A_1548 = tpu.memref_slice %arg4[%dma_wait3A_1546, %dma_wait3A_1547] : memref<100000x128xf32, #tpu.memory_space<any>> -> memref<1x128xf32, #tpu.memory_space<any>>
    %dma_wait3A_1549 = arith.constant 0 : i32
    %dma_wait3A_1550 = arith.constant 0 : i32
    %dma_wait3A_1551 = tpu.memref_slice %arg5[%dma_wait3A_1549, %dma_wait3A_1550] : memref<128x128xf32, #tpu.memory_space<vmem>> -> memref<1x128xf32, #tpu.memory_space<vmem>>
    tpu.wait_dma2 semaphore(%arg6 : memref<!tpu.dma_semaphore, #tpu.memory_space<semaphore_mem>>) src(%dma_wait3A_1551 : memref<1x128xf32, #tpu.memory_space<vmem>>) dst(%dma_wait3A_1548 : memref<1x128xf32, #tpu.memory_space<any>>)
    %dma_wait3A_1552 = arith.constant 0 : i32
    %dma_wait3A_1553 = arith.constant 0 : i32
    %dma_wait3A_1554 = tpu.memref_slice %arg4[%dma_wait3A_1552, %dma_wait3A_1553] : memref<100000x128xf32, #tpu.memory_space<any>> -> memref<1x128xf32, #tpu.memory_space<any>>
    %dma_wait3A_1555 = arith.constant 0 : i32
    %dma_wait3A_1556 = arith.constant 0 : i32
    %dma_wait3A_1557 = tpu.memref_slice %arg5[%dma_wait3A_1555, %dma_wait3A_1556] : memref<128x128xf32, #tpu.memory_space<vmem>> -> memref<1x128xf32, #tpu.memory_space<vmem>>
    tpu.wait_dma2 semaphore(%arg6 : memref<!tpu.dma_semaphore, #tpu.memory_space<semaphore_mem>>) src(%dma_wait3A_1557 : memref<1x128xf32, #tpu.memory_space<vmem>>) dst(%dma_wait3A_1554 : memref<1x128xf32, #tpu.memory_space<any>>)
    %dma_wait3A_1558 = arith.constant 0 : i32
    %dma_wait3A_1559 = arith.constant 0 : i32
    %dma_wait3A_1560 = tpu.memref_slice %arg4[%dma_wait3A_1558, %dma_wait3A_1559] : memref<100000x128xf32, #tpu.memory_space<any>> -> memref<1x128xf32, #tpu.memory_space<any>>
    %dma_wait3A_1561 = arith.constant 0 : i32
    %dma_wait3A_1562 = arith.constant 0 : i32
    %dma_wait3A_1563 = tpu.memref_slice %arg5[%dma_wait3A_1561, %dma_wait3A_1562] : memref<128x128xf32, #tpu.memory_space<vmem>> -> memref<1x128xf32, #tpu.memory_space<vmem>>
    tpu.wait_dma2 semaphore(%arg6 : memref<!tpu.dma_semaphore, #tpu.memory_space<semaphore_mem>>) src(%dma_wait3A_1563 : memref<1x128xf32, #tpu.memory_space<vmem>>) dst(%dma_wait3A_1560 : memref<1x128xf32, #tpu.memory_space<any>>)
    %dma_wait3A_1564 = arith.constant 0 : i32
    %dma_wait3A_1565 = arith.constant 0 : i32
    %dma_wait3A_1566 = tpu.memref_slice %arg4[%dma_wait3A_1564, %dma_wait3A_1565] : memref<100000x128xf32, #tpu.memory_space<any>> -> memref<1x128xf32, #tpu.memory_space<any>>
    %dma_wait3A_1567 = arith.constant 0 : i32
    %dma_wait3A_1568 = arith.constant 0 : i32
    %dma_wait3A_1569 = tpu.memref_slice %arg5[%dma_wait3A_1567, %dma_wait3A_1568] : memref<128x128xf32, #tpu.memory_space<vmem>> -> memref<1x128xf32, #tpu.memory_space<vmem>>
    tpu.wait_dma2 semaphore(%arg6 : memref<!tpu.dma_semaphore, #tpu.memory_space<semaphore_mem>>) src(%dma_wait3A_1569 : memref<1x128xf32, #tpu.memory_space<vmem>>) dst(%dma_wait3A_1566 : memref<1x128xf32, #tpu.memory_space<any>>)
    %dma_wait3A_1570 = arith.constant 0 : i32
    %dma_wait3A_1571 = arith.constant 0 : i32
    %dma_wait3A_1572 = tpu.memref_slice %arg4[%dma_wait3A_1570, %dma_wait3A_1571] : memref<100000x128xf32, #tpu.memory_space<any>> -> memref<1x128xf32, #tpu.memory_space<any>>
    %dma_wait3A_1573 = arith.constant 0 : i32
    %dma_wait3A_1574 = arith.constant 0 : i32
    %dma_wait3A_1575 = tpu.memref_slice %arg5[%dma_wait3A_1573, %dma_wait3A_1574] : memref<128x128xf32, #tpu.memory_space<vmem>> -> memref<1x128xf32, #tpu.memory_space<vmem>>
    tpu.wait_dma2 semaphore(%arg6 : memref<!tpu.dma_semaphore, #tpu.memory_space<semaphore_mem>>) src(%dma_wait3A_1575 : memref<1x128xf32, #tpu.memory_space<vmem>>) dst(%dma_wait3A_1572 : memref<1x128xf32, #tpu.memory_space<any>>)
    %dma_wait3A_1576 = arith.constant 0 : i32
    %dma_wait3A_1577 = arith.constant 0 : i32
    %dma_wait3A_1578 = tpu.memref_slice %arg4[%dma_wait3A_1576, %dma_wait3A_1577] : memref<100000x128xf32, #tpu.memory_space<any>> -> memref<1x128xf32, #tpu.memory_space<any>>
    %dma_wait3A_1579 = arith.constant 0 : i32
    %dma_wait3A_1580 = arith.constant 0 : i32
    %dma_wait3A_1581 = tpu.memref_slice %arg5[%dma_wait3A_1579, %dma_wait3A_1580] : memref<128x128xf32, #tpu.memory_space<vmem>> -> memref<1x128xf32, #tpu.memory_space<vmem>>
    tpu.wait_dma2 semaphore(%arg6 : memref<!tpu.dma_semaphore, #tpu.memory_space<semaphore_mem>>) src(%dma_wait3A_1581 : memref<1x128xf32, #tpu.memory_space<vmem>>) dst(%dma_wait3A_1578 : memref<1x128xf32, #tpu.memory_space<any>>)
    %dma_wait3A_1582 = arith.constant 0 : i32
    %dma_wait3A_1583 = arith.constant 0 : i32
    %dma_wait3A_1584 = tpu.memref_slice %arg4[%dma_wait3A_1582, %dma_wait3A_1583] : memref<100000x128xf32, #tpu.memory_space<any>> -> memref<1x128xf32, #tpu.memory_space<any>>
    %dma_wait3A_1585 = arith.constant 0 : i32
    %dma_wait3A_1586 = arith.constant 0 : i32
    %dma_wait3A_1587 = tpu.memref_slice %arg5[%dma_wait3A_1585, %dma_wait3A_1586] : memref<128x128xf32, #tpu.memory_space<vmem>> -> memref<1x128xf32, #tpu.memory_space<vmem>>
    tpu.wait_dma2 semaphore(%arg6 : memref<!tpu.dma_semaphore, #tpu.memory_space<semaphore_mem>>) src(%dma_wait3A_1587 : memref<1x128xf32, #tpu.memory_space<vmem>>) dst(%dma_wait3A_1584 : memref<1x128xf32, #tpu.memory_space<any>>)
    %dma_wait3A_1588 = arith.constant 0 : i32
    %dma_wait3A_1589 = arith.constant 0 : i32
    %dma_wait3A_1590 = tpu.memref_slice %arg4[%dma_wait3A_1588, %dma_wait3A_1589] : memref<100000x128xf32, #tpu.memory_space<any>> -> memref<1x128xf32, #tpu.memory_space<any>>
    %dma_wait3A_1591 = arith.constant 0 : i32
    %dma_wait3A_1592 = arith.constant 0 : i32
    %dma_wait3A_1593 = tpu.memref_slice %arg5[%dma_wait3A_1591, %dma_wait3A_1592] : memref<128x128xf32, #tpu.memory_space<vmem>> -> memref<1x128xf32, #tpu.memory_space<vmem>>
    tpu.wait_dma2 semaphore(%arg6 : memref<!tpu.dma_semaphore, #tpu.memory_space<semaphore_mem>>) src(%dma_wait3A_1593 : memref<1x128xf32, #tpu.memory_space<vmem>>) dst(%dma_wait3A_1590 : memref<1x128xf32, #tpu.memory_space<any>>)
    %dma_wait3A_1594 = arith.constant 0 : i32
    %dma_wait3A_1595 = arith.constant 0 : i32
    %dma_wait3A_1596 = tpu.memref_slice %arg4[%dma_wait3A_1594, %dma_wait3A_1595] : memref<100000x128xf32, #tpu.memory_space<any>> -> memref<1x128xf32, #tpu.memory_space<any>>
    %dma_wait3A_1597 = arith.constant 0 : i32
    %dma_wait3A_1598 = arith.constant 0 : i32
    %dma_wait3A_1599 = tpu.memref_slice %arg5[%dma_wait3A_1597, %dma_wait3A_1598] : memref<128x128xf32, #tpu.memory_space<vmem>> -> memref<1x128xf32, #tpu.memory_space<vmem>>
    tpu.wait_dma2 semaphore(%arg6 : memref<!tpu.dma_semaphore, #tpu.memory_space<semaphore_mem>>) src(%dma_wait3A_1599 : memref<1x128xf32, #tpu.memory_space<vmem>>) dst(%dma_wait3A_1596 : memref<1x128xf32, #tpu.memory_space<any>>)
    %dma_wait3A_1600 = arith.constant 0 : i32
    %dma_wait3A_1601 = arith.constant 0 : i32
    %dma_wait3A_1602 = tpu.memref_slice %arg4[%dma_wait3A_1600, %dma_wait3A_1601] : memref<100000x128xf32, #tpu.memory_space<any>> -> memref<1x128xf32, #tpu.memory_space<any>>
    %dma_wait3A_1603 = arith.constant 0 : i32
    %dma_wait3A_1604 = arith.constant 0 : i32
    %dma_wait3A_1605 = tpu.memref_slice %arg5[%dma_wait3A_1603, %dma_wait3A_1604] : memref<128x128xf32, #tpu.memory_space<vmem>> -> memref<1x128xf32, #tpu.memory_space<vmem>>
    tpu.wait_dma2 semaphore(%arg6 : memref<!tpu.dma_semaphore, #tpu.memory_space<semaphore_mem>>) src(%dma_wait3A_1605 : memref<1x128xf32, #tpu.memory_space<vmem>>) dst(%dma_wait3A_1602 : memref<1x128xf32, #tpu.memory_space<any>>)
    %dma_wait3A_1606 = arith.constant 0 : i32
    %dma_wait3A_1607 = arith.constant 0 : i32
    %dma_wait3A_1608 = tpu.memref_slice %arg4[%dma_wait3A_1606, %dma_wait3A_1607] : memref<100000x128xf32, #tpu.memory_space<any>> -> memref<1x128xf32, #tpu.memory_space<any>>
    %dma_wait3A_1609 = arith.constant 0 : i32
    %dma_wait3A_1610 = arith.constant 0 : i32
    %dma_wait3A_1611 = tpu.memref_slice %arg5[%dma_wait3A_1609, %dma_wait3A_1610] : memref<128x128xf32, #tpu.memory_space<vmem>> -> memref<1x128xf32, #tpu.memory_space<vmem>>
    tpu.wait_dma2 semaphore(%arg6 : memref<!tpu.dma_semaphore, #tpu.memory_space<semaphore_mem>>) src(%dma_wait3A_1611 : memref<1x128xf32, #tpu.memory_space<vmem>>) dst(%dma_wait3A_1608 : memref<1x128xf32, #tpu.memory_space<any>>)
    %dma_wait3A_1612 = arith.constant 0 : i32
    %dma_wait3A_1613 = arith.constant 0 : i32
    %dma_wait3A_1614 = tpu.memref_slice %arg4[%dma_wait3A_1612, %dma_wait3A_1613] : memref<100000x128xf32, #tpu.memory_space<any>> -> memref<1x128xf32, #tpu.memory_space<any>>
    %dma_wait3A_1615 = arith.constant 0 : i32
    %dma_wait3A_1616 = arith.constant 0 : i32
    %dma_wait3A_1617 = tpu.memref_slice %arg5[%dma_wait3A_1615, %dma_wait3A_1616] : memref<128x128xf32, #tpu.memory_space<vmem>> -> memref<1x128xf32, #tpu.memory_space<vmem>>
    tpu.wait_dma2 semaphore(%arg6 : memref<!tpu.dma_semaphore, #tpu.memory_space<semaphore_mem>>) src(%dma_wait3A_1617 : memref<1x128xf32, #tpu.memory_space<vmem>>) dst(%dma_wait3A_1614 : memref<1x128xf32, #tpu.memory_space<any>>)
    %dma_wait3A_1618 = arith.constant 0 : i32
    %dma_wait3A_1619 = arith.constant 0 : i32
    %dma_wait3A_1620 = tpu.memref_slice %arg4[%dma_wait3A_1618, %dma_wait3A_1619] : memref<100000x128xf32, #tpu.memory_space<any>> -> memref<1x128xf32, #tpu.memory_space<any>>
    %dma_wait3A_1621 = arith.constant 0 : i32
    %dma_wait3A_1622 = arith.constant 0 : i32
    %dma_wait3A_1623 = tpu.memref_slice %arg5[%dma_wait3A_1621, %dma_wait3A_1622] : memref<128x128xf32, #tpu.memory_space<vmem>> -> memref<1x128xf32, #tpu.memory_space<vmem>>
    tpu.wait_dma2 semaphore(%arg6 : memref<!tpu.dma_semaphore, #tpu.memory_space<semaphore_mem>>) src(%dma_wait3A_1623 : memref<1x128xf32, #tpu.memory_space<vmem>>) dst(%dma_wait3A_1620 : memref<1x128xf32, #tpu.memory_space<any>>)
    %dma_wait3A_1624 = arith.constant 0 : i32
    %dma_wait3A_1625 = arith.constant 0 : i32
    %dma_wait3A_1626 = tpu.memref_slice %arg4[%dma_wait3A_1624, %dma_wait3A_1625] : memref<100000x128xf32, #tpu.memory_space<any>> -> memref<1x128xf32, #tpu.memory_space<any>>
    %dma_wait3A_1627 = arith.constant 0 : i32
    %dma_wait3A_1628 = arith.constant 0 : i32
    %dma_wait3A_1629 = tpu.memref_slice %arg5[%dma_wait3A_1627, %dma_wait3A_1628] : memref<128x128xf32, #tpu.memory_space<vmem>> -> memref<1x128xf32, #tpu.memory_space<vmem>>
    tpu.wait_dma2 semaphore(%arg6 : memref<!tpu.dma_semaphore, #tpu.memory_space<semaphore_mem>>) src(%dma_wait3A_1629 : memref<1x128xf32, #tpu.memory_space<vmem>>) dst(%dma_wait3A_1626 : memref<1x128xf32, #tpu.memory_space<any>>)
    %dma_wait3A_1630 = arith.constant 0 : i32
    %dma_wait3A_1631 = arith.constant 0 : i32
    %dma_wait3A_1632 = tpu.memref_slice %arg4[%dma_wait3A_1630, %dma_wait3A_1631] : memref<100000x128xf32, #tpu.memory_space<any>> -> memref<1x128xf32, #tpu.memory_space<any>>
    %dma_wait3A_1633 = arith.constant 0 : i32
    %dma_wait3A_1634 = arith.constant 0 : i32
    %dma_wait3A_1635 = tpu.memref_slice %arg5[%dma_wait3A_1633, %dma_wait3A_1634] : memref<128x128xf32, #tpu.memory_space<vmem>> -> memref<1x128xf32, #tpu.memory_space<vmem>>
    tpu.wait_dma2 semaphore(%arg6 : memref<!tpu.dma_semaphore, #tpu.memory_space<semaphore_mem>>) src(%dma_wait3A_1635 : memref<1x128xf32, #tpu.memory_space<vmem>>) dst(%dma_wait3A_1632 : memref<1x128xf32, #tpu.memory_space<any>>)
    %dma_wait3A_1636 = arith.constant 0 : i32
    %dma_wait3A_1637 = arith.constant 0 : i32
    %dma_wait3A_1638 = tpu.memref_slice %arg4[%dma_wait3A_1636, %dma_wait3A_1637] : memref<100000x128xf32, #tpu.memory_space<any>> -> memref<1x128xf32, #tpu.memory_space<any>>
    %dma_wait3A_1639 = arith.constant 0 : i32
    %dma_wait3A_1640 = arith.constant 0 : i32
    %dma_wait3A_1641 = tpu.memref_slice %arg5[%dma_wait3A_1639, %dma_wait3A_1640] : memref<128x128xf32, #tpu.memory_space<vmem>> -> memref<1x128xf32, #tpu.memory_space<vmem>>
    tpu.wait_dma2 semaphore(%arg6 : memref<!tpu.dma_semaphore, #tpu.memory_space<semaphore_mem>>) src(%dma_wait3A_1641 : memref<1x128xf32, #tpu.memory_space<vmem>>) dst(%dma_wait3A_1638 : memref<1x128xf32, #tpu.memory_space<any>>)
    %dma_wait3A_1642 = arith.constant 0 : i32
    %dma_wait3A_1643 = arith.constant 0 : i32
    %dma_wait3A_1644 = tpu.memref_slice %arg4[%dma_wait3A_1642, %dma_wait3A_1643] : memref<100000x128xf32, #tpu.memory_space<any>> -> memref<1x128xf32, #tpu.memory_space<any>>
    %dma_wait3A_1645 = arith.constant 0 : i32
    %dma_wait3A_1646 = arith.constant 0 : i32
    %dma_wait3A_1647 = tpu.memref_slice %arg5[%dma_wait3A_1645, %dma_wait3A_1646] : memref<128x128xf32, #tpu.memory_space<vmem>> -> memref<1x128xf32, #tpu.memory_space<vmem>>
    tpu.wait_dma2 semaphore(%arg6 : memref<!tpu.dma_semaphore, #tpu.memory_space<semaphore_mem>>) src(%dma_wait3A_1647 : memref<1x128xf32, #tpu.memory_space<vmem>>) dst(%dma_wait3A_1644 : memref<1x128xf32, #tpu.memory_space<any>>)
    %dma_wait3A_1648 = arith.constant 0 : i32
    %dma_wait3A_1649 = arith.constant 0 : i32
    %dma_wait3A_1650 = tpu.memref_slice %arg4[%dma_wait3A_1648, %dma_wait3A_1649] : memref<100000x128xf32, #tpu.memory_space<any>> -> memref<1x128xf32, #tpu.memory_space<any>>
    %dma_wait3A_1651 = arith.constant 0 : i32
    %dma_wait3A_1652 = arith.constant 0 : i32
    %dma_wait3A_1653 = tpu.memref_slice %arg5[%dma_wait3A_1651, %dma_wait3A_1652] : memref<128x128xf32, #tpu.memory_space<vmem>> -> memref<1x128xf32, #tpu.memory_space<vmem>>
    tpu.wait_dma2 semaphore(%arg6 : memref<!tpu.dma_semaphore, #tpu.memory_space<semaphore_mem>>) src(%dma_wait3A_1653 : memref<1x128xf32, #tpu.memory_space<vmem>>) dst(%dma_wait3A_1650 : memref<1x128xf32, #tpu.memory_space<any>>)
    %dma_wait3A_1654 = arith.constant 0 : i32
    %dma_wait3A_1655 = arith.constant 0 : i32
    %dma_wait3A_1656 = tpu.memref_slice %arg4[%dma_wait3A_1654, %dma_wait3A_1655] : memref<100000x128xf32, #tpu.memory_space<any>> -> memref<1x128xf32, #tpu.memory_space<any>>
    %dma_wait3A_1657 = arith.constant 0 : i32
    %dma_wait3A_1658 = arith.constant 0 : i32
    %dma_wait3A_1659 = tpu.memref_slice %arg5[%dma_wait3A_1657, %dma_wait3A_1658] : memref<128x128xf32, #tpu.memory_space<vmem>> -> memref<1x128xf32, #tpu.memory_space<vmem>>
    tpu.wait_dma2 semaphore(%arg6 : memref<!tpu.dma_semaphore, #tpu.memory_space<semaphore_mem>>) src(%dma_wait3A_1659 : memref<1x128xf32, #tpu.memory_space<vmem>>) dst(%dma_wait3A_1656 : memref<1x128xf32, #tpu.memory_space<any>>)
    %dma_wait3A_1660 = arith.constant 0 : i32
    %dma_wait3A_1661 = arith.constant 0 : i32
    %dma_wait3A_1662 = tpu.memref_slice %arg4[%dma_wait3A_1660, %dma_wait3A_1661] : memref<100000x128xf32, #tpu.memory_space<any>> -> memref<1x128xf32, #tpu.memory_space<any>>
    %dma_wait3A_1663 = arith.constant 0 : i32
    %dma_wait3A_1664 = arith.constant 0 : i32
    %dma_wait3A_1665 = tpu.memref_slice %arg5[%dma_wait3A_1663, %dma_wait3A_1664] : memref<128x128xf32, #tpu.memory_space<vmem>> -> memref<1x128xf32, #tpu.memory_space<vmem>>
    tpu.wait_dma2 semaphore(%arg6 : memref<!tpu.dma_semaphore, #tpu.memory_space<semaphore_mem>>) src(%dma_wait3A_1665 : memref<1x128xf32, #tpu.memory_space<vmem>>) dst(%dma_wait3A_1662 : memref<1x128xf32, #tpu.memory_space<any>>)
    %dma_wait3A_1666 = arith.constant 0 : i32
    %dma_wait3A_1667 = arith.constant 0 : i32
    %dma_wait3A_1668 = tpu.memref_slice %arg4[%dma_wait3A_1666, %dma_wait3A_1667] : memref<100000x128xf32, #tpu.memory_space<any>> -> memref<1x128xf32, #tpu.memory_space<any>>
    %dma_wait3A_1669 = arith.constant 0 : i32
    %dma_wait3A_1670 = arith.constant 0 : i32
    %dma_wait3A_1671 = tpu.memref_slice %arg5[%dma_wait3A_1669, %dma_wait3A_1670] : memref<128x128xf32, #tpu.memory_space<vmem>> -> memref<1x128xf32, #tpu.memory_space<vmem>>
    tpu.wait_dma2 semaphore(%arg6 : memref<!tpu.dma_semaphore, #tpu.memory_space<semaphore_mem>>) src(%dma_wait3A_1671 : memref<1x128xf32, #tpu.memory_space<vmem>>) dst(%dma_wait3A_1668 : memref<1x128xf32, #tpu.memory_space<any>>)
    %dma_wait3A_1672 = arith.constant 0 : i32
    %dma_wait3A_1673 = arith.constant 0 : i32
    %dma_wait3A_1674 = tpu.memref_slice %arg4[%dma_wait3A_1672, %dma_wait3A_1673] : memref<100000x128xf32, #tpu.memory_space<any>> -> memref<1x128xf32, #tpu.memory_space<any>>
    %dma_wait3A_1675 = arith.constant 0 : i32
    %dma_wait3A_1676 = arith.constant 0 : i32
    %dma_wait3A_1677 = tpu.memref_slice %arg5[%dma_wait3A_1675, %dma_wait3A_1676] : memref<128x128xf32, #tpu.memory_space<vmem>> -> memref<1x128xf32, #tpu.memory_space<vmem>>
    tpu.wait_dma2 semaphore(%arg6 : memref<!tpu.dma_semaphore, #tpu.memory_space<semaphore_mem>>) src(%dma_wait3A_1677 : memref<1x128xf32, #tpu.memory_space<vmem>>) dst(%dma_wait3A_1674 : memref<1x128xf32, #tpu.memory_space<any>>)
    %dma_wait3A_1678 = arith.constant 0 : i32
    %dma_wait3A_1679 = arith.constant 0 : i32
    %dma_wait3A_1680 = tpu.memref_slice %arg4[%dma_wait3A_1678, %dma_wait3A_1679] : memref<100000x128xf32, #tpu.memory_space<any>> -> memref<1x128xf32, #tpu.memory_space<any>>
    %dma_wait3A_1681 = arith.constant 0 : i32
    %dma_wait3A_1682 = arith.constant 0 : i32
    %dma_wait3A_1683 = tpu.memref_slice %arg5[%dma_wait3A_1681, %dma_wait3A_1682] : memref<128x128xf32, #tpu.memory_space<vmem>> -> memref<1x128xf32, #tpu.memory_space<vmem>>
    tpu.wait_dma2 semaphore(%arg6 : memref<!tpu.dma_semaphore, #tpu.memory_space<semaphore_mem>>) src(%dma_wait3A_1683 : memref<1x128xf32, #tpu.memory_space<vmem>>) dst(%dma_wait3A_1680 : memref<1x128xf32, #tpu.memory_space<any>>)
    %dma_wait3A_1684 = arith.constant 0 : i32
    %dma_wait3A_1685 = arith.constant 0 : i32
    %dma_wait3A_1686 = tpu.memref_slice %arg4[%dma_wait3A_1684, %dma_wait3A_1685] : memref<100000x128xf32, #tpu.memory_space<any>> -> memref<1x128xf32, #tpu.memory_space<any>>
    %dma_wait3A_1687 = arith.constant 0 : i32
    %dma_wait3A_1688 = arith.constant 0 : i32
    %dma_wait3A_1689 = tpu.memref_slice %arg5[%dma_wait3A_1687, %dma_wait3A_1688] : memref<128x128xf32, #tpu.memory_space<vmem>> -> memref<1x128xf32, #tpu.memory_space<vmem>>
    tpu.wait_dma2 semaphore(%arg6 : memref<!tpu.dma_semaphore, #tpu.memory_space<semaphore_mem>>) src(%dma_wait3A_1689 : memref<1x128xf32, #tpu.memory_space<vmem>>) dst(%dma_wait3A_1686 : memref<1x128xf32, #tpu.memory_space<any>>)
    %dma_wait3A_1690 = arith.constant 0 : i32
    %dma_wait3A_1691 = arith.constant 0 : i32
    %dma_wait3A_1692 = tpu.memref_slice %arg4[%dma_wait3A_1690, %dma_wait3A_1691] : memref<100000x128xf32, #tpu.memory_space<any>> -> memref<1x128xf32, #tpu.memory_space<any>>
    %dma_wait3A_1693 = arith.constant 0 : i32
    %dma_wait3A_1694 = arith.constant 0 : i32
    %dma_wait3A_1695 = tpu.memref_slice %arg5[%dma_wait3A_1693, %dma_wait3A_1694] : memref<128x128xf32, #tpu.memory_space<vmem>> -> memref<1x128xf32, #tpu.memory_space<vmem>>
    tpu.wait_dma2 semaphore(%arg6 : memref<!tpu.dma_semaphore, #tpu.memory_space<semaphore_mem>>) src(%dma_wait3A_1695 : memref<1x128xf32, #tpu.memory_space<vmem>>) dst(%dma_wait3A_1692 : memref<1x128xf32, #tpu.memory_space<any>>)
    %dma_wait3A_1696 = arith.constant 0 : i32
    %dma_wait3A_1697 = arith.constant 0 : i32
    %dma_wait3A_1698 = tpu.memref_slice %arg4[%dma_wait3A_1696, %dma_wait3A_1697] : memref<100000x128xf32, #tpu.memory_space<any>> -> memref<1x128xf32, #tpu.memory_space<any>>
    %dma_wait3A_1699 = arith.constant 0 : i32
    %dma_wait3A_1700 = arith.constant 0 : i32
    %dma_wait3A_1701 = tpu.memref_slice %arg5[%dma_wait3A_1699, %dma_wait3A_1700] : memref<128x128xf32, #tpu.memory_space<vmem>> -> memref<1x128xf32, #tpu.memory_space<vmem>>
    tpu.wait_dma2 semaphore(%arg6 : memref<!tpu.dma_semaphore, #tpu.memory_space<semaphore_mem>>) src(%dma_wait3A_1701 : memref<1x128xf32, #tpu.memory_space<vmem>>) dst(%dma_wait3A_1698 : memref<1x128xf32, #tpu.memory_space<any>>)
    %dma_wait3A_1702 = arith.constant 0 : i32
    %dma_wait3A_1703 = arith.constant 0 : i32
    %dma_wait3A_1704 = tpu.memref_slice %arg4[%dma_wait3A_1702, %dma_wait3A_1703] : memref<100000x128xf32, #tpu.memory_space<any>> -> memref<1x128xf32, #tpu.memory_space<any>>
    %dma_wait3A_1705 = arith.constant 0 : i32
    %dma_wait3A_1706 = arith.constant 0 : i32
    %dma_wait3A_1707 = tpu.memref_slice %arg5[%dma_wait3A_1705, %dma_wait3A_1706] : memref<128x128xf32, #tpu.memory_space<vmem>> -> memref<1x128xf32, #tpu.memory_space<vmem>>
    tpu.wait_dma2 semaphore(%arg6 : memref<!tpu.dma_semaphore, #tpu.memory_space<semaphore_mem>>) src(%dma_wait3A_1707 : memref<1x128xf32, #tpu.memory_space<vmem>>) dst(%dma_wait3A_1704 : memref<1x128xf32, #tpu.memory_space<any>>)
    %dma_wait3A_1708 = arith.constant 0 : i32
    %dma_wait3A_1709 = arith.constant 0 : i32
    %dma_wait3A_1710 = tpu.memref_slice %arg4[%dma_wait3A_1708, %dma_wait3A_1709] : memref<100000x128xf32, #tpu.memory_space<any>> -> memref<1x128xf32, #tpu.memory_space<any>>
    %dma_wait3A_1711 = arith.constant 0 : i32
    %dma_wait3A_1712 = arith.constant 0 : i32
    %dma_wait3A_1713 = tpu.memref_slice %arg5[%dma_wait3A_1711, %dma_wait3A_1712] : memref<128x128xf32, #tpu.memory_space<vmem>> -> memref<1x128xf32, #tpu.memory_space<vmem>>
    tpu.wait_dma2 semaphore(%arg6 : memref<!tpu.dma_semaphore, #tpu.memory_space<semaphore_mem>>) src(%dma_wait3A_1713 : memref<1x128xf32, #tpu.memory_space<vmem>>) dst(%dma_wait3A_1710 : memref<1x128xf32, #tpu.memory_space<any>>)
    %dma_wait3A_1714 = arith.constant 0 : i32
    %dma_wait3A_1715 = arith.constant 0 : i32
    %dma_wait3A_1716 = tpu.memref_slice %arg4[%dma_wait3A_1714, %dma_wait3A_1715] : memref<100000x128xf32, #tpu.memory_space<any>> -> memref<1x128xf32, #tpu.memory_space<any>>
    %dma_wait3A_1717 = arith.constant 0 : i32
    %dma_wait3A_1718 = arith.constant 0 : i32
    %dma_wait3A_1719 = tpu.memref_slice %arg5[%dma_wait3A_1717, %dma_wait3A_1718] : memref<128x128xf32, #tpu.memory_space<vmem>> -> memref<1x128xf32, #tpu.memory_space<vmem>>
    tpu.wait_dma2 semaphore(%arg6 : memref<!tpu.dma_semaphore, #tpu.memory_space<semaphore_mem>>) src(%dma_wait3A_1719 : memref<1x128xf32, #tpu.memory_space<vmem>>) dst(%dma_wait3A_1716 : memref<1x128xf32, #tpu.memory_space<any>>)
    %dma_wait3A_1720 = arith.constant 0 : i32
    %dma_wait3A_1721 = arith.constant 0 : i32
    %dma_wait3A_1722 = tpu.memref_slice %arg4[%dma_wait3A_1720, %dma_wait3A_1721] : memref<100000x128xf32, #tpu.memory_space<any>> -> memref<1x128xf32, #tpu.memory_space<any>>
    %dma_wait3A_1723 = arith.constant 0 : i32
    %dma_wait3A_1724 = arith.constant 0 : i32
    %dma_wait3A_1725 = tpu.memref_slice %arg5[%dma_wait3A_1723, %dma_wait3A_1724] : memref<128x128xf32, #tpu.memory_space<vmem>> -> memref<1x128xf32, #tpu.memory_space<vmem>>
    tpu.wait_dma2 semaphore(%arg6 : memref<!tpu.dma_semaphore, #tpu.memory_space<semaphore_mem>>) src(%dma_wait3A_1725 : memref<1x128xf32, #tpu.memory_space<vmem>>) dst(%dma_wait3A_1722 : memref<1x128xf32, #tpu.memory_space<any>>)
    %dma_wait3A_1726 = arith.constant 0 : i32
    %dma_wait3A_1727 = arith.constant 0 : i32
    %dma_wait3A_1728 = tpu.memref_slice %arg4[%dma_wait3A_1726, %dma_wait3A_1727] : memref<100000x128xf32, #tpu.memory_space<any>> -> memref<1x128xf32, #tpu.memory_space<any>>
    %dma_wait3A_1729 = arith.constant 0 : i32
    %dma_wait3A_1730 = arith.constant 0 : i32
    %dma_wait3A_1731 = tpu.memref_slice %arg5[%dma_wait3A_1729, %dma_wait3A_1730] : memref<128x128xf32, #tpu.memory_space<vmem>> -> memref<1x128xf32, #tpu.memory_space<vmem>>
    tpu.wait_dma2 semaphore(%arg6 : memref<!tpu.dma_semaphore, #tpu.memory_space<semaphore_mem>>) src(%dma_wait3A_1731 : memref<1x128xf32, #tpu.memory_space<vmem>>) dst(%dma_wait3A_1728 : memref<1x128xf32, #tpu.memory_space<any>>)
    %dma_wait3A_1732 = arith.constant 0 : i32
    %dma_wait3A_1733 = arith.constant 0 : i32
    %dma_wait3A_1734 = tpu.memref_slice %arg4[%dma_wait3A_1732, %dma_wait3A_1733] : memref<100000x128xf32, #tpu.memory_space<any>> -> memref<1x128xf32, #tpu.memory_space<any>>
    %dma_wait3A_1735 = arith.constant 0 : i32
    %dma_wait3A_1736 = arith.constant 0 : i32
    %dma_wait3A_1737 = tpu.memref_slice %arg5[%dma_wait3A_1735, %dma_wait3A_1736] : memref<128x128xf32, #tpu.memory_space<vmem>> -> memref<1x128xf32, #tpu.memory_space<vmem>>
    tpu.wait_dma2 semaphore(%arg6 : memref<!tpu.dma_semaphore, #tpu.memory_space<semaphore_mem>>) src(%dma_wait3A_1737 : memref<1x128xf32, #tpu.memory_space<vmem>>) dst(%dma_wait3A_1734 : memref<1x128xf32, #tpu.memory_space<any>>)
    %dma_wait3A_1738 = arith.constant 0 : i32
    %dma_wait3A_1739 = arith.constant 0 : i32
    %dma_wait3A_1740 = tpu.memref_slice %arg4[%dma_wait3A_1738, %dma_wait3A_1739] : memref<100000x128xf32, #tpu.memory_space<any>> -> memref<1x128xf32, #tpu.memory_space<any>>
    %dma_wait3A_1741 = arith.constant 0 : i32
    %dma_wait3A_1742 = arith.constant 0 : i32
    %dma_wait3A_1743 = tpu.memref_slice %arg5[%dma_wait3A_1741, %dma_wait3A_1742] : memref<128x128xf32, #tpu.memory_space<vmem>> -> memref<1x128xf32, #tpu.memory_space<vmem>>
    tpu.wait_dma2 semaphore(%arg6 : memref<!tpu.dma_semaphore, #tpu.memory_space<semaphore_mem>>) src(%dma_wait3A_1743 : memref<1x128xf32, #tpu.memory_space<vmem>>) dst(%dma_wait3A_1740 : memref<1x128xf32, #tpu.memory_space<any>>)
    %dma_wait3A_1744 = arith.constant 0 : i32
    %dma_wait3A_1745 = arith.constant 0 : i32
    %dma_wait3A_1746 = tpu.memref_slice %arg4[%dma_wait3A_1744, %dma_wait3A_1745] : memref<100000x128xf32, #tpu.memory_space<any>> -> memref<1x128xf32, #tpu.memory_space<any>>
    %dma_wait3A_1747 = arith.constant 0 : i32
    %dma_wait3A_1748 = arith.constant 0 : i32
    %dma_wait3A_1749 = tpu.memref_slice %arg5[%dma_wait3A_1747, %dma_wait3A_1748] : memref<128x128xf32, #tpu.memory_space<vmem>> -> memref<1x128xf32, #tpu.memory_space<vmem>>
    tpu.wait_dma2 semaphore(%arg6 : memref<!tpu.dma_semaphore, #tpu.memory_space<semaphore_mem>>) src(%dma_wait3A_1749 : memref<1x128xf32, #tpu.memory_space<vmem>>) dst(%dma_wait3A_1746 : memref<1x128xf32, #tpu.memory_space<any>>)
    %dma_wait3A_1750 = arith.constant 0 : i32
    %dma_wait3A_1751 = arith.constant 0 : i32
    %dma_wait3A_1752 = tpu.memref_slice %arg4[%dma_wait3A_1750, %dma_wait3A_1751] : memref<100000x128xf32, #tpu.memory_space<any>> -> memref<1x128xf32, #tpu.memory_space<any>>
    %dma_wait3A_1753 = arith.constant 0 : i32
    %dma_wait3A_1754 = arith.constant 0 : i32
    %dma_wait3A_1755 = tpu.memref_slice %arg5[%dma_wait3A_1753, %dma_wait3A_1754] : memref<128x128xf32, #tpu.memory_space<vmem>> -> memref<1x128xf32, #tpu.memory_space<vmem>>
    tpu.wait_dma2 semaphore(%arg6 : memref<!tpu.dma_semaphore, #tpu.memory_space<semaphore_mem>>) src(%dma_wait3A_1755 : memref<1x128xf32, #tpu.memory_space<vmem>>) dst(%dma_wait3A_1752 : memref<1x128xf32, #tpu.memory_space<any>>)
    %dma_wait3A_1756 = arith.constant 0 : i32
    %dma_wait3A_1757 = arith.constant 0 : i32
    %dma_wait3A_1758 = tpu.memref_slice %arg4[%dma_wait3A_1756, %dma_wait3A_1757] : memref<100000x128xf32, #tpu.memory_space<any>> -> memref<1x128xf32, #tpu.memory_space<any>>
    %dma_wait3A_1759 = arith.constant 0 : i32
    %dma_wait3A_1760 = arith.constant 0 : i32
    %dma_wait3A_1761 = tpu.memref_slice %arg5[%dma_wait3A_1759, %dma_wait3A_1760] : memref<128x128xf32, #tpu.memory_space<vmem>> -> memref<1x128xf32, #tpu.memory_space<vmem>>
    tpu.wait_dma2 semaphore(%arg6 : memref<!tpu.dma_semaphore, #tpu.memory_space<semaphore_mem>>) src(%dma_wait3A_1761 : memref<1x128xf32, #tpu.memory_space<vmem>>) dst(%dma_wait3A_1758 : memref<1x128xf32, #tpu.memory_space<any>>)
    %dma_wait3A_1762 = arith.constant 0 : i32
    %dma_wait3A_1763 = arith.constant 0 : i32
    %dma_wait3A_1764 = tpu.memref_slice %arg4[%dma_wait3A_1762, %dma_wait3A_1763] : memref<100000x128xf32, #tpu.memory_space<any>> -> memref<1x128xf32, #tpu.memory_space<any>>
    %dma_wait3A_1765 = arith.constant 0 : i32
    %dma_wait3A_1766 = arith.constant 0 : i32
    %dma_wait3A_1767 = tpu.memref_slice %arg5[%dma_wait3A_1765, %dma_wait3A_1766] : memref<128x128xf32, #tpu.memory_space<vmem>> -> memref<1x128xf32, #tpu.memory_space<vmem>>
    tpu.wait_dma2 semaphore(%arg6 : memref<!tpu.dma_semaphore, #tpu.memory_space<semaphore_mem>>) src(%dma_wait3A_1767 : memref<1x128xf32, #tpu.memory_space<vmem>>) dst(%dma_wait3A_1764 : memref<1x128xf32, #tpu.memory_space<any>>)
    %dma_wait3A_1768 = arith.constant 0 : i32
    %dma_wait3A_1769 = arith.constant 0 : i32
    %dma_wait3A_1770 = tpu.memref_slice %arg4[%dma_wait3A_1768, %dma_wait3A_1769] : memref<100000x128xf32, #tpu.memory_space<any>> -> memref<1x128xf32, #tpu.memory_space<any>>
    %dma_wait3A_1771 = arith.constant 0 : i32
    %dma_wait3A_1772 = arith.constant 0 : i32
    %dma_wait3A_1773 = tpu.memref_slice %arg5[%dma_wait3A_1771, %dma_wait3A_1772] : memref<128x128xf32, #tpu.memory_space<vmem>> -> memref<1x128xf32, #tpu.memory_space<vmem>>
    tpu.wait_dma2 semaphore(%arg6 : memref<!tpu.dma_semaphore, #tpu.memory_space<semaphore_mem>>) src(%dma_wait3A_1773 : memref<1x128xf32, #tpu.memory_space<vmem>>) dst(%dma_wait3A_1770 : memref<1x128xf32, #tpu.memory_space<any>>)
    %dma_wait3A_1774 = arith.constant 0 : i32
    %dma_wait3A_1775 = arith.constant 0 : i32
    %dma_wait3A_1776 = tpu.memref_slice %arg4[%dma_wait3A_1774, %dma_wait3A_1775] : memref<100000x128xf32, #tpu.memory_space<any>> -> memref<1x128xf32, #tpu.memory_space<any>>
    %dma_wait3A_1777 = arith.constant 0 : i32
    %dma_wait3A_1778 = arith.constant 0 : i32
    %dma_wait3A_1779 = tpu.memref_slice %arg5[%dma_wait3A_1777, %dma_wait3A_1778] : memref<128x128xf32, #tpu.memory_space<vmem>> -> memref<1x128xf32, #tpu.memory_space<vmem>>
    tpu.wait_dma2 semaphore(%arg6 : memref<!tpu.dma_semaphore, #tpu.memory_space<semaphore_mem>>) src(%dma_wait3A_1779 : memref<1x128xf32, #tpu.memory_space<vmem>>) dst(%dma_wait3A_1776 : memref<1x128xf32, #tpu.memory_space<any>>)
    %dma_wait3A_1780 = arith.constant 0 : i32
    %dma_wait3A_1781 = arith.constant 0 : i32
    %dma_wait3A_1782 = tpu.memref_slice %arg4[%dma_wait3A_1780, %dma_wait3A_1781] : memref<100000x128xf32, #tpu.memory_space<any>> -> memref<1x128xf32, #tpu.memory_space<any>>
    %dma_wait3A_1783 = arith.constant 0 : i32
    %dma_wait3A_1784 = arith.constant 0 : i32
    %dma_wait3A_1785 = tpu.memref_slice %arg5[%dma_wait3A_1783, %dma_wait3A_1784] : memref<128x128xf32, #tpu.memory_space<vmem>> -> memref<1x128xf32, #tpu.memory_space<vmem>>
    tpu.wait_dma2 semaphore(%arg6 : memref<!tpu.dma_semaphore, #tpu.memory_space<semaphore_mem>>) src(%dma_wait3A_1785 : memref<1x128xf32, #tpu.memory_space<vmem>>) dst(%dma_wait3A_1782 : memref<1x128xf32, #tpu.memory_space<any>>)
    %dma_wait3A_1786 = arith.constant 0 : i32
    %dma_wait3A_1787 = arith.constant 0 : i32
    %dma_wait3A_1788 = tpu.memref_slice %arg4[%dma_wait3A_1786, %dma_wait3A_1787] : memref<100000x128xf32, #tpu.memory_space<any>> -> memref<1x128xf32, #tpu.memory_space<any>>
    %dma_wait3A_1789 = arith.constant 0 : i32
    %dma_wait3A_1790 = arith.constant 0 : i32
    %dma_wait3A_1791 = tpu.memref_slice %arg5[%dma_wait3A_1789, %dma_wait3A_1790] : memref<128x128xf32, #tpu.memory_space<vmem>> -> memref<1x128xf32, #tpu.memory_space<vmem>>
    tpu.wait_dma2 semaphore(%arg6 : memref<!tpu.dma_semaphore, #tpu.memory_space<semaphore_mem>>) src(%dma_wait3A_1791 : memref<1x128xf32, #tpu.memory_space<vmem>>) dst(%dma_wait3A_1788 : memref<1x128xf32, #tpu.memory_space<any>>)
    %dma_wait3A_1792 = arith.constant 0 : i32
    %dma_wait3A_1793 = arith.constant 0 : i32
    %dma_wait3A_1794 = tpu.memref_slice %arg4[%dma_wait3A_1792, %dma_wait3A_1793] : memref<100000x128xf32, #tpu.memory_space<any>> -> memref<1x128xf32, #tpu.memory_space<any>>
    %dma_wait3A_1795 = arith.constant 0 : i32
    %dma_wait3A_1796 = arith.constant 0 : i32
    %dma_wait3A_1797 = tpu.memref_slice %arg5[%dma_wait3A_1795, %dma_wait3A_1796] : memref<128x128xf32, #tpu.memory_space<vmem>> -> memref<1x128xf32, #tpu.memory_space<vmem>>
    tpu.wait_dma2 semaphore(%arg6 : memref<!tpu.dma_semaphore, #tpu.memory_space<semaphore_mem>>) src(%dma_wait3A_1797 : memref<1x128xf32, #tpu.memory_space<vmem>>) dst(%dma_wait3A_1794 : memref<1x128xf32, #tpu.memory_space<any>>)
    return
  }
}

</mosaic_0001>

<sc_bundles>
// kernel: kernel.5.cloned.1.call-start
scs
__scs_entry_jumppad:
0x0: {  	(pc) =	sbr.rel $0x88, $3  }
0x1: {  	(tag) =	ssettag $0x0;
	lr =	simm.s32 $0x1  }
0x2: {  	[smem:$0x3F9E] =	sst lr;
	_ =	strace $0xD0000000  }
0x3: {  	_ = 	snop  }
0x4: {  	_ = 	snop  }
0x5: {  	_ = 	snop  }
0x6: {  	_ = 	snop  }
0x7: {  	_ = 	snop  }
__scs_overlays_trampoline_lowered:
0x8: {  	[smem:$0x3FAD] =	sst s0  }
0x9: {  	[smem:$0x3FAE] =	sst s1  }
0xa: {  	[smem:$0x3FAF] =	sst s2  }
0xb: {  	[smem:$0x3FB0] =	sst s3  }
0xc: {  	[smem:$0x3FB1] =	sst s4  }
0xd: {  	[smem:$0x3FB2] =	sst s5  }
0xe: {  	[smem:$0x3FB3] =	sst s6  }
0xf: {  	[smem:$0x3FB4] =	sst s7  }
0x10: {  	[smem:$0x3FB5] =	sst s8  }
0x11: {  	[smem:$0x3FB6] =	sst s9;
	s0 =	simm.s32 @!p0 $0x0  }
0x12: {  	s1 =	sld [smem:$0x3F9C];
	s0 =	simm.s32 @p0 $0x1  }
0x13: {  	[smem:$0x3FB7] =	sst s0;
	s0 =	simm.s32 @!p1 $0x0  }
0x14: {  	s2 =	sld [smem:$0x3F9B];
	s0 =	simm.s32 @p1 $0x1  }
0x15: {  	[smem:$0x3FB8] =	sst s0;
	s0 =	simm.s32 @!p2 $0x0  }
0x16: {  	s3 =	sld [smem:$0x3FDB];
	s0 =	simm.s32 @p2 $0x1  }
0x17: {  	s4 =	simm.s32 $0x1BF5;
	[smem:$0x3FBA] =	sst s0  }
0x18: {  	s0 =	sld [smem:$0x3F9D];
	_ =	swait.ge [sflag:s4], $0x0  }
0x19: {  	s7 =	sld [smem:$0x3F9E]  }
0x1a: {  	s8 =	sadd.s32 $0xFFFFE003, lr  }
0x1b: {  	s9 =	sadd.s32 $0xFFFFFEF7, lr;
	s5 =	simm.s32 $0xFFFFFFFF;
	p2 =	slt.u32 s8, $0xFFFFF086  }
0x1c: {  	p1 =	slt.u32 s9, $0xF7A;
	s5 =	simm.s32 @!p2 $0x0  }
0x1d: {  	s5 =	simm.s32 @p1 $0x1;
	p0 =	seq.s32 s7, s2  }
0x1e: {  	s7 =	smul.u32 @!p0 $0xF7A, s2;
	p2 =	seq.s32 @!p0 s5, $0x0  }
0x1f: {  	s9 =	smul.u32 $0xF7A, s1;
	s8 =	simm.s32 @!p0 $0x1BF5;
	p2 =	por !p2, p0  }
0x20: {  	[sflag:s8] =	ssyncset.s32 @!p0 $0xFFFFF086;
	s6 =	sadd.s32 @!p0 s3, s7;
	s7 =	simm.s32 @!p0 $0x108  }
0x21: {  	s3 =	sadd.s32 s3, s9;
	s6 =	sadd.s32 @!p0 $0x88, s6;
	s7 =	simm.s32 @p2 $0x1082  }
0x22: {  	[simem:s7], [sflag:s8] =	dma.local @!p0 [hbm:s6], $0xF7A  }
0x23: {  	s9 =	sor.u32 $0xD0000000, s2;
	s6 =	simm.s32 $0x108;
	_ =	swait.ge @!p0 [sflag:s8], $0x0  }
0x24: {  	s3 =	sadd.s32 $0x88, s3;
	s6 =	simm.s32 @!p1 $0x1082;
	[sflag:s4] =	ssyncset.s32 $0xFFFFF086  }
0x25: {  	[simem:s6], [sflag:s4] =	dma.local [hbm:s3], $0xF7A  }
0x26: {  	[smem:$0x3F9E] =	sst s1;
	(tag) =	ssettag s2;
	_ =	strace s9  }
0x27: {  	s1 =	sld [smem:$0x3FAE]  }
0x28: {  	s2 =	sld [smem:$0x3FAF]  }
0x29: {  	s4 =	sld [smem:$0x3FB1]  }
0x2a: {  	p0 =	seq.s32 s5, $0x0;
	s5 =	sld [smem:$0x3FB2]  }
0x2b: {  	s6 =	sld [smem:$0x3FB3]  }
0x2c: {  	s7 =	sld [smem:$0x3FB4]  }
0x2d: {  	s3 =	simm.s32 $0x108;
	s8 =	sld [smem:$0x3FB5]  }
0x2e: {  	s3 =	simm.s32 @!p0 $0x1082;
	s9 =	sld [smem:$0x3FB6]  }
0x2f: {  	lr =	sadd.s32 s0, s3;
	s0 =	sld [smem:$0x3FAD]  }
0x30: {  	s3 =	sld [smem:$0x3FB0]  }
0x31: {  	[smem:$0x3FB9] =	sst s10  }
0x32: {  	s10 =	sld [smem:$0x3FB7];
	_ =	sdelay $0x3  }
0x33: {  	p0 =	seq.s32 s10, $0x1;
	s10 =	sld [smem:$0x3FB9];
	_ =	sdelay $0x3  }
0x34: {  	[smem:$0x3FB9] =	sst s10  }
0x35: {  	s10 =	sld [smem:$0x3FB8];
	_ =	sdelay $0x3  }
0x36: {  	p1 =	seq.s32 s10, $0x1;
	s10 =	sld [smem:$0x3FB9];
	_ =	sdelay $0x3  }
0x37: {  	[smem:$0x3FB9] =	sst s10  }
0x38: {  	s10 =	sld [smem:$0x3FBA]  }
0x39: {  	_ = 	snop;
	(pc) =	sbr.ind lr, $3  }
0x3a: {  	_ = 	snop  }
0x3b: {  	_ = 	snop  }
0x3c: {  	p2 =	seq.s32 s10, $0x1;
	s10 =	sld [smem:$0x3FB9]  }
0x3d: {  	_ =	shalt  }
0x3e: {  	_ =	shalt  }
0x3f: {  	_ =	shalt  }
0x40: {  	_ =	shalt  }
0x41: {  	_ =	shalt  }
0x42: {  	_ =	shalt  }
0x43: {  	_ =	shalt  }
0x44: {  	_ =	shalt  }
0x45: {  	_ =	shalt  }
0x46: {  	_ =	shalt  }
0x47: {  	_ =	shalt  }
0x48: {  	_ =	shalt  }
0x49: {  	_ =	shalt  }
0x4a: {  	_ =	shalt  }
0x4b: {  	_ =	shalt  }
0x4c: {  	_ =	shalt  }
0x4d: {  	_ =	shalt  }
0x4e: {  	_ =	shalt  }
0x4f: {  	_ =	shalt  }
0x50: {  	_ =	shalt  }
0x51: {  	_ =	shalt  }
0x52: {  	_ =	shalt  }
0x53: {  	_ =	shalt  }
0x54: {  	_ =	shalt  }
0x55: {  	_ =	shalt  }
0x56: {  	_ =	shalt  }
0x57: {  	_ =	shalt  }
0x58: {  	_ =	shalt  }
0x59: {  	_ =	shalt  }
0x5a: {  	_ =	shalt  }
0x5b: {  	_ =	shalt  }
0x5c: {  	_ =	shalt  }
0x5d: {  	_ =	shalt  }
0x5e: {  	_ =	shalt  }
0x5f: {  	_ =	shalt  }
0x60: {  	_ =	shalt  }
0x61: {  	_ =	shalt  }
0x62: {  	_ =	shalt  }
0x63: {  	_ =	shalt  }
0x64: {  	_ =	shalt  }
0x65: {  	_ =	shalt  }
0x66: {  	_ =	shalt  }
0x67: {  	_ =	shalt  }
0x68: {  	_ =	shalt  }
0x69: {  	_ =	shalt  }
0x6a: {  	_ =	shalt  }
0x6b: {  	_ =	shalt  }
0x6c: {  	_ =	shalt  }
0x6d: {  	_ =	shalt  }
0x6e: {  	_ =	shalt  }
0x6f: {  	_ =	shalt  }
0x70: {  	_ =	shalt  }
0x71: {  	_ =	shalt  }
0x72: {  	_ =	shalt  }
0x73: {  	_ =	shalt  }
0x74: {  	_ =	shalt  }
0x75: {  	_ =	shalt  }
0x76: {  	_ =	shalt  }
0x77: {  	_ =	shalt  }
0x78: {  	_ =	shalt  }
0x79: {  	_ =	shalt  }
0x7a: {  	_ =	shalt  }
0x7b: {  	_ =	shalt  }
0x7c: {  	_ =	shalt  }
0x7d: {  	_ =	shalt  }
0x7e: {  	_ =	shalt  }
0x7f: {  	_ =	shalt  }
0x80: {  	_ =	shalt  }
0x81: {  	_ =	shalt  }
0x82: {  	_ =	shalt  }
0x83: {  	_ =	shalt  }
0x84: {  	_ =	shalt  }
0x85: {  	_ =	shalt  }
0x86: {  	_ =	shalt  }
0x87: {  	_ =	shalt  }
.Lfunc_end0:
.L_simem_size_0:
called_computation_lowered:
.L_overlay_start_0:
0x88: {  	s2 =	sld [smem:$0x3FD9]  }
0x89: {  	s3 =	sld [smem:$0x3FFE];
	_ =	sdelay $0x1  }
0x8a: {  	s1 =	srdreg.scid  }
0x8b: {  	s0 =	sand.u32 $0x1, s1  }
0x8c: {  	s17 =	sshll.u32 s0, $0xA;
	s2 =	sadd.s32 s3, s2  }
0x8d: {  	s2 =	sadd.s32 s2, s17  }
0x8e: {  	[smem:$0x3FC5] =	sst s2  }
0x8f: {  	_ = 	snop  }
0x90: {  	s2 =	sld [smem:$0x3FC7];
	(tm) =	ssettm $0x1  }
0x91: {  	s18 =	sld [smem:$0x3FFB];
	_ =	sdelay $0x3  }
0x92: {  	_ =	strace s18  }
0x93: {  	s3 =	sld [smem:$0x3FFC];
	_ =	sdelay $0x3  }
0x94: {  	_ =	strace s3  }
0x95: {  	s3 =	sld [smem:$0x3FFD];
	_ =	sdelay $0x3  }
0x96: {  	_ =	strace s3  }
0x97: {  	_ =	strace $0x8FFFFFFF  }
0x98: {  	s19 =	sld [smem:$0x3FDB];
	_ =	sdelay $0x1  }
0x99: {  	s4 =	simm.s32 $_scs_section_size  }
0x9a: {  	s5 =	simm.s32 $_size__tile_overlayer_lowered;
	s6 =	simm.s32 $_tile_overlayer_lowered  }
0x9b: {  	s22 =	simm.s32 $0x1BFF;
	s21 =	sshll.u32 s6, $0x1;
	s3 =	sadd.s32 s4, s19  }
0x9c: {  	s7 =	simm.s32 $0x0;
	s20 =	sshll.u32 s5, $0x1;
	s5 =	sadd.s32 s21, s3  }
0x9d: {  	[timem:s7], [sflag:s22] =	dma.local [hbm:s5], s20  }
0x9e: {  	_ =	swait.ge [sflag:s22], s20  }
0x9f: {  	s4 =	ssub.s32 $0x0, s20;
	[sflag:s22] =	ssyncset.done $0x0  }
0xa0: {  	[sflag:s22] =	ssyncadd.s32 s4;
	_ =	sdelay $0x1  }
0xa1: {  	s23 =	simm.s32 $0x1B8B  }
0xa2: {  	_ =	swait.ge [sflag:s23], $0x1  }
0xa3: {  	[sflag:s23] =	ssyncset.done $0x0  }
0xa4: {  	s25 =	simm.s32 $0x1B8E;
	s24 =	sld [smem:$0x3FFE];
	[sflag:s23] =	ssyncadd.s32 $0xFFFFFFFF  }
0xa5: {  	s26 =	simm.s32 $execute0_lowered;
	[smem:$0x3FD2] =	sst s25  }
0xa6: {  	s5 =	sshll.u32 s26, $0x1;
	_ =	strace $0x80000046;
	[dreg:$0x1] =	wrdreg $0xFFFFFFFF  }
0xa7: {  	s28 =	simm.s32 $_size_execute0_lowered;
	s3 =	sadd.s32 s3, s5;
	[dreg:$0x0] =	wrdreg $0x0  }
0xa8: {  	s5 =	sshll.u32 s28, $0x1;
	[dreg:$0x2] =	wrdreg s3  }
0xa9: {  	[dreg:$0x3] =	wrdreg s5  }
0xaa: {  	[dreg:$0x4] =	wrdreg $0xC0  }
0xab: {  	_ =	task [dreg:s7], $0x5FFFF  }
0xac: {  	[dreg:$0x1] =	wrdreg $0xFFFFFFFF  }
0xad: {  	[dreg:$0x0] =	wrdreg $0x60  }
0xae: {  	[dreg:$0x2] =	wrdreg s24  }
0xaf: {  	[dreg:$0x3] =	wrdreg s2  }
0xb0: {  	[dreg:$0x4] =	wrdreg $0x9  }
0xb1: {  	_ =	task.clear_ibuf [dreg:s7], $0x5FFFF;
	_ =	strace $0x90000046  }
0xb2: {  	s29 =	simm.s32 $0x9;
	_ =	strace $0x80000048  }
0xb3: {  	_ =	swait.ge [sflag:s29], $0x1  }
0xb4: {  	[sflag:s29] =	ssyncadd.s32 $0xFFFFFFFF  }
0xb5: {  	_ =	strace $0x90000048  }
0xb6: {  	_ =	sfence  }
0xb7: {  	s30 =	sld [smem:$0x0];
	_ =	sdelay $0x2  }
0xb8: {  	s31 =	sshll.u32 s1, $0xD;
	s1 =	sshrl.u32 s1, $0x2  }
0xb9: {  	s3 =	sand.u32 $0x4000, s31;
	s1 =	sadd.s32 s1, s30  }
0xba: {  	s0 =	sor.u32 s3, s0;
	s1 =	sshll.u32 s1, $0x11  }
0xbb: {  	s0 =	sor.u32 s1, s0  }
0xbc: {  	s0 =	sadd.s32 $0x8F2B, s0  }
0xbd: {  	[sflag:s0] =	ssyncadd.remote.s32 $0x1  }
0xbe: {  	_ =	sfence.sel $0xFFFF  }
0xbf: {  	[dreg:$0x0] =	wrdreg $0xFFFFFFFF;
	(pc) =	sbr.abs _section_cstart, $3  }
0xc0: {  	[dreg:$0x1] =	wrdreg $0xFFFFFFFF  }
0xc1: {  	_ =	task.clear_ibuf [dreg:s7], $0x2FFFF;
	_ =	strace $0x9FFFFFFF  }
0xc2: {  	(tm) =	ssettm $0x7FFFFFFF  }
0xc3: {  	_ =	shalt  }
tec
execute0_lowered:
.L_overlay_start_1:
0x0: {  	(tag) =	ssettag $0x1  }
0x1: {  	s4 =	rddreg [dreg:$0x0]  }
0x2: {  	s1 =	srdreg.scid;
	s0 =	stileid.u32  }
0x3: {  	s2 =	rddreg [dreg:$0x1];
	s3 =	simm.s32 $0x0;
	s10 =	simm.s32 $0x1500  }
0x4: {  	s11 =	simm.s32 $0x50;
	s12 =	simm.s32 $0x2900;
	s13 =	simm.s32 $0x78  }
0x5: {  	s14 =	simm.s32 $0x3D00;
	s15 =	simm.s32 $0x1;
	s16 =	simm.s32 $0x5100  }
0x6: {  	s5 =	sand.u32 $0x1, s1;
	s6 =	sshll.u32 s0, $0x1;
	s1 =	rddreg [dreg:$0x2]  }
0x7: {  	[smem:$0x7FF] =	sst s3;
	s8 =	sshll.u32 s0, $0x7;
	s6 =	sor.u32 s5, s6  }
0x8: {  	_ =	strace $0x80000047;
	s7 =	sshll.u32 s5, $0x6;
	s5 =	ssub.s32 $0x2, s5  }
0x9: {  	s6 =	smul.u32 $0x14, s6;
	s7 =	sadd.s32 s7, s4;
	s30 =	sshrl.u32 s5, $0x1  }
0xa: {  	s9 =	ssub.s32 s5, s30;
	s31 =	sadd.s32 s8, s7;
	s7 =	simm.s32 $0x2  }
0xb: {  	s8 =	simm.s32 $0x28;
	s6 =	sadd.s32 s6, s4;
	s5 =	sadd.s32 $0xC00, s31  }
0xc: {  	s4 =	sadd.s32 $0x800, s6;
	s6 =	smax.u32 s9, $0x1;
	s9 =	simm.s32 $0x100  }
.LBB2_1:
0xd: {  	[tilespmem:s3], [sflag:$0x2] =	stream.linear.gather [hbm4b:s4+s3], $0xA0, $0x38;
	[tilespmem:$0x5300] =	vst v63  }
0xe: {  	_ =	swait.ge [sflag:s7], $0xA0  }
0xf: {  	[sflag:s7] =	ssyncset.done $0x0  }
0x10: {  	[sflag:s7] =	ssyncadd.s32 $0xFFFFFF60  }
0x11: {  	[tilespmem:s9], [sflag:$0x1] =	stream.indirect.gather [hbm4b:s2+s8], $0x80, s3, s8, $0xb8;
	[tilespmem:$0x5300] =	vst v63  }
0x12: {  	_ = 	snop  }
0x13: {  	[tilespmem:s10], [sflag:$0x1] =	stream.indirect.gather [hbm4b:s2+s8], $0x80, s8, s8, $0xb8;
	[tilespmem:$0x5300] =	vst v63  }
0x14: {  	_ = 	snop  }
0x15: {  	[tilespmem:s12], [sflag:$0x1] =	stream.indirect.gather [hbm4b:s2+s8], $0x80, s11, s8, $0xb8;
	[tilespmem:$0x5300] =	vst v63  }
0x16: {  	_ = 	snop  }
0x17: {  	[tilespmem:s14], [sflag:$0x1] =	stream.indirect.gather [hbm4b:s2+s8], $0x80, s13, s8, $0xb8;
	[tilespmem:$0x5300] =	vst v63  }
0x18: {  	_ =	swait.ge [sflag:s15], $0x1400  }
0x19: {  	[sflag:s15] =	ssyncset.done $0x0  }
0x1a: {  	[sflag:s15] =	ssyncadd.s32 $0xFFFFEC00  }
0x1b: {  	_ =	swait.ge [sflag:s15], $0x1400  }
0x1c: {  	[sflag:s15] =	ssyncset.done $0x0  }
0x1d: {  	[sflag:s15] =	ssyncadd.s32 $0xFFFFEC00  }
0x1e: {  	_ =	swait.ge [sflag:s15], $0x1400  }
0x1f: {  	[sflag:s15] =	ssyncset.done $0x0  }
0x20: {  	[sflag:s15] =	ssyncadd.s32 $0xFFFFEC00  }
0x21: {  	_ =	swait.ge [sflag:s15], $0x1400  }
0x22: {  	[sflag:s15] =	ssyncset.done $0x0  }
0x23: {  	[sflag:s15] =	ssyncadd.s32 $0xFFFFEC00  }
0x24: {  	v0 =	vld [tilespmem:$0x100]  }
0x25: {  	v1 =	vld [tilespmem:$0x180]  }
0x26: {  	v2 =	vld [tilespmem:$0x200]  }
0x27: {  	v3 =	vld [tilespmem:$0x280]  }
0x28: {  	v4 =	vld [tilespmem:$0x300]  }
0x29: {  	v5 =	vld [tilespmem:$0x380]  }
0x2a: {  	v6 =	vld [tilespmem:$0x400]  }
0x2b: {  	v7 =	vld [tilespmem:$0x480]  }
0x2c: {  	v8 =	vld [tilespmem:$0x500]  }
0x2d: {  	v9 =	vld [tilespmem:$0x580]  }
0x2e: {  	v10 =	vld [tilespmem:$0x600]  }
0x2f: {  	v11 =	vld [tilespmem:$0x680]  }
0x30: {  	v12 =	vld [tilespmem:$0x700]  }
0x31: {  	v13 =	vld [tilespmem:$0x780]  }
0x32: {  	v14 =	vld [tilespmem:$0x800]  }
0x33: {  	v15 =	vld [tilespmem:$0x110]  }
0x34: {  	v16 =	vld [tilespmem:$0x880]  }
0x35: {  	v17 =	vld [tilespmem:$0x190]  }
0x36: {  	v18 =	vld [tilespmem:$0x900]  }
0x37: {  	v19 =	vld [tilespmem:$0x210]  }
0x38: {  	v20 =	vld [tilespmem:$0x980]  }
0x39: {  	v48 =	vld [tilespmem:$0x290]  }
0x3a: {  	v21 =	vld [tilespmem:$0xA00]  }
0x3b: {  	v49 =	vld [tilespmem:$0x310]  }
0x3c: {  	v50 =	vld [tilespmem:$0xA80]  }
0x3d: {  	v51 =	vld [tilespmem:$0x390]  }
0x3e: {  	v52 =	vld [tilespmem:$0xB00]  }
0x3f: {  	v53 =	vld [tilespmem:$0x410]  }
0x40: {  	v54 =	vld [tilespmem:$0xB80]  }
0x41: {  	v55 =	vld [tilespmem:$0x490]  }
0x42: {  	v56 =	vld [tilespmem:$0xC00]  }
0x43: {  	v57 =	vld [tilespmem:$0x510]  }
0x44: {  	v58 =	vld [tilespmem:$0xC80]  }
0x45: {  	v59 =	vld [tilespmem:$0x590]  }
0x46: {  	v60 =	vld [tilespmem:$0xD00]  }
0x47: {  	v61 =	vld [tilespmem:$0x610]  }
0x48: {  	v62 =	vld [tilespmem:$0xD80]  }
0x49: {  	v63 =	vld [tilespmem:$0x690]  }
0x4a: {  	v22 =	vld [tilespmem:$0x710]  }
0x4b: {  	v23 =	vld [tilespmem:$0x790]  }
0x4c: {  	v24 =	vld [tilespmem:$0xF00]  }
0x4d: {  	v25 =	vld [tilespmem:$0x810]  }
0x4e: {  	v26 =	vld [tilespmem:$0xF80]  }
0x4f: {  	v27 =	vld [tilespmem:$0x890]  }
0x50: {  	v28 =	vld [tilespmem:$0x1000]  }
0x51: {  	v29 =	vld [tilespmem:$0x910]  }
0x52: {  	v30 =	vld [tilespmem:$0x1080]  }
0x53: {  	v31 =	vld [tilespmem:$0x990]  }
0x54: {  	v32 =	vld [tilespmem:$0x1100]  }
0x55: {  	v33 =	vld [tilespmem:$0xA10]  }
0x56: {  	v34 =	vld [tilespmem:$0xA90]  }
0x57: {  	v35 =	vld [tilespmem:$0xB10]  }
0x58: {  	v36 =	vld [tilespmem:$0xB90];
	v0 =	vadd.f32 $0.0e+00, v0  }
0x59: {  	v37 =	vld [tilespmem:$0xC10];
	v15 =	vadd.f32 $0.0e+00, v15  }
0x5a: {  	v38 =	vld [tilespmem:$0xC90];
	v0 =	vadd.f32 v1, v0  }
0x5b: {  	v39 =	vld [tilespmem:$0xD10];
	v15 =	vadd.f32 v17, v15  }
0x5c: {  	v40 =	vld [tilespmem:$0xD90];
	v0 =	vadd.f32 v2, v0  }
0x5d: {  	v41 =	vld [tilespmem:$0xE10];
	v15 =	vadd.f32 v19, v15  }
0x5e: {  	v42 =	vld [tilespmem:$0xE90];
	v0 =	vadd.f32 v3, v0  }
0x5f: {  	v43 =	vld [tilespmem:$0xF10];
	v1 =	vadd.f32 v48, v15  }
0x60: {  	v44 =	vld [tilespmem:$0xF90];
	v0 =	vadd.f32 v4, v0  }
0x61: {  	v45 =	vld [tilespmem:$0x1010];
	v1 =	vadd.f32 v49, v1  }
0x62: {  	v46 =	vld [tilespmem:$0x1090];
	v0 =	vadd.f32 v5, v0  }
0x63: {  	v17 =	vld [tilespmem:$0xBA0];
	v1 =	vadd.f32 v51, v1  }
0x64: {  	v47 =	vld [tilespmem:$0x1110];
	v0 =	vadd.f32 v6, v0  }
0x65: {  	v19 =	vld [tilespmem:$0xCA0];
	v1 =	vadd.f32 v53, v1  }
0x66: {  	v48 =	vld [tilespmem:$0x120];
	v0 =	vadd.f32 v7, v0  }
0x67: {  	v15 =	vld [tilespmem:$0xAA0];
	v1 =	vadd.f32 v55, v1  }
0x68: {  	[tilespmem:$0x1DFE0] =	vst v17;
	v17 =	vld [tilespmem:$0x330];
	v0 =	vadd.f32 v8, v0  }
0x69: {  	v4 =	vld [tilespmem:$0x720];
	v1 =	vadd.f32 v57, v1  }
0x6a: {  	v49 =	vld [tilespmem:$0x830];
	v0 =	vadd.f32 v9, v0  }
0x6b: {  	v55 =	vld [tilespmem:$0x3A0];
	v1 =	vadd.f32 v59, v1  }
0x6c: {  	v7 =	vld [tilespmem:$0x7A0];
	v0 =	vadd.f32 v10, v0  }
0x6d: {  	v57 =	vld [tilespmem:$0x2A0];
	v1 =	vadd.f32 v61, v1  }
0x6e: {  	v8 =	vld [tilespmem:$0x820];
	v0 =	vadd.f32 v11, v0  }
0x6f: {  	v9 =	vld [tilespmem:$0xE00];
	v1 =	vadd.f32 v63, v1  }
0x70: {  	v59 =	vld [tilespmem:$0x520];
	v0 =	vadd.f32 v12, v0  }
0x71: {  	[tilespmem:$0x1DEA0] =	vst v55;
	v55 =	vld [tilespmem:$0x8B0];
	v1 =	vadd.f32 v22, v1  }
0x72: {  	v10 =	vld [tilespmem:$0xE80];
	v0 =	vadd.f32 v13, v0  }
0x73: {  	v61 =	vld [tilespmem:$0x620];
	v1 =	vadd.f32 v23, v1  }
0x74: {  	[tilespmem:$0x1DF30] =	vst v8;
	v8 =	vld [tilespmem:$0x130];
	v0 =	vadd.f32 v14, v0  }
0x75: {  	v63 =	vld [tilespmem:$0x6A0];
	v1 =	vadd.f32 v25, v1  }
0x76: {  	v11 =	vmul.f32 $5.000000000e-01, v32;
	v32 =	vld [tilespmem:$0xAB0];
	v0 =	vadd.f32 v16, v0  }
0x77: {  	v12 =	vld [tilespmem:$0x9A0];
	v1 =	vadd.f32 v27, v1  }
0x78: {  	v22 =	vld [tilespmem:$0xE20];
	v0 =	vadd.f32 v18, v0  }
0x79: {  	v23 =	vld [tilespmem:$0xEA0];
	v1 =	vadd.f32 v29, v1  }
0x7a: {  	v14 =	vld [tilespmem:$0xA20];
	v0 =	vadd.f32 v20, v0  }
0x7b: {  	v25 =	vld [tilespmem:$0xFA0];
	v1 =	vadd.f32 v31, v1  }
0x7c: {  	[tilespmem:$0x1DF60] =	vst v12;
	v12 =	vld [tilespmem:$0x230];
	v0 =	vadd.f32 v21, v0  }
0x7d: {  	v16 =	vld [tilespmem:$0xB20];
	v1 =	vadd.f32 v33, v1  }
0x7e: {  	[tilespmem:$0x1E020] =	vst v19;
	v27 =	vld [tilespmem:$0x10A0];
	v0 =	vadd.f32 v50, v0  }
0x7f: {  	[tilespmem:$0x1E0B0] =	vst v23;
	v23 =	vld [tilespmem:$0x430];
	v1 =	vadd.f32 v34, v1  }
0x80: {  	[tilespmem:$0x1DFA0] =	vst v15;
	v18 =	vld [tilespmem:$0xC20];
	v0 =	vadd.f32 v52, v0  }
0x81: {  	[tilespmem:$0x1DF10] =	vst v4;
	v29 =	vld [tilespmem:$0x9B0];
	v1 =	vadd.f32 v35, v1  }
0x82: {  	[tilespmem:$0x1DF80] =	vst v14;
	v14 =	vld [tilespmem:$0x2B0];
	v0 =	vadd.f32 v54, v0  }
0x83: {  	[tilespmem:$0x1E110] =	vst v25;
	v25 =	vld [tilespmem:$0x4B0];
	v1 =	vadd.f32 v36, v1  }
0x84: {  	[tilespmem:$0x1DF20] =	vst v7;
	v20 =	vld [tilespmem:$0xD20];
	v0 =	vadd.f32 v56, v0  }
0x85: {  	[tilespmem:$0x1DED0] =	vst v59;
	v31 =	vld [tilespmem:$0x5B0];
	v1 =	vadd.f32 v37, v1  }
0x86: {  	[tilespmem:$0x1DEF0] =	vst v61;
	v21 =	vld [tilespmem:$0xDA0];
	v0 =	vadd.f32 v58, v0  }
0x87: {  	[tilespmem:$0x1DF00] =	vst v63;
	v33 =	vld [tilespmem:$0xB30];
	v1 =	vadd.f32 v38, v1  }
0x88: {  	[tilespmem:$0x1DFB0] =	vst v32;
	v50 =	vld [tilespmem:$0x1A0];
	v0 =	vadd.f32 v60, v0  }
0x89: {  	[tilespmem:$0x1E080] =	vst v22;
	v34 =	vld [tilespmem:$0x630];
	v1 =	vadd.f32 v39, v1  }
0x8a: {  	[tilespmem:$0x1E040] =	vst v20;
	v20 =	vld [tilespmem:$0x3B0];
	v0 =	vadd.f32 v62, v0  }
0x8b: {  	[tilespmem:$0x1DFC0] =	vst v16;
	v35 =	vld [tilespmem:$0xBB0];
	v1 =	vadd.f32 v40, v1  }
0x8c: {  	[tilespmem:$0x1E170] =	vst v27;
	v54 =	vld [tilespmem:$0x220];
	v0 =	vadd.f32 v9, v0  }
0x8d: {  	[tilespmem:$0x1E000] =	vst v18;
	v36 =	vld [tilespmem:$0xC30];
	v1 =	vadd.f32 v41, v1  }
0x8e: {  	[tilespmem:$0x1DF70] =	vst v29;
	v56 =	vld [tilespmem:$0x420];
	v0 =	vadd.f32 v10, v0  }
0x8f: {  	[tilespmem:$0x1E060] =	vst v21;
	v58 =	vld [tilespmem:$0x4A0];
	v1 =	vadd.f32 v42, v1  }
0x90: {  	[tilespmem:$0x1DFD0] =	vst v33;
	v60 =	vld [tilespmem:$0x5A0];
	v0 =	vadd.f32 v24, v0  }
0x91: {  	[tilespmem:$0x1DFF0] =	vst v35;
	v9 =	vld [tilespmem:$0x8A0];
	v1 =	vadd.f32 v43, v1  }
0x92: {  	[tilespmem:$0x1E010] =	vst v36;
	v10 =	vld [tilespmem:$0x920];
	v0 =	vadd.f32 v26, v0  }
0x93: {  	[tilespmem:$0x1DEB0] =	vst v56;
	v24 =	vld [tilespmem:$0xF20];
	v1 =	vadd.f32 v44, v1  }
0x94: {  	[tilespmem:$0x1DEC0] =	vst v58;
	v26 =	vld [tilespmem:$0x1020];
	v0 =	vadd.f32 v28, v0  }
0x95: {  	[tilespmem:$0x1DEE0] =	vst v60;
	v1 =	vadd.f32 v45, v1;
	v28 =	vld [tilespmem:$0x1120]  }
0x96: {  	[tilespmem:$0x1DF40] =	vst v9;
	v0 =	vadd.f32 v30, v0;
	v30 =	vld [tilespmem:$0xA30]  }
0x97: {  	v37 =	vld [tilespmem:$0xCB0];
	[tilespmem:$0x1DF50] =	vst v10;
	v1 =	vadd.f32 v46, v1  }
0x98: {  	v38 =	vld [tilespmem:$0x6B0];
	[tilespmem:$0x1E0E0] =	vst v24;
	v0 =	vmul.f32 $1.562500000e-02, v0  }
0x99: {  	v13 =	vmul.f32 $5.000000000e-01, v47;
	v62 =	vld [tilespmem:$0x320];
	[tilespmem:$0x1E140] =	vst v26;
	v1 =	vmul.f32 $1.562500000e-02, v1  }
0x9a: {  	v42 =	vld [tilespmem:$0x730];
	[tilespmem:$0x1E1B0] =	vst v28;
	v0 =	vadd.f32 v11, v0  }
0x9b: {  	v44 =	vld [tilespmem:$0x7B0];
	v1 =	vadd.f32 v13, v1;
	[tilespmem:$0x1DF90] =	vst v30  }
0x9c: {  	v10 =	vld [tilespmem:$0x1B0];
	[tilespmem:$0x5100] =	vst v0  }
0x9d: {  	v46 =	vld [tilespmem:$0x930];
	[tilespmem:$0x5110] =	vst v1  }
0x9e: {  	v28 =	vld [tilespmem:$0x530];
	[tilespmem:$0x1E030] =	vst v37  }
0x9f: {  	v0 =	vld [tilespmem:$0xD30]  }
0xa0: {  	v39 =	vld [tilespmem:$0xDB0]  }
0xa1: {  	v40 =	vld [tilespmem:$0xE30]  }
0xa2: {  	v41 =	vld [tilespmem:$0xEB0]  }
0xa3: {  	v43 =	vld [tilespmem:$0xF30]  }
0xa4: {  	v45 =	vld [tilespmem:$0xFB0]  }
0xa5: {  	v47 =	vld [tilespmem:$0x1030]  }
0xa6: {  	v51 =	vld [tilespmem:$0x10B0]  }
0xa7: {  	v52 =	vld [tilespmem:$0x1130]  }
0xa8: {  	v1 =	vld [tilespmem:$0x1C0]  }
0xa9: {  	v2 =	vld [tilespmem:$0x240]  }
0xaa: {  	v3 =	vld [tilespmem:$0x2C0]  }
0xab: {  	v4 =	vld [tilespmem:$0x340]  }
0xac: {  	v5 =	vld [tilespmem:$0x3C0]  }
0xad: {  	v6 =	vld [tilespmem:$0x440]  }
0xae: {  	v7 =	vld [tilespmem:$0x4C0]  }
0xaf: {  	v9 =	vld [tilespmem:$0x540]  }
0xb0: {  	v11 =	vld [tilespmem:$0x5C0]  }
0xb1: {  	v13 =	vld [tilespmem:$0x640]  }
0xb2: {  	v16 =	vld [tilespmem:$0x6C0]  }
0xb3: {  	v18 =	vld [tilespmem:$0x740]  }
0xb4: {  	v21 =	vld [tilespmem:$0x7C0]  }
0xb5: {  	v24 =	vld [tilespmem:$0x840]  }
0xb6: {  	v27 =	vld [tilespmem:$0x8C0]  }
0xb7: {  	v29 =	vld [tilespmem:$0x940]  }
0xb8: {  	v33 =	vld [tilespmem:$0x9C0]  }
0xb9: {  	v35 =	vld [tilespmem:$0xA40]  }
0xba: {  	v56 =	vld [tilespmem:$0xCC0]  }
0xbb: {  	v32 =	vld [tilespmem:$0xD40]  }
0xbc: {  	v53 =	vld [tilespmem:$0xDC0]  }
0xbd: {  	v58 =	vld [tilespmem:$0xE40]  }
0xbe: {  	v59 =	vld [tilespmem:$0xEC0]  }
0xbf: {  	v60 =	vld [tilespmem:$0xF40]  }
0xc0: {  	v61 =	vld [tilespmem:$0xFC0]  }
0xc1: {  	v63 =	vld [tilespmem:$0x1040]  }
0xc2: {  	v19 =	vld [tilespmem:$0x10C0]  }
0xc3: {  	v22 =	vld [tilespmem:$0x1140]  }
0xc4: {  	v26 =	vld [tilespmem:$0x150]  }
0xc5: {  	v30 =	vld [tilespmem:$0x1D0]  }
0xc6: {  	v36 =	vld [tilespmem:$0x250]  }
0xc7: {  	v48 =	vadd.f32 $0.0e+00, v48;
	v37 =	vld [tilespmem:$0x2D0]  }
0xc8: {  	v8 =	vadd.f32 $0.0e+00, v8;
	v15 =	vld [tilespmem:$0x1500]  }
0xc9: {  	v48 =	vadd.f32 v50, v48;
	v50 =	vld [tilespmem:$0x1790]  }
0xca: {  	v8 =	vadd.f32 v10, v8;
	v10 =	vld [tilespmem:$0x1990]  }
0xcb: {  	[tilespmem:$0x1E050] =	vst v0;
	v0 =	vld [tilespmem:$0x140]  }
0xcc: {  	[tilespmem:$0x1E070] =	vst v39;
	v39 =	vld [tilespmem:$0xAC0]  }
0xcd: {  	[tilespmem:$0x1E100] =	vst v43;
	v43 =	vld [tilespmem:$0xB40]  }
0xce: {  	[tilespmem:$0x1E160] =	vst v47;
	v47 =	vld [tilespmem:$0xBC0]  }
0xcf: {  	[tilespmem:$0x1E1C0] =	vst v52;
	v52 =	vld [tilespmem:$0xC40]  }
0xd0: {  	[tilespmem:$0x1E0A0] =	vst v40;
	v40 =	vld [tilespmem:$0x350]  }
0xd1: {  	[tilespmem:$0x1E0D0] =	vst v41;
	v41 =	vld [tilespmem:$0x3D0]  }
0xd2: {  	[tilespmem:$0x1E130] =	vst v45;
	v45 =	vld [tilespmem:$0x450]  }
0xd3: {  	[tilespmem:$0x1E190] =	vst v51;
	v51 =	vld [tilespmem:$0x4D0]  }
0xd4: {  	[tilespmem:$0x1E090] =	vst v53;
	v53 =	vld [tilespmem:$0x550]  }
0xd5: {  	[tilespmem:$0x1E0C0] =	vst v58;
	v58 =	vld [tilespmem:$0x5D0]  }
0xd6: {  	[tilespmem:$0x1E0F0] =	vst v59;
	v59 =	vld [tilespmem:$0x650]  }
0xd7: {  	[tilespmem:$0x1E120] =	vst v60;
	v60 =	vld [tilespmem:$0x6D0]  }
0xd8: {  	[tilespmem:$0x1E150] =	vst v61;
	v61 =	vld [tilespmem:$0x750]  }
0xd9: {  	[tilespmem:$0x1E180] =	vst v63;
	v63 =	vld [tilespmem:$0x7D0]  }
0xda: {  	[tilespmem:$0x1E1A0] =	vst v19;
	v19 =	vld [tilespmem:$0x850]  }
0xdb: {  	[tilespmem:$0x1E1D0] =	vst v22;
	v22 =	vld [tilespmem:$0x8D0]  }
0xdc: {  	[tilespmem:$0x1E1E0] =	vst v26;
	v26 =	vld [tilespmem:$0x950]  }
0xdd: {  	[tilespmem:$0x1E200] =	vst v30;
	v30 =	vld [tilespmem:$0x9D0]  }
0xde: {  	[tilespmem:$0x1E220] =	vst v36;
	v36 =	vld [tilespmem:$0xA50]  }
0xdf: {  	[tilespmem:$0x1E240] =	vst v37;
	v37 =	vld [tilespmem:$0xAD0]  }
0xe0: {  	[tilespmem:$0x1E9B0] =	vst v50;
	v50 =	vadd.f32 v12, v8;
	v8 =	vld [tilespmem:$0x1C90]  }
0xe1: {  	[tilespmem:$0x1EA30] =	vst v10;
	v10 =	vld [tilespmem:$0x1DEC0]  }
0xe2: {  	[tilespmem:$0x1E260] =	vst v40;
	v40 =	vld [tilespmem:$0xB50]  }
0xe3: {  	[tilespmem:$0x1E400] =	vst v63;
	v63 =	vld [tilespmem:$0xFD0]  }
0xe4: {  	[tilespmem:$0x1E280] =	vst v41;
	v41 =	vld [tilespmem:$0xBD0]  }
0xe5: {  	[tilespmem:$0x1E2A0] =	vst v45;
	v45 =	vld [tilespmem:$0xC50]  }
0xe6: {  	[tilespmem:$0x1E2D0] =	vst v51;
	v51 =	vld [tilespmem:$0xCD0]  }
0xe7: {  	[tilespmem:$0x1E300] =	vst v53;
	v53 =	vld [tilespmem:$0xD50]  }
0xe8: {  	[tilespmem:$0x1E800] =	vst v63;
	v63 =	vld [tilespmem:$0x760]  }
0xe9: {  	[tilespmem:$0x1E330] =	vst v58;
	v58 =	vld [tilespmem:$0xDD0]  }
0xea: {  	[tilespmem:$0x1E360] =	vst v59;
	v59 =	vld [tilespmem:$0xE50]  }
0xeb: {  	[tilespmem:$0x1E390] =	vst v60;
	v60 =	vld [tilespmem:$0xED0]  }
0xec: {  	[tilespmem:$0x1E3C0] =	vst v61;
	v61 =	vld [tilespmem:$0xF50]  }
0xed: {  	[tilespmem:$0x1E3E0] =	vst v63;
	v63 =	vld [tilespmem:$0xF60]  }
0xee: {  	[tilespmem:$0x1E440] =	vst v19;
	v19 =	vld [tilespmem:$0x1050]  }
0xef: {  	[tilespmem:$0x1E480] =	vst v22;
	v22 =	vld [tilespmem:$0x10D0]  }
0xf0: {  	[tilespmem:$0x1E4C0] =	vst v26;
	v26 =	vld [tilespmem:$0x1150]  }
0xf1: {  	[tilespmem:$0x1E500] =	vst v30;
	v30 =	vld [tilespmem:$0x160]  }
0xf2: {  	[tilespmem:$0x1E7E0] =	vst v63;
	v63 =	vld [tilespmem:$0x6F0]  }
0xf3: {  	[tilespmem:$0x1E540] =	vst v36;
	v36 =	vld [tilespmem:$0x1E0]  }
0xf4: {  	[tilespmem:$0x1E580] =	vst v37;
	v37 =	vld [tilespmem:$0x260];
	v0 =	vadd.f32 $0.0e+00, v0  }
0xf5: {  	[tilespmem:$0x1EAF0] =	vst v8;
	v8 =	vld [tilespmem:$0x2210]  }
0xf6: {  	v0 =	vadd.f32 v1, v0;
	v1 =	vadd.f32 v14, v50;
	v14 =	vld [tilespmem:$0x1A10]  }
0xf7: {  	[tilespmem:$0x1E3D0] =	vst v63;
	v63 =	vld [tilespmem:$0xC70]  }
0xf8: {  	v50 =	vld [tilespmem:$0x1DEA0]  }
0xf9: {  	v1 =	vadd.f32 v17, v1;
	v17 =	vld [tilespmem:$0x1DED0]  }
0xfa: {  	[tilespmem:$0x1E5C0] =	vst v40;
	v40 =	vld [tilespmem:$0x2E0]  }
0xfb: {  	[tilespmem:$0x1E600] =	vst v41;
	v41 =	vld [tilespmem:$0x360]  }
0xfc: {  	[tilespmem:$0x1E690] =	vst v63;
	v63 =	vld [tilespmem:$0x1A80]  }
0xfd: {  	[tilespmem:$0x1E640] =	vst v45;
	v45 =	vld [tilespmem:$0x3E0]  }
0xfe: {  	[tilespmem:$0x1E680] =	vst v51;
	v51 =	vld [tilespmem:$0x460]  }
0xff: {  	[tilespmem:$0x1E6C0] =	vst v53;
	v53 =	vld [tilespmem:$0x4E0]  }
0x100: {  	[tilespmem:$0x1E700] =	vst v58;
	v58 =	vld [tilespmem:$0x560]  }
0x101: {  	[tilespmem:$0x1E3F0] =	vst v63;
	v63 =	vld [tilespmem:$0x1B00]  }
0x102: {  	[tilespmem:$0x1E740] =	vst v59;
	v59 =	vld [tilespmem:$0x5E0]  }
0x103: {  	[tilespmem:$0x1E780] =	vst v60;
	v60 =	vld [tilespmem:$0x660]  }
0x104: {  	[tilespmem:$0x1E7C0] =	vst v61;
	v61 =	vld [tilespmem:$0x6E0]  }
0x105: {  	[tilespmem:$0x1E840] =	vst v19;
	v19 =	vld [tilespmem:$0x7E0]  }
0x106: {  	[tilespmem:$0x1E430] =	vst v63;
	v63 =	vld [tilespmem:$0x1B80]  }
0x107: {  	[tilespmem:$0x1E880] =	vst v22;
	v22 =	vld [tilespmem:$0x860]  }
0x108: {  	[tilespmem:$0x1E8D0] =	vst v26;
	v26 =	vld [tilespmem:$0x8E0]  }
0x109: {  	[tilespmem:$0x1E1F0] =	vst v30;
	v30 =	vld [tilespmem:$0x960]  }
0x10a: {  	[tilespmem:$0x1E210] =	vst v36;
	v36 =	vld [tilespmem:$0x9E0]  }
0x10b: {  	[tilespmem:$0x1E470] =	vst v63;
	v63 =	vld [tilespmem:$0x1C00]  }
0x10c: {  	[tilespmem:$0x1E230] =	vst v37;
	v37 =	vld [tilespmem:$0xA60]  }
0x10d: {  	[tilespmem:$0x1ECD0] =	vst v8;
	v8 =	vld [tilespmem:$0x1BA0]  }
0x10e: {  	v1 =	vadd.f32 v20, v1;
	v20 =	vld [tilespmem:$0x1E10]  }
0x10f: {  	[tilespmem:$0x1EA50] =	vst v14;
	v14 =	vld [tilespmem:$0x1D90]  }
0x110: {  	[tilespmem:$0x1E4B0] =	vst v63;
	v63 =	vld [tilespmem:$0x1C80]  }
0x111: {  	v1 =	vadd.f32 v23, v1;
	v23 =	vld [tilespmem:$0x1E90]  }
0x112: {  	[tilespmem:$0x1E250] =	vst v40;
	v40 =	vld [tilespmem:$0xAE0]  }
0x113: {  	[tilespmem:$0x1E270] =	vst v41;
	v41 =	vld [tilespmem:$0xB60]  }
0x114: {  	[tilespmem:$0x1E290] =	vst v45;
	v45 =	vld [tilespmem:$0xBE0]  }
0x115: {  	[tilespmem:$0x1E4F0] =	vst v63;
	v63 =	vld [tilespmem:$0x1D00]  }
0x116: {  	[tilespmem:$0x1E2C0] =	vst v51;
	v51 =	vld [tilespmem:$0xC60]  }
0x117: {  	[tilespmem:$0x1E2F0] =	vst v53;
	v53 =	vld [tilespmem:$0xCE0]  }
0x118: {  	[tilespmem:$0x1E320] =	vst v58;
	v58 =	vld [tilespmem:$0xD60]  }
0x119: {  	[tilespmem:$0x1E350] =	vst v59;
	v59 =	vld [tilespmem:$0xDE0]  }
0x11a: {  	[tilespmem:$0x1E530] =	vst v63;
	v63 =	vld [tilespmem:$0x1D80]  }
0x11b: {  	[tilespmem:$0x1E380] =	vst v60;
	v60 =	vld [tilespmem:$0xE60]  }
0x11c: {  	[tilespmem:$0x1E3B0] =	vst v61;
	v61 =	vld [tilespmem:$0xEE0]  }
0x11d: {  	[tilespmem:$0x1E420] =	vst v19;
	v19 =	vld [tilespmem:$0xFE0]  }
0x11e: {  	[tilespmem:$0x1E460] =	vst v22;
	v22 =	vld [tilespmem:$0x1060]  }
0x11f: {  	[tilespmem:$0x1E570] =	vst v63;
	v63 =	vld [tilespmem:$0x1E00]  }
0x120: {  	[tilespmem:$0x1E4A0] =	vst v26;
	v26 =	vld [tilespmem:$0x10E0]  }
0x121: {  	[tilespmem:$0x1E4E0] =	vst v30;
	v30 =	vld [tilespmem:$0x1160]  }
0x122: {  	v0 =	vadd.f32 v2, v0;
	[tilespmem:$0x1E560] =	vst v37;
	v37 =	vld [tilespmem:$0x170]  }
0x123: {  	[tilespmem:$0x1E520] =	vst v36;
	v36 =	vld [tilespmem:$0x3F0]  }
0x124: {  	v0 =	vadd.f32 v3, v0;
	[tilespmem:$0x1E5B0] =	vst v63;
	v63 =	vld [tilespmem:$0x1E80]  }
0x125: {  	v1 =	vadd.f32 v25, v1;
	v25 =	vld [tilespmem:$0x1DEE0]  }
0x126: {  	v0 =	vadd.f32 v4, v0;
	[tilespmem:$0x1EAC0] =	vst v8;
	v8 =	vld [tilespmem:$0x1E180]  }
0x127: {  	[tilespmem:$0x1EB50] =	vst v20;
	v20 =	vld [tilespmem:$0x1DF50]  }
0x128: {  	v0 =	vadd.f32 v5, v0;
	v1 =	vadd.f32 v28, v1;
	v28 =	vld [tilespmem:$0x1F10]  }
0x129: {  	[tilespmem:$0x1E5F0] =	vst v63;
	v63 =	vld [tilespmem:$0x1F00]  }
0x12a: {  	v0 =	vadd.f32 v6, v0;
	v6 =	vld [tilespmem:$0x2190]  }
0x12b: {  	[tilespmem:$0x1EB30] =	vst v14;
	v14 =	vld [tilespmem:$0x2410]  }
0x12c: {  	[tilespmem:$0x1EB80] =	vst v23;
	v23 =	vld [tilespmem:$0x1620]  }
0x12d: {  	v0 =	vadd.f32 v7, v0;
	v7 =	vld [tilespmem:$0x1DF10]  }
0x12e: {  	[tilespmem:$0x1E630] =	vst v63;
	v63 =	vld [tilespmem:$0x1F80]  }
0x12f: {  	v1 =	vadd.f32 v31, v1;
	v31 =	vld [tilespmem:$0x17A0]  }
0x130: {  	[tilespmem:$0x1E5A0] =	vst v40;
	v40 =	vld [tilespmem:$0x1F0]  }
0x131: {  	[tilespmem:$0x1E620] =	vst v45;
	v45 =	vld [tilespmem:$0x270]  }
0x132: {  	[tilespmem:$0x1E6A0] =	vst v53;
	v53 =	vld [tilespmem:$0x2F0]  }
0x133: {  	[tilespmem:$0x1E670] =	vst v63;
	v63 =	vld [tilespmem:$0x2000]  }
0x134: {  	[tilespmem:$0x1E6E0] =	vst v58;
	v58 =	vld [tilespmem:$0x370]  }
0x135: {  	[tilespmem:$0x1E5E0] =	vst v41;
	v41 =	vld [tilespmem:$0x470]  }
0x136: {  	[tilespmem:$0x1E660] =	vst v51;
	v51 =	vld [tilespmem:$0x4F0]  }
0x137: {  	[tilespmem:$0x1E720] =	vst v59;
	v59 =	vld [tilespmem:$0x570]  }
0x138: {  	[tilespmem:$0x1E6B0] =	vst v63;
	v63 =	vld [tilespmem:$0x2080]  }
0x139: {  	[tilespmem:$0x1E760] =	vst v60;
	v60 =	vld [tilespmem:$0x5F0]  }
0x13a: {  	[tilespmem:$0x1E7A0] =	vst v61;
	v61 =	vld [tilespmem:$0x670]  }
0x13b: {  	[tilespmem:$0x1E820] =	vst v19;
	v19 =	vld [tilespmem:$0x770]  }
0x13c: {  	[tilespmem:$0x1E860] =	vst v22;
	v22 =	vld [tilespmem:$0x7F0]  }
0x13d: {  	[tilespmem:$0x1E6F0] =	vst v63;
	v63 =	vld [tilespmem:$0x2100]  }
0x13e: {  	[tilespmem:$0x1E8A0] =	vst v26;
	v26 =	vld [tilespmem:$0x870]  }
0x13f: {  	[tilespmem:$0x1E8F0] =	vst v30;
	v30 =	vld [tilespmem:$0x8F0]  }
0x140: {  	[tilespmem:$0x1E2B0] =	vst v36;
	v36 =	vld [tilespmem:$0x970]  }
0x141: {  	v0 =	vadd.f32 v9, v0;
	v9 =	vld [tilespmem:$0x2290]  }
0x142: {  	[tilespmem:$0x1E730] =	vst v63;
	v63 =	vld [tilespmem:$0x2180]  }
0x143: {  	v1 =	vadd.f32 v34, v1;
	v34 =	vld [tilespmem:$0x1820]  }
0x144: {  	[tilespmem:$0x1EBB0] =	vst v28;
	v28 =	vld [tilespmem:$0x1720]  }
0x145: {  	[tilespmem:$0x1ECA0] =	vst v6;
	v6 =	vld [tilespmem:$0x1B20]  }
0x146: {  	[tilespmem:$0x1ED90] =	vst v14;
	v14 =	vld [tilespmem:$0x1D20]  }
0x147: {  	[tilespmem:$0x1E770] =	vst v63;
	v63 =	vld [tilespmem:$0x2200]  }
0x148: {  	v0 =	vadd.f32 v11, v0;
	v11 =	vld [tilespmem:$0x2310]  }
0x149: {  	v1 =	vadd.f32 v38, v1;
	v38 =	vld [tilespmem:$0x1520]  }
0x14a: {  	[tilespmem:$0x1E960] =	vst v23;
	v23 =	vld [tilespmem:$0x1EA0]  }
0x14b: {  	[tilespmem:$0x1E9C0] =	vst v31;
	v31 =	vld [tilespmem:$0x1E0A0]  }
0x14c: {  	[tilespmem:$0x1E7B0] =	vst v63;
	v63 =	vld [tilespmem:$0x2280]  }
0x14d: {  	[tilespmem:$0x1E2E0] =	vst v41;
	v41 =	vld [tilespmem:$0x9F0]  }
0x14e: {  	[tilespmem:$0x1E310] =	vst v51;
	v51 =	vld [tilespmem:$0xA70]  }
0x14f: {  	[tilespmem:$0x1E340] =	vst v59;
	v59 =	vld [tilespmem:$0xAF0]  }
0x150: {  	[tilespmem:$0x1E370] =	vst v60;
	v60 =	vld [tilespmem:$0xB70]  }
0x151: {  	[tilespmem:$0x1E7F0] =	vst v63;
	v63 =	vld [tilespmem:$0x2300]  }
0x152: {  	[tilespmem:$0x1E3A0] =	vst v61;
	v61 =	vld [tilespmem:$0xBF0]  }
0x153: {  	[tilespmem:$0x1E410] =	vst v19;
	v19 =	vld [tilespmem:$0xCF0]  }
0x154: {  	[tilespmem:$0x1E450] =	vst v22;
	v22 =	vld [tilespmem:$0xD70]  }
0x155: {  	[tilespmem:$0x1E490] =	vst v26;
	v26 =	vld [tilespmem:$0xDF0]  }
0x156: {  	[tilespmem:$0x1E830] =	vst v63;
	v63 =	vld [tilespmem:$0x2380]  }
0x157: {  	[tilespmem:$0x1E4D0] =	vst v30;
	v30 =	vld [tilespmem:$0xE70]  }
0x158: {  	[tilespmem:$0x1E510] =	vst v36;
	v36 =	vld [tilespmem:$0xEF0]  }
0x159: {  	v0 =	vadd.f32 v13, v0;
	v13 =	vld [tilespmem:$0x1DF30]  }
0x15a: {  	v1 =	vadd.f32 v42, v1;
	v42 =	vld [tilespmem:$0x1DFA0]  }
0x15b: {  	[tilespmem:$0x1E870] =	vst v63;
	v63 =	vld [tilespmem:$0x2400]  }
0x15c: {  	[tilespmem:$0x1ED00] =	vst v9;
	v9 =	vld [tilespmem:$0x1E010]  }
0x15d: {  	[tilespmem:$0x1E9E0] =	vst v34;
	v34 =	vld [tilespmem:$0x1E0C0]  }
0x15e: {  	v0 =	vadd.f32 v16, v0;
	v16 =	vld [tilespmem:$0x2490]  }
0x15f: {  	v1 =	vadd.f32 v44, v1;
	v44 =	vld [tilespmem:$0x18A0]  }
0x160: {  	[tilespmem:$0x1E8B0] =	vst v63;
	v63 =	vld [tilespmem:$0x2480]  }
0x161: {  	[tilespmem:$0x1E9A0] =	vst v28;
	v28 =	vld [tilespmem:$0x1E090]  }
0x162: {  	[tilespmem:$0x1EAA0] =	vst v6;
	v6 =	vld [tilespmem:$0x2420]  }
0x163: {  	[tilespmem:$0x1EB20] =	vst v14;
	v14 =	vld [tilespmem:$0x1E1C0]  }
0x164: {  	[tilespmem:$0x1ED30] =	vst v11;
	v11 =	vld [tilespmem:$0x1E020]  }
0x165: {  	[tilespmem:$0x1E8E0] =	vst v63;
	v63 =	vld [tilespmem:$0x2500]  }
0x166: {  	v0 =	vadd.f32 v18, v0;
	v18 =	vld [tilespmem:$0x2510]  }
0x167: {  	v1 =	vadd.f32 v49, v1;
	v49 =	vld [tilespmem:$0x1DFC0]  }
0x168: {  	[tilespmem:$0x1E550] =	vst v41;
	v41 =	vld [tilespmem:$0xF70]  }
0x169: {  	[tilespmem:$0x1E590] =	vst v51;
	v51 =	vld [tilespmem:$0xFF0]  }
0x16a: {  	[tilespmem:$0x1E910] =	vst v63;
	v63 =	vld [tilespmem:$0x1510]  }
0x16b: {  	[tilespmem:$0x1E5D0] =	vst v59;
	v59 =	vld [tilespmem:$0x1070]  }
0x16c: {  	[tilespmem:$0x1E610] =	vst v60;
	v60 =	vld [tilespmem:$0x10F0]  }
0x16d: {  	[tilespmem:$0x1E650] =	vst v61;
	v61 =	vld [tilespmem:$0x1170]  }
0x16e: {  	[tilespmem:$0x1E6D0] =	vst v19;
	v19 =	vld [tilespmem:$0x1580]  }
0x16f: {  	[tilespmem:$0x1E920] =	vst v63;
	v63 =	vld [tilespmem:$0x1590]  }
0x170: {  	[tilespmem:$0x1E710] =	vst v22;
	v22 =	vld [tilespmem:$0x1600]  }
0x171: {  	[tilespmem:$0x1E750] =	vst v26;
	v26 =	vld [tilespmem:$0x1680]  }
0x172: {  	[tilespmem:$0x1E790] =	vst v30;
	v30 =	vld [tilespmem:$0x1700]  }
0x173: {  	[tilespmem:$0x1E7D0] =	vst v36;
	v36 =	vld [tilespmem:$0x1800]  }
0x174: {  	[tilespmem:$0x1E930] =	vst v63;
	v63 =	vld [tilespmem:$0x1610]  }
0x175: {  	v0 =	vadd.f32 v21, v0;
	v21 =	vld [tilespmem:$0x15A0]  }
0x176: {  	v1 =	vadd.f32 v55, v1;
	v55 =	vld [tilespmem:$0x1A20]  }
0x177: {  	[tilespmem:$0x1EDC0] =	vst v16;
	v16 =	vld [tilespmem:$0x1E040]  }
0x178: {  	[tilespmem:$0x1EA00] =	vst v44;
	v44 =	vld [tilespmem:$0x1E0F0]  }
0x179: {  	[tilespmem:$0x1E950] =	vst v63;
	v63 =	vld [tilespmem:$0x1690]  }
0x17a: {  	v0 =	vadd.f32 v24, v0;
	v24 =	vld [tilespmem:$0x1DF60]  }
0x17b: {  	v1 =	vadd.f32 v46, v1;
	v46 =	vld [tilespmem:$0x1DFB0]  }
0x17c: {  	[tilespmem:$0x1EE00] =	vst v18;
	v18 =	vld [tilespmem:$0x1E050]  }
0x17d: {  	[tilespmem:$0x1E900] =	vst v61;
	v61 =	vld [tilespmem:$0x1780]  }
0x17e: {  	[tilespmem:$0x1E970] =	vst v63;
	v63 =	vld [tilespmem:$0x1710]  }
0x17f: {  	[tilespmem:$0x1E810] =	vst v41;
	v41 =	vld [tilespmem:$0x1880]  }
0x180: {  	[tilespmem:$0x1E8C0] =	vst v60;
	v60 =	vld [tilespmem:$0x1900]  }
0x181: {  	[tilespmem:$0x1E850] =	vst v51;
	v51 =	vld [tilespmem:$0x1980];
	v0 =	vadd.f32 v27, v0  }
0x182: {  	v27 =	vld [tilespmem:$0x1DF70];
	[tilespmem:$0x1E940] =	vst v21  }
0x183: {  	v21 =	vld [tilespmem:$0x1E060];
	v0 =	vadd.f32 v29, v0;
	[tilespmem:$0x1E990] =	vst v63;
	v63 =	vadd.f32 v54, v48  }
0x184: {  	[tilespmem:$0x1EA60] =	vst v55;
	v55 =	vld [tilespmem:$0x2320]  }
0x185: {  	v29 =	vld [tilespmem:$0x1DF80];
	v0 =	vadd.f32 v33, v0;
	v57 =	vadd.f32 v57, v63  }
0x186: {  	v33 =	vld [tilespmem:$0x1DF90]  }
0x187: {  	v0 =	vadd.f32 v35, v0;
	v12 =	vadd.f32 v62, v57;
	v62 =	vld [tilespmem:$0x1DEB0]  }
0x188: {  	v1 =	vadd.f32 v27, v1;
	v27 =	vld [tilespmem:$0x1E080]  }
0x189: {  	v35 =	vld [tilespmem:$0x20A0];
	v0 =	vadd.f32 v39, v0  }
0x18a: {  	v39 =	vld [tilespmem:$0x1E0D0];
	v2 =	vadd.f32 v50, v12  }
0x18b: {  	v1 =	vadd.f32 v33, v1;
	v33 =	vld [tilespmem:$0x1E0B0];
	v0 =	vadd.f32 v43, v0  }
0x18c: {  	v43 =	vld [tilespmem:$0x1E0E0];
	v2 =	vadd.f32 v62, v2  }
0x18d: {  	v1 =	vadd.f32 v46, v1;
	v46 =	vld [tilespmem:$0x21A0];
	v0 =	vadd.f32 v47, v0  }
0x18e: {  	v47 =	vld [tilespmem:$0x1E100];
	v2 =	vadd.f32 v10, v2  }
0x18f: {  	v0 =	vadd.f32 v52, v0;
	v50 =	vld [tilespmem:$0x1DEF0]  }
0x190: {  	v52 =	vld [tilespmem:$0x22A0];
	v2 =	vadd.f32 v17, v2  }
0x191: {  	v0 =	vadd.f32 v56, v0;
	v62 =	vld [tilespmem:$0x1DF00]  }
0x192: {  	v56 =	vld [tilespmem:$0x1E140];
	v2 =	vadd.f32 v25, v2  }
0x193: {  	v0 =	vadd.f32 v32, v0;
	v32 =	vld [tilespmem:$0x2020]  }
0x194: {  	v48 =	vld [tilespmem:$0x1810];
	v2 =	vadd.f32 v50, v2  }
0x195: {  	v10 =	vld [tilespmem:$0x1DF20]  }
0x196: {  	v54 =	vld [tilespmem:$0x1890];
	v2 =	vadd.f32 v62, v2  }
0x197: {  	v63 =	vld [tilespmem:$0x1910]  }
0x198: {  	v57 =	vld [tilespmem:$0x1B90];
	v2 =	vadd.f32 v7, v2  }
0x199: {  	v17 =	vld [tilespmem:$0x1DF40]  }
0x19a: {  	[tilespmem:$0x1E9D0] =	vst v48;
	v48 =	vld [tilespmem:$0x1A90];
	v2 =	vadd.f32 v10, v2  }
0x19b: {  	[tilespmem:$0x1E9F0] =	vst v54;
	v54 =	vld [tilespmem:$0x1B10]  }
0x19c: {  	v12 =	vld [tilespmem:$0x1D10];
	v2 =	vadd.f32 v13, v2  }
0x19d: {  	[tilespmem:$0x1EA10] =	vst v63;
	v63 =	vld [tilespmem:$0x1C10]  }
0x19e: {  	[tilespmem:$0x1EAB0] =	vst v57;
	v57 =	vld [tilespmem:$0x2090];
	v2 =	vadd.f32 v17, v2  }
0x19f: {  	[tilespmem:$0x1EA70] =	vst v48;
	v48 =	vld [tilespmem:$0x1F90]  }
0x1a0: {  	[tilespmem:$0x1EA90] =	vst v54;
	v54 =	vld [tilespmem:$0x2010];
	v2 =	vadd.f32 v20, v2  }
0x1a1: {  	[tilespmem:$0x1EB10] =	vst v12;
	v12 =	vld [tilespmem:$0x2390]  }
0x1a2: {  	[tilespmem:$0x1EAD0] =	vst v63;
	v63 =	vld [tilespmem:$0x2110];
	v2 =	vadd.f32 v24, v2  }
0x1a3: {  	[tilespmem:$0x1EC40] =	vst v57;
	v57 =	vld [tilespmem:$0x1DFE0]  }
0x1a4: {  	v25 =	vld [tilespmem:$0x16A0];
	v2 =	vadd.f32 v29, v2  }
0x1a5: {  	[tilespmem:$0x1EBE0] =	vst v48;
	v48 =	vld [tilespmem:$0x1920]  }
0x1a6: {  	[tilespmem:$0x1EC10] =	vst v54;
	v54 =	vld [tilespmem:$0x1DFD0];
	v2 =	vadd.f32 v42, v2  }
0x1a7: {  	v7 =	vld [tilespmem:$0x1E000]  }
0x1a8: {  	[tilespmem:$0x1EC70] =	vst v63;
	v63 =	vld [tilespmem:$0x1DFF0];
	v2 =	vadd.f32 v49, v2  }
0x1a9: {  	[tilespmem:$0x1ED60] =	vst v12;
	v12 =	vld [tilespmem:$0x1CA0]  }
0x1aa: {  	v50 =	vld [tilespmem:$0x19A0];
	v2 =	vadd.f32 v57, v2  }
0x1ab: {  	v62 =	vld [tilespmem:$0x1AA0];
	v1 =	vadd.f32 v54, v1  }
0x1ac: {  	v13 =	vld [tilespmem:$0x1E030];
	v2 =	vadd.f32 v7, v2  }
0x1ad: {  	[tilespmem:$0x1E980] =	vst v25;
	v25 =	vld [tilespmem:$0x1F20];
	v1 =	vadd.f32 v63, v1  }
0x1ae: {  	[tilespmem:$0x1EA20] =	vst v48;
	v48 =	vld [tilespmem:$0x2220];
	v2 =	vadd.f32 v11, v2  }
0x1af: {  	v54 =	vld [tilespmem:$0x1E130];
	v1 =	vadd.f32 v9, v1  }
0x1b0: {  	v24 =	vld [tilespmem:$0x1E070];
	v2 =	vadd.f32 v16, v2  }
0x1b1: {  	[tilespmem:$0x1EB00] =	vst v12;
	v12 =	vld [tilespmem:$0x1E1A0];
	v1 =	vadd.f32 v13, v1  }
0x1b2: {  	[tilespmem:$0x1EA40] =	vst v50;
	v50 =	vld [tilespmem:$0x1E120];
	v2 =	vadd.f32 v21, v2  }
0x1b3: {  	[tilespmem:$0x1EBA0] =	vst v23;
	v63 =	vld [tilespmem:$0x1E160];
	v1 =	vadd.f32 v18, v1  }
0x1b4: {  	[tilespmem:$0x1EDB0] =	vst v6;
	v10 =	vld [tilespmem:$0x1C20];
	v2 =	vadd.f32 v27, v2  }
0x1b5: {  	[tilespmem:$0x1E890] =	vst v59;
	v1 =	vadd.f32 v24, v1;
	v49 =	vld [tilespmem:$0x1E110]  }
0x1b6: {  	v0 =	vadd.f32 v28, v0;
	[tilespmem:$0x1EA80] =	vst v62;
	v62 =	vld [tilespmem:$0x23A0];
	v2 =	vadd.f32 v33, v2  }
0x1b7: {  	[tilespmem:$0x1ED50] =	vst v55;
	v9 =	vld [tilespmem:$0x24A0];
	v1 =	vadd.f32 v31, v1  }
0x1b8: {  	[tilespmem:$0x1EC60] =	vst v35;
	v0 =	vadd.f32 v34, v0;
	v57 =	vld [tilespmem:$0x1E150];
	v2 =	vadd.f32 v43, v2  }
0x1b9: {  	[tilespmem:$0x1ECC0] =	vst v46;
	v1 =	vadd.f32 v39, v1;
	v7 =	vld [tilespmem:$0x1E170]  }
0x1ba: {  	[tilespmem:$0x1ED20] =	vst v52;
	v0 =	vadd.f32 v44, v0;
	v17 =	vld [tilespmem:$0x1DA0];
	v2 =	vadd.f32 v49, v2  }
0x1bb: {  	[tilespmem:$0x1EC30] =	vst v32;
	v13 =	vld [tilespmem:$0x1E1B0];
	v1 =	vadd.f32 v47, v1  }
0x1bc: {  	v0 =	vadd.f32 v50, v0;
	[tilespmem:$0x1EAE0] =	vst v10;
	v10 =	vld [tilespmem:$0x1E190];
	v2 =	vadd.f32 v56, v2  }
0x1bd: {  	[tilespmem:$0x1EBD0] =	vst v25;
	v20 =	vld [tilespmem:$0x1E20];
	v1 =	vadd.f32 v54, v1  }
0x1be: {  	[tilespmem:$0x1ECF0] =	vst v48;
	v29 =	vld [tilespmem:$0x1FA0];
	v0 =	vadd.f32 v57, v0;
	v2 =	vadd.f32 v7, v2  }
0x1bf: {  	[tilespmem:$0x1ED80] =	vst v62;
	v16 =	vld [tilespmem:$0x1E1D0];
	v1 =	vadd.f32 v63, v1  }
0x1c0: {  	[tilespmem:$0x1EDE0] =	vst v9;
	v42 =	vld [tilespmem:$0x2120];
	v3 =	vmul.f32 $5.000000000e-01, v13;
	v0 =	vadd.f32 v8, v0;
	v2 =	vmul.f32 $1.562500000e-02, v2  }
0x1c1: {  	[tilespmem:$0x1EB40] =	vst v17;
	v11 =	vld [tilespmem:$0x2520];
	v1 =	vadd.f32 v10, v1  }
0x1c2: {  	v59 =	vld [tilespmem:$0x1A00];
	[tilespmem:$0x1EB70] =	vst v20;
	v0 =	vadd.f32 v12, v0;
	v2 =	vadd.f32 v3, v2  }
0x1c3: {  	v4 =	vmul.f32 $5.000000000e-01, v14;
	v34 =	vld [tilespmem:$0x1530];
	[tilespmem:$0x1EC00] =	vst v29;
	v1 =	vmul.f32 $1.562500000e-02, v1  }
0x1c4: {  	v25 =	vld [tilespmem:$0x1630];
	v0 =	vmul.f32 $1.562500000e-02, v0;
	[tilespmem:$0x1EEE0] =	vst v2;
	v2 =	vmul.f32 $5.000000000e-01, v16  }
0x1c5: {  	v17 =	vld [tilespmem:$0x1E1E0];
	[tilespmem:$0x1EC90] =	vst v42;
	v1 =	vadd.f32 v4, v1  }
0x1c6: {  	v18 =	vld [tilespmem:$0x1E1F0];
	[tilespmem:$0x1EE10] =	vst v11;
	v0 =	vadd.f32 v2, v0  }
0x1c7: {  	v33 =	vld [tilespmem:$0x15B0];
	[tilespmem:$0x1EEF0] =	vst v1  }
0x1c8: {  	v43 =	vld [tilespmem:$0x16B0];
	[tilespmem:$0x1EF10] =	vst v0  }
0x1c9: {  	v32 =	vld [tilespmem:$0x1730]  }
0x1ca: {  	v20 =	vld [tilespmem:$0x1E200]  }
0x1cb: {  	v28 =	vld [tilespmem:$0x17B0]  }
0x1cc: {  	v23 =	vld [tilespmem:$0x1E210]  }
0x1cd: {  	v21 =	vadd.f32 $0.0e+00, v37;
	v44 =	vld [tilespmem:$0x1830]  }
0x1ce: {  	v27 =	vld [tilespmem:$0x1E220]  }
0x1cf: {  	v2 =	vadd.f32 v40, v21;
	v40 =	vld [tilespmem:$0x18B0]  }
0x1d0: {  	v29 =	vld [tilespmem:$0x1E230]  }
0x1d1: {  	v48 =	vld [tilespmem:$0x1930]  }
0x1d2: {  	v31 =	vld [tilespmem:$0x1E240]  }
0x1d3: {  	v62 =	vld [tilespmem:$0x19B0]  }
0x1d4: {  	v35 =	vld [tilespmem:$0x1E250]  }
0x1d5: {  	v46 =	vld [tilespmem:$0x1A30]  }
0x1d6: {  	v37 =	vld [tilespmem:$0x1E260]  }
0x1d7: {  	v42 =	vld [tilespmem:$0x1AB0]  }
0x1d8: {  	v39 =	vld [tilespmem:$0x1E270]  }
0x1d9: {  	v57 =	vld [tilespmem:$0x1B30]  }
0x1da: {  	v2 =	vadd.f32 v45, v2;
	v45 =	vld [tilespmem:$0x1E280]  }
0x1db: {  	v49 =	vld [tilespmem:$0x1BB0]  }
0x1dc: {  	v47 =	vld [tilespmem:$0x1E290]  }
0x1dd: {  	v50 =	vld [tilespmem:$0x1E2A0]  }
0x1de: {  	v52 =	vld [tilespmem:$0x1E2B0]  }
0x1df: {  	v56 =	vld [tilespmem:$0x1CB0]  }
0x1e0: {  	v54 =	vld [tilespmem:$0x1E2C0]  }
0x1e1: {  	v63 =	vld [tilespmem:$0x1D30]  }
0x1e2: {  	v55 =	vld [tilespmem:$0x1E2D0]  }
0x1e3: {  	v8 =	vld [tilespmem:$0x1E2F0]  }
0x1e4: {  	v9 =	vld [tilespmem:$0x1E30]  }
0x1e5: {  	v10 =	vld [tilespmem:$0x1E300]  }
0x1e6: {  	v11 =	vld [tilespmem:$0x1E310]  }
0x1e7: {  	v12 =	vld [tilespmem:$0x1EB0]  }
0x1e8: {  	v13 =	vld [tilespmem:$0x1E320]  }
0x1e9: {  	v14 =	vld [tilespmem:$0x1F30]  }
0x1ea: {  	v24 =	vadd.f32 $0.0e+00, v15;
	v15 =	vld [tilespmem:$0x1E330]  }
0x1eb: {  	v16 =	vld [tilespmem:$0x1E340]  }
0x1ec: {  	v1 =	vadd.f32 $0.0e+00, v17;
	v17 =	vld [tilespmem:$0x1FB0]  }
0x1ed: {  	v3 =	vadd.f32 v19, v24;
	v0 =	vadd.f32 $0.0e+00, v18;
	v18 =	vld [tilespmem:$0x1E350]  }
0x1ee: {  	v19 =	vld [tilespmem:$0x2030]  }
0x1ef: {  	v3 =	vadd.f32 v22, v3;
	v21 =	vld [tilespmem:$0x1E370]  }
0x1f0: {  	v22 =	vld [tilespmem:$0x20B0]  }
0x1f1: {  	v3 =	vadd.f32 v26, v3;
	v24 =	vld [tilespmem:$0x2130]  }
0x1f2: {  	v26 =	vld [tilespmem:$0x1E390]  }
0x1f3: {  	v3 =	vadd.f32 v30, v3;
	v30 =	vld [tilespmem:$0x1E3B0]  }
0x1f4: {  	v2 =	vadd.f32 v53, v2;
	v53 =	vld [tilespmem:$0x1C30]  }
0x1f5: {  	v3 =	vadd.f32 v61, v3;
	v61 =	vld [tilespmem:$0x1DB0]  }
0x1f6: {  	v2 =	vadd.f32 v58, v2;
	v58 =	vld [tilespmem:$0x1E2E0]  }
0x1f7: {  	v3 =	vadd.f32 v36, v3;
	v36 =	vld [tilespmem:$0x1E3D0]  }
0x1f8: {  	v1 =	vadd.f32 v20, v1;
	v20 =	vld [tilespmem:$0x1E360]  }
0x1f9: {  	v0 =	vadd.f32 v23, v0;
	v23 =	vld [tilespmem:$0x1E380]  }
0x1fa: {  	v3 =	vadd.f32 v41, v3;
	v41 =	vld [tilespmem:$0x1E3F0]  }
0x1fb: {  	v2 =	vadd.f32 v52, v2;
	v52 =	vld [tilespmem:$0x1E420]  }
0x1fc: {  	[tilespmem:$0x1EB90] =	vst v9;
	v9 =	vld [tilespmem:$0x2530]  }
0x1fd: {  	[tilespmem:$0x1EBC0] =	vst v12;
	v12 =	vld [tilespmem:$0x1E4A0]  }
0x1fe: {  	[tilespmem:$0x1EBF0] =	vst v14;
	v14 =	vld [tilespmem:$0x1E4C0]  }
0x1ff: {  	[tilespmem:$0x1EC20] =	vst v17;
	v17 =	vld [tilespmem:$0x1E4F0]  }
0x200: {  	[tilespmem:$0x1EC80] =	vst v22;
	v22 =	vld [tilespmem:$0x1E510]  }
0x201: {  	[tilespmem:$0x1ECB0] =	vst v24;
	v24 =	vld [tilespmem:$0x1E530]  }
0x202: {  	[tilespmem:$0x1EB60] =	vst v61;
	v61 =	vld [tilespmem:$0x1E460]  }
0x203: {  	v1 =	vadd.f32 v27, v1;
	v27 =	vld [tilespmem:$0x1E3A0]  }
0x204: {  	v0 =	vadd.f32 v29, v0;
	v29 =	vld [tilespmem:$0x21B0]  }
0x205: {  	v3 =	vadd.f32 v60, v3;
	v60 =	vld [tilespmem:$0x24B0]  }
0x206: {  	v2 =	vadd.f32 v58, v2;
	v58 =	vld [tilespmem:$0x1E440]  }
0x207: {  	v1 =	vadd.f32 v31, v1;
	v31 =	vld [tilespmem:$0x2230]  }
0x208: {  	v0 =	vadd.f32 v35, v0;
	v35 =	vld [tilespmem:$0x1E3C0]  }
0x209: {  	v3 =	vadd.f32 v51, v3;
	v51 =	vld [tilespmem:$0x23B0]  }
0x20a: {  	v2 =	vadd.f32 v11, v2;
	v11 =	vld [tilespmem:$0x1E490]  }
0x20b: {  	v1 =	vadd.f32 v37, v1;
	v37 =	vld [tilespmem:$0x22B0]  }
0x20c: {  	v0 =	vadd.f32 v39, v0;
	v39 =	vld [tilespmem:$0x1E3E0]  }
0x20d: {  	v3 =	vadd.f32 v59, v3;
	v59 =	vld [tilespmem:$0x1E450]  }
0x20e: {  	v2 =	vadd.f32 v16, v2;
	v16 =	vld [tilespmem:$0x1E4E0]  }
0x20f: {  	[tilespmem:$0x1EDF0] =	vst v60;
	v60 =	vld [tilespmem:$0x1E5E0]  }
0x210: {  	v1 =	vadd.f32 v45, v1;
	v45 =	vld [tilespmem:$0x2330]  }
0x211: {  	v0 =	vadd.f32 v47, v0;
	v47 =	vld [tilespmem:$0x1E400]  }
0x212: {  	v3 =	vadd.f32 v41, v3;
	v41 =	vld [tilespmem:$0x17C0]  }
0x213: {  	v2 =	vadd.f32 v21, v2;
	v21 =	vld [tilespmem:$0x16C0]  }
0x214: {  	[tilespmem:$0x1EDA0] =	vst v51;
	v51 =	vld [tilespmem:$0x1E5A0]  }
0x215: {  	v1 =	vadd.f32 v50, v1;
	v50 =	vld [tilespmem:$0x1E410]  }
0x216: {  	v0 =	vadd.f32 v54, v0;
	v54 =	vld [tilespmem:$0x1E430]  }
0x217: {  	v2 =	vadd.f32 v27, v2;
	v27 =	vld [tilespmem:$0x1E550]  }
0x218: {  	v1 =	vadd.f32 v55, v1;
	v55 =	vld [tilespmem:$0x2430]  }
0x219: {  	v0 =	vadd.f32 v8, v0;
	v8 =	vld [tilespmem:$0x1E470]  }
0x21a: {  	v2 =	vadd.f32 v36, v2;
	v36 =	vld [tilespmem:$0x1540]  }
0x21b: {  	[tilespmem:$0x1ED70] =	vst v45;
	v45 =	vld [tilespmem:$0x15C0]  }
0x21c: {  	v1 =	vadd.f32 v10, v1;
	v10 =	vld [tilespmem:$0x1E480]  }
0x21d: {  	v0 =	vadd.f32 v13, v0;
	v13 =	vld [tilespmem:$0x1E4B0]  }
0x21e: {  	v2 =	vadd.f32 v50, v2;
	v50 =	vld [tilespmem:$0x1E590]  }
0x21f: {  	v3 =	vadd.f32 v54, v3;
	v54 =	vld [tilespmem:$0x1E5C0]  }
0x220: {  	v1 =	vadd.f32 v15, v1;
	v15 =	vld [tilespmem:$0x1E4D0]  }
0x221: {  	v0 =	vadd.f32 v18, v0;
	v18 =	vld [tilespmem:$0x1E500]  }
0x222: {  	v2 =	vadd.f32 v59, v2;
	v59 =	vld [tilespmem:$0x1640]  }
0x223: {  	[tilespmem:$0x1EDD0] =	vst v55;
	v55 =	vld [tilespmem:$0x1E5D0]  }
0x224: {  	v1 =	vadd.f32 v20, v1;
	v0 =	vadd.f32 v23, v0;
	v23 =	vld [tilespmem:$0x1E520]  }
0x225: {  	v3 =	vadd.f32 v8, v3;
	v20 =	vld [tilespmem:$0x1E610]  }
0x226: {  	v2 =	vadd.f32 v11, v2;
	v1 =	vadd.f32 v26, v1;
	v26 =	vld [tilespmem:$0x1E540]  }
0x227: {  	v3 =	vadd.f32 v13, v3;
	v0 =	vadd.f32 v30, v0;
	v30 =	vld [tilespmem:$0x1E560]  }
0x228: {  	v2 =	vadd.f32 v15, v2;
	v1 =	vadd.f32 v35, v1;
	v35 =	vld [tilespmem:$0x1E570]  }
0x229: {  	v3 =	vadd.f32 v17, v3;
	v0 =	vadd.f32 v39, v0;
	v39 =	vld [tilespmem:$0x1E580]  }
0x22a: {  	v2 =	vadd.f32 v22, v2;
	v22 =	vld [tilespmem:$0x1740]  }
0x22b: {  	v3 =	vadd.f32 v24, v3;
	v24 =	vld [tilespmem:$0x19C0]  }
0x22c: {  	[tilespmem:$0x1ECE0] =	vst v29;
	v0 =	vadd.f32 v52, v0;
	v52 =	vld [tilespmem:$0x1E5B0];
	v29 =	vadd.f32 v27, v2  }
0x22d: {  	v27 =	vld [tilespmem:$0x1E630]  }
0x22e: {  	v6 =	vadd.f32 v50, v29;
	v29 =	vld [tilespmem:$0x1E640]  }
0x22f: {  	[tilespmem:$0x1ED40] =	vst v37;
	v1 =	vadd.f32 v47, v1;
	v37 =	vadd.f32 v35, v3;
	v35 =	vld [tilespmem:$0x1E660]  }
0x230: {  	v0 =	vadd.f32 v61, v0;
	v50 =	vld [tilespmem:$0x1E680]  }
0x231: {  	v1 =	vadd.f32 v58, v1;
	v58 =	vadd.f32 v55, v6;
	v6 =	vld [tilespmem:$0x1A40]  }
0x232: {  	v0 =	vadd.f32 v12, v0;
	v8 =	vadd.f32 v52, v37;
	v52 =	vld [tilespmem:$0x1E690]  }
0x233: {  	v1 =	vadd.f32 v10, v1;
	v55 =	vld [tilespmem:$0x1E6B0]  }
0x234: {  	v4 =	vadd.f32 v16, v0;
	v16 =	vld [tilespmem:$0x1E5F0]  }
0x235: {  	v1 =	vadd.f32 v14, v1;
	v10 =	vadd.f32 v20, v58;
	v58 =	vld [tilespmem:$0x1E6C0]  }
0x236: {  	v4 =	vadd.f32 v23, v4;
	v23 =	vld [tilespmem:$0x1840]  }
0x237: {  	[tilespmem:$0x1EC50] =	vst v19;
	v19 =	vadd.f32 v18, v1;
	v18 =	vld [tilespmem:$0x1E600]  }
0x238: {  	[tilespmem:$0x1ED10] =	vst v31;
	v31 =	vadd.f32 v30, v4;
	v4 =	vld [tilespmem:$0x18C0]  }
0x239: {  	v5 =	vadd.f32 v26, v19;
	v26 =	vld [tilespmem:$0x1E620]  }
0x23a: {  	v30 =	vld [tilespmem:$0x1E650]  }
0x23b: {  	v17 =	vadd.f32 v16, v8;
	v8 =	vld [tilespmem:$0x1B40]  }
0x23c: {  	v47 =	vadd.f32 v39, v5;
	v5 =	vld [tilespmem:$0x1940]  }
0x23d: {  	v7 =	vadd.f32 v51, v31;
	v39 =	vld [tilespmem:$0x1E670]  }
0x23e: {  	v12 =	vadd.f32 v27, v17;
	v27 =	vld [tilespmem:$0x1E40]  }
0x23f: {  	v61 =	vadd.f32 v60, v7;
	v7 =	vld [tilespmem:$0x1AC0]  }
0x240: {  	[tilespmem:$0x1EE20] =	vst v9;
	v9 =	vadd.f32 v54, v47;
	v54 =	vld [tilespmem:$0x1E6A0]  }
0x241: {  	v60 =	vld [tilespmem:$0x1E6D0]  }
0x242: {  	v31 =	vadd.f32 v30, v10;
	v10 =	vld [tilespmem:$0x1C40]  }
0x243: {  	v19 =	vadd.f32 v18, v9;
	v9 =	vld [tilespmem:$0x1BC0]  }
0x244: {  	v47 =	vadd.f32 v39, v12;
	v12 =	vld [tilespmem:$0x1D40]  }
0x245: {  	v11 =	vadd.f32 v26, v61;
	v14 =	vadd.f32 v52, v31;
	v31 =	vld [tilespmem:$0x1E6F0]  }
0x246: {  	v39 =	vld [tilespmem:$0x1E720]  }
0x247: {  	v37 =	vadd.f32 v35, v11;
	v11 =	vld [tilespmem:$0x1CC0]  }
0x248: {  	v13 =	vadd.f32 v29, v19;
	v29 =	vld [tilespmem:$0x1E6E0]  }
0x249: {  	v35 =	vld [tilespmem:$0x1E700]  }
0x24a: {  	v61 =	vadd.f32 v60, v14;
	v14 =	vld [tilespmem:$0x1EC0]  }
0x24b: {  	v16 =	vadd.f32 v55, v47;
	v47 =	vld [tilespmem:$0x1E730]  }
0x24c: {  	v60 =	vld [tilespmem:$0x1E770]  }
0x24d: {  	v51 =	vadd.f32 v50, v13;
	v13 =	vld [tilespmem:$0x1DC0]  }
0x24e: {  	v15 =	vadd.f32 v54, v37;
	v37 =	vld [tilespmem:$0x1E710]  }
0x24f: {  	v54 =	vld [tilespmem:$0x1E750]  }
0x250: {  	v17 =	vadd.f32 v58, v51;
	v51 =	vld [tilespmem:$0x1E740]  }
0x251: {  	v58 =	vld [tilespmem:$0x1E760]  }
0x252: {  	v16 =	vadd.f32 v31, v16;
	v31 =	vld [tilespmem:$0x1E7A0]  }
0x253: {  	v30 =	vadd.f32 v29, v15;
	v15 =	vld [tilespmem:$0x1F40]  }
0x254: {  	v29 =	vld [tilespmem:$0x1FC0]  }
0x255: {  	v50 =	vadd.f32 v47, v16;
	v16 =	vld [tilespmem:$0x1E790]  }
0x256: {  	v47 =	vld [tilespmem:$0x1E7C0]  }
0x257: {  	v18 =	vadd.f32 v37, v61;
	v61 =	vld [tilespmem:$0x1E780]  }
0x258: {  	v19 =	vadd.f32 v39, v30;
	v39 =	vld [tilespmem:$0x2140]  }
0x259: {  	v37 =	vld [tilespmem:$0x1E7B0]  }
0x25a: {  	v17 =	vadd.f32 v35, v17;
	v20 =	vadd.f32 v60, v50;
	v50 =	vld [tilespmem:$0x1E7D0]  }
0x25b: {  	v60 =	vld [tilespmem:$0x1E820]  }
0x25c: {  	v52 =	vadd.f32 v51, v17;
	v17 =	vld [tilespmem:$0x2040]  }
0x25d: {  	v55 =	vadd.f32 v54, v18;
	v18 =	vld [tilespmem:$0x20C0]  }
0x25e: {  	v19 =	vadd.f32 v58, v19;
	v51 =	vld [tilespmem:$0x1E7E0]  }
0x25f: {  	v58 =	vld [tilespmem:$0x1E810]  }
0x260: {  	v35 =	vadd.f32 v31, v19;
	v19 =	vld [tilespmem:$0x21C0]  }
0x261: {  	v30 =	vadd.f32 v16, v55;
	v55 =	vld [tilespmem:$0x1E800]  }
0x262: {  	v26 =	vadd.f32 v61, v52;
	v52 =	vld [tilespmem:$0x1E7F0]  }
0x263: {  	v61 =	vld [tilespmem:$0x22C0]  }
0x264: {  	v20 =	vadd.f32 v37, v20;
	v37 =	vld [tilespmem:$0x1E840];
	v31 =	vadd.f32 v51, v35  }
0x265: {  	v30 =	vadd.f32 v50, v30;
	v50 =	vld [tilespmem:$0x2240]  }
0x266: {  	v16 =	vadd.f32 v60, v31;
	v31 =	vld [tilespmem:$0x1E830]  }
0x267: {  	v54 =	vadd.f32 v52, v20;
	v52 =	vld [tilespmem:$0x1E860]  }
0x268: {  	v26 =	vadd.f32 v47, v26;
	v51 =	vld [tilespmem:$0x1E850]  }
0x269: {  	v30 =	vadd.f32 v58, v30;
	v58 =	vld [tilespmem:$0x1E880]  }
0x26a: {  	v26 =	vadd.f32 v55, v26;
	v55 =	vld [tilespmem:$0x2440]  }
0x26b: {  	v35 =	vadd.f32 v31, v54;
	v54 =	vld [tilespmem:$0x1E870]  }
0x26c: {  	v47 =	vadd.f32 v52, v16;
	v16 =	vld [tilespmem:$0x1E8A0]  }
0x26d: {  	v26 =	vadd.f32 v37, v26;
	v37 =	vld [tilespmem:$0x1E8B0]  }
0x26e: {  	v60 =	vld [tilespmem:$0x1E890]  }
0x26f: {  	v26 =	vadd.f32 v58, v26;
	v58 =	vld [tilespmem:$0x1E8D0]  }
0x270: {  	v52 =	vadd.f32 v54, v35;
	v54 =	vld [tilespmem:$0x1E8C0]  }
0x271: {  	v47 =	vadd.f32 v16, v47;
	v16 =	vld [tilespmem:$0x1E8E0]  }
0x272: {  	v30 =	vadd.f32 v51, v30;
	v52 =	vadd.f32 v37, v52;
	v37 =	vld [tilespmem:$0x1E8F0]  }
0x273: {  	v20 =	vld [tilespmem:$0x2340]  }
0x274: {  	v51 =	vld [tilespmem:$0x2540];
	v30 =	vadd.f32 v60, v30  }
0x275: {  	v31 =	vld [tilespmem:$0x23C0]  }
0x276: {  	v60 =	vld [tilespmem:$0x1550];
	v26 =	vmul.f32 $1.562500000e-02, v26;
	v30 =	vadd.f32 v54, v30;
	v54 =	vmul.f32 $5.000000000e-01, v58  }
0x277: {  	v35 =	vld [tilespmem:$0x24C0];
	v52 =	vadd.f32 v16, v52;
	v16 =	vmul.f32 $1.562500000e-02, v47;
	v2 =	vmul.f32 $5.000000000e-01, v37  }
0x278: {  	v37 =	vadd.f32 v54, v26;
	v54 =	vld [tilespmem:$0x1E900]  }
0x279: {  	v0 =	vadd.f32 v2, v16;
	v16 =	vld [tilespmem:$0x1E910]  }
0x27a: {  	v58 =	vld [tilespmem:$0x15D0]  }
0x27b: {  	v47 =	vld [tilespmem:$0x1650]  }
0x27c: {  	v1 =	vmul.f32 $1.562500000e-02, v30;
	v30 =	vld [tilespmem:$0x16D0]  }
0x27d: {  	v26 =	vmul.f32 $1.562500000e-02, v52;
	v52 =	vld [tilespmem:$0x1850];
	[tilespmem:$0x1EF20] =	vst v37;
	v54 =	vmul.f32 $5.000000000e-01, v54  }
0x27e: {  	v37 =	vld [tilespmem:$0x1750];
	[tilespmem:$0x1EF40] =	vst v0;
	v0 =	vmul.f32 $5.000000000e-01, v16  }
0x27f: {  	v1 =	vadd.f32 v54, v1;
	v54 =	vld [tilespmem:$0x1E920]  }
0x280: {  	v16 =	vld [tilespmem:$0x1E930];
	v0 =	vadd.f32 v0, v26  }
0x281: {  	v26 =	vadd.f32 $0.0e+00, v34;
	v34 =	vld [tilespmem:$0x18D0]  }
0x282: {  	[tilespmem:$0x1EF70] =	vst v0;
	v0 =	vadd.f32 $0.0e+00, v38;
	v38 =	vld [tilespmem:$0x1E940]  }
0x283: {  	v2 =	vadd.f32 v33, v26;
	v33 =	vld [tilespmem:$0x19D0]  }
0x284: {  	v26 =	vld [tilespmem:$0x1E960]  }
0x285: {  	[tilespmem:$0x1EF50] =	vst v1;
	v1 =	vadd.f32 $0.0e+00, v54;
	v54 =	vld [tilespmem:$0x17D0]  }
0x286: {  	v2 =	vadd.f32 v25, v2;
	v25 =	vld [tilespmem:$0x1E990]  }
0x287: {  	v1 =	vadd.f32 v16, v1;
	v16 =	vld [tilespmem:$0x1E950]  }
0x288: {  	v2 =	vadd.f32 v43, v2;
	v43 =	vld [tilespmem:$0x1E9A0]  }
0x289: {  	v0 =	vadd.f32 v38, v0;
	v38 =	vadd.f32 $0.0e+00, v36;
	v36 =	vld [tilespmem:$0x1950]  }
0x28a: {  	v2 =	vadd.f32 v32, v2;
	v32 =	vld [tilespmem:$0x1E9E0]  }
0x28b: {  	v3 =	vadd.f32 v45, v38;
	v45 =	vld [tilespmem:$0x1A50]  }
0x28c: {  	v38 =	vld [tilespmem:$0x1E970]  }
0x28d: {  	v0 =	vadd.f32 v26, v0;
	v26 =	vld [tilespmem:$0x1E980]  }
0x28e: {  	v2 =	vadd.f32 v28, v2;
	v28 =	vld [tilespmem:$0x1DD0]  }
0x28f: {  	v1 =	vadd.f32 v16, v1;
	v16 =	vld [tilespmem:$0x1EA50]  }
0x290: {  	v3 =	vadd.f32 v59, v3;
	v59 =	vld [tilespmem:$0x1B50]  }
0x291: {  	v2 =	vadd.f32 v44, v2;
	v44 =	vld [tilespmem:$0x1ED0]  }
0x292: {  	v3 =	vadd.f32 v21, v3;
	v21 =	vld [tilespmem:$0x1E9C0]  }
0x293: {  	v1 =	vadd.f32 v38, v1;
	v38 =	vld [tilespmem:$0x1AD0]  }
0x294: {  	v0 =	vadd.f32 v26, v0;
	v26 =	vld [tilespmem:$0x1BD0]  }
0x295: {  	v2 =	vadd.f32 v40, v2;
	v40 =	vld [tilespmem:$0x1EA40]  }
0x296: {  	v3 =	vadd.f32 v22, v3;
	v22 =	vld [tilespmem:$0x1F50]  }
0x297: {  	[tilespmem:$0x1EE70] =	vst v28;
	v28 =	vld [tilespmem:$0x2050]  }
0x298: {  	v1 =	vadd.f32 v25, v1;
	v25 =	vld [tilespmem:$0x1C50]  }
0x299: {  	v0 =	vadd.f32 v43, v0;
	v43 =	vld [tilespmem:$0x1CD0]  }
0x29a: {  	v2 =	vadd.f32 v48, v2;
	v48 =	vld [tilespmem:$0x20D0]  }
0x29b: {  	v3 =	vadd.f32 v41, v3;
	v41 =	vld [tilespmem:$0x1E50]  }
0x29c: {  	v0 =	vadd.f32 v21, v0;
	v21 =	vld [tilespmem:$0x1EA00]  }
0x29d: {  	v2 =	vadd.f32 v62, v2;
	v62 =	vld [tilespmem:$0x21D0]  }
0x29e: {  	[tilespmem:$0x1EE30] =	vst v26;
	v26 =	vld [tilespmem:$0x1E9B0]  }
0x29f: {  	v3 =	vadd.f32 v23, v3;
	v23 =	vld [tilespmem:$0x1EA10]  }
0x2a0: {  	v0 =	vadd.f32 v32, v0;
	v32 =	vld [tilespmem:$0x1EA30]  }
0x2a1: {  	[tilespmem:$0x1EE80] =	vst v22;
	v22 =	vld [tilespmem:$0x2250]  }
0x2a2: {  	[tilespmem:$0x1EEA0] =	vst v28;
	v28 =	vld [tilespmem:$0x23D0]  }
0x2a3: {  	v2 =	vadd.f32 v46, v2;
	v46 =	vld [tilespmem:$0x24D0]  }
0x2a4: {  	[tilespmem:$0x1EE40] =	vst v25;
	v25 =	vld [tilespmem:$0x1D50]  }
0x2a5: {  	[tilespmem:$0x1EE50] =	vst v43;
	v43 =	vld [tilespmem:$0x1E9F0]  }
0x2a6: {  	v3 =	vadd.f32 v4, v3;
	v4 =	vld [tilespmem:$0x1660]  }
0x2a7: {  	v2 =	vadd.f32 v42, v2;
	v42 =	vld [tilespmem:$0x1EAB0]  }
0x2a8: {  	v0 =	vadd.f32 v21, v0;
	v21 =	vld [tilespmem:$0x1EA60]  }
0x2a9: {  	v3 =	vadd.f32 v5, v3;
	v1 =	vadd.f32 v26, v1;
	v26 =	vld [tilespmem:$0x1E9D0]  }
0x2aa: {  	v2 =	vadd.f32 v57, v2;
	v57 =	vld [tilespmem:$0x1EAC0]  }
0x2ab: {  	v3 =	vadd.f32 v24, v3;
	v24 =	vld [tilespmem:$0x1EA80]  }
0x2ac: {  	[tilespmem:$0x1EEC0] =	vst v22;
	v22 =	vld [tilespmem:$0x1EAF0]  }
0x2ad: {  	[tilespmem:$0x1EF00] =	vst v28;
	v28 =	vld [tilespmem:$0x1EB20]  }
0x2ae: {  	[tilespmem:$0x1EF60] =	vst v46;
	v46 =	vld [tilespmem:$0x1EB60]  }
0x2af: {  	[tilespmem:$0x1EE60] =	vst v25;
	v25 =	vld [tilespmem:$0x1FD0]  }
0x2b0: {  	v2 =	vadd.f32 v49, v2;
	v49 =	vld [tilespmem:$0x1EB70]  }
0x2b1: {  	v3 =	vadd.f32 v6, v3;
	v6 =	vld [tilespmem:$0x1960]  }
0x2b2: {  	v2 =	vadd.f32 v53, v2;
	v53 =	vld [tilespmem:$0x1EB80]  }
0x2b3: {  	v1 =	vadd.f32 v26, v1;
	v26 =	vld [tilespmem:$0x1EA20]  }
0x2b4: {  	v3 =	vadd.f32 v7, v3;
	v7 =	vld [tilespmem:$0x1A60]  }
0x2b5: {  	v2 =	vadd.f32 v56, v2;
	v56 =	vld [tilespmem:$0x1EB90]  }
0x2b6: {  	v1 =	vadd.f32 v43, v1;
	v43 =	vld [tilespmem:$0x2150]  }
0x2b7: {  	[tilespmem:$0x1EE90] =	vst v25;
	v25 =	vld [tilespmem:$0x2350]  }
0x2b8: {  	v3 =	vadd.f32 v8, v3;
	v8 =	vld [tilespmem:$0x2550]  }
0x2b9: {  	v1 =	vadd.f32 v23, v1;
	v23 =	vld [tilespmem:$0x1EA70]  }
0x2ba: {  	v2 =	vadd.f32 v63, v2;
	v3 =	vadd.f32 v9, v3;
	v9 =	vld [tilespmem:$0x18E0]  }
0x2bb: {  	v0 =	vadd.f32 v26, v0;
	v26 =	vld [tilespmem:$0x1EA90]  }
0x2bc: {  	v2 =	vadd.f32 v46, v2;
	v46 =	vld [tilespmem:$0x1EC10]  }
0x2bd: {  	v1 =	vadd.f32 v32, v1;
	v32 =	vld [tilespmem:$0x1EAA0]  }
0x2be: {  	v3 =	vadd.f32 v10, v3;
	v10 =	vld [tilespmem:$0x16E0]  }
0x2bf: {  	[tilespmem:$0x1EEB0] =	vst v43;
	v43 =	vld [tilespmem:$0x22D0]  }
0x2c0: {  	v0 =	vadd.f32 v40, v0;
	v40 =	vld [tilespmem:$0x2450]  }
0x2c1: {  	[tilespmem:$0x1EED0] =	vst v25;
	v25 =	vld [tilespmem:$0x15E0]  }
0x2c2: {  	[tilespmem:$0x1EF80] =	vst v8;
	v8 =	vld [tilespmem:$0x19E0]  }
0x2c3: {  	v2 =	vadd.f32 v56, v2;
	v56 =	vld [tilespmem:$0x1CE0]  }
0x2c4: {  	v1 =	vadd.f32 v16, v1;
	v16 =	vld [tilespmem:$0x1EAD0]  }
0x2c5: {  	v0 =	vadd.f32 v21, v0;
	v21 =	vld [tilespmem:$0x1EAE0]  }
0x2c6: {  	v3 =	vadd.f32 v11, v3;
	v1 =	vadd.f32 v23, v1;
	v23 =	vld [tilespmem:$0x1560]  }
0x2c7: {  	v0 =	vadd.f32 v24, v0;
	v24 =	vld [tilespmem:$0x1EB00]  }
0x2c8: {  	v3 =	vadd.f32 v12, v3;
	v1 =	vadd.f32 v26, v1;
	v26 =	vld [tilespmem:$0x1EB10]  }
0x2c9: {  	[tilespmem:$0x1EF30] =	vst v40;
	v40 =	vld [tilespmem:$0x1EB40]  }
0x2ca: {  	v3 =	vadd.f32 v13, v3;
	v13 =	vld [tilespmem:$0x1EC40]  }
0x2cb: {  	v0 =	vadd.f32 v32, v0;
	v32 =	vld [tilespmem:$0x1EB30]  }
0x2cc: {  	v1 =	vadd.f32 v42, v1;
	v42 =	vld [tilespmem:$0x1EB50]  }
0x2cd: {  	v63 =	vadd.f32 v27, v3;
	v3 =	vld [tilespmem:$0x1AE0]  }
0x2ce: {  	v27 =	vld [tilespmem:$0x1EBD0]  }
0x2cf: {  	v0 =	vadd.f32 v57, v0;
	v57 =	vld [tilespmem:$0x1EBA0]  }
0x2d0: {  	v1 =	vadd.f32 v16, v1;
	v16 =	vld [tilespmem:$0x1EBB0]  }
0x2d1: {  	v11 =	vadd.f32 v14, v63;
	v63 =	vld [tilespmem:$0x1C60]  }
0x2d2: {  	v23 =	vadd.f32 $0.0e+00, v23;
	v14 =	vld [tilespmem:$0x1EC50]  }
0x2d3: {  	v0 =	vadd.f32 v21, v0;
	v21 =	vld [tilespmem:$0x17E0]  }
0x2d4: {  	v23 =	vadd.f32 v25, v23;
	v25 =	vld [tilespmem:$0x18F0]  }
0x2d5: {  	v1 =	vadd.f32 v22, v1;
	v22 =	vld [tilespmem:$0x1760]  }
0x2d6: {  	v11 =	vadd.f32 v15, v11;
	v15 =	vld [tilespmem:$0x1EC60]  }
0x2d7: {  	v0 =	vadd.f32 v24, v0;
	v24 =	vld [tilespmem:$0x1860]  }
0x2d8: {  	v4 =	vadd.f32 v4, v23;
	v23 =	vld [tilespmem:$0x1970]  }
0x2d9: {  	v1 =	vadd.f32 v26, v1;
	v26 =	vld [tilespmem:$0x1EBC0]  }
0x2da: {  	v11 =	vadd.f32 v29, v11;
	v29 =	vld [tilespmem:$0x1EC90]  }
0x2db: {  	v4 =	vadd.f32 v10, v4;
	v10 =	vld [tilespmem:$0x19F0]  }
0x2dc: {  	v0 =	vadd.f32 v28, v0;
	v1 =	vadd.f32 v32, v1;
	v32 =	vld [tilespmem:$0x1EBE0]  }
0x2dd: {  	v11 =	vadd.f32 v17, v11;
	v17 =	vld [tilespmem:$0x1ECC0]  }
0x2de: {  	v0 =	vadd.f32 v40, v0;
	v40 =	vld [tilespmem:$0x1EBF0]  }
0x2df: {  	v4 =	vadd.f32 v22, v4;
	v22 =	vld [tilespmem:$0x1A70]  }
0x2e0: {  	v1 =	vadd.f32 v42, v1;
	v42 =	vld [tilespmem:$0x1EC00]  }
0x2e1: {  	v11 =	vadd.f32 v18, v11;
	v18 =	vld [tilespmem:$0x1ECD0]  }
0x2e2: {  	v0 =	vadd.f32 v49, v0;
	v49 =	vld [tilespmem:$0x1EC20]  }
0x2e3: {  	v2 =	vadd.f32 v26, v2;
	v26 =	vld [tilespmem:$0x1EC70]  }
0x2e4: {  	v4 =	vadd.f32 v21, v4;
	v21 =	vld [tilespmem:$0x1AF0]  }
0x2e5: {  	v1 =	vadd.f32 v53, v1;
	v53 =	vld [tilespmem:$0x1EC30]  }
0x2e6: {  	v11 =	vadd.f32 v39, v11;
	v39 =	vld [tilespmem:$0x22E0]  }
0x2e7: {  	v5 =	vadd.f32 v57, v0;
	v57 =	vld [tilespmem:$0x1D60]  }
0x2e8: {  	v0 =	vld [tilespmem:$0x2900]  }
0x2e9: {  	v4 =	vadd.f32 v24, v4;
	v24 =	vld [tilespmem:$0x3100]  }
0x2ea: {  	v1 =	vadd.f32 v16, v1;
	v16 =	vld [tilespmem:$0x1B60]  }
0x2eb: {  	v2 =	vadd.f32 v40, v2;
	v28 =	vadd.f32 v27, v5;
	v5 =	vld [tilespmem:$0x1BE0]  }
0x2ec: {  	v27 =	vld [tilespmem:$0x1EC80]  }
0x2ed: {  	v2 =	vadd.f32 v49, v2;
	v49 =	vld [tilespmem:$0x1E60]  }
0x2ee: {  	v4 =	vadd.f32 v9, v4;
	v1 =	vadd.f32 v32, v1;
	v32 =	vld [tilespmem:$0x1ECA0]  }
0x2ef: {  	v12 =	vadd.f32 v42, v28;
	v42 =	vld [tilespmem:$0x1F60]  }
0x2f0: {  	v4 =	vadd.f32 v6, v4;
	v6 =	vld [tilespmem:$0x1C70]  }
0x2f1: {  	v1 =	vadd.f32 v46, v1;
	v46 =	vld [tilespmem:$0x1EE0]  }
0x2f2: {  	v2 =	vadd.f32 v14, v2;
	v12 =	vadd.f32 v53, v12;
	v53 =	vld [tilespmem:$0x1DE0]  }
0x2f3: {  	v4 =	vadd.f32 v8, v4;
	v8 =	vld [tilespmem:$0x3210]  }
0x2f4: {  	v28 =	vadd.f32 v27, v2;
	v2 =	vld [tilespmem:$0x1FE0]  }
0x2f5: {  	v27 =	vld [tilespmem:$0x1ECE0]  }
0x2f6: {  	v1 =	vadd.f32 v13, v1;
	v12 =	vadd.f32 v15, v12;
	v15 =	vld [tilespmem:$0x1ECB0]  }
0x2f7: {  	v4 =	vadd.f32 v7, v4;
	v7 =	vld [tilespmem:$0x3190]  }
0x2f8: {  	v1 =	vadd.f32 v26, v1;
	v26 =	vld [tilespmem:$0x2060]  }
0x2f9: {  	v12 =	vadd.f32 v29, v12;
	v29 =	vadd.f32 v19, v11;
	v11 =	vld [tilespmem:$0x21E0]  }
0x2fa: {  	v19 =	vld [tilespmem:$0x1ED10]  }
0x2fb: {  	v40 =	vadd.f32 v32, v1;
	v32 =	vld [tilespmem:$0x20E0]  }
0x2fc: {  	v1 =	vld [tilespmem:$0x16F0]  }
0x2fd: {  	v12 =	vadd.f32 v17, v12;
	v17 =	vld [tilespmem:$0x2460]  }
0x2fe: {  	v3 =	vadd.f32 v3, v4;
	v13 =	vadd.f32 v15, v28;
	v28 =	vld [tilespmem:$0x1ECF0]  }
0x2ff: {  	v14 =	vadd.f32 v18, v40;
	v18 =	vld [tilespmem:$0x1ED00]  }
0x300: {  	v3 =	vadd.f32 v16, v3;
	v40 =	vld [tilespmem:$0x2260]  }
0x301: {  	v15 =	vadd.f32 v50, v29;
	v29 =	vld [tilespmem:$0x1ED30]  }
0x302: {  	v3 =	vadd.f32 v5, v3;
	v5 =	vld [tilespmem:$0x3090]  }
0x303: {  	v13 =	vadd.f32 v27, v13;
	v27 =	vld [tilespmem:$0x2160]  }
0x304: {  	v15 =	vadd.f32 v61, v15;
	v61 =	vld [tilespmem:$0x1ED80]  }
0x305: {  	v3 =	vadd.f32 v63, v3;
	v63 =	vld [tilespmem:$0x1EE50]  }
0x306: {  	v13 =	vadd.f32 v19, v13;
	v19 =	vld [tilespmem:$0x1ED50]  }
0x307: {  	v15 =	vadd.f32 v20, v15;
	v20 =	vld [tilespmem:$0x1ED90]  }
0x308: {  	v12 =	vadd.f32 v28, v12;
	v28 =	vld [tilespmem:$0x1ED20]  }
0x309: {  	v14 =	vadd.f32 v18, v14;
	v18 =	vld [tilespmem:$0x1ED40]  }
0x30a: {  	v3 =	vadd.f32 v56, v3;
	v56 =	vld [tilespmem:$0x1EEA0]  }
0x30b: {  	v50 =	vadd.f32 v29, v14;
	v29 =	vld [tilespmem:$0x1ED60]  }
0x30c: {  	v15 =	vadd.f32 v31, v15;
	v31 =	vld [tilespmem:$0x1EDE0]  }
0x30d: {  	v14 =	vld [tilespmem:$0x2360]  }
0x30e: {  	v3 =	vadd.f32 v57, v3;
	v57 =	vld [tilespmem:$0x3480];
	v12 =	vadd.f32 v28, v12  }
0x30f: {  	v15 =	vadd.f32 v55, v15;
	v55 =	vld [tilespmem:$0x1670]  }
0x310: {  	v28 =	vadd.f32 v19, v12;
	v19 =	vadd.f32 v29, v50;
	v50 =	vld [tilespmem:$0x1ED70]  }
0x311: {  	v3 =	vadd.f32 v53, v3;
	v53 =	vld [tilespmem:$0x1EE90]  }
0x312: {  	v15 =	vadd.f32 v35, v15;
	v35 =	vld [tilespmem:$0x1EE10]  }
0x313: {  	v13 =	vadd.f32 v18, v13;
	v3 =	vadd.f32 v49, v3;
	v49 =	vld [tilespmem:$0x21F0]  }
0x314: {  	v12 =	vld [tilespmem:$0x23E0]  }
0x315: {  	v13 =	vadd.f32 v50, v13;
	v50 =	vld [tilespmem:$0x1EDB0]  }
0x316: {  	v29 =	vld [tilespmem:$0x1EDA0]  }
0x317: {  	v3 =	vadd.f32 v46, v3;
	v46 =	vld [tilespmem:$0x1EF80]  }
0x318: {  	v51 =	vmul.f32 $5.000000000e-01, v51;
	v15 =	vmul.f32 $1.562500000e-02, v15;
	v18 =	vadd.f32 v61, v28;
	v28 =	vld [tilespmem:$0x24E0]  }
0x319: {  	v19 =	vadd.f32 v20, v19;
	v61 =	vld [tilespmem:$0x1EDC0]  }
0x31a: {  	v15 =	vadd.f32 v51, v15;
	v51 =	vld [tilespmem:$0x1870];
	v18 =	vadd.f32 v50, v18  }
0x31b: {  	v3 =	vadd.f32 v42, v3;
	v20 =	vadd.f32 v29, v13;
	v29 =	vld [tilespmem:$0x1EDD0]  }
0x31c: {  	v18 =	vadd.f32 v31, v18;
	v31 =	vld [tilespmem:$0x1EE00]  }
0x31d: {  	v42 =	vld [tilespmem:$0x1EF40];
	v2 =	vadd.f32 v2, v3  }
0x31e: {  	v13 =	vld [tilespmem:$0x2560];
	v19 =	vadd.f32 v61, v19  }
0x31f: {  	v61 =	vld [tilespmem:$0x15F0];
	v2 =	vadd.f32 v26, v2  }
0x320: {  	v26 =	vld [tilespmem:$0x2570];
	v19 =	vmul.f32 $1.562500000e-02, v19  }
0x321: {  	v2 =	vadd.f32 v32, v2;
	v20 =	vadd.f32 v29, v20;
	v29 =	vld [tilespmem:$0x1EDF0];
	v31 =	vmul.f32 $5.000000000e-01, v31  }
0x322: {  	v50 =	vld [tilespmem:$0x1570]  }
0x323: {  	v2 =	vadd.f32 v27, v2;
	v31 =	vadd.f32 v31, v19;
	v19 =	vld [tilespmem:$0x1EE20]  }
0x324: {  	v32 =	vld [tilespmem:$0x1EED0]  }
0x325: {  	v27 =	vld [tilespmem:$0x3700];
	v2 =	vadd.f32 v11, v2  }
0x326: {  	v11 =	vld [tilespmem:$0x3390];
	v20 =	vadd.f32 v29, v20  }
0x327: {  	v50 =	vadd.f32 $0.0e+00, v50;
	v2 =	vadd.f32 v40, v2;
	v40 =	vld [tilespmem:$0x1EF20];
	v29 =	vmul.f32 $5.000000000e-01, v35  }
0x328: {  	v35 =	vld [tilespmem:$0x1770];
	v20 =	vmul.f32 $1.562500000e-02, v20;
	v19 =	vmul.f32 $5.000000000e-01, v19  }
0x329: {  	v61 =	vadd.f32 v61, v50;
	v50 =	vld [tilespmem:$0x2A80]  }
0x32a: {  	v18 =	vmul.f32 $1.562500000e-02, v18;
	v19 =	vadd.f32 v19, v20;
	v20 =	vadd.f32 $0.0e+00, v60;
	v60 =	vld [tilespmem:$0x2980]  }
0x32b: {  	v2 =	vadd.f32 v39, v2;
	v39 =	vld [tilespmem:$0x1EF10]  }
0x32c: {  	v29 =	vadd.f32 v29, v18;
	v18 =	vld [tilespmem:$0x17F0];
	v20 =	vadd.f32 v58, v20  }
0x32d: {  	v0 =	vadd.f32 $0.0e+00, v0;
	v58 =	vld [tilespmem:$0x2A00]  }
0x32e: {  	v20 =	vadd.f32 v47, v20;
	v47 =	vld [tilespmem:$0x2F00]  }
0x32f: {  	v0 =	vadd.f32 v60, v0;
	v60 =	vadd.f32 v55, v61;
	v61 =	vld [tilespmem:$0x2B00]  }
0x330: {  	v55 =	vld [tilespmem:$0x1B70]  }
0x331: {  	v20 =	vadd.f32 v30, v20;
	v30 =	vld [tilespmem:$0x1EE60]  }
0x332: {  	v0 =	vadd.f32 v58, v0;
	v58 =	vld [tilespmem:$0x2D00]  }
0x333: {  	v1 =	vadd.f32 v1, v60;
	v60 =	vld [tilespmem:$0x1BF0]  }
0x334: {  	v20 =	vadd.f32 v37, v20;
	v37 =	vld [tilespmem:$0x2B80]  }
0x335: {  	v0 =	vadd.f32 v50, v0;
	v50 =	vld [tilespmem:$0x2C00]  }
0x336: {  	v1 =	vadd.f32 v35, v1;
	v35 =	vld [tilespmem:$0x2E00]  }
0x337: {  	v20 =	vadd.f32 v54, v20;
	v54 =	vld [tilespmem:$0x2C80]  }
0x338: {  	v0 =	vadd.f32 v61, v0;
	v61 =	vld [tilespmem:$0x2D80]  }
0x339: {  	v1 =	vadd.f32 v18, v1;
	v20 =	vadd.f32 v52, v20;
	v52 =	vld [tilespmem:$0x1E70]  }
0x33a: {  	v0 =	vadd.f32 v37, v0;
	v37 =	vld [tilespmem:$0x2E80]  }
0x33b: {  	v1 =	vadd.f32 v51, v1;
	v51 =	vld [tilespmem:$0x2F80]  }
0x33c: {  	v20 =	vadd.f32 v34, v20;
	v0 =	vadd.f32 v50, v0;
	v50 =	vld [tilespmem:$0x1DF0]  }
0x33d: {  	v1 =	vadd.f32 v25, v1;
	v25 =	vld [tilespmem:$0x1FF0]  }
0x33e: {  	v20 =	vadd.f32 v36, v20;
	v36 =	vld [tilespmem:$0x1CF0]  }
0x33f: {  	v0 =	vadd.f32 v54, v0;
	v54 =	vld [tilespmem:$0x1EE30]  }
0x340: {  	v1 =	vadd.f32 v23, v1;
	v23 =	vld [tilespmem:$0x24F0]  }
0x341: {  	v34 =	vadd.f32 v33, v20;
	v33 =	vld [tilespmem:$0x3180]  }
0x342: {  	v0 =	vadd.f32 v58, v0;
	v58 =	vld [tilespmem:$0x1EF0]  }
0x343: {  	v1 =	vadd.f32 v10, v1;
	v10 =	vld [tilespmem:$0x3310]  }
0x344: {  	v18 =	vadd.f32 v45, v34;
	v45 =	vld [tilespmem:$0x1D70]  }
0x345: {  	v34 =	vld [tilespmem:$0x2070]  }
0x346: {  	v0 =	vadd.f32 v61, v0;
	v61 =	vld [tilespmem:$0x1F70]  }
0x347: {  	v1 =	vadd.f32 v22, v1;
	v22 =	vld [tilespmem:$0x3600]  }
0x348: {  	v18 =	vadd.f32 v38, v18;
	v0 =	vadd.f32 v35, v0;
	v35 =	vld [tilespmem:$0x1EE70]  }
0x349: {  	v1 =	vadd.f32 v21, v1;
	v21 =	vld [tilespmem:$0x2470]  }
0x34a: {  	v18 =	vadd.f32 v59, v18;
	v59 =	vld [tilespmem:$0x1EE40]  }
0x34b: {  	v1 =	vadd.f32 v55, v1;
	v55 =	vld [tilespmem:$0x3000]  }
0x34c: {  	v0 =	vadd.f32 v37, v0;
	v37 =	vld [tilespmem:$0x20F0]  }
0x34d: {  	v16 =	vadd.f32 v54, v18;
	v54 =	vld [tilespmem:$0x3400]  }
0x34e: {  	v0 =	vadd.f32 v47, v0;
	v1 =	vadd.f32 v60, v1;
	v60 =	vld [tilespmem:$0x3080]  }
0x34f: {  	v47 =	vld [tilespmem:$0x3300];
	v16 =	vadd.f32 v59, v16  }
0x350: {  	v0 =	vadd.f32 v51, v0;
	v1 =	vadd.f32 v6, v1;
	v51 =	vld [tilespmem:$0x3380]  }
0x351: {  	v59 =	vld [tilespmem:$0x3500]  }
0x352: {  	v16 =	vadd.f32 v63, v16;
	v1 =	vadd.f32 v36, v1;
	v36 =	vld [tilespmem:$0x3200]  }
0x353: {  	v0 =	vadd.f32 v55, v0;
	v55 =	vld [tilespmem:$0x22F0]  }
0x354: {  	v63 =	vld [tilespmem:$0x3580];
	v16 =	vadd.f32 v30, v16  }
0x355: {  	v0 =	vadd.f32 v60, v0;
	v1 =	vadd.f32 v45, v1;
	v45 =	vld [tilespmem:$0x2170]  }
0x356: {  	v60 =	vld [tilespmem:$0x23F0];
	v9 =	vadd.f32 v35, v16  }
0x357: {  	v0 =	vadd.f32 v24, v0;
	v1 =	vadd.f32 v50, v1;
	v50 =	vld [tilespmem:$0x1EE80]  }
0x358: {  	v38 =	vadd.f32 v41, v9;
	v41 =	vld [tilespmem:$0x3280]  }
0x359: {  	v30 =	vld [tilespmem:$0x3780];
	v0 =	vadd.f32 v33, v0  }
0x35a: {  	v24 =	vld [tilespmem:$0x1EEC0];
	v1 =	vadd.f32 v52, v1  }
0x35b: {  	v35 =	vld [tilespmem:$0x3880];
	v6 =	vadd.f32 v44, v38;
	v0 =	vadd.f32 v36, v0  }
0x35c: {  	v52 =	vld [tilespmem:$0x2270];
	v1 =	vadd.f32 v58, v1  }
0x35d: {  	[tilespmem:$0x1F070] =	vst v8;
	v33 =	vld [tilespmem:$0x3800];
	v6 =	vadd.f32 v50, v6;
	v0 =	vadd.f32 v41, v0  }
0x35e: {  	[tilespmem:$0x1F050] =	vst v7;
	v9 =	vld [tilespmem:$0x3290];
	v1 =	vadd.f32 v61, v1  }
0x35f: {  	[tilespmem:$0x1F030] =	vst v5;
	v58 =	vld [tilespmem:$0x2370];
	v4 =	vadd.f32 v53, v6;
	v0 =	vadd.f32 v47, v0  }
0x360: {  	[tilespmem:$0x51C0] =	vst v15;
	v61 =	vld [tilespmem:$0x1EEB0];
	v1 =	vadd.f32 v25, v1  }
0x361: {  	[tilespmem:$0x5160] =	vst v42;
	v36 =	vld [tilespmem:$0x1EEF0];
	v4 =	vadd.f32 v56, v4;
	v0 =	vadd.f32 v51, v0  }
0x362: {  	[tilespmem:$0x1F0D0] =	vst v11;
	v38 =	vld [tilespmem:$0x3900];
	v1 =	vadd.f32 v34, v1  }
0x363: {  	[tilespmem:$0x5150] =	vst v40;
	v44 =	vld [tilespmem:$0x1EF60];
	v4 =	vadd.f32 v48, v4;
	v0 =	vadd.f32 v54, v0  }
0x364: {  	v2 =	vadd.f32 v14, v2;
	[tilespmem:$0x5190] =	vst v31;
	v25 =	vld [tilespmem:$0x3680];
	v1 =	vadd.f32 v37, v1  }
0x365: {  	[tilespmem:$0x51A0] =	vst v29;
	v53 =	vld [tilespmem:$0x2D10];
	v4 =	vadd.f32 v61, v4;
	v0 =	vadd.f32 v57, v0  }
0x366: {  	v2 =	vadd.f32 v12, v2;
	[tilespmem:$0x5140] =	vst v39;
	v6 =	vld [tilespmem:$0x3110];
	v1 =	vadd.f32 v45, v1  }
0x367: {  	[tilespmem:$0x51B0] =	vst v19;
	v47 =	vld [tilespmem:$0x2B90];
	v4 =	vadd.f32 v62, v4;
	v0 =	vadd.f32 v59, v0  }
0x368: {  	v2 =	vadd.f32 v17, v2;
	[tilespmem:$0x1F0B0] =	vst v10;
	v34 =	vld [tilespmem:$0x1EEE0];
	v1 =	vadd.f32 v49, v1  }
0x369: {  	[tilespmem:$0x1F090] =	vst v9;
	v56 =	vld [tilespmem:$0x2E90];
	v4 =	vadd.f32 v24, v4;
	v0 =	vadd.f32 v63, v0  }
0x36a: {  	v2 =	vadd.f32 v28, v2;
	[tilespmem:$0x5130] =	vst v36;
	v37 =	vld [tilespmem:$0x1EF00];
	v1 =	vadd.f32 v52, v1  }
0x36b: {  	v51 =	vld [tilespmem:$0x2C90];
	[tilespmem:$0x1EFC0] =	vst v53;
	v4 =	vadd.f32 v43, v4;
	v0 =	vadd.f32 v22, v0  }
0x36c: {  	v2 =	vmul.f32 $1.562500000e-02, v2;
	v41 =	vld [tilespmem:$0x1EF30];
	v48 =	vmul.f32 $5.000000000e-01, v13;
	[tilespmem:$0x1F040] =	vst v6;
	v1 =	vadd.f32 v55, v1  }
0x36d: {  	v54 =	vld [tilespmem:$0x2D90];
	[tilespmem:$0x1EF90] =	vst v47;
	v4 =	vadd.f32 v32, v4;
	v0 =	vadd.f32 v25, v0  }
0x36e: {  	v45 =	vld [tilespmem:$0x1EF70];
	v2 =	vadd.f32 v48, v2;
	[tilespmem:$0x5120] =	vst v34;
	v1 =	vadd.f32 v58, v1  }
0x36f: {  	[tilespmem:$0x1EFF0] =	vst v56;
	v49 =	vld [tilespmem:$0x2C10];
	v4 =	vadd.f32 v37, v4;
	v0 =	vadd.f32 v27, v0  }
0x370: {  	[tilespmem:$0x1EFB0] =	vst v51;
	v62 =	vld [tilespmem:$0x2F90];
	v1 =	vadd.f32 v60, v1  }
0x371: {  	[tilespmem:$0x51E0] =	vst v2;
	v59 =	vld [tilespmem:$0x2F10];
	v4 =	vadd.f32 v41, v4;
	v0 =	vadd.f32 v30, v0  }
0x372: {  	[tilespmem:$0x1EFD0] =	vst v54;
	v43 =	vld [tilespmem:$0x1EF50];
	v1 =	vadd.f32 v21, v1  }
0x373: {  	[tilespmem:$0x5180] =	vst v45;
	v55 =	vld [tilespmem:$0x2E10];
	v4 =	vadd.f32 v44, v4;
	v0 =	vadd.f32 v33, v0  }
0x374: {  	[tilespmem:$0x1EFA0] =	vst v49;
	v1 =	vadd.f32 v23, v1  }
0x375: {  	v3 =	vmul.f32 $5.000000000e-01, v46;
	[tilespmem:$0x1F010] =	vst v62;
	v4 =	vmul.f32 $1.562500000e-02, v4;
	v0 =	vadd.f32 v35, v0  }
0x376: {  	v50 =	vmul.f32 $5.000000000e-01, v26;
	[tilespmem:$0x1F000] =	vst v59;
	v1 =	vmul.f32 $1.562500000e-02, v1  }
0x377: {  	v52 =	vmul.f32 $5.000000000e-01, v38;
	[tilespmem:$0x5170] =	vst v43;
	v3 =	vadd.f32 v3, v4;
	v4 =	vld [tilespmem:$0x3010];
	v0 =	vmul.f32 $1.562500000e-02, v0  }
0x378: {  	v61 =	vld [tilespmem:$0x2A90];
	[tilespmem:$0x1EFE0] =	vst v55;
	v1 =	vadd.f32 v50, v1  }
0x379: {  	v57 =	vld [tilespmem:$0x2910];
	[tilespmem:$0x51D0] =	vst v3;
	v0 =	vadd.f32 v52, v0  }
0x37a: {  	v63 =	vld [tilespmem:$0x2B10];
	[tilespmem:$0x51F0] =	vst v1  }
0x37b: {  	v58 =	vld [tilespmem:$0x2990];
	[tilespmem:$0x5200] =	vst v0  }
0x37c: {  	v60 =	vld [tilespmem:$0x2A10];
	[tilespmem:$0x1F020] =	vst v4  }
0x37d: {  	v0 =	vld [tilespmem:$0x3410]  }
0x37e: {  	v12 =	vld [tilespmem:$0x3490]  }
0x37f: {  	v13 =	vld [tilespmem:$0x3510]  }
0x380: {  	v14 =	vld [tilespmem:$0x3590]  }
0x381: {  	v15 =	vld [tilespmem:$0x3610]  }
0x382: {  	v16 =	vld [tilespmem:$0x3690]  }
0x383: {  	v17 =	vld [tilespmem:$0x3710]  }
0x384: {  	v18 =	vld [tilespmem:$0x3790]  }
0x385: {  	v19 =	vld [tilespmem:$0x3810]  }
0x386: {  	v20 =	vld [tilespmem:$0x3890]  }
0x387: {  	v21 =	vld [tilespmem:$0x3910]  }
0x388: {  	v8 =	vld [tilespmem:$0x2920]  }
0x389: {  	v10 =	vld [tilespmem:$0x29A0]  }
0x38a: {  	v23 =	vld [tilespmem:$0x2C20]  }
0x38b: {  	v25 =	vld [tilespmem:$0x2CA0]  }
0x38c: {  	v28 =	vld [tilespmem:$0x2D20]  }
0x38d: {  	v31 =	vld [tilespmem:$0x2DA0]  }
0x38e: {  	v34 =	vld [tilespmem:$0x2E20]  }
0x38f: {  	v38 =	vld [tilespmem:$0x2EA0]  }
0x390: {  	v40 =	vld [tilespmem:$0x2F20]  }
0x391: {  	v44 =	vld [tilespmem:$0x2FA0]  }
0x392: {  	v48 =	vld [tilespmem:$0x3020]  }
0x393: {  	v52 =	vld [tilespmem:$0x30A0]  }
0x394: {  	v56 =	vld [tilespmem:$0x3120]  }
0x395: {  	v22 =	vld [tilespmem:$0x31A0]  }
0x396: {  	v24 =	vld [tilespmem:$0x3220]  }
0x397: {  	v26 =	vld [tilespmem:$0x32A0]  }
0x398: {  	v27 =	vld [tilespmem:$0x3320]  }
0x399: {  	v29 =	vld [tilespmem:$0x33A0]  }
0x39a: {  	v30 =	vld [tilespmem:$0x3420]  }
0x39b: {  	v32 =	vld [tilespmem:$0x34A0]  }
0x39c: {  	v33 =	vld [tilespmem:$0x3520]  }
0x39d: {  	v35 =	vld [tilespmem:$0x35A0]  }
0x39e: {  	v36 =	vld [tilespmem:$0x3620]  }
0x39f: {  	v37 =	vld [tilespmem:$0x36A0]  }
0x3a0: {  	v39 =	vld [tilespmem:$0x3720]  }
0x3a1: {  	v41 =	vld [tilespmem:$0x37A0]  }
0x3a2: {  	v42 =	vld [tilespmem:$0x3820]  }
0x3a3: {  	v43 =	vld [tilespmem:$0x38A0]  }
0x3a4: {  	v45 =	vld [tilespmem:$0x3920]  }
0x3a5: {  	v1 =	vld [tilespmem:$0x29B0]  }
0x3a6: {  	v2 =	vld [tilespmem:$0x2A30]  }
0x3a7: {  	v3 =	vld [tilespmem:$0x2AB0]  }
0x3a8: {  	v4 =	vld [tilespmem:$0x2B30]  }
0x3a9: {  	v5 =	vld [tilespmem:$0x2BB0]  }
0x3aa: {  	v6 =	vld [tilespmem:$0x2C30]  }
0x3ab: {  	v7 =	vld [tilespmem:$0x2CB0]  }
0x3ac: {  	v9 =	vld [tilespmem:$0x2D30]  }
0x3ad: {  	v11 =	vld [tilespmem:$0x2DB0]  }
0x3ae: {  	v47 =	vld [tilespmem:$0x33B0]  }
0x3af: {  	v51 =	vld [tilespmem:$0x3430]  }
0x3b0: {  	v53 =	vld [tilespmem:$0x34B0]  }
0x3b1: {  	v59 =	vld [tilespmem:$0x3530]  }
0x3b2: {  	v46 =	vld [tilespmem:$0x35B0]  }
0x3b3: {  	v49 =	vld [tilespmem:$0x3630]  }
0x3b4: {  	v50 =	vld [tilespmem:$0x36B0]  }
0x3b5: {  	v54 =	vld [tilespmem:$0x3730]  }
0x3b6: {  	v57 =	vadd.f32 $0.0e+00, v57;
	v55 =	vld [tilespmem:$0x37B0]  }
0x3b7: {  	v62 =	vld [tilespmem:$0x3830]  }
0x3b8: {  	v57 =	vadd.f32 v58, v57;
	v58 =	vld [tilespmem:$0x3D80]  }
0x3b9: {  	[tilespmem:$0x1F110] =	vst v12;
	v12 =	vld [tilespmem:$0x2A20]  }
0x3ba: {  	[tilespmem:$0x1F150] =	vst v14;
	v14 =	vld [tilespmem:$0x2AA0]  }
0x3bb: {  	[tilespmem:$0x1F1D0] =	vst v17;
	v17 =	vld [tilespmem:$0x2B20]  }
0x3bc: {  	[tilespmem:$0x1F260] =	vst v20;
	v20 =	vld [tilespmem:$0x2BA0]  }
0x3bd: {  	[tilespmem:$0x1F0F0] =	vst v0;
	v0 =	vld [tilespmem:$0x2930]  }
0x3be: {  	[tilespmem:$0x1F130] =	vst v13;
	v13 =	vld [tilespmem:$0x2E30]  }
0x3bf: {  	[tilespmem:$0x1F1A0] =	vst v16;
	v16 =	vld [tilespmem:$0x2EB0]  }
0x3c0: {  	[tilespmem:$0x1F230] =	vst v19;
	v19 =	vld [tilespmem:$0x2F30]  }
0x3c1: {  	[tilespmem:$0x1F2A0] =	vst v21;
	v21 =	vld [tilespmem:$0x2FB0]  }
0x3c2: {  	[tilespmem:$0x1F080] =	vst v24;
	v24 =	vld [tilespmem:$0x3030]  }
0x3c3: {  	[tilespmem:$0x1F0C0] =	vst v27;
	v27 =	vld [tilespmem:$0x30B0]  }
0x3c4: {  	[tilespmem:$0x1F100] =	vst v30;
	v30 =	vld [tilespmem:$0x3130]  }
0x3c5: {  	[tilespmem:$0x1F140] =	vst v33;
	v33 =	vld [tilespmem:$0x31B0]  }
0x3c6: {  	[tilespmem:$0x1F160] =	vst v35;
	v35 =	vld [tilespmem:$0x3230]  }
0x3c7: {  	[tilespmem:$0x1F1F0] =	vst v39;
	v39 =	vld [tilespmem:$0x32B0]  }
0x3c8: {  	[tilespmem:$0x1F280] =	vst v43;
	v43 =	vld [tilespmem:$0x3330]  }
0x3c9: {  	[tilespmem:$0x1F200] =	vst v18;
	v18 =	vld [tilespmem:$0x38B0]  }
0x3ca: {  	[tilespmem:$0x1F060] =	vst v22;
	v22 =	vld [tilespmem:$0x3930]  }
0x3cb: {  	[tilespmem:$0x1F0A0] =	vst v26;
	v26 =	vld [tilespmem:$0x2940]  }
0x3cc: {  	[tilespmem:$0x1F0E0] =	vst v29;
	v29 =	vld [tilespmem:$0x29C0]  }
0x3cd: {  	[tilespmem:$0x1F120] =	vst v32;
	v32 =	vld [tilespmem:$0x2A40]  }
0x3ce: {  	[tilespmem:$0x1F190] =	vst v36;
	v36 =	vld [tilespmem:$0x2AC0]  }
0x3cf: {  	[tilespmem:$0x1F1C0] =	vst v37;
	v37 =	vld [tilespmem:$0x2B40]  }
0x3d0: {  	[tilespmem:$0x1F220] =	vst v41;
	v41 =	vld [tilespmem:$0x2BC0]  }
0x3d1: {  	[tilespmem:$0x1F250] =	vst v42;
	v42 =	vld [tilespmem:$0x2C40]  }
0x3d2: {  	[tilespmem:$0x1F2B0] =	vst v45;
	v45 =	vld [tilespmem:$0x2CC0]  }
0x3d3: {  	[tilespmem:$0x1F180] =	vst v46;
	v46 =	vld [tilespmem:$0x2D40]  }
0x3d4: {  	[tilespmem:$0x1F1B0] =	vst v49;
	v49 =	vld [tilespmem:$0x2DC0]  }
0x3d5: {  	[tilespmem:$0x1F1E0] =	vst v50;
	v50 =	vld [tilespmem:$0x2E40]  }
0x3d6: {  	[tilespmem:$0x1F210] =	vst v54;
	v54 =	vld [tilespmem:$0x2EC0]  }
0x3d7: {  	[tilespmem:$0x1F240] =	vst v55;
	v55 =	vld [tilespmem:$0x2F40]  }
0x3d8: {  	[tilespmem:$0x1F270] =	vst v62;
	v62 =	vld [tilespmem:$0x2FC0];
	v8 =	vadd.f32 $0.0e+00, v8  }
0x3d9: {  	[tilespmem:$0x1F170] =	vst v15;
	v15 =	vld [tilespmem:$0x2970]  }
0x3da: {  	v8 =	vadd.f32 v10, v8;
	v10 =	vld [tilespmem:$0x4200]  }
0x3db: {  	[tilespmem:$0x1F290] =	vst v18;
	v18 =	vld [tilespmem:$0x3040]  }
0x3dc: {  	[tilespmem:$0x1F2C0] =	vst v22;
	v22 =	vld [tilespmem:$0x30C0]  }
0x3dd: {  	[tilespmem:$0x1F2D0] =	vst v26;
	v26 =	vld [tilespmem:$0x3140]  }
0x3de: {  	[tilespmem:$0x1F2F0] =	vst v29;
	v29 =	vld [tilespmem:$0x31C0]  }
0x3df: {  	[tilespmem:$0x1F310] =	vst v32;
	v32 =	vld [tilespmem:$0x3240]  }
0x3e0: {  	[tilespmem:$0x1F330] =	vst v36;
	v36 =	vld [tilespmem:$0x32C0]  }
0x3e1: {  	[tilespmem:$0x1F350] =	vst v37;
	v37 =	vld [tilespmem:$0x3340]  }
0x3e2: {  	[tilespmem:$0x1F370] =	vst v41;
	v41 =	vld [tilespmem:$0x33C0]  }
0x3e3: {  	[tilespmem:$0x1F390] =	vst v42;
	v42 =	vld [tilespmem:$0x3440]  }
0x3e4: {  	[tilespmem:$0x1F3C0] =	vst v45;
	v45 =	vld [tilespmem:$0x34C0]  }
0x3e5: {  	[tilespmem:$0x1F3F0] =	vst v46;
	v46 =	vld [tilespmem:$0x3540]  }
0x3e6: {  	[tilespmem:$0x1F420] =	vst v49;
	v49 =	vld [tilespmem:$0x35C0]  }
0x3e7: {  	[tilespmem:$0x1F450] =	vst v50;
	v50 =	vld [tilespmem:$0x3640]  }
0x3e8: {  	[tilespmem:$0x1F480] =	vst v54;
	v54 =	vld [tilespmem:$0x36C0]  }
0x3e9: {  	[tilespmem:$0x1F4B0] =	vst v55;
	v55 =	vld [tilespmem:$0x3740]  }
0x3ea: {  	[tilespmem:$0x1F4F0] =	vst v62;
	v62 =	vld [tilespmem:$0x37C0]  }
0x3eb: {  	[tilespmem:$0x1FA20] =	vst v58;
	v0 =	vadd.f32 $0.0e+00, v0;
	v58 =	vadd.f32 v12, v8;
	v12 =	vld [tilespmem:$0x3F00]  }
0x3ec: {  	v8 =	vld [tilespmem:$0x1EFA0]  }
0x3ed: {  	v0 =	vadd.f32 v1, v0;
	v1 =	vadd.f32 v14, v58;
	v14 =	vld [tilespmem:$0x3F80]  }
0x3ee: {  	v58 =	vld [tilespmem:$0x4000]  }
0x3ef: {  	[tilespmem:$0x1FB20] =	vst v10;
	v10 =	vld [tilespmem:$0x4800]  }
0x3f0: {  	v1 =	vadd.f32 v17, v1;
	v17 =	vld [tilespmem:$0x4300]  }
0x3f1: {  	[tilespmem:$0x1F530] =	vst v18;
	v18 =	vld [tilespmem:$0x3840]  }
0x3f2: {  	[tilespmem:$0x1F570] =	vst v22;
	v22 =	vld [tilespmem:$0x38C0]  }
0x3f3: {  	[tilespmem:$0x1F5B0] =	vst v26;
	v26 =	vld [tilespmem:$0x3940]  }
0x3f4: {  	[tilespmem:$0x1F5F0] =	vst v29;
	v29 =	vld [tilespmem:$0x2950]  }
0x3f5: {  	[tilespmem:$0x1F630] =	vst v32;
	v32 =	vld [tilespmem:$0x29D0]  }
0x3f6: {  	[tilespmem:$0x1F670] =	vst v36;
	v36 =	vld [tilespmem:$0x2A50]  }
0x3f7: {  	[tilespmem:$0x1F6B0] =	vst v37;
	v37 =	vld [tilespmem:$0x2AD0]  }
0x3f8: {  	[tilespmem:$0x1F6F0] =	vst v41;
	v41 =	vld [tilespmem:$0x2B50]  }
0x3f9: {  	[tilespmem:$0x1F730] =	vst v42;
	v42 =	vld [tilespmem:$0x2BD0]  }
0x3fa: {  	[tilespmem:$0x1F770] =	vst v45;
	v45 =	vld [tilespmem:$0x2C50]  }
0x3fb: {  	[tilespmem:$0x1F7B0] =	vst v46;
	v46 =	vld [tilespmem:$0x2CD0]  }
0x3fc: {  	[tilespmem:$0x1F7F0] =	vst v49;
	v49 =	vld [tilespmem:$0x2D50]  }
0x3fd: {  	[tilespmem:$0x1F8F0] =	vst v62;
	v62 =	vld [tilespmem:$0x2F50]  }
0x3fe: {  	[tilespmem:$0x1F830] =	vst v50;
	v50 =	vld [tilespmem:$0x2DD0]  }
0x3ff: {  	[tilespmem:$0x1F870] =	vst v54;
	v54 =	vld [tilespmem:$0x2E50]  }
0x400: {  	[tilespmem:$0x1F8B0] =	vst v55;
	v55 =	vld [tilespmem:$0x2ED0]  }
0x401: {  	[tilespmem:$0x1FA60] =	vst v12;
	v12 =	vld [tilespmem:$0x4280]  }
0x402: {  	[tilespmem:$0x1F4D0] =	vst v62;
	v62 =	vld [tilespmem:$0x3750]  }
0x403: {  	v1 =	vadd.f32 v20, v1;
	v20 =	vld [tilespmem:$0x4380]  }
0x404: {  	[tilespmem:$0x1FA80] =	vst v14;
	v14 =	vld [tilespmem:$0x1EFB0]  }
0x405: {  	[tilespmem:$0x1FAA0] =	vst v58;
	v58 =	vld [tilespmem:$0x4500]  }
0x406: {  	[tilespmem:$0x1FCC0] =	vst v10;
	v10 =	vld [tilespmem:$0x1F0F0]  }
0x407: {  	[tilespmem:$0x1F8D0] =	vst v62;
	v62 =	vld [tilespmem:$0x2EE0]  }
0x408: {  	v1 =	vadd.f32 v23, v1;
	v23 =	vld [tilespmem:$0x1EFC0]  }
0x409: {  	[tilespmem:$0x1FB60] =	vst v17;
	v17 =	vld [tilespmem:$0x4A00]  }
0x40a: {  	[tilespmem:$0x1F930] =	vst v18;
	v18 =	vld [tilespmem:$0x2FD0]  }
0x40b: {  	[tilespmem:$0x1F970] =	vst v22;
	v22 =	vld [tilespmem:$0x3050]  }
0x40c: {  	[tilespmem:$0x1F4C0] =	vst v62;
	v62 =	vld [tilespmem:$0x3460]  }
0x40d: {  	[tilespmem:$0x1F9C0] =	vst v26;
	v26 =	vld [tilespmem:$0x30D0]  }
0x40e: {  	[tilespmem:$0x1F2E0] =	vst v29;
	v29 =	vld [tilespmem:$0x3150]  }
0x40f: {  	[tilespmem:$0x1F300] =	vst v32;
	v32 =	vld [tilespmem:$0x31D0]  }
0x410: {  	[tilespmem:$0x1F320] =	vst v36;
	v36 =	vld [tilespmem:$0x3250]  }
0x411: {  	[tilespmem:$0x1F780] =	vst v62;
	v62 =	vld [tilespmem:$0x2EF0]  }
0x412: {  	[tilespmem:$0x1F340] =	vst v37;
	v37 =	vld [tilespmem:$0x32D0]  }
0x413: {  	[tilespmem:$0x1F360] =	vst v41;
	v41 =	vld [tilespmem:$0x3350]  }
0x414: {  	[tilespmem:$0x1F380] =	vst v42;
	v42 =	vld [tilespmem:$0x33D0]  }
0x415: {  	[tilespmem:$0x1F3B0] =	vst v45;
	v45 =	vld [tilespmem:$0x3450]  }
0x416: {  	[tilespmem:$0x1F4E0] =	vst v62;
	v62 =	vld [tilespmem:$0x2F70]  }
0x417: {  	[tilespmem:$0x1F3E0] =	vst v46;
	v46 =	vld [tilespmem:$0x34D0]  }
0x418: {  	[tilespmem:$0x1F410] =	vst v49;
	v49 =	vld [tilespmem:$0x3550]  }
0x419: {  	[tilespmem:$0x1F440] =	vst v50;
	v50 =	vld [tilespmem:$0x35D0]  }
0x41a: {  	v0 =	vadd.f32 v2, v0;
	[tilespmem:$0x1F470] =	vst v54;
	v54 =	vld [tilespmem:$0x3650]  }
0x41b: {  	[tilespmem:$0x1F520] =	vst v62;
	v62 =	vld [tilespmem:$0x2FF0]  }
0x41c: {  	v0 =	vadd.f32 v3, v0;
	[tilespmem:$0x1F4A0] =	vst v55;
	v55 =	vld [tilespmem:$0x36D0]  }
0x41d: {  	v1 =	vadd.f32 v25, v1;
	v25 =	vld [tilespmem:$0x4400]  }
0x41e: {  	v0 =	vadd.f32 v4, v0;
	[tilespmem:$0x1FB40] =	vst v12;
	v12 =	vld [tilespmem:$0x1F010]  }
0x41f: {  	[tilespmem:$0x1FB80] =	vst v20;
	v20 =	vld [tilespmem:$0x1F030]  }
0x420: {  	v0 =	vadd.f32 v5, v0;
	[tilespmem:$0x1F560] =	vst v62;
	v62 =	vld [tilespmem:$0x3070]  }
0x421: {  	v1 =	vadd.f32 v28, v1;
	v28 =	vld [tilespmem:$0x4480]  }
0x422: {  	v0 =	vadd.f32 v6, v0;
	v6 =	vld [tilespmem:$0x1EFF0]  }
0x423: {  	[tilespmem:$0x1FBE0] =	vst v58;
	v58 =	vld [tilespmem:$0x3F10]  }
0x424: {  	v0 =	vadd.f32 v7, v0;
	v7 =	vld [tilespmem:$0x4700]  }
0x425: {  	[tilespmem:$0x1F5A0] =	vst v62;
	v62 =	vld [tilespmem:$0x30F0]  }
0x426: {  	v1 =	vadd.f32 v31, v1;
	v31 =	vld [tilespmem:$0x4D00]  }
0x427: {  	[tilespmem:$0x1FD80] =	vst v17;
	v17 =	vld [tilespmem:$0x1F120]  }
0x428: {  	[tilespmem:$0x1F510] =	vst v18;
	v18 =	vld [tilespmem:$0x37D0]  }
0x429: {  	[tilespmem:$0x1F550] =	vst v22;
	v22 =	vld [tilespmem:$0x3850]  }
0x42a: {  	[tilespmem:$0x1F5E0] =	vst v62;
	v62 =	vld [tilespmem:$0x3170]  }
0x42b: {  	[tilespmem:$0x1F590] =	vst v26;
	v26 =	vld [tilespmem:$0x38D0]  }
0x42c: {  	[tilespmem:$0x1F5D0] =	vst v29;
	v29 =	vld [tilespmem:$0x3950]  }
0x42d: {  	[tilespmem:$0x1F650] =	vst v36;
	v36 =	vld [tilespmem:$0x2960]  }
0x42e: {  	[tilespmem:$0x1F710] =	vst v42;
	v42 =	vld [tilespmem:$0x29E0]  }
0x42f: {  	[tilespmem:$0x1F620] =	vst v62;
	v62 =	vld [tilespmem:$0x31F0]  }
0x430: {  	[tilespmem:$0x1F750] =	vst v45;
	v45 =	vld [tilespmem:$0x2A60]  }
0x431: {  	[tilespmem:$0x1F7D0] =	vst v49;
	v49 =	vld [tilespmem:$0x2AE0]  }
0x432: {  	[tilespmem:$0x1F850] =	vst v54;
	v54 =	vld [tilespmem:$0x2B60]  }
0x433: {  	[tilespmem:$0x1F610] =	vst v32;
	v32 =	vld [tilespmem:$0x2BE0]  }
0x434: {  	[tilespmem:$0x1F660] =	vst v62;
	v62 =	vld [tilespmem:$0x3270]  }
0x435: {  	[tilespmem:$0x1F690] =	vst v37;
	v37 =	vld [tilespmem:$0x2C60]  }
0x436: {  	[tilespmem:$0x1F6D0] =	vst v41;
	v41 =	vld [tilespmem:$0x2CE0]  }
0x437: {  	[tilespmem:$0x1F790] =	vst v46;
	v46 =	vld [tilespmem:$0x2D60]  }
0x438: {  	[tilespmem:$0x1F810] =	vst v50;
	v50 =	vld [tilespmem:$0x2DE0]  }
0x439: {  	[tilespmem:$0x1F6A0] =	vst v62;
	v62 =	vld [tilespmem:$0x32F0]  }
0x43a: {  	[tilespmem:$0x1F890] =	vst v55;
	v55 =	vld [tilespmem:$0x2E60]  }
0x43b: {  	[tilespmem:$0x1FBA0] =	vst v25;
	v25 =	vld [tilespmem:$0x4C00]  }
0x43c: {  	v0 =	vadd.f32 v9, v0;
	v9 =	vld [tilespmem:$0x1F000]  }
0x43d: {  	v1 =	vadd.f32 v34, v1;
	v34 =	vld [tilespmem:$0x1F060]  }
0x43e: {  	[tilespmem:$0x1F6E0] =	vst v62;
	v62 =	vld [tilespmem:$0x3370]  }
0x43f: {  	[tilespmem:$0x1FBC0] =	vst v28;
	v28 =	vld [tilespmem:$0x1F050]  }
0x440: {  	v0 =	vadd.f32 v11, v0;
	v11 =	vld [tilespmem:$0x4880]  }
0x441: {  	v1 =	vadd.f32 v38, v1;
	v38 =	vld [tilespmem:$0x1F070]  }
0x442: {  	[tilespmem:$0x1FC60] =	vst v7;
	v7 =	vld [tilespmem:$0x4090]  }
0x443: {  	[tilespmem:$0x1F720] =	vst v62;
	v62 =	vld [tilespmem:$0x33F0]  }
0x444: {  	[tilespmem:$0x1FEB0] =	vst v31;
	v31 =	vld [tilespmem:$0x1F170]  }
0x445: {  	[tilespmem:$0x1F910] =	vst v18;
	v18 =	vld [tilespmem:$0x2F60]  }
0x446: {  	[tilespmem:$0x1F950] =	vst v22;
	v22 =	vld [tilespmem:$0x2FE0]  }
0x447: {  	[tilespmem:$0x1F990] =	vst v26;
	v26 =	vld [tilespmem:$0x3060]  }
0x448: {  	[tilespmem:$0x1F760] =	vst v62;
	v62 =	vld [tilespmem:$0x3470]  }
0x449: {  	[tilespmem:$0x1F9E0] =	vst v29;
	v29 =	vld [tilespmem:$0x30E0]  }
0x44a: {  	[tilespmem:$0x1F3A0] =	vst v32;
	v32 =	vld [tilespmem:$0x3160]  }
0x44b: {  	[tilespmem:$0x1F3D0] =	vst v37;
	v37 =	vld [tilespmem:$0x31E0]  }
0x44c: {  	[tilespmem:$0x1F400] =	vst v41;
	v41 =	vld [tilespmem:$0x3260]  }
0x44d: {  	[tilespmem:$0x1F7A0] =	vst v62;
	v62 =	vld [tilespmem:$0x34F0]  }
0x44e: {  	[tilespmem:$0x1F430] =	vst v46;
	v46 =	vld [tilespmem:$0x32E0]  }
0x44f: {  	[tilespmem:$0x1F460] =	vst v50;
	v50 =	vld [tilespmem:$0x3360]  }
0x450: {  	[tilespmem:$0x1F490] =	vst v55;
	v55 =	vld [tilespmem:$0x33E0]  }
0x451: {  	v0 =	vadd.f32 v13, v0;
	v13 =	vld [tilespmem:$0x4900]  }
0x452: {  	[tilespmem:$0x1F7E0] =	vst v62;
	v62 =	vld [tilespmem:$0x3570]  }
0x453: {  	v1 =	vadd.f32 v40, v1;
	v40 =	vld [tilespmem:$0x1F080]  }
0x454: {  	[tilespmem:$0x1FE40] =	vst v25;
	v25 =	vld [tilespmem:$0x1F150]  }
0x455: {  	v0 =	vadd.f32 v16, v0;
	v16 =	vld [tilespmem:$0x1F020]  }
0x456: {  	v1 =	vadd.f32 v44, v1;
	v44 =	vld [tilespmem:$0x3D10]  }
0x457: {  	[tilespmem:$0x1F820] =	vst v62;
	v62 =	vld [tilespmem:$0x35F0]  }
0x458: {  	[tilespmem:$0x1FCF0] =	vst v11;
	v11 =	vld [tilespmem:$0x4190]  }
0x459: {  	v0 =	vadd.f32 v19, v0;
	v19 =	vld [tilespmem:$0x4A80]  }
0x45a: {  	v1 =	vadd.f32 v48, v1;
	v48 =	vld [tilespmem:$0x1F090]  }
0x45b: {  	[tilespmem:$0x1F500] =	vst v18;
	v18 =	vld [tilespmem:$0x34E0]  }
0x45c: {  	[tilespmem:$0x1F860] =	vst v62;
	v62 =	vld [tilespmem:$0x3670]  }
0x45d: {  	[tilespmem:$0x1F540] =	vst v22;
	v22 =	vld [tilespmem:$0x3560]  }
0x45e: {  	[tilespmem:$0x1F580] =	vst v26;
	v26 =	vld [tilespmem:$0x35E0]  }
0x45f: {  	[tilespmem:$0x1F5C0] =	vst v29;
	v29 =	vld [tilespmem:$0x3660]  }
0x460: {  	[tilespmem:$0x1F600] =	vst v32;
	v32 =	vld [tilespmem:$0x36E0]  }
0x461: {  	[tilespmem:$0x1F8A0] =	vst v62;
	v62 =	vld [tilespmem:$0x36F0]  }
0x462: {  	[tilespmem:$0x1F640] =	vst v37;
	v37 =	vld [tilespmem:$0x3760]  }
0x463: {  	[tilespmem:$0x1F680] =	vst v41;
	v41 =	vld [tilespmem:$0x37E0]  }
0x464: {  	[tilespmem:$0x1F6C0] =	vst v46;
	v46 =	vld [tilespmem:$0x3860]  }
0x465: {  	[tilespmem:$0x1F700] =	vst v50;
	v50 =	vld [tilespmem:$0x38E0]  }
0x466: {  	[tilespmem:$0x1F8E0] =	vst v62;
	v62 =	vld [tilespmem:$0x3770]  }
0x467: {  	[tilespmem:$0x1F740] =	vst v55;
	v55 =	vld [tilespmem:$0x3960]  }
0x468: {  	[tilespmem:$0x1FD20] =	vst v13;
	v13 =	vld [tilespmem:$0x4210]  }
0x469: {  	v0 =	vadd.f32 v21, v0;
	v21 =	vld [tilespmem:$0x4B00]  }
0x46a: {  	v1 =	vadd.f32 v52, v1;
	v52 =	vld [tilespmem:$0x3D90]  }
0x46b: {  	[tilespmem:$0x1F920] =	vst v62;
	v62 =	vld [tilespmem:$0x37F0]  }
0x46c: {  	v0 =	vadd.f32 v24, v0;
	v24 =	vld [tilespmem:$0x1F040]  }
0x46d: {  	v1 =	vadd.f32 v56, v1;
	v56 =	vld [tilespmem:$0x3E90]  }
0x46e: {  	[tilespmem:$0x1FDB0] =	vst v19;
	v19 =	vld [tilespmem:$0x4310]  }
0x46f: {  	[tilespmem:$0x1F7C0] =	vst v18;
	v18 =	vld [tilespmem:$0x29F0]  }
0x470: {  	[tilespmem:$0x1F960] =	vst v62;
	v62 =	vld [tilespmem:$0x3870]  }
0x471: {  	[tilespmem:$0x1F800] =	vst v22;
	v22 =	vld [tilespmem:$0x2A70]  }
0x472: {  	[tilespmem:$0x1F840] =	vst v26;
	v26 =	vld [tilespmem:$0x2AF0]  }
0x473: {  	[tilespmem:$0x1F880] =	vst v29;
	v29 =	vld [tilespmem:$0x2B70]  }
0x474: {  	[tilespmem:$0x1F8C0] =	vst v32;
	v32 =	vld [tilespmem:$0x2BF0]  }
0x475: {  	[tilespmem:$0x1F9A0] =	vst v62;
	v62 =	vld [tilespmem:$0x38F0]  }
0x476: {  	[tilespmem:$0x1F900] =	vst v37;
	v37 =	vld [tilespmem:$0x2C70]  }
0x477: {  	[tilespmem:$0x1F940] =	vst v41;
	v41 =	vld [tilespmem:$0x2CF0]  }
0x478: {  	[tilespmem:$0x1F980] =	vst v46;
	v46 =	vld [tilespmem:$0x2D70]  }
0x479: {  	[tilespmem:$0x1F9B0] =	vst v50;
	v50 =	vld [tilespmem:$0x2DF0]  }
0x47a: {  	[tilespmem:$0x1F9D0] =	vst v62;
	v62 =	vld [tilespmem:$0x3970]  }
0x47b: {  	[tilespmem:$0x1F9F0] =	vst v55;
	v55 =	vld [tilespmem:$0x2E70]  }
0x47c: {  	v0 =	vadd.f32 v27, v0;
	v27 =	vld [tilespmem:$0x4C80]  }
0x47d: {  	v1 =	vadd.f32 v34, v1;
	v34 =	vld [tilespmem:$0x4590]  }
0x47e: {  	[tilespmem:$0x1FDE0] =	vst v21;
	v21 =	vld [tilespmem:$0x4390]  }
0x47f: {  	v0 =	vadd.f32 v30, v0;
	[tilespmem:$0x1FA00] =	vst v62;
	v62 =	vld [tilespmem:$0x3D00]  }
0x480: {  	v30 =	vld [tilespmem:$0x4510]  }
0x481: {  	v1 =	vadd.f32 v40, v1;
	v40 =	vld [tilespmem:$0x1F1A0];
	v0 =	vadd.f32 v33, v0  }
0x482: {  	v33 =	vld [tilespmem:$0x1F180]  }
0x483: {  	[tilespmem:$0x1FE70] =	vst v27;
	v27 =	vld [tilespmem:$0x4490];
	v0 =	vadd.f32 v35, v0  }
0x484: {  	[tilespmem:$0x1FA10] =	vst v62;
	v62 =	vadd.f32 v60, v57;
	v57 =	vld [tilespmem:$0x3E00]  }
0x485: {  	v35 =	vld [tilespmem:$0x1F190];
	v0 =	vadd.f32 v39, v0  }
0x486: {  	v62 =	vadd.f32 v61, v62;
	v61 =	vld [tilespmem:$0x1EF90]  }
0x487: {  	v0 =	vadd.f32 v43, v0;
	v60 =	vld [tilespmem:$0x3E80]  }
0x488: {  	v39 =	vld [tilespmem:$0x4610]  }
0x489: {  	v43 =	vld [tilespmem:$0x1F1B0];
	v0 =	vadd.f32 v47, v0;
	[tilespmem:$0x1FA30] =	vst v57;
	v57 =	vadd.f32 v63, v62  }
0x48a: {  	v47 =	vld [tilespmem:$0x4690]  }
0x48b: {  	v0 =	vadd.f32 v51, v0;
	v51 =	vld [tilespmem:$0x4710];
	v2 =	vadd.f32 v61, v57  }
0x48c: {  	[tilespmem:$0x1FA40] =	vst v60;
	v60 =	vld [tilespmem:$0x4080]  }
0x48d: {  	[tilespmem:$0x1FA70] =	vst v58;
	v62 =	vld [tilespmem:$0x4100];
	v2 =	vadd.f32 v8, v2  }
0x48e: {  	[tilespmem:$0x1FAD0] =	vst v7;
	v57 =	vld [tilespmem:$0x1EFD0]  }
0x48f: {  	[tilespmem:$0x1FB10] =	vst v11;
	v63 =	vld [tilespmem:$0x4180];
	v2 =	vadd.f32 v14, v2  }
0x490: {  	[tilespmem:$0x1FB30] =	vst v13;
	v61 =	vld [tilespmem:$0x1EFE0]  }
0x491: {  	[tilespmem:$0x1FA50] =	vst v56;
	v8 =	vld [tilespmem:$0x4780];
	v2 =	vadd.f32 v23, v2  }
0x492: {  	[tilespmem:$0x1FAC0] =	vst v60;
	v60 =	vld [tilespmem:$0x4580]  }
0x493: {  	[tilespmem:$0x1FAE0] =	vst v62;
	v62 =	vld [tilespmem:$0x4600];
	v2 =	vadd.f32 v57, v2  }
0x494: {  	[tilespmem:$0x1FB00] =	vst v63;
	v63 =	vld [tilespmem:$0x4680]  }
0x495: {  	[tilespmem:$0x1FB70] =	vst v19;
	v14 =	vld [tilespmem:$0x4980];
	v2 =	vadd.f32 v61, v2  }
0x496: {  	[tilespmem:$0x1FC10] =	vst v34;
	v23 =	vld [tilespmem:$0x4B80]  }
0x497: {  	[tilespmem:$0x1FC90] =	vst v8;
	v8 =	vld [tilespmem:$0x1F0E0];
	v2 =	vadd.f32 v6, v2  }
0x498: {  	[tilespmem:$0x1FB90] =	vst v21;
	v57 =	vld [tilespmem:$0x1F0A0]  }
0x499: {  	[tilespmem:$0x1FC00] =	vst v60;
	v60 =	vld [tilespmem:$0x1F0B0];
	v2 =	vadd.f32 v9, v2  }
0x49a: {  	[tilespmem:$0x1FC20] =	vst v62;
	v62 =	vld [tilespmem:$0x1F0C0]  }
0x49b: {  	[tilespmem:$0x1FC40] =	vst v63;
	v63 =	vld [tilespmem:$0x4010];
	v2 =	vadd.f32 v12, v2  }
0x49c: {  	[tilespmem:$0x1FD50] =	vst v14;
	v14 =	vld [tilespmem:$0x1F110]  }
0x49d: {  	[tilespmem:$0x1FBF0] =	vst v30;
	v61 =	vld [tilespmem:$0x3F90];
	v2 =	vadd.f32 v16, v2  }
0x49e: {  	[tilespmem:$0x1FE10] =	vst v23;
	v23 =	vld [tilespmem:$0x1F140]  }
0x49f: {  	[tilespmem:$0x1FBD0] =	vst v27;
	v9 =	vld [tilespmem:$0x4110];
	v2 =	vadd.f32 v20, v2  }
0x4a0: {  	[tilespmem:$0x1FC30] =	vst v39;
	v16 =	vld [tilespmem:$0x4290]  }
0x4a1: {  	[tilespmem:$0x1FC50] =	vst v47;
	v2 =	vadd.f32 v24, v2;
	v24 =	vld [tilespmem:$0x4410]  }
0x4a2: {  	v6 =	vld [tilespmem:$0x1F0D0];
	[tilespmem:$0x1FAB0] =	vst v63  }
0x4a3: {  	[tilespmem:$0x1FA90] =	vst v61;
	v12 =	vld [tilespmem:$0x1F100];
	v2 =	vadd.f32 v28, v2  }
0x4a4: {  	[tilespmem:$0x1FAF0] =	vst v9;
	v20 =	vld [tilespmem:$0x1F130]  }
0x4a5: {  	[tilespmem:$0x1FB50] =	vst v16;
	v28 =	vld [tilespmem:$0x1F160];
	v2 =	vadd.f32 v38, v2  }
0x4a6: {  	v38 =	vld [tilespmem:$0x3E10];
	[tilespmem:$0x1FBB0] =	vst v24  }
0x4a7: {  	v2 =	vadd.f32 v48, v2;
	v48 =	vld [tilespmem:$0x1F1C0];
	[tilespmem:$0x1FC80] =	vst v51  }
0x4a8: {  	v3 =	vld [tilespmem:$0x1F1D0]  }
0x4a9: {  	v0 =	vadd.f32 v53, v0;
	v53 =	vld [tilespmem:$0x1F1E0]  }
0x4aa: {  	v56 =	vld [tilespmem:$0x4790]  }
0x4ab: {  	v1 =	vadd.f32 v57, v1;
	v57 =	vld [tilespmem:$0x1F1F0]  }
0x4ac: {  	v58 =	vld [tilespmem:$0x4810]  }
0x4ad: {  	v0 =	vadd.f32 v59, v0;
	v59 =	vld [tilespmem:$0x1F200]  }
0x4ae: {  	v61 =	vld [tilespmem:$0x4890]  }
0x4af: {  	v1 =	vadd.f32 v62, v1;
	v62 =	vld [tilespmem:$0x1F220]  }
0x4b0: {  	v63 =	vld [tilespmem:$0x4910]  }
0x4b1: {  	v7 =	vld [tilespmem:$0x1F240]  }
0x4b2: {  	v1 =	vadd.f32 v8, v1;
	v8 =	vld [tilespmem:$0x4990]  }
0x4b3: {  	v9 =	vld [tilespmem:$0x1F250]  }
0x4b4: {  	v11 =	vld [tilespmem:$0x1F260]  }
0x4b5: {  	v1 =	vadd.f32 v12, v1;
	v12 =	vld [tilespmem:$0x1F270]  }
0x4b6: {  	v13 =	vld [tilespmem:$0x4A90]  }
0x4b7: {  	v16 =	vld [tilespmem:$0x4B10]  }
0x4b8: {  	v1 =	vadd.f32 v17, v1;
	v17 =	vld [tilespmem:$0x1F290]  }
0x4b9: {  	v19 =	vld [tilespmem:$0x1F2A0]  }
0x4ba: {  	v21 =	vld [tilespmem:$0x1F2B0]  }
0x4bb: {  	v1 =	vadd.f32 v23, v1;
	v23 =	vld [tilespmem:$0x4C10]  }
0x4bc: {  	v24 =	vld [tilespmem:$0x1F2C0]  }
0x4bd: {  	v27 =	vld [tilespmem:$0x1F2D0]  }
0x4be: {  	v1 =	vadd.f32 v28, v1;
	v28 =	vld [tilespmem:$0x4D10]  }
0x4bf: {  	v0 =	vadd.f32 v33, v0;
	v30 =	vld [tilespmem:$0x1F2E0]  }
0x4c0: {  	v34 =	vld [tilespmem:$0x3D20]  }
0x4c1: {  	v0 =	vadd.f32 v43, v0;
	v43 =	vld [tilespmem:$0x3DA0]  }
0x4c2: {  	v39 =	vld [tilespmem:$0x1F310]  }
0x4c3: {  	v47 =	vld [tilespmem:$0x3EA0]  }
0x4c4: {  	v51 =	vld [tilespmem:$0x1F370]  }
0x4c5: {  	v33 =	vadd.f32 $0.0e+00, v36;
	v36 =	vadd.f32 $0.0e+00, v15;
	v15 =	vld [tilespmem:$0x46A0]  }
0x4c6: {  	v5 =	vld [tilespmem:$0x3F30]  }
0x4c7: {  	v2 =	vadd.f32 v60, v2;
	v60 =	vld [tilespmem:$0x1F210]  }
0x4c8: {  	v1 =	vadd.f32 v35, v1;
	v35 =	vld [tilespmem:$0x1F300]  }
0x4c9: {  	v2 =	vadd.f32 v6, v2;
	v6 =	vld [tilespmem:$0x1F230]  }
0x4ca: {  	v1 =	vadd.f32 v48, v1;
	v48 =	vld [tilespmem:$0x1F350]  }
0x4cb: {  	v2 =	vadd.f32 v10, v2;
	v10 =	vld [tilespmem:$0x4A10]  }
0x4cc: {  	[tilespmem:$0x1FE60] =	vst v23;
	v23 =	vld [tilespmem:$0x3F20]  }
0x4cd: {  	v0 =	vadd.f32 v53, v0;
	v53 =	vld [tilespmem:$0x4020]  }
0x4ce: {  	[tilespmem:$0x1FCB0] =	vst v56;
	v56 =	vld [tilespmem:$0x1F380]  }
0x4cf: {  	[tilespmem:$0x1FCE0] =	vst v58;
	v58 =	vld [tilespmem:$0x1F3A0]  }
0x4d0: {  	[tilespmem:$0x1FD10] =	vst v61;
	v61 =	vld [tilespmem:$0x1F3D0]  }
0x4d1: {  	[tilespmem:$0x1FD40] =	vst v63;
	v63 =	vld [tilespmem:$0x1F3F0]  }
0x4d2: {  	[tilespmem:$0x1FD70] =	vst v8;
	v8 =	vld [tilespmem:$0x1F400]  }
0x4d3: {  	[tilespmem:$0x1FDD0] =	vst v13;
	v13 =	vld [tilespmem:$0x1F450]  }
0x4d4: {  	[tilespmem:$0x1FE00] =	vst v16;
	v16 =	vld [tilespmem:$0x1F470]  }
0x4d5: {  	v4 =	vmul.f32 $5.000000000e-01, v21;
	v21 =	vld [tilespmem:$0x1F4A0]  }
0x4d6: {  	[tilespmem:$0x1FEC0] =	vst v28;
	v28 =	vld [tilespmem:$0x48A0]  }
0x4d7: {  	[tilespmem:$0x1FC70] =	vst v15;
	v15 =	vld [tilespmem:$0x4CA0]  }
0x4d8: {  	v1 =	vadd.f32 v57, v1;
	v57 =	vld [tilespmem:$0x1F390]  }
0x4d9: {  	v34 =	vadd.f32 $0.0e+00, v34;
	v2 =	vadd.f32 v14, v2;
	v14 =	vld [tilespmem:$0x1F280]  }
0x4da: {  	v0 =	vadd.f32 v60, v0;
	v60 =	vld [tilespmem:$0x1F3C0]  }
0x4db: {  	v43 =	vadd.f32 v43, v34;
	v34 =	vld [tilespmem:$0x3FC0]  }
0x4dc: {  	v1 =	vadd.f32 v62, v1;
	v62 =	vld [tilespmem:$0x1F3E0]  }
0x4dd: {  	v2 =	vadd.f32 v20, v2;
	v20 =	vld [tilespmem:$0x4B90]  }
0x4de: {  	v1 =	vadd.f32 v9, v1;
	v9 =	vld [tilespmem:$0x1F410]  }
0x4df: {  	[tilespmem:$0x1FDA0] =	vst v10;
	v10 =	vld [tilespmem:$0x1F420]  }
0x4e0: {  	v0 =	vadd.f32 v7, v0;
	[tilespmem:$0x1FD30] =	vst v28;
	v28 =	vld [tilespmem:$0x1F640]  }
0x4e1: {  	v2 =	vadd.f32 v25, v2;
	v25 =	vld [tilespmem:$0x4C90]  }
0x4e2: {  	v0 =	vadd.f32 v12, v0;
	v12 =	vld [tilespmem:$0x1F440]  }
0x4e3: {  	v1 =	vadd.f32 v14, v1;
	v14 =	vld [tilespmem:$0x1F460]  }
0x4e4: {  	v2 =	vadd.f32 v31, v2;
	v31 =	vld [tilespmem:$0x1F2F0]  }
0x4e5: {  	v0 =	vadd.f32 v17, v0;
	v17 =	vld [tilespmem:$0x4720]  }
0x4e6: {  	[tilespmem:$0x1FE30] =	vst v20;
	v20 =	vld [tilespmem:$0x47A0]  }
0x4e7: {  	v1 =	vmul.f32 $1.562500000e-02, v1;
	v2 =	vadd.f32 v40, v2;
	v40 =	vld [tilespmem:$0x1F320]  }
0x4e8: {  	[tilespmem:$0x1FE90] =	vst v25;
	v25 =	vld [tilespmem:$0x3FA0]  }
0x4e9: {  	v1 =	vadd.f32 v4, v1;
	v4 =	vld [tilespmem:$0x3EB0];
	v2 =	vadd.f32 v3, v2  }
0x4ea: {  	v3 =	vmul.f32 $5.000000000e-01, v19;
	v19 =	vld [tilespmem:$0x1F490]  }
0x4eb: {  	[tilespmem:$0x1FF80] =	vst v1;
	v1 =	vadd.f32 $0.0e+00, v27;
	v27 =	vld [tilespmem:$0x1F4C0];
	v2 =	vadd.f32 v59, v2  }
0x4ec: {  	[tilespmem:$0x1FCA0] =	vst v17;
	v17 =	vld [tilespmem:$0x1F5E0]  }
0x4ed: {  	v1 =	vadd.f32 v31, v1;
	v31 =	vld [tilespmem:$0x3E20];
	v2 =	vadd.f32 v6, v2  }
0x4ee: {  	v59 =	vld [tilespmem:$0x1F3B0]  }
0x4ef: {  	[tilespmem:$0x1FCD0] =	vst v20;
	v20 =	vld [tilespmem:$0x1F600];
	v2 =	vadd.f32 v11, v2  }
0x4f0: {  	v1 =	vadd.f32 v39, v1;
	v39 =	vld [tilespmem:$0x4220]  }
0x4f1: {  	v11 =	vld [tilespmem:$0x1F430];
	v2 =	vmul.f32 $1.562500000e-02, v2  }
0x4f2: {  	v31 =	vadd.f32 v31, v43;
	v43 =	vld [tilespmem:$0x1FA50]  }
0x4f3: {  	v2 =	vadd.f32 v3, v2;
	v3 =	vadd.f32 v18, v36;
	v18 =	vld [tilespmem:$0x1F480]  }
0x4f4: {  	v36 =	vld [tilespmem:$0x1F4F0]  }
0x4f5: {  	v31 =	vadd.f32 v47, v31;
	v47 =	vld [tilespmem:$0x4240]  }
0x4f6: {  	v3 =	vadd.f32 v22, v3;
	v22 =	vld [tilespmem:$0x40A0]  }
0x4f7: {  	v0 =	vmul.f32 $1.562500000e-02, v0;
	[tilespmem:$0x1FF70] =	vst v2;
	v2 =	vmul.f32 $5.000000000e-01, v24;
	v24 =	vld [tilespmem:$0x4820]  }
0x4f8: {  	v23 =	vadd.f32 v23, v31;
	v31 =	vld [tilespmem:$0x4340]  }
0x4f9: {  	v0 =	vadd.f32 v2, v0;
	v2 =	vadd.f32 v42, v33;
	v42 =	vld [tilespmem:$0x1F330]  }
0x4fa: {  	v3 =	vadd.f32 v26, v3;
	v26 =	vld [tilespmem:$0x1F4B0]  }
0x4fb: {  	v33 =	vld [tilespmem:$0x1F4E0]  }
0x4fc: {  	v2 =	vadd.f32 v45, v2;
	v45 =	vld [tilespmem:$0x1F340]  }
0x4fd: {  	v23 =	vadd.f32 v25, v23;
	[tilespmem:$0x1FF90] =	vst v0;
	v0 =	vadd.f32 $0.0e+00, v30;
	v30 =	vld [tilespmem:$0x41A0]  }
0x4fe: {  	v3 =	vadd.f32 v29, v3;
	v29 =	vld [tilespmem:$0x1F4D0]  }
0x4ff: {  	v25 =	vadd.f32 v53, v23;
	v53 =	vld [tilespmem:$0x1FAD0]  }
0x500: {  	[tilespmem:$0x1FD00] =	vst v24;
	v24 =	vld [tilespmem:$0x1F620]  }
0x501: {  	v2 =	vadd.f32 v49, v2;
	v49 =	vld [tilespmem:$0x1F360]  }
0x502: {  	v3 =	vadd.f32 v32, v3;
	v32 =	vld [tilespmem:$0x4320]  }
0x503: {  	v0 =	vadd.f32 v35, v0;
	v35 =	vld [tilespmem:$0x4920]  }
0x504: {  	v23 =	vadd.f32 v22, v25;
	v22 =	vld [tilespmem:$0x1FB00]  }
0x505: {  	v25 =	vld [tilespmem:$0x1FB20]  }
0x506: {  	v1 =	vadd.f32 v42, v1;
	v42 =	vld [tilespmem:$0x1F510]  }
0x507: {  	v2 =	vadd.f32 v54, v2;
	v54 =	vld [tilespmem:$0x44A0]  }
0x508: {  	v3 =	vadd.f32 v37, v3;
	v37 =	vld [tilespmem:$0x1F500]  }
0x509: {  	v0 =	vadd.f32 v40, v0;
	v40 =	vld [tilespmem:$0x49A0]  }
0x50a: {  	v1 =	vadd.f32 v48, v1;
	v48 =	vld [tilespmem:$0x43A0]  }
0x50b: {  	v2 =	vadd.f32 v58, v2;
	v58 =	vld [tilespmem:$0x42A0]  }
0x50c: {  	v0 =	vadd.f32 v45, v0;
	v45 =	vld [tilespmem:$0x4420]  }
0x50d: {  	v3 =	vadd.f32 v41, v3;
	v41 =	vld [tilespmem:$0x4520]  }
0x50e: {  	v1 =	vadd.f32 v51, v1;
	v51 =	vld [tilespmem:$0x1F530]  }
0x50f: {  	[tilespmem:$0x1FD60] =	vst v35;
	v35 =	vld [tilespmem:$0x1F670]  }
0x510: {  	v0 =	vadd.f32 v49, v0;
	v49 =	vld [tilespmem:$0x4120]  }
0x511: {  	v2 =	vadd.f32 v61, v2;
	v61 =	vld [tilespmem:$0x4620]  }
0x512: {  	v3 =	vadd.f32 v46, v3;
	v46 =	vld [tilespmem:$0x1F520]  }
0x513: {  	v1 =	vadd.f32 v57, v1;
	v57 =	vld [tilespmem:$0x4AA0]  }
0x514: {  	[tilespmem:$0x1FD90] =	vst v40;
	v40 =	vld [tilespmem:$0x1F6A0]  }
0x515: {  	v0 =	vadd.f32 v56, v0;
	v56 =	vld [tilespmem:$0x45A0]  }
0x516: {  	v3 =	vadd.f32 v50, v3;
	v50 =	vld [tilespmem:$0x4A20]  }
0x517: {  	v2 =	vadd.f32 v8, v2;
	v8 =	vld [tilespmem:$0x1F580]  }
0x518: {  	v1 =	vadd.f32 v60, v1;
	v60 =	vld [tilespmem:$0x1F560]  }
0x519: {  	v3 =	vadd.f32 v55, v3;
	v55 =	vld [tilespmem:$0x1F540]  }
0x51a: {  	v0 =	vadd.f32 v59, v0;
	v59 =	vld [tilespmem:$0x1F550]  }
0x51b: {  	v2 =	vadd.f32 v11, v2;
	v11 =	vld [tilespmem:$0x1F5A0]  }
0x51c: {  	v1 =	vadd.f32 v63, v1;
	v63 =	vld [tilespmem:$0x1F570]  }
0x51d: {  	v0 =	vadd.f32 v62, v0;
	v62 =	vld [tilespmem:$0x4B20]  }
0x51e: {  	v2 =	vadd.f32 v14, v2;
	v14 =	vld [tilespmem:$0x1F5C0]  }
0x51f: {  	v3 =	vadd.f32 v33, v3;
	v33 =	vld [tilespmem:$0x1F660]  }
0x520: {  	[tilespmem:$0x1FDF0] =	vst v57;
	v57 =	vld [tilespmem:$0x1F6D0]  }
0x521: {  	v1 =	vadd.f32 v10, v1;
	v10 =	vld [tilespmem:$0x1F590]  }
0x522: {  	[tilespmem:$0x1FDC0] =	vst v50;
	v50 =	vld [tilespmem:$0x1F6B0]  }
0x523: {  	v0 =	vadd.f32 v9, v0;
	v9 =	vld [tilespmem:$0x4BA0]  }
0x524: {  	v2 =	vadd.f32 v19, v2;
	v19 =	vld [tilespmem:$0x1F5F0]  }
0x525: {  	v3 =	vadd.f32 v46, v3;
	v46 =	vld [tilespmem:$0x3E30]  }
0x526: {  	v1 =	vadd.f32 v13, v1;
	v13 =	vld [tilespmem:$0x1F5B0]  }
0x527: {  	v0 =	vadd.f32 v12, v0;
	v12 =	vld [tilespmem:$0x4C20]  }
0x528: {  	v2 =	vadd.f32 v27, v2;
	v27 =	vld [tilespmem:$0x1F630]  }
0x529: {  	v3 =	vadd.f32 v60, v3;
	v60 =	vld [tilespmem:$0x1F6F0]  }
0x52a: {  	v1 =	vadd.f32 v18, v1;
	v18 =	vld [tilespmem:$0x4D20]  }
0x52b: {  	[tilespmem:$0x1FE20] =	vst v62;
	v62 =	vld [tilespmem:$0x1F700]  }
0x52c: {  	v0 =	vadd.f32 v16, v0;
	v16 =	vld [tilespmem:$0x1F5D0]  }
0x52d: {  	v2 =	vadd.f32 v37, v2;
	v37 =	vld [tilespmem:$0x1F690]  }
0x52e: {  	v1 =	vadd.f32 v26, v1;
	v26 =	vld [tilespmem:$0x3D30]  }
0x52f: {  	v3 =	vadd.f32 v11, v3;
	v0 =	vadd.f32 v21, v0;
	v21 =	vld [tilespmem:$0x1F610]  }
0x530: {  	v2 =	vadd.f32 v55, v2;
	v55 =	vld [tilespmem:$0x1F6C0]  }
0x531: {  	v3 =	vadd.f32 v17, v3;
	v17 =	vld [tilespmem:$0x1F730]  }
0x532: {  	v1 =	vadd.f32 v36, v1;
	v36 =	vld [tilespmem:$0x1F680]  }
0x533: {  	[tilespmem:$0x1FE80] =	vst v12;
	v12 =	vld [tilespmem:$0x1F710]  }
0x534: {  	v0 =	vadd.f32 v29, v0;
	v29 =	vld [tilespmem:$0x1F650]  }
0x535: {  	v2 =	vadd.f32 v8, v2;
	[tilespmem:$0x1FED0] =	vst v18;
	v18 =	vld [tilespmem:$0x1F740]  }
0x536: {  	v3 =	vadd.f32 v24, v3;
	v0 =	vadd.f32 v42, v0;
	v42 =	vld [tilespmem:$0x3DB0]  }
0x537: {  	v1 =	vadd.f32 v51, v1;
	v2 =	vadd.f32 v14, v2;
	v14 =	vld [tilespmem:$0x1F720]  }
0x538: {  	v3 =	vadd.f32 v33, v3;
	v33 =	vld [tilespmem:$0x1F790]  }
0x539: {  	v1 =	vadd.f32 v63, v1;
	v0 =	vadd.f32 v59, v0;
	v59 =	vld [tilespmem:$0x1F6E0]  }
0x53a: {  	v2 =	vadd.f32 v20, v2;
	v20 =	vld [tilespmem:$0x1F760]  }
0x53b: {  	v3 =	vadd.f32 v40, v3;
	v40 =	vld [tilespmem:$0x1F7C0];
	v1 =	vadd.f32 v13, v1  }
0x53c: {  	v26 =	vadd.f32 $0.0e+00, v26;
	v2 =	vadd.f32 v28, v2;
	v28 =	vld [tilespmem:$0x1F780]  }
0x53d: {  	v0 =	vadd.f32 v10, v0;
	v1 =	vadd.f32 v19, v1;
	v19 =	vld [tilespmem:$0x1F750]  }
0x53e: {  	v26 =	vadd.f32 v42, v26;
	v42 =	vld [tilespmem:$0x1FA40]  }
0x53f: {  	v0 =	vadd.f32 v16, v0;
	v16 =	vld [tilespmem:$0x3FB0]  }
0x540: {  	v2 =	vadd.f32 v36, v2;
	v36 =	vld [tilespmem:$0x1F7A0]  }
0x541: {  	v1 =	vadd.f32 v27, v1;
	v27 =	vld [tilespmem:$0x40B0]  }
0x542: {  	v3 =	vadd.f32 v59, v3;
	v59 =	vld [tilespmem:$0x1F7F0]  }
0x543: {  	v26 =	vadd.f32 v46, v26;
	v46 =	vld [tilespmem:$0x1FA60]  }
0x544: {  	v0 =	vadd.f32 v21, v0;
	v21 =	vld [tilespmem:$0x1F770]  }
0x545: {  	v2 =	vadd.f32 v55, v2;
	v55 =	vld [tilespmem:$0x1F7E0]  }
0x546: {  	[tilespmem:$0x1FEA0] =	vst v15;
	v15 =	vadd.f32 v14, v3;
	v3 =	vld [tilespmem:$0x41B0]  }
0x547: {  	v4 =	vadd.f32 v4, v26;
	v26 =	vld [tilespmem:$0x1FAA0]  }
0x548: {  	v1 =	vadd.f32 v35, v1;
	v63 =	vadd.f32 v62, v2;
	v2 =	vld [tilespmem:$0x4130]  }
0x549: {  	v62 =	vld [tilespmem:$0x1F800]  }
0x54a: {  	v0 =	vadd.f32 v29, v0;
	v51 =	vadd.f32 v50, v1;
	v1 =	vld [tilespmem:$0x4030]  }
0x54b: {  	v50 =	vld [tilespmem:$0x1F7D0]  }
0x54c: {  	v10 =	vadd.f32 v20, v15;
	v6 =	vadd.f32 v37, v0;
	v37 =	vld [tilespmem:$0x1F7B0]  }
0x54d: {  	v4 =	vadd.f32 v5, v4;
	v7 =	vadd.f32 v60, v51;
	v51 =	vld [tilespmem:$0x42B0]  }
0x54e: {  	v8 =	vadd.f32 v18, v63;
	v10 =	vadd.f32 v36, v10;
	v36 =	vld [tilespmem:$0x1F860]  }
0x54f: {  	v4 =	vadd.f32 v16, v4;
	v16 =	vld [tilespmem:$0x1FB30]  }
0x550: {  	v29 =	vadd.f32 v28, v8;
	v8 =	vld [tilespmem:$0x43B0]  }
0x551: {  	v28 =	vld [tilespmem:$0x1F820]  }
0x552: {  	v6 =	vadd.f32 v57, v6;
	v57 =	vadd.f32 v55, v10;
	v10 =	vld [tilespmem:$0x44B0]  }
0x553: {  	v55 =	vld [tilespmem:$0x1F880]  }
0x554: {  	v13 =	vadd.f32 v12, v6;
	v6 =	vld [tilespmem:$0x4230]  }
0x555: {  	v7 =	vadd.f32 v17, v7;
	v12 =	vadd.f32 v40, v29;
	v29 =	vld [tilespmem:$0x1F830]  }
0x556: {  	v40 =	vld [tilespmem:$0x1F870]  }
0x557: {  	v24 =	vadd.f32 v21, v7;
	v7 =	vld [tilespmem:$0x4330]  }
0x558: {  	v21 =	vld [tilespmem:$0x1F810]  }
0x559: {  	v63 =	vadd.f32 v62, v12;
	v12 =	vld [tilespmem:$0x45B0]  }
0x55a: {  	[tilespmem:$0x1FE50] =	vst v9;
	v1 =	vadd.f32 v1, v4;
	v9 =	vadd.f32 v19, v13;
	v19 =	vld [tilespmem:$0x46B0]  }
0x55b: {  	v62 =	vld [tilespmem:$0x1F8C0]  }
0x55c: {  	v1 =	vadd.f32 v27, v1;
	v27 =	vld [tilespmem:$0x4640]  }
0x55d: {  	v14 =	vadd.f32 v28, v57;
	v57 =	vld [tilespmem:$0x1F890]  }
0x55e: {  	v28 =	vld [tilespmem:$0x1F970]  }
0x55f: {  	v11 =	vadd.f32 v37, v24;
	v35 =	vadd.f32 v33, v9;
	v9 =	vld [tilespmem:$0x4430]  }
0x560: {  	v33 =	vld [tilespmem:$0x1F840]  }
0x561: {  	v60 =	vadd.f32 v59, v11;
	v11 =	vld [tilespmem:$0x4530]  }
0x562: {  	v37 =	vadd.f32 v36, v14;
	v14 =	vld [tilespmem:$0x4730]  }
0x563: {  	v59 =	vld [tilespmem:$0x1F8A0]  }
0x564: {  	v36 =	vld [tilespmem:$0x1F8F0]  }
0x565: {  	v1 =	vadd.f32 v2, v1;
	v13 =	vadd.f32 v50, v35;
	v35 =	vld [tilespmem:$0x1F850]  }
0x566: {  	v15 =	vadd.f32 v29, v60;
	v60 =	vld [tilespmem:$0x1F8B0]  }
0x567: {  	v1 =	vadd.f32 v3, v1;
	v29 =	vld [tilespmem:$0x1F8D0]  }
0x568: {  	v24 =	vadd.f32 v21, v13;
	v13 =	vld [tilespmem:$0x4630]  }
0x569: {  	v1 =	vadd.f32 v6, v1;
	v6 =	vld [tilespmem:$0x4050]  }
0x56a: {  	v50 =	vadd.f32 v40, v15;
	v15 =	vld [tilespmem:$0x47B0]  }
0x56b: {  	v40 =	vld [tilespmem:$0x1F910]  }
0x56c: {  	v20 =	vadd.f32 v59, v37;
	v59 =	vld [tilespmem:$0x48B0]  }
0x56d: {  	v37 =	vld [tilespmem:$0x1F900]  }
0x56e: {  	v17 =	vadd.f32 v33, v63;
	v1 =	vadd.f32 v51, v1;
	v51 =	vld [tilespmem:$0x4A40]  }
0x56f: {  	v18 =	vadd.f32 v35, v24;
	v35 =	vld [tilespmem:$0x1F8E0]  }
0x570: {  	v17 =	vadd.f32 v55, v17;
	v55 =	vld [tilespmem:$0x1F930]  }
0x571: {  	v21 =	vadd.f32 v60, v50;
	v50 =	vld [tilespmem:$0x1F920]  }
0x572: {  	v60 =	vld [tilespmem:$0x1F950]  }
0x573: {  	v1 =	vadd.f32 v7, v1;
	v7 =	vld [tilespmem:$0x4250]  }
0x574: {  	v63 =	vadd.f32 v62, v17;
	v17 =	vld [tilespmem:$0x4830]  }
0x575: {  	v18 =	vadd.f32 v57, v18;
	v57 =	vld [tilespmem:$0x1F940]  }
0x576: {  	v62 =	vld [tilespmem:$0x1F960]  }
0x577: {  	v21 =	vadd.f32 v36, v21;
	v36 =	vld [tilespmem:$0x49B0]  }
0x578: {  	v1 =	vadd.f32 v8, v1;
	v8 =	vld [tilespmem:$0x1FBE0]  }
0x579: {  	v33 =	vadd.f32 v29, v18;
	v18 =	vld [tilespmem:$0x4930]  }
0x57a: {  	v20 =	vadd.f32 v35, v20;
	v35 =	vld [tilespmem:$0x1F990]  }
0x57b: {  	v24 =	vadd.f32 v37, v63;
	v1 =	vadd.f32 v9, v1;
	v9 =	vld [tilespmem:$0x1FBF0]  }
0x57c: {  	v21 =	vadd.f32 v55, v21;
	v29 =	vadd.f32 v40, v33;
	v33 =	vld [tilespmem:$0x1F980]  }
0x57d: {  	v24 =	vadd.f32 v57, v24;
	v57 =	vld [tilespmem:$0x4A30]  }
0x57e: {  	v21 =	vadd.f32 v28, v21;
	v28 =	vld [tilespmem:$0x1F9E0]  }
0x57f: {  	v20 =	vadd.f32 v50, v20;
	v50 =	vld [tilespmem:$0x1FA10]  }
0x580: {  	v1 =	vadd.f32 v10, v1;
	v10 =	vld [tilespmem:$0x3DD0]  }
0x581: {  	v29 =	vadd.f32 v60, v29;
	v60 =	vld [tilespmem:$0x1F9A0]  }
0x582: {  	v63 =	vadd.f32 v62, v20;
	v20 =	vld [tilespmem:$0x4AB0]  }
0x583: {  	v62 =	vld [tilespmem:$0x1F9B0]  }
0x584: {  	v1 =	vadd.f32 v11, v1;
	v11 =	vld [tilespmem:$0x3ED0]  }
0x585: {  	v40 =	vadd.f32 v35, v29;
	v29 =	vld [tilespmem:$0x4BB0]  }
0x586: {  	v35 =	vld [tilespmem:$0x4C30]  }
0x587: {  	v24 =	vadd.f32 v33, v24;
	v33 =	vld [tilespmem:$0x4B30]  }
0x588: {  	v1 =	vadd.f32 v12, v1;
	v12 =	vld [tilespmem:$0x1FCC0]  }
0x589: {  	v37 =	vadd.f32 v60, v63;
	v63 =	vld [tilespmem:$0x1F9C0]  }
0x58a: {  	v0 =	vmul.f32 $5.000000000e-01, v28;
	v28 =	vld [tilespmem:$0x1FA00]  }
0x58b: {  	v60 =	vmul.f32 $1.562500000e-02, v21;
	v21 =	vld [tilespmem:$0x1F9D0];
	v1 =	vadd.f32 v13, v1  }
0x58c: {  	v13 =	vld [tilespmem:$0x1FCD0]  }
0x58d: {  	v24 =	vadd.f32 v62, v24;
	v62 =	vld [tilespmem:$0x4CB0];
	v1 =	vadd.f32 v19, v1  }
0x58e: {  	v40 =	vmul.f32 $1.562500000e-02, v40;
	v55 =	vmul.f32 $5.000000000e-01, v63;
	v63 =	vld [tilespmem:$0x1F9F0]  }
0x58f: {  	v19 =	vld [tilespmem:$0x1FCF0];
	v1 =	vadd.f32 v14, v1  }
0x590: {  	v0 =	vadd.f32 v0, v40;
	v14 =	vld [tilespmem:$0x1FCE0];
	v37 =	vadd.f32 v21, v37  }
0x591: {  	v1 =	vadd.f32 v15, v1;
	v15 =	vld [tilespmem:$0x1FD60];
	v21 =	vadd.f32 v55, v60  }
0x592: {  	[tilespmem:$0x1FFC0] =	vst v0;
	v0 =	vmul.f32 $5.000000000e-01, v28;
	v40 =	vmul.f32 $1.562500000e-02, v37;
	v37 =	vld [tilespmem:$0x3D40]  }
0x593: {  	v24 =	vmul.f32 $1.562500000e-02, v24;
	v60 =	vld [tilespmem:$0x3DC0];
	[tilespmem:$0x1FFA0] =	vst v21;
	v21 =	vmul.f32 $5.000000000e-01, v63  }
0x594: {  	v1 =	vadd.f32 v17, v1;
	v17 =	vld [tilespmem:$0x1FD70];
	v0 =	vadd.f32 v0, v40  }
0x595: {  	v21 =	vadd.f32 v21, v24;
	v24 =	vadd.f32 $0.0e+00, v44;
	v44 =	vld [tilespmem:$0x1FA20]  }
0x596: {  	v40 =	vld [tilespmem:$0x3E40]  }
0x597: {  	[tilespmem:$0x1FFE0] =	vst v0;
	v0 =	vadd.f32 v52, v24;
	v24 =	vld [tilespmem:$0x1FA30]  }
0x598: {  	v55 =	vadd.f32 $0.0e+00, v50;
	v63 =	vld [tilespmem:$0x4D30]  }
0x599: {  	v59 =	vadd.f32 v59, v1;
	v1 =	vld [tilespmem:$0x3D70]  }
0x59a: {  	v52 =	vld [tilespmem:$0x3F40];
	v50 =	vadd.f32 v44, v55  }
0x59b: {  	[tilespmem:$0x1FFD0] =	vst v21;
	v21 =	vld [tilespmem:$0x1FAE0]  }
0x59c: {  	v28 =	vadd.f32 v24, v50;
	v24 =	vld [tilespmem:$0x1FA70]  }
0x59d: {  	v0 =	vadd.f32 v38, v0;
	v38 =	vld [tilespmem:$0x1FA80]  }
0x59e: {  	v55 =	vld [tilespmem:$0x3EC0]  }
0x59f: {  	v44 =	vld [tilespmem:$0x40C0];
	v0 =	vadd.f32 v43, v0;
	v28 =	vadd.f32 v42, v28  }
0x5a0: {  	v43 =	vld [tilespmem:$0x41C0]  }
0x5a1: {  	v28 =	vadd.f32 v46, v28;
	v0 =	vadd.f32 v24, v0;
	v24 =	vld [tilespmem:$0x1FA90]  }
0x5a2: {  	v50 =	vld [tilespmem:$0x4040]  }
0x5a3: {  	v42 =	vld [tilespmem:$0x4140];
	v46 =	vadd.f32 v38, v28  }
0x5a4: {  	v38 =	vld [tilespmem:$0x1FAB0]  }
0x5a5: {  	v5 =	vadd.f32 v26, v46;
	v26 =	vld [tilespmem:$0x44C0]  }
0x5a6: {  	v0 =	vadd.f32 v24, v0;
	v24 =	vld [tilespmem:$0x1FAC0]  }
0x5a7: {  	v28 =	vld [tilespmem:$0x42C0]  }
0x5a8: {  	v46 =	vld [tilespmem:$0x43C0]  }
0x5a9: {  	v0 =	vadd.f32 v38, v0;
	v38 =	vld [tilespmem:$0x4440]  }
0x5aa: {  	[tilespmem:$0x1FEE0] =	vst v26;
	v26 =	vld [tilespmem:$0x45C0]  }
0x5ab: {  	v0 =	vadd.f32 v53, v0;
	v53 =	vld [tilespmem:$0x4540];
	v5 =	vadd.f32 v24, v5  }
0x5ac: {  	v24 =	vld [tilespmem:$0x4740]  }
0x5ad: {  	v4 =	vadd.f32 v21, v5;
	v21 =	vld [tilespmem:$0x1FAF0]  }
0x5ae: {  	v5 =	vadd.f32 v49, v23;
	v49 =	vld [tilespmem:$0x46C0]  }
0x5af: {  	v23 =	vld [tilespmem:$0x1FB10]  }
0x5b0: {  	[tilespmem:$0x1FEF0] =	vst v26;
	v26 =	vadd.f32 v30, v5;
	v30 =	vld [tilespmem:$0x47C0]  }
0x5b1: {  	v4 =	vadd.f32 v22, v4;
	v22 =	vld [tilespmem:$0x1FB40]  }
0x5b2: {  	v5 =	vld [tilespmem:$0x40D0]  }
0x5b3: {  	[tilespmem:$0x1FF00] =	vst v24;
	v24 =	vld [tilespmem:$0x48C0]  }
0x5b4: {  	v2 =	vadd.f32 v25, v4;
	v25 =	vld [tilespmem:$0x1FB50]  }
0x5b5: {  	v4 =	vld [tilespmem:$0x42D0];
	v0 =	vadd.f32 v21, v0  }
0x5b6: {  	v21 =	vld [tilespmem:$0x4840]  }
0x5b7: {  	v0 =	vadd.f32 v23, v0;
	v23 =	vadd.f32 v39, v26;
	v26 =	vld [tilespmem:$0x4940]  }
0x5b8: {  	[tilespmem:$0x1FF10] =	vst v30;
	v30 =	vld [tilespmem:$0x1FB60]  }
0x5b9: {  	v39 =	vld [tilespmem:$0x1FB70]  }
0x5ba: {  	v2 =	vadd.f32 v22, v2;
	v22 =	vld [tilespmem:$0x1FB90]  }
0x5bb: {  	[tilespmem:$0x1FF30] =	vst v24;
	v24 =	vld [tilespmem:$0x1FBA0]  }
0x5bc: {  	v3 =	vadd.f32 v58, v23;
	v58 =	vld [tilespmem:$0x49C0]  }
0x5bd: {  	v0 =	vadd.f32 v16, v0;
	v16 =	vld [tilespmem:$0x1FB80]  }
0x5be: {  	v23 =	vld [tilespmem:$0x4B40]  }
0x5bf: {  	[tilespmem:$0x1FF20] =	vst v21;
	v21 =	vld [tilespmem:$0x4AC0]  }
0x5c0: {  	v0 =	vadd.f32 v25, v0;
	v25 =	vld [tilespmem:$0x1FBB0]  }
0x5c1: {  	v3 =	vadd.f32 v32, v3;
	v32 =	vld [tilespmem:$0x1FBD0]  }
0x5c2: {  	[tilespmem:$0x1FF40] =	vst v26;
	v26 =	vld [tilespmem:$0x4C40]  }
0x5c3: {  	v2 =	vadd.f32 v30, v2;
	v30 =	vld [tilespmem:$0x1FBC0]  }
0x5c4: {  	v3 =	vadd.f32 v48, v3;
	v48 =	vld [tilespmem:$0x4BC0]  }
0x5c5: {  	v0 =	vadd.f32 v39, v0;
	v39 =	vld [tilespmem:$0x4D40]  }
0x5c6: {  	v2 =	vadd.f32 v16, v2;
	v16 =	vld [tilespmem:$0x1FC00]  }
0x5c7: {  	[tilespmem:$0x1FF60] =	vst v23;
	v23 =	vld [tilespmem:$0x1FC20]  }
0x5c8: {  	v3 =	vadd.f32 v45, v3;
	v45 =	vld [tilespmem:$0x4CC0]  }
0x5c9: {  	v0 =	vadd.f32 v22, v0;
	v22 =	vld [tilespmem:$0x3E50]  }
0x5ca: {  	[tilespmem:$0x1FF50] =	vst v21;
	v21 =	vld [tilespmem:$0x1FC10]  }
0x5cb: {  	v2 =	vadd.f32 v24, v2;
	v24 =	vld [tilespmem:$0x1FC30]  }
0x5cc: {  	v0 =	vadd.f32 v25, v0;
	v25 =	vld [tilespmem:$0x3D50]  }
0x5cd: {  	[tilespmem:$0x1FFB0] =	vst v26;
	v26 =	vld [tilespmem:$0x1FC40]  }
0x5ce: {  	v3 =	vadd.f32 v54, v3;
	v54 =	vld [tilespmem:$0x1FC80]  }
0x5cf: {  	v2 =	vadd.f32 v30, v2;
	v30 =	vld [tilespmem:$0x3FD0]  }
0x5d0: {  	[tilespmem:$0x1FFF0] =	vst v39;
	v39 =	vld [tilespmem:$0x1FC60]  }
0x5d1: {  	v0 =	vadd.f32 v32, v0;
	v32 =	vld [tilespmem:$0x1FC50]  }
0x5d2: {  	v3 =	vadd.f32 v41, v3;
	v41 =	vld [tilespmem:$0x1FC70]  }
0x5d3: {  	v2 =	vadd.f32 v8, v2;
	v8 =	vld [tilespmem:$0x41D0]  }
0x5d4: {  	v3 =	vadd.f32 v56, v3;
	v56 =	vld [tilespmem:$0x1FC90]  }
0x5d5: {  	v0 =	vadd.f32 v9, v0;
	v9 =	vld [tilespmem:$0x1FCB0]  }
0x5d6: {  	v2 =	vadd.f32 v16, v2;
	v16 =	vld [tilespmem:$0x4150]  }
0x5d7: {  	v3 =	vadd.f32 v61, v3;
	v61 =	vld [tilespmem:$0x1FCA0]  }
0x5d8: {  	v25 =	vadd.f32 $0.0e+00, v25;
	v0 =	vadd.f32 v21, v0;
	v21 =	vld [tilespmem:$0x1FD00]  }
0x5d9: {  	v2 =	vadd.f32 v23, v2;
	v23 =	vld [tilespmem:$0x3F50]  }
0x5da: {  	v10 =	vadd.f32 v10, v25;
	v25 =	vld [tilespmem:$0x3EE0]  }
0x5db: {  	v0 =	vadd.f32 v24, v0;
	v24 =	vld [tilespmem:$0x1FD10]  }
0x5dc: {  	v3 =	vadd.f32 v41, v3;
	v41 =	vld [tilespmem:$0x44D0]  }
0x5dd: {  	v2 =	vadd.f32 v26, v2;
	v26 =	vld [tilespmem:$0x1FD20]  }
0x5de: {  	v10 =	vadd.f32 v22, v10;
	v22 =	vld [tilespmem:$0x3F60]  }
0x5df: {  	v0 =	vadd.f32 v32, v0;
	v32 =	vld [tilespmem:$0x1FD30]  }
0x5e0: {  	v3 =	vadd.f32 v61, v3;
	v61 =	vld [tilespmem:$0x4350]  }
0x5e1: {  	v2 =	vadd.f32 v39, v2;
	v39 =	vld [tilespmem:$0x1FD40]  }
0x5e2: {  	v0 =	vadd.f32 v54, v0;
	v54 =	vld [tilespmem:$0x4450]  }
0x5e3: {  	v10 =	vadd.f32 v11, v10;
	v2 =	vadd.f32 v56, v2;
	v56 =	vld [tilespmem:$0x43D0]  }
0x5e4: {  	v3 =	vadd.f32 v13, v3;
	v13 =	vadd.f32 v18, v59;
	v18 =	vld [tilespmem:$0x1FD80]  }
0x5e5: {  	v10 =	vadd.f32 v23, v10;
	v23 =	vld [tilespmem:$0x42F0]  }
0x5e6: {  	v0 =	vadd.f32 v9, v0;
	v3 =	vadd.f32 v21, v3;
	v21 =	vld [tilespmem:$0x4650]  }
0x5e7: {  	v2 =	vadd.f32 v12, v2;
	v10 =	vadd.f32 v30, v10;
	v30 =	vld [tilespmem:$0x43E0]  }
0x5e8: {  	v0 =	vadd.f32 v14, v0;
	v14 =	vld [tilespmem:$0x1FD50]  }
0x5e9: {  	v2 =	vadd.f32 v19, v2;
	v19 =	vld [tilespmem:$0x45D0]  }
0x5ea: {  	v3 =	vadd.f32 v32, v3;
	v32 =	vld [tilespmem:$0x1FDA0]  }
0x5eb: {  	v6 =	vadd.f32 v6, v10;
	v0 =	vadd.f32 v24, v0;
	v24 =	vld [tilespmem:$0x46D0]  }
0x5ec: {  	v9 =	vadd.f32 v26, v2;
	v2 =	vld [tilespmem:$0x4550]  }
0x5ed: {  	v26 =	vld [tilespmem:$0x1FD90];
	v5 =	vadd.f32 v5, v6;
	v12 =	vadd.f32 v39, v0  }
0x5ee: {  	v39 =	vld [tilespmem:$0x4750];
	v9 =	vadd.f32 v14, v9  }
0x5ef: {  	v5 =	vadd.f32 v16, v5;
	v16 =	vld [tilespmem:$0x1FF10];
	v12 =	vadd.f32 v17, v12  }
0x5f0: {  	v9 =	vadd.f32 v18, v9;
	v18 =	vadd.f32 v36, v13;
	v13 =	vld [tilespmem:$0x4850]  }
0x5f1: {  	v3 =	vadd.f32 v15, v3;
	v36 =	vld [tilespmem:$0x1FDD0]  }
0x5f2: {  	v59 =	vadd.f32 v32, v12;
	v12 =	vld [tilespmem:$0x47D0]  }
0x5f3: {  	v3 =	vadd.f32 v26, v3;
	v26 =	vld [tilespmem:$0x1FDB0]  }
0x5f4: {  	v32 =	vld [tilespmem:$0x1FDC0]  }
0x5f5: {  	v15 =	vadd.f32 v57, v18;
	v57 =	vld [tilespmem:$0x1FDE0]  }
0x5f6: {  	v5 =	vadd.f32 v8, v5;
	v18 =	vld [tilespmem:$0x1FE00]  }
0x5f7: {  	v15 =	vadd.f32 v20, v15;
	v20 =	vld [tilespmem:$0x1FE10]  }
0x5f8: {  	v5 =	vadd.f32 v7, v5;
	v14 =	vadd.f32 v36, v59;
	v36 =	vld [tilespmem:$0x48D0]  }
0x5f9: {  	v3 =	vadd.f32 v32, v3;
	v32 =	vld [tilespmem:$0x49D0]  }
0x5fa: {  	v4 =	vadd.f32 v4, v5;
	v9 =	vadd.f32 v26, v9;
	v26 =	vld [tilespmem:$0x1FE20]  }
0x5fb: {  	v15 =	vadd.f32 v33, v15;
	v33 =	vld [tilespmem:$0x1FE60]  }
0x5fc: {  	v4 =	vadd.f32 v61, v4;
	v59 =	vadd.f32 v57, v9;
	v9 =	vld [tilespmem:$0x1FDF0]  }
0x5fd: {  	v61 =	vld [tilespmem:$0x1FF00]  }
0x5fe: {  	v57 =	vld [tilespmem:$0x1FE30];
	v4 =	vadd.f32 v56, v4  }
0x5ff: {  	v15 =	vadd.f32 v29, v15;
	v29 =	vld [tilespmem:$0x1FE90]  }
0x600: {  	v56 =	vld [tilespmem:$0x4770];
	v4 =	vadd.f32 v54, v4  }
0x601: {  	v17 =	vadd.f32 v20, v59;
	v59 =	vld [tilespmem:$0x4A50];
	v3 =	vadd.f32 v9, v3  }
0x602: {  	v20 =	vld [tilespmem:$0x1FE40];
	v4 =	vadd.f32 v41, v4  }
0x603: {  	v14 =	vadd.f32 v18, v14;
	v18 =	vadd.f32 v26, v3;
	v26 =	vld [tilespmem:$0x1FE50]  }
0x604: {  	v15 =	vadd.f32 v35, v15;
	v35 =	vld [tilespmem:$0x1FEA0];
	v2 =	vadd.f32 v2, v4  }
0x605: {  	v54 =	vld [tilespmem:$0x46F0]  }
0x606: {  	v15 =	vadd.f32 v62, v15;
	v62 =	vld [tilespmem:$0x3D60];
	v2 =	vadd.f32 v19, v2  }
0x607: {  	v41 =	vld [tilespmem:$0x4BE0]  }
0x608: {  	v2 =	vadd.f32 v21, v2;
	v18 =	vadd.f32 v26, v18;
	v26 =	vld [tilespmem:$0x1FE80]  }
0x609: {  	v9 =	vld [tilespmem:$0x4950];
	v14 =	vadd.f32 v57, v14  }
0x60a: {  	v57 =	vld [tilespmem:$0x4B50];
	v2 =	vadd.f32 v24, v2  }
0x60b: {  	v17 =	vadd.f32 v20, v17;
	v20 =	vadd.f32 v33, v14;
	v14 =	vld [tilespmem:$0x1FE70]  }
0x60c: {  	v3 =	vld [tilespmem:$0x4AD0];
	v2 =	vadd.f32 v39, v2  }
0x60d: {  	v18 =	vadd.f32 v26, v18;
	v26 =	vld [tilespmem:$0x1FEB0]  }
0x60e: {  	v33 =	vld [tilespmem:$0x4BD0];
	v2 =	vadd.f32 v12, v2  }
0x60f: {  	v19 =	vld [tilespmem:$0x4870];
	v29 =	vadd.f32 v29, v20  }
0x610: {  	v20 =	vld [tilespmem:$0x4CD0];
	v17 =	vadd.f32 v14, v17;
	v2 =	vadd.f32 v13, v2  }
0x611: {  	v18 =	vadd.f32 v35, v18;
	v35 =	vld [tilespmem:$0x1FEC0]  }
0x612: {  	v21 =	vld [tilespmem:$0x48E0];
	v17 =	vmul.f32 $1.562500000e-02, v17;
	v2 =	vadd.f32 v36, v2;
	v0 =	vmul.f32 $5.000000000e-01, v26  }
0x613: {  	v14 =	vld [tilespmem:$0x4C50]  }
0x614: {  	v2 =	vadd.f32 v9, v2;
	v17 =	vadd.f32 v0, v17;
	v0 =	vld [tilespmem:$0x1FED0]  }
0x615: {  	v24 =	vld [tilespmem:$0x4960]  }
0x616: {  	v29 =	vmul.f32 $1.562500000e-02, v29;
	v39 =	vld [tilespmem:$0x1FF50];
	v35 =	vmul.f32 $5.000000000e-01, v35;
	v2 =	vadd.f32 v32, v2  }
0x617: {  	v15 =	vmul.f32 $1.562500000e-02, v15;
	v36 =	vld [tilespmem:$0x4AE0]  }
0x618: {  	v26 =	vld [tilespmem:$0x4D50];
	v29 =	vadd.f32 v35, v29;
	v35 =	vmul.f32 $5.000000000e-01, v63;
	v2 =	vadd.f32 v59, v2  }
0x619: {  	v18 =	vmul.f32 $1.562500000e-02, v18;
	v63 =	vld [tilespmem:$0x3DE0];
	v0 =	vmul.f32 $5.000000000e-01, v0  }
0x61a: {  	v59 =	vld [tilespmem:$0x1FFF0];
	v15 =	vadd.f32 v35, v15;
	v2 =	vadd.f32 v3, v2  }
0x61b: {  	v35 =	vld [tilespmem:$0x3E60];
	v18 =	vadd.f32 v0, v18;
	v0 =	vadd.f32 $0.0e+00, v37  }
0x61c: {  	v2 =	vadd.f32 v57, v2;
	v37 =	vld [tilespmem:$0x3DF0]  }
0x61d: {  	v57 =	vld [tilespmem:$0x4D70];
	v0 =	vadd.f32 v60, v0;
	v60 =	vadd.f32 $0.0e+00, v62  }
0x61e: {  	v1 =	vadd.f32 $0.0e+00, v1;
	v62 =	vld [tilespmem:$0x3E70]  }
0x61f: {  	v0 =	vadd.f32 v40, v0;
	v40 =	vadd.f32 v63, v60;
	v60 =	vld [tilespmem:$0x3EF0]  }
0x620: {  	v63 =	vld [tilespmem:$0x4060]  }
0x621: {  	v1 =	vadd.f32 v37, v1;
	v37 =	vld [tilespmem:$0x40E0]  }
0x622: {  	v35 =	vadd.f32 v35, v40;
	v40 =	vld [tilespmem:$0x3F70]  }
0x623: {  	v0 =	vadd.f32 v55, v0;
	v55 =	vld [tilespmem:$0x3FE0]  }
0x624: {  	v1 =	vadd.f32 v62, v1;
	v62 =	vld [tilespmem:$0x3FF0]  }
0x625: {  	v0 =	vadd.f32 v52, v0;
	v25 =	vadd.f32 v25, v35;
	v52 =	vld [tilespmem:$0x4170]  }
0x626: {  	v35 =	vld [tilespmem:$0x4470];
	v1 =	vadd.f32 v60, v1  }
0x627: {  	v0 =	vadd.f32 v34, v0;
	v22 =	vadd.f32 v22, v25;
	v34 =	vld [tilespmem:$0x4070]  }
0x628: {  	v60 =	vld [tilespmem:$0x41F0];
	v1 =	vadd.f32 v40, v1  }
0x629: {  	v40 =	vld [tilespmem:$0x40F0];
	v0 =	vadd.f32 v50, v0;
	v11 =	vadd.f32 v55, v22  }
0x62a: {  	v50 =	vld [tilespmem:$0x4160];
	v1 =	vadd.f32 v62, v1  }
0x62b: {  	v25 =	vld [tilespmem:$0x4360];
	v0 =	vadd.f32 v44, v0;
	v11 =	vadd.f32 v63, v11  }
0x62c: {  	v55 =	vld [tilespmem:$0x41E0];
	v1 =	vadd.f32 v34, v1  }
0x62d: {  	v22 =	vld [tilespmem:$0x42E0];
	v0 =	vadd.f32 v42, v0;
	v11 =	vadd.f32 v37, v11  }
0x62e: {  	v62 =	vld [tilespmem:$0x4260];
	v1 =	vadd.f32 v40, v1  }
0x62f: {  	v63 =	vld [tilespmem:$0x4270];
	v0 =	vadd.f32 v43, v0;
	v10 =	vadd.f32 v50, v11  }
0x630: {  	v44 =	vld [tilespmem:$0x45E0];
	v1 =	vadd.f32 v52, v1  }
0x631: {  	v34 =	vld [tilespmem:$0x4460];
	v0 =	vadd.f32 v47, v0;
	v6 =	vadd.f32 v55, v10  }
0x632: {  	v37 =	vld [tilespmem:$0x44E0];
	v1 =	vadd.f32 v60, v1  }
0x633: {  	v0 =	vadd.f32 v28, v0;
	v6 =	vadd.f32 v62, v6;
	v28 =	vld [tilespmem:$0x4370]  }
0x634: {  	v42 =	vld [tilespmem:$0x1FEE0];
	v1 =	vadd.f32 v63, v1  }
0x635: {  	v0 =	vadd.f32 v31, v0;
	v6 =	vadd.f32 v22, v6;
	v31 =	vld [tilespmem:$0x43F0]  }
0x636: {  	v40 =	vld [tilespmem:$0x4560];
	v1 =	vadd.f32 v23, v1  }
0x637: {  	v43 =	vld [tilespmem:$0x4570];
	v0 =	vadd.f32 v46, v0;
	v6 =	vadd.f32 v25, v6  }
0x638: {  	v50 =	vld [tilespmem:$0x1FEF0];
	v1 =	vadd.f32 v28, v1  }
0x639: {  	v0 =	vadd.f32 v38, v0;
	v5 =	vadd.f32 v30, v6;
	v38 =	vld [tilespmem:$0x44F0]  }
0x63a: {  	v52 =	vld [tilespmem:$0x4670];
	v1 =	vadd.f32 v31, v1  }
0x63b: {  	v47 =	vld [tilespmem:$0x4660];
	v0 =	vadd.f32 v42, v0;
	v5 =	vadd.f32 v34, v5  }
0x63c: {  	v55 =	vld [tilespmem:$0x4760];
	v1 =	vadd.f32 v35, v1  }
0x63d: {  	v46 =	vld [tilespmem:$0x45F0];
	v0 =	vadd.f32 v53, v0;
	v5 =	vadd.f32 v37, v5  }
0x63e: {  	v60 =	vld [tilespmem:$0x47E0];
	v1 =	vadd.f32 v38, v1  }
0x63f: {  	v62 =	vld [tilespmem:$0x47F0];
	v0 =	vadd.f32 v50, v0;
	v5 =	vadd.f32 v40, v5  }
0x640: {  	v53 =	vld [tilespmem:$0x46E0];
	v1 =	vadd.f32 v43, v1  }
0x641: {  	v63 =	vld [tilespmem:$0x4860];
	v0 =	vadd.f32 v27, v0;
	v5 =	vadd.f32 v44, v5  }
0x642: {  	v22 =	vld [tilespmem:$0x1FF20];
	v1 =	vadd.f32 v46, v1  }
0x643: {  	v23 =	vld [tilespmem:$0x48F0];
	v0 =	vadd.f32 v49, v0;
	v4 =	vadd.f32 v47, v5  }
0x644: {  	v25 =	vld [tilespmem:$0x1FF30];
	v1 =	vadd.f32 v52, v1  }
0x645: {  	v28 =	vld [tilespmem:$0x49E0];
	v0 =	vadd.f32 v61, v0;
	v4 =	vadd.f32 v53, v4  }
0x646: {  	v30 =	vld [tilespmem:$0x1FF40];
	v1 =	vadd.f32 v54, v1  }
0x647: {  	v31 =	vld [tilespmem:$0x49F0];
	v0 =	vadd.f32 v16, v0;
	v4 =	vadd.f32 v55, v4  }
0x648: {  	v34 =	vld [tilespmem:$0x4A60];
	v1 =	vadd.f32 v56, v1  }
0x649: {  	v42 =	vld [tilespmem:$0x1FF60];
	v0 =	vadd.f32 v22, v0;
	v4 =	vadd.f32 v60, v4  }
0x64a: {  	v35 =	vld [tilespmem:$0x4A70];
	v1 =	vadd.f32 v62, v1  }
0x64b: {  	v27 =	vld [tilespmem:$0x4970];
	v0 =	vadd.f32 v25, v0;
	v4 =	vadd.f32 v63, v4  }
0x64c: {  	v37 =	vld [tilespmem:$0x4AF0];
	v1 =	vadd.f32 v19, v1  }
0x64d: {  	v38 =	vld [tilespmem:$0x4B60];
	v0 =	vadd.f32 v30, v0;
	v4 =	vadd.f32 v21, v4  }
0x64e: {  	v40 =	vld [tilespmem:$0x4B70];
	v1 =	vadd.f32 v23, v1  }
0x64f: {  	v50 =	vld [tilespmem:$0x4CE0];
	v0 =	vadd.f32 v58, v0;
	v4 =	vadd.f32 v24, v4  }
0x650: {  	v43 =	vld [tilespmem:$0x4BF0];
	v1 =	vadd.f32 v27, v1  }
0x651: {  	v44 =	vld [tilespmem:$0x1FF70];
	v0 =	vadd.f32 v51, v0;
	v4 =	vadd.f32 v28, v4  }
0x652: {  	v46 =	vld [tilespmem:$0x4C60];
	v1 =	vadd.f32 v31, v1  }
0x653: {  	v47 =	vld [tilespmem:$0x1FF80];
	v0 =	vadd.f32 v39, v0;
	v4 =	vadd.f32 v34, v4  }
0x654: {  	v2 =	vadd.f32 v33, v2;
	v49 =	vld [tilespmem:$0x1FF90];
	v1 =	vadd.f32 v35, v1  }
0x655: {  	v52 =	vld [tilespmem:$0x1FFB0];
	v0 =	vadd.f32 v42, v0;
	v4 =	vadd.f32 v36, v4  }
0x656: {  	[tilespmem:$0x5280] =	vst v17;
	v2 =	vadd.f32 v14, v2;
	v53 =	vld [tilespmem:$0x4CF0];
	v1 =	vadd.f32 v37, v1  }
0x657: {  	[tilespmem:$0x5290] =	vst v29;
	v0 =	vadd.f32 v48, v0;
	v4 =	vadd.f32 v38, v4;
	v48 =	vld [tilespmem:$0x4C70]  }
0x658: {  	[tilespmem:$0x52B0] =	vst v15;
	v54 =	vld [tilespmem:$0x1FFC0];
	v1 =	vadd.f32 v40, v1  }
0x659: {  	[tilespmem:$0x52A0] =	vst v18;
	v2 =	vadd.f32 v20, v2;
	v56 =	vld [tilespmem:$0x1FFD0];
	v3 =	vadd.f32 v41, v4  }
0x65a: {  	[tilespmem:$0x5210] =	vst v44;
	v55 =	vld [tilespmem:$0x4D60];
	v0 =	vadd.f32 v52, v0;
	v1 =	vadd.f32 v43, v1  }
0x65b: {  	v2 =	vmul.f32 $1.562500000e-02, v2;
	[tilespmem:$0x5220] =	vst v47;
	v60 =	vmul.f32 $5.000000000e-01, v26;
	v58 =	vld [tilespmem:$0x1FFE0];
	v3 =	vadd.f32 v46, v3  }
0x65c: {  	[tilespmem:$0x5230] =	vst v49;
	v51 =	vld [tilespmem:$0x1FFA0];
	v0 =	vadd.f32 v45, v0;
	v1 =	vadd.f32 v48, v1  }
0x65d: {  	[tilespmem:$0x5250] =	vst v54;
	v2 =	vadd.f32 v60, v2;
	v3 =	vadd.f32 v50, v3  }
0x65e: {  	v5 =	vmul.f32 $5.000000000e-01, v59;
	[tilespmem:$0x5260] =	vst v56;
	v0 =	vmul.f32 $1.562500000e-02, v0;
	v1 =	vadd.f32 v53, v1  }
0x65f: {  	v61 =	vmul.f32 $5.000000000e-01, v55;
	[tilespmem:$0x52D0] =	vst v2;
	v3 =	vmul.f32 $1.562500000e-02, v3  }
0x660: {  	v62 =	vmul.f32 $5.000000000e-01, v57;
	[tilespmem:$0x5270] =	vst v58;
	v0 =	vadd.f32 v5, v0;
	v1 =	vmul.f32 $1.562500000e-02, v1  }
0x661: {  	[tilespmem:$0x5240] =	vst v51;
	v63 =	vadd.f32 v61, v3  }
0x662: {  	[tilespmem:$0x52C0] =	vst v0;
	v1 =	vadd.f32 v62, v1  }
0x663: {  	p0 =	sne.s32 s6, $0x1;
	[tilespmem:$0x52E0] =	vst v63  }
.Ltmp0:
0x664: {  	[tilespmem:$0x52F0] =	vst v1;
	(pc) =	sbr.rel @p0 .LBB2_1-.Ltmp0, $4  }
0x665: {  	[hbm4b:s5+s3] =	stream.linear.scatter [tilespmem:s16], [sflag:$0x2], $0x200, $0x38;
	[tilespmem:$0x5300] =	vst v63  }
0x666: {  	_ =	swait.ge [sflag:s7], $0x200  }
0x667: {  	[sflag:s7] =	ssyncset.done $0x0  }
0x668: {  	s6 =	sadd.s32 $0xFFFFFFFF, s6;
	[sflag:s7] =	ssyncadd.s32 $0xFFFFFE00  }
0x669: {  	_ =	sfence.sel $0x180000  }
0x66a: {  	[bflag:$0x0] =	sbarrier.arrive $0xFFFF  }
0x66b: {  	p0 =	sne.s32 s0, $0x0;
	_ =	strace $0x90000047  }
0x66c: {  	s0 =	sadd.s32 @!p0 $0x100000, s1;
	[bflag:$0x2] =	sbarrier.arrive $0xFFFF  }
0x66d: {  	[sflag:s0] =	ssyncadd.tile.s32 @!p0 $0x1;
	_ =	shalt  }
.Lfunc_end2:
_tile_overlayer_lowered:
.L_overlay_start_2:
0x66e: {  	(tag) =	ssettag $0x2  }
0x66f: {  	s0 =	rddreg [dreg:$0x0];
	s2 =	stileid.u32  }
0x670: {  	s1 =	rddreg [dreg:$0x1];
	p0 =	sne.s32 s2, $0x0  }
0x671: {  	s3 =	rddreg [dreg:$0x2];
	[bflag:$0x3] =	sbarrier.arrive $0xFFFF;
	s2 =	simm.s32 @!p0 $0x1C02  }
0x672: {  	[timem:s3], [sflag:s2] =	dma.local @!p0 [hbm:s0], s1  }
0x673: {  	s0 =	simm.s32 @!p0 $0x2  }
0x674: {  	_ =	swait.ge @!p0 [sflag:s0], s1  }
0x675: {  	s1 =	ssub.s32 @!p0 $0x0, s1;
	[sflag:s0] =	ssyncset.done @!p0 $0x0  }
0x676: {  	[sflag:s0] =	ssyncadd.s32 @!p0 s1  }
0x677: {  	[bflag:$0x3] =	sbarrier.arrive $0xFFFF  }
0x678: {  	_ =	shalt  }

</sc_bundles>
